<compile_context>
chip_gen: v7x
topology: tpu7x:2x2x1
jax: 0.10.2.dev20260603
libtpu: 0.0.44.dev20260713+nightly
codegen_flags: <defaults>
</compile_context>

<pallas_src>
import functools
import jax
import jax.numpy as jnp
from jax import lax
from jax.experimental import pallas as pl
from jax.experimental.pallas import tpu as pltpu
from jax.experimental.pallas import tpu_sc as plsc

N_NODES = 4096
NC = 2
NS = 16
NW = NC * NS
CHUNK = 128
LANES = 16
SUB = CHUNK // LANES


@functools.lru_cache(maxsize=None)
def _make_sc_diag(nrow):
    e_per_w = nrow * CHUNK
    mesh = plsc.VectorSubcoreMesh(
        core_axis_name="c", subcore_axis_name="s",
        num_cores=NC, num_subcores=NS)

    @functools.partial(
        pl.kernel,
        out_type=jax.ShapeDtypeStruct((NC, N_NODES), jnp.float32),
        mesh=mesh,
        scratch_types=[
            pltpu.VMEM((nrow, 2, CHUNK), jnp.int32),
            pltpu.VMEM((e_per_w,), jnp.int32),
            pltpu.VMEM((e_per_w,), jnp.int32),
            pltpu.VMEM((e_per_w,), jnp.float32),
            pltpu.VMEM((e_per_w,), jnp.float32),
            pltpu.VMEM((e_per_w,), jnp.float32),
            pltpu.VMEM_SHARED((N_NODES,), jnp.float32),
            pltpu.VMEM((N_NODES,), jnp.float32),
            pltpu.SemaphoreType.DMA,
            pltpu.SemaphoreType.DMA,
            pltpu.SemaphoreType.DMA,
            pltpu.SemaphoreType.DMA,
            pltpu.SemaphoreType.DMA,
            pltpu.SemaphoreType.DMA,
        ],
    )
    def sc_diag(edges_hbm, vals_hbm, x_hbm, out_hbm,
                edges_v, idx1_v, idx2_v, vals_v, g1_v, g2_v,
                diag_sh, zeros_v, semq0, semq1, semq2, semq3, sem3, sem4):
        cid = lax.axis_index("c")
        sid = lax.axis_index("s")
        wid = sid * NC + cid

        s_edges = pltpu.async_copy(
            edges_hbm.at[pl.ds(wid * nrow, nrow)], edges_v, sem3)
        s_vals = pltpu.async_copy(
            vals_hbm.at[pl.ds(wid * e_per_w, e_per_w)], vals_v, sem4)
        s_edges.wait()

        def idx_body(j, _):
            for k in range(SUB):
                sl = pl.ds(k * LANES, LANES)
                fl = pl.ds(j * CHUNK + k * LANES, LANES)
                r = edges_v[j, 0, sl]
                c = edges_v[j, 1, sl]
                p1 = ((r >> 3) << 15) + ((c >> 7) << 10) + ((r & 7) << 7) + (c & 127)
                p2 = ((c >> 3) << 15) + ((r >> 7) << 10) + ((c & 7) << 7) + (r & 127)
                idx2_v[fl] = p2
                idx1_v[fl] = p1
            return 0

        def c_body(j, _):
            for k in range(SUB):
                fl = pl.ds(j * CHUNK + k * LANES, LANES)
                a = g1_v[fl]
                b = g2_v[fl]
                v = vals_v[fl]
                vals_v[fl] = v * jnp.abs(a + b)
            return 0

        def a_body(j, _):
            pltpu.async_copy(
                vals_v.at[pl.ds(j * CHUNK, CHUNK)],
                diag_sh.at[edges_v.at[j, 0]], sem3, add=True)
            return 0

        NQ = 4
        bounds = [q * nrow // NQ for q in range(NQ + 1)]
        qsems = [semq0, semq1, semq2, semq3]
        gdescs = []
        for q in range(NQ):
            lo, hi = bounds[q], bounds[q + 1]
            with jax.named_scope("idx_compute"):
                lax.fori_loop(lo, hi, idx_body, 0)
            e_lo, e_n = lo * CHUNK, (hi - lo) * CHUNK
            sl = pl.ds(e_lo, e_n)
            gdescs.append((
                pltpu.async_copy(x_hbm.at[idx1_v.at[sl]], g1_v.at[sl],
                                 qsems[q]),
                pltpu.async_copy(x_hbm.at[idx2_v.at[sl]], g2_v.at[sl],
                                 qsems[q]),
            ))

        def z_body(j, _):
            for k in range(8):
                sl = pl.ds(j * 8 * LANES + k * LANES, LANES)
                zeros_v[sl] = jnp.zeros((LANES,), jnp.float32)
            return 0
        lax.fori_loop(0, N_NODES // (8 * LANES), z_body, 0)

        @pl.when(sid == 0)
        def _():
            pltpu.sync_copy(zeros_v, diag_sh)
        s_vals.wait()
        plsc.subcore_barrier()

        for q in range(NQ):
            lo, hi = bounds[q], bounds[q + 1]
            d1, d2 = gdescs[q]
            with jax.named_scope("gather_wait"):
                d1.wait()
                d2.wait()
            with jax.named_scope("contrib"):
                lax.fori_loop(lo, hi, c_body, 0)
            with jax.named_scope("scatter_add"):
                lax.fori_loop(lo, hi, a_body, 0)

        with jax.named_scope("scatter_drain"):
            pltpu.make_async_copy(
                vals_hbm.at[pl.ds(wid * e_per_w, e_per_w)], vals_v,
                sem3).wait()
        plsc.subcore_barrier()

        @pl.when(sid == 0)
        def _():
            pltpu.sync_copy(diag_sh, out_hbm.at[cid])

    return sc_diag


def _tc_outer(d_ref, w_ref, o_ref):
    w2 = jnp.broadcast_to(w_ref[...], (NC, w_ref.shape[1]))
    o = jax.lax.dot_general(
        d_ref[...], w2, (((0,), (0,)), ((), ())),
        precision=jax.lax.Precision.HIGHEST,
        preferred_element_type=jnp.float32)
    o_ref[...] = jnp.maximum(o, 0.0)


@jax.jit
def kernel(x, support_indices, support_values, W0):
    nnz = support_values.shape[0]
    e_per_w = -(-nnz // (NW * CHUNK)) * CHUNK
    nrow = e_per_w // CHUNK
    nnz_pad = e_per_w * NW
    pad = nnz_pad - nnz

    si = jnp.pad(support_indices, ((0, pad), (0, 0)))
    vals = jnp.pad(support_values, (0, pad))

    edges = si.reshape(nnz_pad // CHUNK, CHUNK, 2).transpose(0, 2, 1)
    x_flat = x.reshape(512, 8, 32, 128).transpose(0, 2, 1, 3).reshape(-1)

    diag_parts = _make_sc_diag(nrow)(edges, vals, x_flat)

    out_dim = W0.shape[1]
    return pl.pallas_call(
        _tc_outer,
        out_shape=jax.ShapeDtypeStruct((x.shape[0], out_dim), jnp.float32),
    )(diag_parts, W0)

# --- scband reference (transcript-rebuilt; emitter-appended) ---
"""Pipeline reference for scband-graph-convolution-relative-59768764891640 (READ-ONLY COPY).

The authoritative reference and input builder live on the scoring server;
editing this copy changes nothing except your own understanding.
"""

import jax, jax.numpy as jnp
import numpy as np

N = 4096
NNZ = 167772
OUT_DIM = 128


def setup_inputs(seed: int = 0) -> dict:
    key = jax.random.key(seed)
    k1, k2, k3, k4 = jax.random.split(key, 4)
    x = jax.random.normal(k1, (N, N), dtype=jnp.float32)
    support_indices = jax.random.randint(k2, (NNZ, 2), 0, N, dtype=jnp.int32)
    support_values = jax.random.uniform(k3, (NNZ,), dtype=jnp.float32)
    # glorot init for weights_0 of shape [1, OUT_DIM]
    limit = np.sqrt(6.0 / (1 + OUT_DIM))
    W0 = jax.random.uniform(k4, (1, OUT_DIM), dtype=jnp.float32, minval=-limit, maxval=limit)
    return {"x": x, "support_indices": support_indices, "support_values": support_values, "W0": W0}


def reference(x, support_indices, support_values, W0):
    # x = tf.abs(tf.transpose(x) - x * -1) == |x^T + x|
    x2 = jnp.abs(jnp.transpose(x) + x)
    # dropout rate is 0.0 -> identity
    rows = support_indices[:, 0]
    cols = support_indices[:, 1]
    # diag_part(sparse_support @ x2): diag[r] = sum over nnz (r,c,v) of v * x2[c, r]
    vals = support_values * x2[cols, rows]
    diag = jax.ops.segment_sum(vals, rows, num_segments=x.shape[0])
    support_feature = diag[:, None]  # [N, 1]
    support = support_feature @ W0   # [N, OUT_DIM]
    output = support  # single support, add_n of one term; bias=False
    return jax.nn.relu(output)

if __name__ == "__main__":
    import jax
    _d = setup_inputs()
    print(jax.jit(kernel)(*tuple(_d.values())))

</pallas_src>

<mosaic_0001>
#map = affine_map<(d0, d1) -> (0, 0, 0)>
#map1 = affine_map<(d0, d1) -> (0)>
#map2 = affine_map<(d0, d1) -> (0, 0)>
module attributes {stable_mosaic.version = 14 : i64} {
  func.func @sc_diag(%arg0: i32, %arg1: i32, %arg2: memref<1312x2x128xi32, #tpu.memory_space<hbm>>, %arg3: memref<167936xf32, #tpu.memory_space<hbm>>, %arg4: memref<16777216xf32, #tpu.memory_space<hbm>>, %arg5: memref<2x4096xf32, #tpu.memory_space<hbm>>, %arg6: memref<41x2x128xi32, #tpu.memory_space<vmem>>, %arg7: memref<5248xi32, #tpu.memory_space<vmem>>, %arg8: memref<5248xi32, #tpu.memory_space<vmem>>, %arg9: memref<5248xf32, #tpu.memory_space<vmem>>, %arg10: memref<5248xf32, #tpu.memory_space<vmem>>, %arg11: memref<5248xf32, #tpu.memory_space<vmem>>, %arg12: memref<4096xf32, #tpu.memory_space<vmem_shared>>, %arg13: memref<4096xf32, #tpu.memory_space<vmem>>, %arg14: memref<!tpu.dma_semaphore, #tpu.memory_space<semaphore_mem>>, %arg15: memref<!tpu.dma_semaphore, #tpu.memory_space<semaphore_mem>>, %arg16: memref<!tpu.dma_semaphore, #tpu.memory_space<semaphore_mem>>, %arg17: memref<!tpu.dma_semaphore, #tpu.memory_space<semaphore_mem>>, %arg18: memref<!tpu.dma_semaphore, #tpu.memory_space<semaphore_mem>>, %arg19: memref<!tpu.dma_semaphore, #tpu.memory_space<semaphore_mem>>) attributes {dimension_semantics = [#tpu.dimension_semantics<core_parallel>, #tpu.dimension_semantics<subcore_parallel>], iteration_bounds = array<i64: 2, 16>, scalar_prefetch = 0 : i64, scratch_operands = 14 : i64, tpu.core_type = #tpu.core_type<sc_vector_subcore>, window_params = [{transform_indices = #map}, {transform_indices = #map1}, {transform_indices = #map1}, {transform_indices = #map2}]} {
    %mul3A = arith.constant 2 : i32
    %mul3A_0 = arith.muli %arg1, %mul3A : i32
    %add3A = arith.addi %mul3A_0, %arg0 : i32
    %mul3A_1 = arith.constant 41 : i32
    %mul3A_2 = arith.muli %add3A, %mul3A_1 : i32
    %dma_start3A = arith.constant 0 : i32
    %dma_start3A_3 = arith.constant 0 : i32
    %dma_start3A_4 = tpu.memref_slice %arg2[%mul3A_2, %dma_start3A, %dma_start3A_3] : memref<1312x2x128xi32, #tpu.memory_space<hbm>> -> memref<41x2x128xi32, #tpu.memory_space<hbm>>
    %dma_start3A_5 = arith.constant 0 : i32
    %dma_start3A_6 = arith.constant 0 : i32
    %dma_start3A_7 = tpu.memref_slice %arg2[%mul3A_2, %dma_start3A_5, %dma_start3A_6] : memref<1312x2x128xi32, #tpu.memory_space<hbm>> -> memref<41x2x128xi32, #tpu.memory_space<hbm>>
    tpu.enqueue_dma source(%dma_start3A_7 : memref<41x2x128xi32, #tpu.memory_space<hbm>>) target(%arg6 : memref<41x2x128xi32, #tpu.memory_space<vmem>>) target_semaphore(%arg18 : memref<!tpu.dma_semaphore, #tpu.memory_space<semaphore_mem>>)
    %mul3A_8 = arith.constant 5248 : i32
    %mul3A_9 = arith.muli %add3A, %mul3A_8 : i32
    %dma_start3A_10 = tpu.memref_slice %arg3[%mul3A_9] : memref<167936xf32, #tpu.memory_space<hbm>> -> memref<5248xf32, #tpu.memory_space<hbm>>
    %dma_start3A_11 = tpu.memref_slice %arg3[%mul3A_9] : memref<167936xf32, #tpu.memory_space<hbm>> -> memref<5248xf32, #tpu.memory_space<hbm>>
    tpu.enqueue_dma source(%dma_start3A_11 : memref<5248xf32, #tpu.memory_space<hbm>>) target(%arg9 : memref<5248xf32, #tpu.memory_space<vmem>>) target_semaphore(%arg19 : memref<!tpu.dma_semaphore, #tpu.memory_space<semaphore_mem>>)
    %dma_wait3A = arith.constant 0 : i32
    %dma_wait3A_12 = arith.constant 0 : i32
    %dma_wait3A_13 = tpu.memref_slice %arg2[%mul3A_2, %dma_wait3A, %dma_wait3A_12] : memref<1312x2x128xi32, #tpu.memory_space<hbm>> -> memref<41x2x128xi32, #tpu.memory_space<hbm>>
    %dma_wait3A_14 = arith.constant 0 : i32
    %dma_wait3A_15 = arith.constant 0 : i32
    %dma_wait3A_16 = tpu.memref_slice %arg2[%mul3A_2, %dma_wait3A_14, %dma_wait3A_15] : memref<1312x2x128xi32, #tpu.memory_space<hbm>> -> memref<41x2x128xi32, #tpu.memory_space<hbm>>
    tpu.wait_dma2 semaphore(%arg18 : memref<!tpu.dma_semaphore, #tpu.memory_space<semaphore_mem>>) src(%dma_wait3A_16 : memref<41x2x128xi32, #tpu.memory_space<hbm>>) dst(%arg6 : memref<41x2x128xi32, #tpu.memory_space<vmem>>)
    "tpu.trace_start"() <{level = 10 : i32, message = "idx_compute"}> : () -> ()
    %scan3A = arith.constant 0 : i32
    %scan3A_17 = arith.constant 0 : i32
    %scan3A_18 = arith.constant 10 : i32
    %scan3A_19 = arith.addi %scan3A_17, %scan3A_18 : i32
    %scan3A_20 = arith.constant 1 : i32
    %scan3A_21 = scf.for %scan3A_217 = %scan3A_17 to %scan3A_19 step %scan3A_20 iter_args(%scan3A_218 = %scan3A) -> (i32)  : i32 {
      %mul3A_219 = arith.constant 128 : i32
      %mul3A_220 = arith.muli %scan3A_217, %mul3A_219 : i32
      %add3A_221 = arith.constant 0 : i32
      %add3A_222 = arith.addi %mul3A_220, %add3A_221 : i32
      %get3A = arith.constant 0 : i32
      %get3A_223 = arith.index_cast %scan3A_217 : i32 to index
      %get3A_224 = arith.index_cast %get3A : i32 to index
      %get3A_225 = arith.constant 0 : index
      %get3A_226 = tpu.vector_load %arg6[%get3A_223, %get3A_224, %get3A_225] {strides = array<i32>} : memref<41x2x128xi32, #tpu.memory_space<vmem>>, vector<1x1x16xi32>,
      %get3A_227 = vector.shape_cast %get3A_226 : vector<1x1x16xi32> to vector<16xi32>
      %get3A_228 = arith.constant 1 : i32
      %get3A_229 = arith.index_cast %scan3A_217 : i32 to index
      %get3A_230 = arith.index_cast %get3A_228 : i32 to index
      %get3A_231 = arith.constant 0 : index
      %get3A_232 = tpu.vector_load %arg6[%get3A_229, %get3A_230, %get3A_231] {strides = array<i32>} : memref<41x2x128xi32, #tpu.memory_space<vmem>>, vector<1x1x16xi32>,
      %get3A_233 = vector.shape_cast %get3A_232 : vector<1x1x16xi32> to vector<16xi32>
      %shift_right_arithmetic3A = arith.constant 3 : i32
      %shift_right_arithmetic3A_234 = vector.broadcast %shift_right_arithmetic3A : i32 to vector<16xi32>
      %shift_right_arithmetic3A_235 = arith.shrsi %get3A_227, %shift_right_arithmetic3A_234 : vector<16xi32>
      %shift_left3A = arith.constant 15 : i32
      %shift_left3A_236 = vector.broadcast %shift_left3A : i32 to vector<16xi32>
      %shift_left3A_237 = arith.shli %shift_right_arithmetic3A_235, %shift_left3A_236 : vector<16xi32>
      %shift_right_arithmetic3A_238 = arith.constant 7 : i32
      %shift_right_arithmetic3A_239 = vector.broadcast %shift_right_arithmetic3A_238 : i32 to vector<16xi32>
      %shift_right_arithmetic3A_240 = arith.shrsi %get3A_233, %shift_right_arithmetic3A_239 : vector<16xi32>
      %shift_left3A_241 = arith.constant 10 : i32
      %shift_left3A_242 = vector.broadcast %shift_left3A_241 : i32 to vector<16xi32>
      %shift_left3A_243 = arith.shli %shift_right_arithmetic3A_240, %shift_left3A_242 : vector<16xi32>
      %add3A_244 = arith.addi %shift_left3A_237, %shift_left3A_243 : vector<16xi32>
      %and3A = arith.constant 7 : i32
      %and3A_245 = vector.broadcast %and3A : i32 to vector<16xi32>
      %and3A_246 = arith.andi %get3A_227, %and3A_245 : vector<16xi32>
      %shift_left3A_247 = arith.constant 7 : i32
      %shift_left3A_248 = vector.broadcast %shift_left3A_247 : i32 to vector<16xi32>
      %shift_left3A_249 = arith.shli %and3A_246, %shift_left3A_248 : vector<16xi32>
      %add3A_250 = arith.addi %add3A_244, %shift_left3A_249 : vector<16xi32>
      %and3A_251 = arith.constant 127 : i32
      %and3A_252 = vector.broadcast %and3A_251 : i32 to vector<16xi32>
      %and3A_253 = arith.andi %get3A_233, %and3A_252 : vector<16xi32>
      %add3A_254 = arith.addi %add3A_250, %and3A_253 : vector<16xi32>
      %shift_right_arithmetic3A_255 = arith.constant 3 : i32
      %shift_right_arithmetic3A_256 = vector.broadcast %shift_right_arithmetic3A_255 : i32 to vector<16xi32>
      %shift_right_arithmetic3A_257 = arith.shrsi %get3A_233, %shift_right_arithmetic3A_256 : vector<16xi32>
      %shift_left3A_258 = arith.constant 15 : i32
      %shift_left3A_259 = vector.broadcast %shift_left3A_258 : i32 to vector<16xi32>
      %shift_left3A_260 = arith.shli %shift_right_arithmetic3A_257, %shift_left3A_259 : vector<16xi32>
      %shift_right_arithmetic3A_261 = arith.constant 7 : i32
      %shift_right_arithmetic3A_262 = vector.broadcast %shift_right_arithmetic3A_261 : i32 to vector<16xi32>
      %shift_right_arithmetic3A_263 = arith.shrsi %get3A_227, %shift_right_arithmetic3A_262 : vector<16xi32>
      %shift_left3A_264 = arith.constant 10 : i32
      %shift_left3A_265 = vector.broadcast %shift_left3A_264 : i32 to vector<16xi32>
      %shift_left3A_266 = arith.shli %shift_right_arithmetic3A_263, %shift_left3A_265 : vector<16xi32>
      %add3A_267 = arith.addi %shift_left3A_260, %shift_left3A_266 : vector<16xi32>
      %and3A_268 = arith.constant 7 : i32
      %and3A_269 = vector.broadcast %and3A_268 : i32 to vector<16xi32>
      %and3A_270 = arith.andi %get3A_233, %and3A_269 : vector<16xi32>
      %shift_left3A_271 = arith.constant 7 : i32
      %shift_left3A_272 = vector.broadcast %shift_left3A_271 : i32 to vector<16xi32>
      %shift_left3A_273 = arith.shli %and3A_270, %shift_left3A_272 : vector<16xi32>
      %add3A_274 = arith.addi %add3A_267, %shift_left3A_273 : vector<16xi32>
      %and3A_275 = arith.constant 127 : i32
      %and3A_276 = vector.broadcast %and3A_275 : i32 to vector<16xi32>
      %and3A_277 = arith.andi %get3A_227, %and3A_276 : vector<16xi32>
      %add3A_278 = arith.addi %add3A_274, %and3A_277 : vector<16xi32>
      %swap3A = arith.index_cast %add3A_222 : i32 to index
      %swap3A_279 = tpu.vector_load %arg8[%swap3A] {strides = array<i32>} : memref<5248xi32, #tpu.memory_space<vmem>>, vector<16xi32>,
      %swap3A_280 = vector.shape_cast %swap3A_279 : vector<16xi32> to vector<16xi32>
      %swap3A_281 = vector.shape_cast %add3A_278 : vector<16xi32> to vector<16xi32>
      tpu.vector_store %arg8[%swap3A], %swap3A_281 {strides = array<i32>} : memref<5248xi32, #tpu.memory_space<vmem>>, vector<16xi32>,
      %swap3A_282 = arith.index_cast %add3A_222 : i32 to index
      %swap3A_283 = tpu.vector_load %arg7[%swap3A_282] {strides = array<i32>} : memref<5248xi32, #tpu.memory_space<vmem>>, vector<16xi32>,
      %swap3A_284 = vector.shape_cast %swap3A_283 : vector<16xi32> to vector<16xi32>
      %swap3A_285 = vector.shape_cast %add3A_254 : vector<16xi32> to vector<16xi32>
      tpu.vector_store %arg7[%swap3A_282], %swap3A_285 {strides = array<i32>} : memref<5248xi32, #tpu.memory_space<vmem>>, vector<16xi32>,
      %mul3A_286 = arith.constant 128 : i32
      %mul3A_287 = arith.muli %scan3A_217, %mul3A_286 : i32
      %add3A_288 = arith.constant 16 : i32
      %add3A_289 = arith.addi %mul3A_287, %add3A_288 : i32
      %get3A_290 = arith.constant 0 : i32
      %get3A_291 = arith.index_cast %scan3A_217 : i32 to index
      %get3A_292 = arith.index_cast %get3A_290 : i32 to index
      %get3A_293 = arith.constant 16 : index
      %get3A_294 = tpu.vector_load %arg6[%get3A_291, %get3A_292, %get3A_293] {strides = array<i32>} : memref<41x2x128xi32, #tpu.memory_space<vmem>>, vector<1x1x16xi32>,
      %get3A_295 = vector.shape_cast %get3A_294 : vector<1x1x16xi32> to vector<16xi32>
      %get3A_296 = arith.constant 1 : i32
      %get3A_297 = arith.index_cast %scan3A_217 : i32 to index
      %get3A_298 = arith.index_cast %get3A_296 : i32 to index
      %get3A_299 = arith.constant 16 : index
      %get3A_300 = tpu.vector_load %arg6[%get3A_297, %get3A_298, %get3A_299] {strides = array<i32>} : memref<41x2x128xi32, #tpu.memory_space<vmem>>, vector<1x1x16xi32>,
      %get3A_301 = vector.shape_cast %get3A_300 : vector<1x1x16xi32> to vector<16xi32>
      %shift_right_arithmetic3A_302 = arith.constant 3 : i32
      %shift_right_arithmetic3A_303 = vector.broadcast %shift_right_arithmetic3A_302 : i32 to vector<16xi32>
      %shift_right_arithmetic3A_304 = arith.shrsi %get3A_295, %shift_right_arithmetic3A_303 : vector<16xi32>
      %shift_left3A_305 = arith.constant 15 : i32
      %shift_left3A_306 = vector.broadcast %shift_left3A_305 : i32 to vector<16xi32>
      %shift_left3A_307 = arith.shli %shift_right_arithmetic3A_304, %shift_left3A_306 : vector<16xi32>
      %shift_right_arithmetic3A_308 = arith.constant 7 : i32
      %shift_right_arithmetic3A_309 = vector.broadcast %shift_right_arithmetic3A_308 : i32 to vector<16xi32>
      %shift_right_arithmetic3A_310 = arith.shrsi %get3A_301, %shift_right_arithmetic3A_309 : vector<16xi32>
      %shift_left3A_311 = arith.constant 10 : i32
      %shift_left3A_312 = vector.broadcast %shift_left3A_311 : i32 to vector<16xi32>
      %shift_left3A_313 = arith.shli %shift_right_arithmetic3A_310, %shift_left3A_312 : vector<16xi32>
      %add3A_314 = arith.addi %shift_left3A_307, %shift_left3A_313 : vector<16xi32>
      %and3A_315 = arith.constant 7 : i32
      %and3A_316 = vector.broadcast %and3A_315 : i32 to vector<16xi32>
      %and3A_317 = arith.andi %get3A_295, %and3A_316 : vector<16xi32>
      %shift_left3A_318 = arith.constant 7 : i32
      %shift_left3A_319 = vector.broadcast %shift_left3A_318 : i32 to vector<16xi32>
      %shift_left3A_320 = arith.shli %and3A_317, %shift_left3A_319 : vector<16xi32>
      %add3A_321 = arith.addi %add3A_314, %shift_left3A_320 : vector<16xi32>
      %and3A_322 = arith.constant 127 : i32
      %and3A_323 = vector.broadcast %and3A_322 : i32 to vector<16xi32>
      %and3A_324 = arith.andi %get3A_301, %and3A_323 : vector<16xi32>
      %add3A_325 = arith.addi %add3A_321, %and3A_324 : vector<16xi32>
      %shift_right_arithmetic3A_326 = arith.constant 3 : i32
      %shift_right_arithmetic3A_327 = vector.broadcast %shift_right_arithmetic3A_326 : i32 to vector<16xi32>
      %shift_right_arithmetic3A_328 = arith.shrsi %get3A_301, %shift_right_arithmetic3A_327 : vector<16xi32>
      %shift_left3A_329 = arith.constant 15 : i32
      %shift_left3A_330 = vector.broadcast %shift_left3A_329 : i32 to vector<16xi32>
      %shift_left3A_331 = arith.shli %shift_right_arithmetic3A_328, %shift_left3A_330 : vector<16xi32>
      %shift_right_arithmetic3A_332 = arith.constant 7 : i32
      %shift_right_arithmetic3A_333 = vector.broadcast %shift_right_arithmetic3A_332 : i32 to vector<16xi32>
      %shift_right_arithmetic3A_334 = arith.shrsi %get3A_295, %shift_right_arithmetic3A_333 : vector<16xi32>
      %shift_left3A_335 = arith.constant 10 : i32
      %shift_left3A_336 = vector.broadcast %shift_left3A_335 : i32 to vector<16xi32>
      %shift_left3A_337 = arith.shli %shift_right_arithmetic3A_334, %shift_left3A_336 : vector<16xi32>
      %add3A_338 = arith.addi %shift_left3A_331, %shift_left3A_337 : vector<16xi32>
      %and3A_339 = arith.constant 7 : i32
      %and3A_340 = vector.broadcast %and3A_339 : i32 to vector<16xi32>
      %and3A_341 = arith.andi %get3A_301, %and3A_340 : vector<16xi32>
      %shift_left3A_342 = arith.constant 7 : i32
      %shift_left3A_343 = vector.broadcast %shift_left3A_342 : i32 to vector<16xi32>
      %shift_left3A_344 = arith.shli %and3A_341, %shift_left3A_343 : vector<16xi32>
      %add3A_345 = arith.addi %add3A_338, %shift_left3A_344 : vector<16xi32>
      %and3A_346 = arith.constant 127 : i32
      %and3A_347 = vector.broadcast %and3A_346 : i32 to vector<16xi32>
      %and3A_348 = arith.andi %get3A_295, %and3A_347 : vector<16xi32>
      %add3A_349 = arith.addi %add3A_345, %and3A_348 : vector<16xi32>
      %swap3A_350 = arith.index_cast %add3A_289 : i32 to index
      %swap3A_351 = tpu.vector_load %arg8[%swap3A_350] {strides = array<i32>} : memref<5248xi32, #tpu.memory_space<vmem>>, vector<16xi32>,
      %swap3A_352 = vector.shape_cast %swap3A_351 : vector<16xi32> to vector<16xi32>
      %swap3A_353 = vector.shape_cast %add3A_349 : vector<16xi32> to vector<16xi32>
      tpu.vector_store %arg8[%swap3A_350], %swap3A_353 {strides = array<i32>} : memref<5248xi32, #tpu.memory_space<vmem>>, vector<16xi32>,
      %swap3A_354 = arith.index_cast %add3A_289 : i32 to index
      %swap3A_355 = tpu.vector_load %arg7[%swap3A_354] {strides = array<i32>} : memref<5248xi32, #tpu.memory_space<vmem>>, vector<16xi32>,
      %swap3A_356 = vector.shape_cast %swap3A_355 : vector<16xi32> to vector<16xi32>
      %swap3A_357 = vector.shape_cast %add3A_325 : vector<16xi32> to vector<16xi32>
      tpu.vector_store %arg7[%swap3A_354], %swap3A_357 {strides = array<i32>} : memref<5248xi32, #tpu.memory_space<vmem>>, vector<16xi32>,
      %mul3A_358 = arith.constant 128 : i32
      %mul3A_359 = arith.muli %scan3A_217, %mul3A_358 : i32
      %add3A_360 = arith.constant 32 : i32
      %add3A_361 = arith.addi %mul3A_359, %add3A_360 : i32
      %get3A_362 = arith.constant 0 : i32
      %get3A_363 = arith.index_cast %scan3A_217 : i32 to index
      %get3A_364 = arith.index_cast %get3A_362 : i32 to index
      %get3A_365 = arith.constant 32 : index
      %get3A_366 = tpu.vector_load %arg6[%get3A_363, %get3A_364, %get3A_365] {strides = array<i32>} : memref<41x2x128xi32, #tpu.memory_space<vmem>>, vector<1x1x16xi32>,
      %get3A_367 = vector.shape_cast %get3A_366 : vector<1x1x16xi32> to vector<16xi32>
      %get3A_368 = arith.constant 1 : i32
      %get3A_369 = arith.index_cast %scan3A_217 : i32 to index
      %get3A_370 = arith.index_cast %get3A_368 : i32 to index
      %get3A_371 = arith.constant 32 : index
      %get3A_372 = tpu.vector_load %arg6[%get3A_369, %get3A_370, %get3A_371] {strides = array<i32>} : memref<41x2x128xi32, #tpu.memory_space<vmem>>, vector<1x1x16xi32>,
      %get3A_373 = vector.shape_cast %get3A_372 : vector<1x1x16xi32> to vector<16xi32>
      %shift_right_arithmetic3A_374 = arith.constant 3 : i32
      %shift_right_arithmetic3A_375 = vector.broadcast %shift_right_arithmetic3A_374 : i32 to vector<16xi32>
      %shift_right_arithmetic3A_376 = arith.shrsi %get3A_367, %shift_right_arithmetic3A_375 : vector<16xi32>
      %shift_left3A_377 = arith.constant 15 : i32
      %shift_left3A_378 = vector.broadcast %shift_left3A_377 : i32 to vector<16xi32>
      %shift_left3A_379 = arith.shli %shift_right_arithmetic3A_376, %shift_left3A_378 : vector<16xi32>
      %shift_right_arithmetic3A_380 = arith.constant 7 : i32
      %shift_right_arithmetic3A_381 = vector.broadcast %shift_right_arithmetic3A_380 : i32 to vector<16xi32>
      %shift_right_arithmetic3A_382 = arith.shrsi %get3A_373, %shift_right_arithmetic3A_381 : vector<16xi32>
      %shift_left3A_383 = arith.constant 10 : i32
      %shift_left3A_384 = vector.broadcast %shift_left3A_383 : i32 to vector<16xi32>
      %shift_left3A_385 = arith.shli %shift_right_arithmetic3A_382, %shift_left3A_384 : vector<16xi32>
      %add3A_386 = arith.addi %shift_left3A_379, %shift_left3A_385 : vector<16xi32>
      %and3A_387 = arith.constant 7 : i32
      %and3A_388 = vector.broadcast %and3A_387 : i32 to vector<16xi32>
      %and3A_389 = arith.andi %get3A_367, %and3A_388 : vector<16xi32>
      %shift_left3A_390 = arith.constant 7 : i32
      %shift_left3A_391 = vector.broadcast %shift_left3A_390 : i32 to vector<16xi32>
      %shift_left3A_392 = arith.shli %and3A_389, %shift_left3A_391 : vector<16xi32>
      %add3A_393 = arith.addi %add3A_386, %shift_left3A_392 : vector<16xi32>
      %and3A_394 = arith.constant 127 : i32
      %and3A_395 = vector.broadcast %and3A_394 : i32 to vector<16xi32>
      %and3A_396 = arith.andi %get3A_373, %and3A_395 : vector<16xi32>
      %add3A_397 = arith.addi %add3A_393, %and3A_396 : vector<16xi32>
      %shift_right_arithmetic3A_398 = arith.constant 3 : i32
      %shift_right_arithmetic3A_399 = vector.broadcast %shift_right_arithmetic3A_398 : i32 to vector<16xi32>
      %shift_right_arithmetic3A_400 = arith.shrsi %get3A_373, %shift_right_arithmetic3A_399 : vector<16xi32>
      %shift_left3A_401 = arith.constant 15 : i32
      %shift_left3A_402 = vector.broadcast %shift_left3A_401 : i32 to vector<16xi32>
      %shift_left3A_403 = arith.shli %shift_right_arithmetic3A_400, %shift_left3A_402 : vector<16xi32>
      %shift_right_arithmetic3A_404 = arith.constant 7 : i32
      %shift_right_arithmetic3A_405 = vector.broadcast %shift_right_arithmetic3A_404 : i32 to vector<16xi32>
      %shift_right_arithmetic3A_406 = arith.shrsi %get3A_367, %shift_right_arithmetic3A_405 : vector<16xi32>
      %shift_left3A_407 = arith.constant 10 : i32
      %shift_left3A_408 = vector.broadcast %shift_left3A_407 : i32 to vector<16xi32>
      %shift_left3A_409 = arith.shli %shift_right_arithmetic3A_406, %shift_left3A_408 : vector<16xi32>
      %add3A_410 = arith.addi %shift_left3A_403, %shift_left3A_409 : vector<16xi32>
      %and3A_411 = arith.constant 7 : i32
      %and3A_412 = vector.broadcast %and3A_411 : i32 to vector<16xi32>
      %and3A_413 = arith.andi %get3A_373, %and3A_412 : vector<16xi32>
      %shift_left3A_414 = arith.constant 7 : i32
      %shift_left3A_415 = vector.broadcast %shift_left3A_414 : i32 to vector<16xi32>
      %shift_left3A_416 = arith.shli %and3A_413, %shift_left3A_415 : vector<16xi32>
      %add3A_417 = arith.addi %add3A_410, %shift_left3A_416 : vector<16xi32>
      %and3A_418 = arith.constant 127 : i32
      %and3A_419 = vector.broadcast %and3A_418 : i32 to vector<16xi32>
      %and3A_420 = arith.andi %get3A_367, %and3A_419 : vector<16xi32>
      %add3A_421 = arith.addi %add3A_417, %and3A_420 : vector<16xi32>
      %swap3A_422 = arith.index_cast %add3A_361 : i32 to index
      %swap3A_423 = tpu.vector_load %arg8[%swap3A_422] {strides = array<i32>} : memref<5248xi32, #tpu.memory_space<vmem>>, vector<16xi32>,
      %swap3A_424 = vector.shape_cast %swap3A_423 : vector<16xi32> to vector<16xi32>
      %swap3A_425 = vector.shape_cast %add3A_421 : vector<16xi32> to vector<16xi32>
      tpu.vector_store %arg8[%swap3A_422], %swap3A_425 {strides = array<i32>} : memref<5248xi32, #tpu.memory_space<vmem>>, vector<16xi32>,
      %swap3A_426 = arith.index_cast %add3A_361 : i32 to index
      %swap3A_427 = tpu.vector_load %arg7[%swap3A_426] {strides = array<i32>} : memref<5248xi32, #tpu.memory_space<vmem>>, vector<16xi32>,
      %swap3A_428 = vector.shape_cast %swap3A_427 : vector<16xi32> to vector<16xi32>
      %swap3A_429 = vector.shape_cast %add3A_397 : vector<16xi32> to vector<16xi32>
      tpu.vector_store %arg7[%swap3A_426], %swap3A_429 {strides = array<i32>} : memref<5248xi32, #tpu.memory_space<vmem>>, vector<16xi32>,
      %mul3A_430 = arith.constant 128 : i32
      %mul3A_431 = arith.muli %scan3A_217, %mul3A_430 : i32
      %add3A_432 = arith.constant 48 : i32
      %add3A_433 = arith.addi %mul3A_431, %add3A_432 : i32
      %get3A_434 = arith.constant 0 : i32
      %get3A_435 = arith.index_cast %scan3A_217 : i32 to index
      %get3A_436 = arith.index_cast %get3A_434 : i32 to index
      %get3A_437 = arith.constant 48 : index
      %get3A_438 = tpu.vector_load %arg6[%get3A_435, %get3A_436, %get3A_437] {strides = array<i32>} : memref<41x2x128xi32, #tpu.memory_space<vmem>>, vector<1x1x16xi32>,
      %get3A_439 = vector.shape_cast %get3A_438 : vector<1x1x16xi32> to vector<16xi32>
      %get3A_440 = arith.constant 1 : i32
      %get3A_441 = arith.index_cast %scan3A_217 : i32 to index
      %get3A_442 = arith.index_cast %get3A_440 : i32 to index
      %get3A_443 = arith.constant 48 : index
      %get3A_444 = tpu.vector_load %arg6[%get3A_441, %get3A_442, %get3A_443] {strides = array<i32>} : memref<41x2x128xi32, #tpu.memory_space<vmem>>, vector<1x1x16xi32>,
      %get3A_445 = vector.shape_cast %get3A_444 : vector<1x1x16xi32> to vector<16xi32>
      %shift_right_arithmetic3A_446 = arith.constant 3 : i32
      %shift_right_arithmetic3A_447 = vector.broadcast %shift_right_arithmetic3A_446 : i32 to vector<16xi32>
      %shift_right_arithmetic3A_448 = arith.shrsi %get3A_439, %shift_right_arithmetic3A_447 : vector<16xi32>
      %shift_left3A_449 = arith.constant 15 : i32
      %shift_left3A_450 = vector.broadcast %shift_left3A_449 : i32 to vector<16xi32>
      %shift_left3A_451 = arith.shli %shift_right_arithmetic3A_448, %shift_left3A_450 : vector<16xi32>
      %shift_right_arithmetic3A_452 = arith.constant 7 : i32
      %shift_right_arithmetic3A_453 = vector.broadcast %shift_right_arithmetic3A_452 : i32 to vector<16xi32>
      %shift_right_arithmetic3A_454 = arith.shrsi %get3A_445, %shift_right_arithmetic3A_453 : vector<16xi32>
      %shift_left3A_455 = arith.constant 10 : i32
      %shift_left3A_456 = vector.broadcast %shift_left3A_455 : i32 to vector<16xi32>
      %shift_left3A_457 = arith.shli %shift_right_arithmetic3A_454, %shift_left3A_456 : vector<16xi32>
      %add3A_458 = arith.addi %shift_left3A_451, %shift_left3A_457 : vector<16xi32>
      %and3A_459 = arith.constant 7 : i32
      %and3A_460 = vector.broadcast %and3A_459 : i32 to vector<16xi32>
      %and3A_461 = arith.andi %get3A_439, %and3A_460 : vector<16xi32>
      %shift_left3A_462 = arith.constant 7 : i32
      %shift_left3A_463 = vector.broadcast %shift_left3A_462 : i32 to vector<16xi32>
      %shift_left3A_464 = arith.shli %and3A_461, %shift_left3A_463 : vector<16xi32>
      %add3A_465 = arith.addi %add3A_458, %shift_left3A_464 : vector<16xi32>
      %and3A_466 = arith.constant 127 : i32
      %and3A_467 = vector.broadcast %and3A_466 : i32 to vector<16xi32>
      %and3A_468 = arith.andi %get3A_445, %and3A_467 : vector<16xi32>
      %add3A_469 = arith.addi %add3A_465, %and3A_468 : vector<16xi32>
      %shift_right_arithmetic3A_470 = arith.constant 3 : i32
      %shift_right_arithmetic3A_471 = vector.broadcast %shift_right_arithmetic3A_470 : i32 to vector<16xi32>
      %shift_right_arithmetic3A_472 = arith.shrsi %get3A_445, %shift_right_arithmetic3A_471 : vector<16xi32>
      %shift_left3A_473 = arith.constant 15 : i32
      %shift_left3A_474 = vector.broadcast %shift_left3A_473 : i32 to vector<16xi32>
      %shift_left3A_475 = arith.shli %shift_right_arithmetic3A_472, %shift_left3A_474 : vector<16xi32>
      %shift_right_arithmetic3A_476 = arith.constant 7 : i32
      %shift_right_arithmetic3A_477 = vector.broadcast %shift_right_arithmetic3A_476 : i32 to vector<16xi32>
      %shift_right_arithmetic3A_478 = arith.shrsi %get3A_439, %shift_right_arithmetic3A_477 : vector<16xi32>
      %shift_left3A_479 = arith.constant 10 : i32
      %shift_left3A_480 = vector.broadcast %shift_left3A_479 : i32 to vector<16xi32>
      %shift_left3A_481 = arith.shli %shift_right_arithmetic3A_478, %shift_left3A_480 : vector<16xi32>
      %add3A_482 = arith.addi %shift_left3A_475, %shift_left3A_481 : vector<16xi32>
      %and3A_483 = arith.constant 7 : i32
      %and3A_484 = vector.broadcast %and3A_483 : i32 to vector<16xi32>
      %and3A_485 = arith.andi %get3A_445, %and3A_484 : vector<16xi32>
      %shift_left3A_486 = arith.constant 7 : i32
      %shift_left3A_487 = vector.broadcast %shift_left3A_486 : i32 to vector<16xi32>
      %shift_left3A_488 = arith.shli %and3A_485, %shift_left3A_487 : vector<16xi32>
      %add3A_489 = arith.addi %add3A_482, %shift_left3A_488 : vector<16xi32>
      %and3A_490 = arith.constant 127 : i32
      %and3A_491 = vector.broadcast %and3A_490 : i32 to vector<16xi32>
      %and3A_492 = arith.andi %get3A_439, %and3A_491 : vector<16xi32>
      %add3A_493 = arith.addi %add3A_489, %and3A_492 : vector<16xi32>
      %swap3A_494 = arith.index_cast %add3A_433 : i32 to index
      %swap3A_495 = tpu.vector_load %arg8[%swap3A_494] {strides = array<i32>} : memref<5248xi32, #tpu.memory_space<vmem>>, vector<16xi32>,
      %swap3A_496 = vector.shape_cast %swap3A_495 : vector<16xi32> to vector<16xi32>
      %swap3A_497 = vector.shape_cast %add3A_493 : vector<16xi32> to vector<16xi32>
      tpu.vector_store %arg8[%swap3A_494], %swap3A_497 {strides = array<i32>} : memref<5248xi32, #tpu.memory_space<vmem>>, vector<16xi32>,
      %swap3A_498 = arith.index_cast %add3A_433 : i32 to index
      %swap3A_499 = tpu.vector_load %arg7[%swap3A_498] {strides = array<i32>} : memref<5248xi32, #tpu.memory_space<vmem>>, vector<16xi32>,
      %swap3A_500 = vector.shape_cast %swap3A_499 : vector<16xi32> to vector<16xi32>
      %swap3A_501 = vector.shape_cast %add3A_469 : vector<16xi32> to vector<16xi32>
      tpu.vector_store %arg7[%swap3A_498], %swap3A_501 {strides = array<i32>} : memref<5248xi32, #tpu.memory_space<vmem>>, vector<16xi32>,
      %mul3A_502 = arith.constant 128 : i32
      %mul3A_503 = arith.muli %scan3A_217, %mul3A_502 : i32
      %add3A_504 = arith.constant 64 : i32
      %add3A_505 = arith.addi %mul3A_503, %add3A_504 : i32
      %get3A_506 = arith.constant 0 : i32
      %get3A_507 = arith.index_cast %scan3A_217 : i32 to index
      %get3A_508 = arith.index_cast %get3A_506 : i32 to index
      %get3A_509 = arith.constant 64 : index
      %get3A_510 = tpu.vector_load %arg6[%get3A_507, %get3A_508, %get3A_509] {strides = array<i32>} : memref<41x2x128xi32, #tpu.memory_space<vmem>>, vector<1x1x16xi32>,
      %get3A_511 = vector.shape_cast %get3A_510 : vector<1x1x16xi32> to vector<16xi32>
      %get3A_512 = arith.constant 1 : i32
      %get3A_513 = arith.index_cast %scan3A_217 : i32 to index
      %get3A_514 = arith.index_cast %get3A_512 : i32 to index
      %get3A_515 = arith.constant 64 : index
      %get3A_516 = tpu.vector_load %arg6[%get3A_513, %get3A_514, %get3A_515] {strides = array<i32>} : memref<41x2x128xi32, #tpu.memory_space<vmem>>, vector<1x1x16xi32>,
      %get3A_517 = vector.shape_cast %get3A_516 : vector<1x1x16xi32> to vector<16xi32>
      %shift_right_arithmetic3A_518 = arith.constant 3 : i32
      %shift_right_arithmetic3A_519 = vector.broadcast %shift_right_arithmetic3A_518 : i32 to vector<16xi32>
      %shift_right_arithmetic3A_520 = arith.shrsi %get3A_511, %shift_right_arithmetic3A_519 : vector<16xi32>
      %shift_left3A_521 = arith.constant 15 : i32
      %shift_left3A_522 = vector.broadcast %shift_left3A_521 : i32 to vector<16xi32>
      %shift_left3A_523 = arith.shli %shift_right_arithmetic3A_520, %shift_left3A_522 : vector<16xi32>
      %shift_right_arithmetic3A_524 = arith.constant 7 : i32
      %shift_right_arithmetic3A_525 = vector.broadcast %shift_right_arithmetic3A_524 : i32 to vector<16xi32>
      %shift_right_arithmetic3A_526 = arith.shrsi %get3A_517, %shift_right_arithmetic3A_525 : vector<16xi32>
      %shift_left3A_527 = arith.constant 10 : i32
      %shift_left3A_528 = vector.broadcast %shift_left3A_527 : i32 to vector<16xi32>
      %shift_left3A_529 = arith.shli %shift_right_arithmetic3A_526, %shift_left3A_528 : vector<16xi32>
      %add3A_530 = arith.addi %shift_left3A_523, %shift_left3A_529 : vector<16xi32>
      %and3A_531 = arith.constant 7 : i32
      %and3A_532 = vector.broadcast %and3A_531 : i32 to vector<16xi32>
      %and3A_533 = arith.andi %get3A_511, %and3A_532 : vector<16xi32>
      %shift_left3A_534 = arith.constant 7 : i32
      %shift_left3A_535 = vector.broadcast %shift_left3A_534 : i32 to vector<16xi32>
      %shift_left3A_536 = arith.shli %and3A_533, %shift_left3A_535 : vector<16xi32>
      %add3A_537 = arith.addi %add3A_530, %shift_left3A_536 : vector<16xi32>
      %and3A_538 = arith.constant 127 : i32
      %and3A_539 = vector.broadcast %and3A_538 : i32 to vector<16xi32>
      %and3A_540 = arith.andi %get3A_517, %and3A_539 : vector<16xi32>
      %add3A_541 = arith.addi %add3A_537, %and3A_540 : vector<16xi32>
      %shift_right_arithmetic3A_542 = arith.constant 3 : i32
      %shift_right_arithmetic3A_543 = vector.broadcast %shift_right_arithmetic3A_542 : i32 to vector<16xi32>
      %shift_right_arithmetic3A_544 = arith.shrsi %get3A_517, %shift_right_arithmetic3A_543 : vector<16xi32>
      %shift_left3A_545 = arith.constant 15 : i32
      %shift_left3A_546 = vector.broadcast %shift_left3A_545 : i32 to vector<16xi32>
      %shift_left3A_547 = arith.shli %shift_right_arithmetic3A_544, %shift_left3A_546 : vector<16xi32>
      %shift_right_arithmetic3A_548 = arith.constant 7 : i32
      %shift_right_arithmetic3A_549 = vector.broadcast %shift_right_arithmetic3A_548 : i32 to vector<16xi32>
      %shift_right_arithmetic3A_550 = arith.shrsi %get3A_511, %shift_right_arithmetic3A_549 : vector<16xi32>
      %shift_left3A_551 = arith.constant 10 : i32
      %shift_left3A_552 = vector.broadcast %shift_left3A_551 : i32 to vector<16xi32>
      %shift_left3A_553 = arith.shli %shift_right_arithmetic3A_550, %shift_left3A_552 : vector<16xi32>
      %add3A_554 = arith.addi %shift_left3A_547, %shift_left3A_553 : vector<16xi32>
      %and3A_555 = arith.constant 7 : i32
      %and3A_556 = vector.broadcast %and3A_555 : i32 to vector<16xi32>
      %and3A_557 = arith.andi %get3A_517, %and3A_556 : vector<16xi32>
      %shift_left3A_558 = arith.constant 7 : i32
      %shift_left3A_559 = vector.broadcast %shift_left3A_558 : i32 to vector<16xi32>
      %shift_left3A_560 = arith.shli %and3A_557, %shift_left3A_559 : vector<16xi32>
      %add3A_561 = arith.addi %add3A_554, %shift_left3A_560 : vector<16xi32>
      %and3A_562 = arith.constant 127 : i32
      %and3A_563 = vector.broadcast %and3A_562 : i32 to vector<16xi32>
      %and3A_564 = arith.andi %get3A_511, %and3A_563 : vector<16xi32>
      %add3A_565 = arith.addi %add3A_561, %and3A_564 : vector<16xi32>
      %swap3A_566 = arith.index_cast %add3A_505 : i32 to index
      %swap3A_567 = tpu.vector_load %arg8[%swap3A_566] {strides = array<i32>} : memref<5248xi32, #tpu.memory_space<vmem>>, vector<16xi32>,
      %swap3A_568 = vector.shape_cast %swap3A_567 : vector<16xi32> to vector<16xi32>
      %swap3A_569 = vector.shape_cast %add3A_565 : vector<16xi32> to vector<16xi32>
      tpu.vector_store %arg8[%swap3A_566], %swap3A_569 {strides = array<i32>} : memref<5248xi32, #tpu.memory_space<vmem>>, vector<16xi32>,
      %swap3A_570 = arith.index_cast %add3A_505 : i32 to index
      %swap3A_571 = tpu.vector_load %arg7[%swap3A_570] {strides = array<i32>} : memref<5248xi32, #tpu.memory_space<vmem>>, vector<16xi32>,
      %swap3A_572 = vector.shape_cast %swap3A_571 : vector<16xi32> to vector<16xi32>
      %swap3A_573 = vector.shape_cast %add3A_541 : vector<16xi32> to vector<16xi32>
      tpu.vector_store %arg7[%swap3A_570], %swap3A_573 {strides = array<i32>} : memref<5248xi32, #tpu.memory_space<vmem>>, vector<16xi32>,
      %mul3A_574 = arith.constant 128 : i32
      %mul3A_575 = arith.muli %scan3A_217, %mul3A_574 : i32
      %add3A_576 = arith.constant 80 : i32
      %add3A_577 = arith.addi %mul3A_575, %add3A_576 : i32
      %get3A_578 = arith.constant 0 : i32
      %get3A_579 = arith.index_cast %scan3A_217 : i32 to index
      %get3A_580 = arith.index_cast %get3A_578 : i32 to index
      %get3A_581 = arith.constant 80 : index
      %get3A_582 = tpu.vector_load %arg6[%get3A_579, %get3A_580, %get3A_581] {strides = array<i32>} : memref<41x2x128xi32, #tpu.memory_space<vmem>>, vector<1x1x16xi32>,
      %get3A_583 = vector.shape_cast %get3A_582 : vector<1x1x16xi32> to vector<16xi32>
      %get3A_584 = arith.constant 1 : i32
      %get3A_585 = arith.index_cast %scan3A_217 : i32 to index
      %get3A_586 = arith.index_cast %get3A_584 : i32 to index
      %get3A_587 = arith.constant 80 : index
      %get3A_588 = tpu.vector_load %arg6[%get3A_585, %get3A_586, %get3A_587] {strides = array<i32>} : memref<41x2x128xi32, #tpu.memory_space<vmem>>, vector<1x1x16xi32>,
      %get3A_589 = vector.shape_cast %get3A_588 : vector<1x1x16xi32> to vector<16xi32>
      %shift_right_arithmetic3A_590 = arith.constant 3 : i32
      %shift_right_arithmetic3A_591 = vector.broadcast %shift_right_arithmetic3A_590 : i32 to vector<16xi32>
      %shift_right_arithmetic3A_592 = arith.shrsi %get3A_583, %shift_right_arithmetic3A_591 : vector<16xi32>
      %shift_left3A_593 = arith.constant 15 : i32
      %shift_left3A_594 = vector.broadcast %shift_left3A_593 : i32 to vector<16xi32>
      %shift_left3A_595 = arith.shli %shift_right_arithmetic3A_592, %shift_left3A_594 : vector<16xi32>
      %shift_right_arithmetic3A_596 = arith.constant 7 : i32
      %shift_right_arithmetic3A_597 = vector.broadcast %shift_right_arithmetic3A_596 : i32 to vector<16xi32>
      %shift_right_arithmetic3A_598 = arith.shrsi %get3A_589, %shift_right_arithmetic3A_597 : vector<16xi32>
      %shift_left3A_599 = arith.constant 10 : i32
      %shift_left3A_600 = vector.broadcast %shift_left3A_599 : i32 to vector<16xi32>
      %shift_left3A_601 = arith.shli %shift_right_arithmetic3A_598, %shift_left3A_600 : vector<16xi32>
      %add3A_602 = arith.addi %shift_left3A_595, %shift_left3A_601 : vector<16xi32>
      %and3A_603 = arith.constant 7 : i32
      %and3A_604 = vector.broadcast %and3A_603 : i32 to vector<16xi32>
      %and3A_605 = arith.andi %get3A_583, %and3A_604 : vector<16xi32>
      %shift_left3A_606 = arith.constant 7 : i32
      %shift_left3A_607 = vector.broadcast %shift_left3A_606 : i32 to vector<16xi32>
      %shift_left3A_608 = arith.shli %and3A_605, %shift_left3A_607 : vector<16xi32>
      %add3A_609 = arith.addi %add3A_602, %shift_left3A_608 : vector<16xi32>
      %and3A_610 = arith.constant 127 : i32
      %and3A_611 = vector.broadcast %and3A_610 : i32 to vector<16xi32>
      %and3A_612 = arith.andi %get3A_589, %and3A_611 : vector<16xi32>
      %add3A_613 = arith.addi %add3A_609, %and3A_612 : vector<16xi32>
      %shift_right_arithmetic3A_614 = arith.constant 3 : i32
      %shift_right_arithmetic3A_615 = vector.broadcast %shift_right_arithmetic3A_614 : i32 to vector<16xi32>
      %shift_right_arithmetic3A_616 = arith.shrsi %get3A_589, %shift_right_arithmetic3A_615 : vector<16xi32>
      %shift_left3A_617 = arith.constant 15 : i32
      %shift_left3A_618 = vector.broadcast %shift_left3A_617 : i32 to vector<16xi32>
      %shift_left3A_619 = arith.shli %shift_right_arithmetic3A_616, %shift_left3A_618 : vector<16xi32>
      %shift_right_arithmetic3A_620 = arith.constant 7 : i32
      %shift_right_arithmetic3A_621 = vector.broadcast %shift_right_arithmetic3A_620 : i32 to vector<16xi32>
      %shift_right_arithmetic3A_622 = arith.shrsi %get3A_583, %shift_right_arithmetic3A_621 : vector<16xi32>
      %shift_left3A_623 = arith.constant 10 : i32
      %shift_left3A_624 = vector.broadcast %shift_left3A_623 : i32 to vector<16xi32>
      %shift_left3A_625 = arith.shli %shift_right_arithmetic3A_622, %shift_left3A_624 : vector<16xi32>
      %add3A_626 = arith.addi %shift_left3A_619, %shift_left3A_625 : vector<16xi32>
      %and3A_627 = arith.constant 7 : i32
      %and3A_628 = vector.broadcast %and3A_627 : i32 to vector<16xi32>
      %and3A_629 = arith.andi %get3A_589, %and3A_628 : vector<16xi32>
      %shift_left3A_630 = arith.constant 7 : i32
      %shift_left3A_631 = vector.broadcast %shift_left3A_630 : i32 to vector<16xi32>
      %shift_left3A_632 = arith.shli %and3A_629, %shift_left3A_631 : vector<16xi32>
      %add3A_633 = arith.addi %add3A_626, %shift_left3A_632 : vector<16xi32>
      %and3A_634 = arith.constant 127 : i32
      %and3A_635 = vector.broadcast %and3A_634 : i32 to vector<16xi32>
      %and3A_636 = arith.andi %get3A_583, %and3A_635 : vector<16xi32>
      %add3A_637 = arith.addi %add3A_633, %and3A_636 : vector<16xi32>
      %swap3A_638 = arith.index_cast %add3A_577 : i32 to index
      %swap3A_639 = tpu.vector_load %arg8[%swap3A_638] {strides = array<i32>} : memref<5248xi32, #tpu.memory_space<vmem>>, vector<16xi32>,
      %swap3A_640 = vector.shape_cast %swap3A_639 : vector<16xi32> to vector<16xi32>
      %swap3A_641 = vector.shape_cast %add3A_637 : vector<16xi32> to vector<16xi32>
      tpu.vector_store %arg8[%swap3A_638], %swap3A_641 {strides = array<i32>} : memref<5248xi32, #tpu.memory_space<vmem>>, vector<16xi32>,
      %swap3A_642 = arith.index_cast %add3A_577 : i32 to index
      %swap3A_643 = tpu.vector_load %arg7[%swap3A_642] {strides = array<i32>} : memref<5248xi32, #tpu.memory_space<vmem>>, vector<16xi32>,
      %swap3A_644 = vector.shape_cast %swap3A_643 : vector<16xi32> to vector<16xi32>
      %swap3A_645 = vector.shape_cast %add3A_613 : vector<16xi32> to vector<16xi32>
      tpu.vector_store %arg7[%swap3A_642], %swap3A_645 {strides = array<i32>} : memref<5248xi32, #tpu.memory_space<vmem>>, vector<16xi32>,
      %mul3A_646 = arith.constant 128 : i32
      %mul3A_647 = arith.muli %scan3A_217, %mul3A_646 : i32
      %add3A_648 = arith.constant 96 : i32
      %add3A_649 = arith.addi %mul3A_647, %add3A_648 : i32
      %get3A_650 = arith.constant 0 : i32
      %get3A_651 = arith.index_cast %scan3A_217 : i32 to index
      %get3A_652 = arith.index_cast %get3A_650 : i32 to index
      %get3A_653 = arith.constant 96 : index
      %get3A_654 = tpu.vector_load %arg6[%get3A_651, %get3A_652, %get3A_653] {strides = array<i32>} : memref<41x2x128xi32, #tpu.memory_space<vmem>>, vector<1x1x16xi32>,
      %get3A_655 = vector.shape_cast %get3A_654 : vector<1x1x16xi32> to vector<16xi32>
      %get3A_656 = arith.constant 1 : i32
      %get3A_657 = arith.index_cast %scan3A_217 : i32 to index
      %get3A_658 = arith.index_cast %get3A_656 : i32 to index
      %get3A_659 = arith.constant 96 : index
      %get3A_660 = tpu.vector_load %arg6[%get3A_657, %get3A_658, %get3A_659] {strides = array<i32>} : memref<41x2x128xi32, #tpu.memory_space<vmem>>, vector<1x1x16xi32>,
      %get3A_661 = vector.shape_cast %get3A_660 : vector<1x1x16xi32> to vector<16xi32>
      %shift_right_arithmetic3A_662 = arith.constant 3 : i32
      %shift_right_arithmetic3A_663 = vector.broadcast %shift_right_arithmetic3A_662 : i32 to vector<16xi32>
      %shift_right_arithmetic3A_664 = arith.shrsi %get3A_655, %shift_right_arithmetic3A_663 : vector<16xi32>
      %shift_left3A_665 = arith.constant 15 : i32
      %shift_left3A_666 = vector.broadcast %shift_left3A_665 : i32 to vector<16xi32>
      %shift_left3A_667 = arith.shli %shift_right_arithmetic3A_664, %shift_left3A_666 : vector<16xi32>
      %shift_right_arithmetic3A_668 = arith.constant 7 : i32
      %shift_right_arithmetic3A_669 = vector.broadcast %shift_right_arithmetic3A_668 : i32 to vector<16xi32>
      %shift_right_arithmetic3A_670 = arith.shrsi %get3A_661, %shift_right_arithmetic3A_669 : vector<16xi32>
      %shift_left3A_671 = arith.constant 10 : i32
      %shift_left3A_672 = vector.broadcast %shift_left3A_671 : i32 to vector<16xi32>
      %shift_left3A_673 = arith.shli %shift_right_arithmetic3A_670, %shift_left3A_672 : vector<16xi32>
      %add3A_674 = arith.addi %shift_left3A_667, %shift_left3A_673 : vector<16xi32>
      %and3A_675 = arith.constant 7 : i32
      %and3A_676 = vector.broadcast %and3A_675 : i32 to vector<16xi32>
      %and3A_677 = arith.andi %get3A_655, %and3A_676 : vector<16xi32>
      %shift_left3A_678 = arith.constant 7 : i32
      %shift_left3A_679 = vector.broadcast %shift_left3A_678 : i32 to vector<16xi32>
      %shift_left3A_680 = arith.shli %and3A_677, %shift_left3A_679 : vector<16xi32>
      %add3A_681 = arith.addi %add3A_674, %shift_left3A_680 : vector<16xi32>
      %and3A_682 = arith.constant 127 : i32
      %and3A_683 = vector.broadcast %and3A_682 : i32 to vector<16xi32>
      %and3A_684 = arith.andi %get3A_661, %and3A_683 : vector<16xi32>
      %add3A_685 = arith.addi %add3A_681, %and3A_684 : vector<16xi32>
      %shift_right_arithmetic3A_686 = arith.constant 3 : i32
      %shift_right_arithmetic3A_687 = vector.broadcast %shift_right_arithmetic3A_686 : i32 to vector<16xi32>
      %shift_right_arithmetic3A_688 = arith.shrsi %get3A_661, %shift_right_arithmetic3A_687 : vector<16xi32>
      %shift_left3A_689 = arith.constant 15 : i32
      %shift_left3A_690 = vector.broadcast %shift_left3A_689 : i32 to vector<16xi32>
      %shift_left3A_691 = arith.shli %shift_right_arithmetic3A_688, %shift_left3A_690 : vector<16xi32>
      %shift_right_arithmetic3A_692 = arith.constant 7 : i32
      %shift_right_arithmetic3A_693 = vector.broadcast %shift_right_arithmetic3A_692 : i32 to vector<16xi32>
      %shift_right_arithmetic3A_694 = arith.shrsi %get3A_655, %shift_right_arithmetic3A_693 : vector<16xi32>
      %shift_left3A_695 = arith.constant 10 : i32
      %shift_left3A_696 = vector.broadcast %shift_left3A_695 : i32 to vector<16xi32>
      %shift_left3A_697 = arith.shli %shift_right_arithmetic3A_694, %shift_left3A_696 : vector<16xi32>
      %add3A_698 = arith.addi %shift_left3A_691, %shift_left3A_697 : vector<16xi32>
      %and3A_699 = arith.constant 7 : i32
      %and3A_700 = vector.broadcast %and3A_699 : i32 to vector<16xi32>
      %and3A_701 = arith.andi %get3A_661, %and3A_700 : vector<16xi32>
      %shift_left3A_702 = arith.constant 7 : i32
      %shift_left3A_703 = vector.broadcast %shift_left3A_702 : i32 to vector<16xi32>
      %shift_left3A_704 = arith.shli %and3A_701, %shift_left3A_703 : vector<16xi32>
      %add3A_705 = arith.addi %add3A_698, %shift_left3A_704 : vector<16xi32>
      %and3A_706 = arith.constant 127 : i32
      %and3A_707 = vector.broadcast %and3A_706 : i32 to vector<16xi32>
      %and3A_708 = arith.andi %get3A_655, %and3A_707 : vector<16xi32>
      %add3A_709 = arith.addi %add3A_705, %and3A_708 : vector<16xi32>
      %swap3A_710 = arith.index_cast %add3A_649 : i32 to index
      %swap3A_711 = tpu.vector_load %arg8[%swap3A_710] {strides = array<i32>} : memref<5248xi32, #tpu.memory_space<vmem>>, vector<16xi32>,
      %swap3A_712 = vector.shape_cast %swap3A_711 : vector<16xi32> to vector<16xi32>
      %swap3A_713 = vector.shape_cast %add3A_709 : vector<16xi32> to vector<16xi32>
      tpu.vector_store %arg8[%swap3A_710], %swap3A_713 {strides = array<i32>} : memref<5248xi32, #tpu.memory_space<vmem>>, vector<16xi32>,
      %swap3A_714 = arith.index_cast %add3A_649 : i32 to index
      %swap3A_715 = tpu.vector_load %arg7[%swap3A_714] {strides = array<i32>} : memref<5248xi32, #tpu.memory_space<vmem>>, vector<16xi32>,
      %swap3A_716 = vector.shape_cast %swap3A_715 : vector<16xi32> to vector<16xi32>
      %swap3A_717 = vector.shape_cast %add3A_685 : vector<16xi32> to vector<16xi32>
      tpu.vector_store %arg7[%swap3A_714], %swap3A_717 {strides = array<i32>} : memref<5248xi32, #tpu.memory_space<vmem>>, vector<16xi32>,
      %mul3A_718 = arith.constant 128 : i32
      %mul3A_719 = arith.muli %scan3A_217, %mul3A_718 : i32
      %add3A_720 = arith.constant 112 : i32
      %add3A_721 = arith.addi %mul3A_719, %add3A_720 : i32
      %get3A_722 = arith.constant 0 : i32
      %get3A_723 = arith.index_cast %scan3A_217 : i32 to index
      %get3A_724 = arith.index_cast %get3A_722 : i32 to index
      %get3A_725 = arith.constant 112 : index
      %get3A_726 = tpu.vector_load %arg6[%get3A_723, %get3A_724, %get3A_725] {strides = array<i32>} : memref<41x2x128xi32, #tpu.memory_space<vmem>>, vector<1x1x16xi32>,
      %get3A_727 = vector.shape_cast %get3A_726 : vector<1x1x16xi32> to vector<16xi32>
      %get3A_728 = arith.constant 1 : i32
      %get3A_729 = arith.index_cast %scan3A_217 : i32 to index
      %get3A_730 = arith.index_cast %get3A_728 : i32 to index
      %get3A_731 = arith.constant 112 : index
      %get3A_732 = tpu.vector_load %arg6[%get3A_729, %get3A_730, %get3A_731] {strides = array<i32>} : memref<41x2x128xi32, #tpu.memory_space<vmem>>, vector<1x1x16xi32>,
      %get3A_733 = vector.shape_cast %get3A_732 : vector<1x1x16xi32> to vector<16xi32>
      %shift_right_arithmetic3A_734 = arith.constant 3 : i32
      %shift_right_arithmetic3A_735 = vector.broadcast %shift_right_arithmetic3A_734 : i32 to vector<16xi32>
      %shift_right_arithmetic3A_736 = arith.shrsi %get3A_727, %shift_right_arithmetic3A_735 : vector<16xi32>
      %shift_left3A_737 = arith.constant 15 : i32
      %shift_left3A_738 = vector.broadcast %shift_left3A_737 : i32 to vector<16xi32>
      %shift_left3A_739 = arith.shli %shift_right_arithmetic3A_736, %shift_left3A_738 : vector<16xi32>
      %shift_right_arithmetic3A_740 = arith.constant 7 : i32
      %shift_right_arithmetic3A_741 = vector.broadcast %shift_right_arithmetic3A_740 : i32 to vector<16xi32>
      %shift_right_arithmetic3A_742 = arith.shrsi %get3A_733, %shift_right_arithmetic3A_741 : vector<16xi32>
      %shift_left3A_743 = arith.constant 10 : i32
      %shift_left3A_744 = vector.broadcast %shift_left3A_743 : i32 to vector<16xi32>
      %shift_left3A_745 = arith.shli %shift_right_arithmetic3A_742, %shift_left3A_744 : vector<16xi32>
      %add3A_746 = arith.addi %shift_left3A_739, %shift_left3A_745 : vector<16xi32>
      %and3A_747 = arith.constant 7 : i32
      %and3A_748 = vector.broadcast %and3A_747 : i32 to vector<16xi32>
      %and3A_749 = arith.andi %get3A_727, %and3A_748 : vector<16xi32>
      %shift_left3A_750 = arith.constant 7 : i32
      %shift_left3A_751 = vector.broadcast %shift_left3A_750 : i32 to vector<16xi32>
      %shift_left3A_752 = arith.shli %and3A_749, %shift_left3A_751 : vector<16xi32>
      %add3A_753 = arith.addi %add3A_746, %shift_left3A_752 : vector<16xi32>
      %and3A_754 = arith.constant 127 : i32
      %and3A_755 = vector.broadcast %and3A_754 : i32 to vector<16xi32>
      %and3A_756 = arith.andi %get3A_733, %and3A_755 : vector<16xi32>
      %add3A_757 = arith.addi %add3A_753, %and3A_756 : vector<16xi32>
      %shift_right_arithmetic3A_758 = arith.constant 3 : i32
      %shift_right_arithmetic3A_759 = vector.broadcast %shift_right_arithmetic3A_758 : i32 to vector<16xi32>
      %shift_right_arithmetic3A_760 = arith.shrsi %get3A_733, %shift_right_arithmetic3A_759 : vector<16xi32>
      %shift_left3A_761 = arith.constant 15 : i32
      %shift_left3A_762 = vector.broadcast %shift_left3A_761 : i32 to vector<16xi32>
      %shift_left3A_763 = arith.shli %shift_right_arithmetic3A_760, %shift_left3A_762 : vector<16xi32>
      %shift_right_arithmetic3A_764 = arith.constant 7 : i32
      %shift_right_arithmetic3A_765 = vector.broadcast %shift_right_arithmetic3A_764 : i32 to vector<16xi32>
      %shift_right_arithmetic3A_766 = arith.shrsi %get3A_727, %shift_right_arithmetic3A_765 : vector<16xi32>
      %shift_left3A_767 = arith.constant 10 : i32
      %shift_left3A_768 = vector.broadcast %shift_left3A_767 : i32 to vector<16xi32>
      %shift_left3A_769 = arith.shli %shift_right_arithmetic3A_766, %shift_left3A_768 : vector<16xi32>
      %add3A_770 = arith.addi %shift_left3A_763, %shift_left3A_769 : vector<16xi32>
      %and3A_771 = arith.constant 7 : i32
      %and3A_772 = vector.broadcast %and3A_771 : i32 to vector<16xi32>
      %and3A_773 = arith.andi %get3A_733, %and3A_772 : vector<16xi32>
      %shift_left3A_774 = arith.constant 7 : i32
      %shift_left3A_775 = vector.broadcast %shift_left3A_774 : i32 to vector<16xi32>
      %shift_left3A_776 = arith.shli %and3A_773, %shift_left3A_775 : vector<16xi32>
      %add3A_777 = arith.addi %add3A_770, %shift_left3A_776 : vector<16xi32>
      %and3A_778 = arith.constant 127 : i32
      %and3A_779 = vector.broadcast %and3A_778 : i32 to vector<16xi32>
      %and3A_780 = arith.andi %get3A_727, %and3A_779 : vector<16xi32>
      %add3A_781 = arith.addi %add3A_777, %and3A_780 : vector<16xi32>
      %swap3A_782 = arith.index_cast %add3A_721 : i32 to index
      %swap3A_783 = tpu.vector_load %arg8[%swap3A_782] {strides = array<i32>} : memref<5248xi32, #tpu.memory_space<vmem>>, vector<16xi32>,
      %swap3A_784 = vector.shape_cast %swap3A_783 : vector<16xi32> to vector<16xi32>
      %swap3A_785 = vector.shape_cast %add3A_781 : vector<16xi32> to vector<16xi32>
      tpu.vector_store %arg8[%swap3A_782], %swap3A_785 {strides = array<i32>} : memref<5248xi32, #tpu.memory_space<vmem>>, vector<16xi32>,
      %swap3A_786 = arith.index_cast %add3A_721 : i32 to index
      %swap3A_787 = tpu.vector_load %arg7[%swap3A_786] {strides = array<i32>} : memref<5248xi32, #tpu.memory_space<vmem>>, vector<16xi32>,
      %swap3A_788 = vector.shape_cast %swap3A_787 : vector<16xi32> to vector<16xi32>
      %swap3A_789 = vector.shape_cast %add3A_757 : vector<16xi32> to vector<16xi32>
      tpu.vector_store %arg7[%swap3A_786], %swap3A_789 {strides = array<i32>} : memref<5248xi32, #tpu.memory_space<vmem>>, vector<16xi32>,
      %scan3A_790 = arith.constant 0 : i32
      scf.yield %scan3A_790 : i32
    }
    %scan3A_22 = arith.constant 10 : i32
    "tpu.trace_stop"() : () -> ()
    %dma_start3A_23 = arith.constant 0 : i32
    %dma_start3A_24 = tpu.memref_slice %arg10[%dma_start3A_23] : memref<5248xf32, #tpu.memory_space<vmem>> -> memref<1280xf32, #tpu.memory_space<vmem>>
    %dma_start3A_25 = arith.constant 0 : i32
    %dma_start3A_26 = tpu.memref_slice %arg7[%dma_start3A_25] : memref<5248xi32, #tpu.memory_space<vmem>> -> memref<1280xi32, #tpu.memory_space<vmem>>
    %dma_start3A_27 = arith.constant 0 : i32
    %dma_start3A_28 = tpu.memref_slice %arg4[%dma_start3A_27] : memref<16777216xf32, #tpu.memory_space<hbm>> -> memref<16777216xf32, #tpu.memory_space<hbm>>
    tpu.enqueue_indirect_dma source(%dma_start3A_28 : memref<16777216xf32, #tpu.memory_space<hbm>>) target(%dma_start3A_24 : memref<1280xf32, #tpu.memory_space<vmem>>) offsets(%dma_start3A_26 : memref<1280xi32, #tpu.memory_space<vmem>>) semaphore(%arg14 : memref<!tpu.dma_semaphore, #tpu.memory_space<semaphore_mem>>)
    %dma_start3A_29 = arith.constant 0 : i32
    %dma_start3A_30 = tpu.memref_slice %arg11[%dma_start3A_29] : memref<5248xf32, #tpu.memory_space<vmem>> -> memref<1280xf32, #tpu.memory_space<vmem>>
    %dma_start3A_31 = arith.constant 0 : i32
    %dma_start3A_32 = tpu.memref_slice %arg8[%dma_start3A_31] : memref<5248xi32, #tpu.memory_space<vmem>> -> memref<1280xi32, #tpu.memory_space<vmem>>
    %dma_start3A_33 = arith.constant 0 : i32
    %dma_start3A_34 = tpu.memref_slice %arg4[%dma_start3A_33] : memref<16777216xf32, #tpu.memory_space<hbm>> -> memref<16777216xf32, #tpu.memory_space<hbm>>
    tpu.enqueue_indirect_dma source(%dma_start3A_34 : memref<16777216xf32, #tpu.memory_space<hbm>>) target(%dma_start3A_30 : memref<1280xf32, #tpu.memory_space<vmem>>) offsets(%dma_start3A_32 : memref<1280xi32, #tpu.memory_space<vmem>>) semaphore(%arg14 : memref<!tpu.dma_semaphore, #tpu.memory_space<semaphore_mem>>)
    "tpu.trace_start"() <{level = 10 : i32, message = "idx_compute"}> : () -> ()
    %scan3A_35 = arith.constant 0 : i32
    %scan3A_36 = arith.constant 10 : i32
    %scan3A_37 = arith.constant 10 : i32
    %scan3A_38 = arith.addi %scan3A_36, %scan3A_37 : i32
    %scan3A_39 = arith.constant 1 : i32
    %scan3A_40 = scf.for %scan3A_217 = %scan3A_36 to %scan3A_38 step %scan3A_39 iter_args(%scan3A_218 = %scan3A_35) -> (i32)  : i32 {
      %mul3A_219 = arith.constant 128 : i32
      %mul3A_220 = arith.muli %scan3A_217, %mul3A_219 : i32
      %add3A_221 = arith.constant 0 : i32
      %add3A_222 = arith.addi %mul3A_220, %add3A_221 : i32
      %get3A = arith.constant 0 : i32
      %get3A_223 = arith.index_cast %scan3A_217 : i32 to index
      %get3A_224 = arith.index_cast %get3A : i32 to index
      %get3A_225 = arith.constant 0 : index
      %get3A_226 = tpu.vector_load %arg6[%get3A_223, %get3A_224, %get3A_225] {strides = array<i32>} : memref<41x2x128xi32, #tpu.memory_space<vmem>>, vector<1x1x16xi32>,
      %get3A_227 = vector.shape_cast %get3A_226 : vector<1x1x16xi32> to vector<16xi32>
      %get3A_228 = arith.constant 1 : i32
      %get3A_229 = arith.index_cast %scan3A_217 : i32 to index
      %get3A_230 = arith.index_cast %get3A_228 : i32 to index
      %get3A_231 = arith.constant 0 : index
      %get3A_232 = tpu.vector_load %arg6[%get3A_229, %get3A_230, %get3A_231] {strides = array<i32>} : memref<41x2x128xi32, #tpu.memory_space<vmem>>, vector<1x1x16xi32>,
      %get3A_233 = vector.shape_cast %get3A_232 : vector<1x1x16xi32> to vector<16xi32>
      %shift_right_arithmetic3A = arith.constant 3 : i32
      %shift_right_arithmetic3A_234 = vector.broadcast %shift_right_arithmetic3A : i32 to vector<16xi32>
      %shift_right_arithmetic3A_235 = arith.shrsi %get3A_227, %shift_right_arithmetic3A_234 : vector<16xi32>
      %shift_left3A = arith.constant 15 : i32
      %shift_left3A_236 = vector.broadcast %shift_left3A : i32 to vector<16xi32>
      %shift_left3A_237 = arith.shli %shift_right_arithmetic3A_235, %shift_left3A_236 : vector<16xi32>
      %shift_right_arithmetic3A_238 = arith.constant 7 : i32
      %shift_right_arithmetic3A_239 = vector.broadcast %shift_right_arithmetic3A_238 : i32 to vector<16xi32>
      %shift_right_arithmetic3A_240 = arith.shrsi %get3A_233, %shift_right_arithmetic3A_239 : vector<16xi32>
      %shift_left3A_241 = arith.constant 10 : i32
      %shift_left3A_242 = vector.broadcast %shift_left3A_241 : i32 to vector<16xi32>
      %shift_left3A_243 = arith.shli %shift_right_arithmetic3A_240, %shift_left3A_242 : vector<16xi32>
      %add3A_244 = arith.addi %shift_left3A_237, %shift_left3A_243 : vector<16xi32>
      %and3A = arith.constant 7 : i32
      %and3A_245 = vector.broadcast %and3A : i32 to vector<16xi32>
      %and3A_246 = arith.andi %get3A_227, %and3A_245 : vector<16xi32>
      %shift_left3A_247 = arith.constant 7 : i32
      %shift_left3A_248 = vector.broadcast %shift_left3A_247 : i32 to vector<16xi32>
      %shift_left3A_249 = arith.shli %and3A_246, %shift_left3A_248 : vector<16xi32>
      %add3A_250 = arith.addi %add3A_244, %shift_left3A_249 : vector<16xi32>
      %and3A_251 = arith.constant 127 : i32
      %and3A_252 = vector.broadcast %and3A_251 : i32 to vector<16xi32>
      %and3A_253 = arith.andi %get3A_233, %and3A_252 : vector<16xi32>
      %add3A_254 = arith.addi %add3A_250, %and3A_253 : vector<16xi32>
      %shift_right_arithmetic3A_255 = arith.constant 3 : i32
      %shift_right_arithmetic3A_256 = vector.broadcast %shift_right_arithmetic3A_255 : i32 to vector<16xi32>
      %shift_right_arithmetic3A_257 = arith.shrsi %get3A_233, %shift_right_arithmetic3A_256 : vector<16xi32>
      %shift_left3A_258 = arith.constant 15 : i32
      %shift_left3A_259 = vector.broadcast %shift_left3A_258 : i32 to vector<16xi32>
      %shift_left3A_260 = arith.shli %shift_right_arithmetic3A_257, %shift_left3A_259 : vector<16xi32>
      %shift_right_arithmetic3A_261 = arith.constant 7 : i32
      %shift_right_arithmetic3A_262 = vector.broadcast %shift_right_arithmetic3A_261 : i32 to vector<16xi32>
      %shift_right_arithmetic3A_263 = arith.shrsi %get3A_227, %shift_right_arithmetic3A_262 : vector<16xi32>
      %shift_left3A_264 = arith.constant 10 : i32
      %shift_left3A_265 = vector.broadcast %shift_left3A_264 : i32 to vector<16xi32>
      %shift_left3A_266 = arith.shli %shift_right_arithmetic3A_263, %shift_left3A_265 : vector<16xi32>
      %add3A_267 = arith.addi %shift_left3A_260, %shift_left3A_266 : vector<16xi32>
      %and3A_268 = arith.constant 7 : i32
      %and3A_269 = vector.broadcast %and3A_268 : i32 to vector<16xi32>
      %and3A_270 = arith.andi %get3A_233, %and3A_269 : vector<16xi32>
      %shift_left3A_271 = arith.constant 7 : i32
      %shift_left3A_272 = vector.broadcast %shift_left3A_271 : i32 to vector<16xi32>
      %shift_left3A_273 = arith.shli %and3A_270, %shift_left3A_272 : vector<16xi32>
      %add3A_274 = arith.addi %add3A_267, %shift_left3A_273 : vector<16xi32>
      %and3A_275 = arith.constant 127 : i32
      %and3A_276 = vector.broadcast %and3A_275 : i32 to vector<16xi32>
      %and3A_277 = arith.andi %get3A_227, %and3A_276 : vector<16xi32>
      %add3A_278 = arith.addi %add3A_274, %and3A_277 : vector<16xi32>
      %swap3A = arith.index_cast %add3A_222 : i32 to index
      %swap3A_279 = tpu.vector_load %arg8[%swap3A] {strides = array<i32>} : memref<5248xi32, #tpu.memory_space<vmem>>, vector<16xi32>,
      %swap3A_280 = vector.shape_cast %swap3A_279 : vector<16xi32> to vector<16xi32>
      %swap3A_281 = vector.shape_cast %add3A_278 : vector<16xi32> to vector<16xi32>
      tpu.vector_store %arg8[%swap3A], %swap3A_281 {strides = array<i32>} : memref<5248xi32, #tpu.memory_space<vmem>>, vector<16xi32>,
      %swap3A_282 = arith.index_cast %add3A_222 : i32 to index
      %swap3A_283 = tpu.vector_load %arg7[%swap3A_282] {strides = array<i32>} : memref<5248xi32, #tpu.memory_space<vmem>>, vector<16xi32>,
      %swap3A_284 = vector.shape_cast %swap3A_283 : vector<16xi32> to vector<16xi32>
      %swap3A_285 = vector.shape_cast %add3A_254 : vector<16xi32> to vector<16xi32>
      tpu.vector_store %arg7[%swap3A_282], %swap3A_285 {strides = array<i32>} : memref<5248xi32, #tpu.memory_space<vmem>>, vector<16xi32>,
      %mul3A_286 = arith.constant 128 : i32
      %mul3A_287 = arith.muli %scan3A_217, %mul3A_286 : i32
      %add3A_288 = arith.constant 16 : i32
      %add3A_289 = arith.addi %mul3A_287, %add3A_288 : i32
      %get3A_290 = arith.constant 0 : i32
      %get3A_291 = arith.index_cast %scan3A_217 : i32 to index
      %get3A_292 = arith.index_cast %get3A_290 : i32 to index
      %get3A_293 = arith.constant 16 : index
      %get3A_294 = tpu.vector_load %arg6[%get3A_291, %get3A_292, %get3A_293] {strides = array<i32>} : memref<41x2x128xi32, #tpu.memory_space<vmem>>, vector<1x1x16xi32>,
      %get3A_295 = vector.shape_cast %get3A_294 : vector<1x1x16xi32> to vector<16xi32>
      %get3A_296 = arith.constant 1 : i32
      %get3A_297 = arith.index_cast %scan3A_217 : i32 to index
      %get3A_298 = arith.index_cast %get3A_296 : i32 to index
      %get3A_299 = arith.constant 16 : index
      %get3A_300 = tpu.vector_load %arg6[%get3A_297, %get3A_298, %get3A_299] {strides = array<i32>} : memref<41x2x128xi32, #tpu.memory_space<vmem>>, vector<1x1x16xi32>,
      %get3A_301 = vector.shape_cast %get3A_300 : vector<1x1x16xi32> to vector<16xi32>
      %shift_right_arithmetic3A_302 = arith.constant 3 : i32
      %shift_right_arithmetic3A_303 = vector.broadcast %shift_right_arithmetic3A_302 : i32 to vector<16xi32>
      %shift_right_arithmetic3A_304 = arith.shrsi %get3A_295, %shift_right_arithmetic3A_303 : vector<16xi32>
      %shift_left3A_305 = arith.constant 15 : i32
      %shift_left3A_306 = vector.broadcast %shift_left3A_305 : i32 to vector<16xi32>
      %shift_left3A_307 = arith.shli %shift_right_arithmetic3A_304, %shift_left3A_306 : vector<16xi32>
      %shift_right_arithmetic3A_308 = arith.constant 7 : i32
      %shift_right_arithmetic3A_309 = vector.broadcast %shift_right_arithmetic3A_308 : i32 to vector<16xi32>
      %shift_right_arithmetic3A_310 = arith.shrsi %get3A_301, %shift_right_arithmetic3A_309 : vector<16xi32>
      %shift_left3A_311 = arith.constant 10 : i32
      %shift_left3A_312 = vector.broadcast %shift_left3A_311 : i32 to vector<16xi32>
      %shift_left3A_313 = arith.shli %shift_right_arithmetic3A_310, %shift_left3A_312 : vector<16xi32>
      %add3A_314 = arith.addi %shift_left3A_307, %shift_left3A_313 : vector<16xi32>
      %and3A_315 = arith.constant 7 : i32
      %and3A_316 = vector.broadcast %and3A_315 : i32 to vector<16xi32>
      %and3A_317 = arith.andi %get3A_295, %and3A_316 : vector<16xi32>
      %shift_left3A_318 = arith.constant 7 : i32
      %shift_left3A_319 = vector.broadcast %shift_left3A_318 : i32 to vector<16xi32>
      %shift_left3A_320 = arith.shli %and3A_317, %shift_left3A_319 : vector<16xi32>
      %add3A_321 = arith.addi %add3A_314, %shift_left3A_320 : vector<16xi32>
      %and3A_322 = arith.constant 127 : i32
      %and3A_323 = vector.broadcast %and3A_322 : i32 to vector<16xi32>
      %and3A_324 = arith.andi %get3A_301, %and3A_323 : vector<16xi32>
      %add3A_325 = arith.addi %add3A_321, %and3A_324 : vector<16xi32>
      %shift_right_arithmetic3A_326 = arith.constant 3 : i32
      %shift_right_arithmetic3A_327 = vector.broadcast %shift_right_arithmetic3A_326 : i32 to vector<16xi32>
      %shift_right_arithmetic3A_328 = arith.shrsi %get3A_301, %shift_right_arithmetic3A_327 : vector<16xi32>
      %shift_left3A_329 = arith.constant 15 : i32
      %shift_left3A_330 = vector.broadcast %shift_left3A_329 : i32 to vector<16xi32>
      %shift_left3A_331 = arith.shli %shift_right_arithmetic3A_328, %shift_left3A_330 : vector<16xi32>
      %shift_right_arithmetic3A_332 = arith.constant 7 : i32
      %shift_right_arithmetic3A_333 = vector.broadcast %shift_right_arithmetic3A_332 : i32 to vector<16xi32>
      %shift_right_arithmetic3A_334 = arith.shrsi %get3A_295, %shift_right_arithmetic3A_333 : vector<16xi32>
      %shift_left3A_335 = arith.constant 10 : i32
      %shift_left3A_336 = vector.broadcast %shift_left3A_335 : i32 to vector<16xi32>
      %shift_left3A_337 = arith.shli %shift_right_arithmetic3A_334, %shift_left3A_336 : vector<16xi32>
      %add3A_338 = arith.addi %shift_left3A_331, %shift_left3A_337 : vector<16xi32>
      %and3A_339 = arith.constant 7 : i32
      %and3A_340 = vector.broadcast %and3A_339 : i32 to vector<16xi32>
      %and3A_341 = arith.andi %get3A_301, %and3A_340 : vector<16xi32>
      %shift_left3A_342 = arith.constant 7 : i32
      %shift_left3A_343 = vector.broadcast %shift_left3A_342 : i32 to vector<16xi32>
      %shift_left3A_344 = arith.shli %and3A_341, %shift_left3A_343 : vector<16xi32>
      %add3A_345 = arith.addi %add3A_338, %shift_left3A_344 : vector<16xi32>
      %and3A_346 = arith.constant 127 : i32
      %and3A_347 = vector.broadcast %and3A_346 : i32 to vector<16xi32>
      %and3A_348 = arith.andi %get3A_295, %and3A_347 : vector<16xi32>
      %add3A_349 = arith.addi %add3A_345, %and3A_348 : vector<16xi32>
      %swap3A_350 = arith.index_cast %add3A_289 : i32 to index
      %swap3A_351 = tpu.vector_load %arg8[%swap3A_350] {strides = array<i32>} : memref<5248xi32, #tpu.memory_space<vmem>>, vector<16xi32>,
      %swap3A_352 = vector.shape_cast %swap3A_351 : vector<16xi32> to vector<16xi32>
      %swap3A_353 = vector.shape_cast %add3A_349 : vector<16xi32> to vector<16xi32>
      tpu.vector_store %arg8[%swap3A_350], %swap3A_353 {strides = array<i32>} : memref<5248xi32, #tpu.memory_space<vmem>>, vector<16xi32>,
      %swap3A_354 = arith.index_cast %add3A_289 : i32 to index
      %swap3A_355 = tpu.vector_load %arg7[%swap3A_354] {strides = array<i32>} : memref<5248xi32, #tpu.memory_space<vmem>>, vector<16xi32>,
      %swap3A_356 = vector.shape_cast %swap3A_355 : vector<16xi32> to vector<16xi32>
      %swap3A_357 = vector.shape_cast %add3A_325 : vector<16xi32> to vector<16xi32>
      tpu.vector_store %arg7[%swap3A_354], %swap3A_357 {strides = array<i32>} : memref<5248xi32, #tpu.memory_space<vmem>>, vector<16xi32>,
      %mul3A_358 = arith.constant 128 : i32
      %mul3A_359 = arith.muli %scan3A_217, %mul3A_358 : i32
      %add3A_360 = arith.constant 32 : i32
      %add3A_361 = arith.addi %mul3A_359, %add3A_360 : i32
      %get3A_362 = arith.constant 0 : i32
      %get3A_363 = arith.index_cast %scan3A_217 : i32 to index
      %get3A_364 = arith.index_cast %get3A_362 : i32 to index
      %get3A_365 = arith.constant 32 : index
      %get3A_366 = tpu.vector_load %arg6[%get3A_363, %get3A_364, %get3A_365] {strides = array<i32>} : memref<41x2x128xi32, #tpu.memory_space<vmem>>, vector<1x1x16xi32>,
      %get3A_367 = vector.shape_cast %get3A_366 : vector<1x1x16xi32> to vector<16xi32>
      %get3A_368 = arith.constant 1 : i32
      %get3A_369 = arith.index_cast %scan3A_217 : i32 to index
      %get3A_370 = arith.index_cast %get3A_368 : i32 to index
      %get3A_371 = arith.constant 32 : index
      %get3A_372 = tpu.vector_load %arg6[%get3A_369, %get3A_370, %get3A_371] {strides = array<i32>} : memref<41x2x128xi32, #tpu.memory_space<vmem>>, vector<1x1x16xi32>,
      %get3A_373 = vector.shape_cast %get3A_372 : vector<1x1x16xi32> to vector<16xi32>
      %shift_right_arithmetic3A_374 = arith.constant 3 : i32
      %shift_right_arithmetic3A_375 = vector.broadcast %shift_right_arithmetic3A_374 : i32 to vector<16xi32>
      %shift_right_arithmetic3A_376 = arith.shrsi %get3A_367, %shift_right_arithmetic3A_375 : vector<16xi32>
      %shift_left3A_377 = arith.constant 15 : i32
      %shift_left3A_378 = vector.broadcast %shift_left3A_377 : i32 to vector<16xi32>
      %shift_left3A_379 = arith.shli %shift_right_arithmetic3A_376, %shift_left3A_378 : vector<16xi32>
      %shift_right_arithmetic3A_380 = arith.constant 7 : i32
      %shift_right_arithmetic3A_381 = vector.broadcast %shift_right_arithmetic3A_380 : i32 to vector<16xi32>
      %shift_right_arithmetic3A_382 = arith.shrsi %get3A_373, %shift_right_arithmetic3A_381 : vector<16xi32>
      %shift_left3A_383 = arith.constant 10 : i32
      %shift_left3A_384 = vector.broadcast %shift_left3A_383 : i32 to vector<16xi32>
      %shift_left3A_385 = arith.shli %shift_right_arithmetic3A_382, %shift_left3A_384 : vector<16xi32>
      %add3A_386 = arith.addi %shift_left3A_379, %shift_left3A_385 : vector<16xi32>
      %and3A_387 = arith.constant 7 : i32
      %and3A_388 = vector.broadcast %and3A_387 : i32 to vector<16xi32>
      %and3A_389 = arith.andi %get3A_367, %and3A_388 : vector<16xi32>
      %shift_left3A_390 = arith.constant 7 : i32
      %shift_left3A_391 = vector.broadcast %shift_left3A_390 : i32 to vector<16xi32>
      %shift_left3A_392 = arith.shli %and3A_389, %shift_left3A_391 : vector<16xi32>
      %add3A_393 = arith.addi %add3A_386, %shift_left3A_392 : vector<16xi32>
      %and3A_394 = arith.constant 127 : i32
      %and3A_395 = vector.broadcast %and3A_394 : i32 to vector<16xi32>
      %and3A_396 = arith.andi %get3A_373, %and3A_395 : vector<16xi32>
      %add3A_397 = arith.addi %add3A_393, %and3A_396 : vector<16xi32>
      %shift_right_arithmetic3A_398 = arith.constant 3 : i32
      %shift_right_arithmetic3A_399 = vector.broadcast %shift_right_arithmetic3A_398 : i32 to vector<16xi32>
      %shift_right_arithmetic3A_400 = arith.shrsi %get3A_373, %shift_right_arithmetic3A_399 : vector<16xi32>
      %shift_left3A_401 = arith.constant 15 : i32
      %shift_left3A_402 = vector.broadcast %shift_left3A_401 : i32 to vector<16xi32>
      %shift_left3A_403 = arith.shli %shift_right_arithmetic3A_400, %shift_left3A_402 : vector<16xi32>
      %shift_right_arithmetic3A_404 = arith.constant 7 : i32
      %shift_right_arithmetic3A_405 = vector.broadcast %shift_right_arithmetic3A_404 : i32 to vector<16xi32>
      %shift_right_arithmetic3A_406 = arith.shrsi %get3A_367, %shift_right_arithmetic3A_405 : vector<16xi32>
      %shift_left3A_407 = arith.constant 10 : i32
      %shift_left3A_408 = vector.broadcast %shift_left3A_407 : i32 to vector<16xi32>
      %shift_left3A_409 = arith.shli %shift_right_arithmetic3A_406, %shift_left3A_408 : vector<16xi32>
      %add3A_410 = arith.addi %shift_left3A_403, %shift_left3A_409 : vector<16xi32>
      %and3A_411 = arith.constant 7 : i32
      %and3A_412 = vector.broadcast %and3A_411 : i32 to vector<16xi32>
      %and3A_413 = arith.andi %get3A_373, %and3A_412 : vector<16xi32>
      %shift_left3A_414 = arith.constant 7 : i32
      %shift_left3A_415 = vector.broadcast %shift_left3A_414 : i32 to vector<16xi32>
      %shift_left3A_416 = arith.shli %and3A_413, %shift_left3A_415 : vector<16xi32>
      %add3A_417 = arith.addi %add3A_410, %shift_left3A_416 : vector<16xi32>
      %and3A_418 = arith.constant 127 : i32
      %and3A_419 = vector.broadcast %and3A_418 : i32 to vector<16xi32>
      %and3A_420 = arith.andi %get3A_367, %and3A_419 : vector<16xi32>
      %add3A_421 = arith.addi %add3A_417, %and3A_420 : vector<16xi32>
      %swap3A_422 = arith.index_cast %add3A_361 : i32 to index
      %swap3A_423 = tpu.vector_load %arg8[%swap3A_422] {strides = array<i32>} : memref<5248xi32, #tpu.memory_space<vmem>>, vector<16xi32>,
      %swap3A_424 = vector.shape_cast %swap3A_423 : vector<16xi32> to vector<16xi32>
      %swap3A_425 = vector.shape_cast %add3A_421 : vector<16xi32> to vector<16xi32>
      tpu.vector_store %arg8[%swap3A_422], %swap3A_425 {strides = array<i32>} : memref<5248xi32, #tpu.memory_space<vmem>>, vector<16xi32>,
      %swap3A_426 = arith.index_cast %add3A_361 : i32 to index
      %swap3A_427 = tpu.vector_load %arg7[%swap3A_426] {strides = array<i32>} : memref<5248xi32, #tpu.memory_space<vmem>>, vector<16xi32>,
      %swap3A_428 = vector.shape_cast %swap3A_427 : vector<16xi32> to vector<16xi32>
      %swap3A_429 = vector.shape_cast %add3A_397 : vector<16xi32> to vector<16xi32>
      tpu.vector_store %arg7[%swap3A_426], %swap3A_429 {strides = array<i32>} : memref<5248xi32, #tpu.memory_space<vmem>>, vector<16xi32>,
      %mul3A_430 = arith.constant 128 : i32
      %mul3A_431 = arith.muli %scan3A_217, %mul3A_430 : i32
      %add3A_432 = arith.constant 48 : i32
      %add3A_433 = arith.addi %mul3A_431, %add3A_432 : i32
      %get3A_434 = arith.constant 0 : i32
      %get3A_435 = arith.index_cast %scan3A_217 : i32 to index
      %get3A_436 = arith.index_cast %get3A_434 : i32 to index
      %get3A_437 = arith.constant 48 : index
      %get3A_438 = tpu.vector_load %arg6[%get3A_435, %get3A_436, %get3A_437] {strides = array<i32>} : memref<41x2x128xi32, #tpu.memory_space<vmem>>, vector<1x1x16xi32>,
      %get3A_439 = vector.shape_cast %get3A_438 : vector<1x1x16xi32> to vector<16xi32>
      %get3A_440 = arith.constant 1 : i32
      %get3A_441 = arith.index_cast %scan3A_217 : i32 to index
      %get3A_442 = arith.index_cast %get3A_440 : i32 to index
      %get3A_443 = arith.constant 48 : index
      %get3A_444 = tpu.vector_load %arg6[%get3A_441, %get3A_442, %get3A_443] {strides = array<i32>} : memref<41x2x128xi32, #tpu.memory_space<vmem>>, vector<1x1x16xi32>,
      %get3A_445 = vector.shape_cast %get3A_444 : vector<1x1x16xi32> to vector<16xi32>
      %shift_right_arithmetic3A_446 = arith.constant 3 : i32
      %shift_right_arithmetic3A_447 = vector.broadcast %shift_right_arithmetic3A_446 : i32 to vector<16xi32>
      %shift_right_arithmetic3A_448 = arith.shrsi %get3A_439, %shift_right_arithmetic3A_447 : vector<16xi32>
      %shift_left3A_449 = arith.constant 15 : i32
      %shift_left3A_450 = vector.broadcast %shift_left3A_449 : i32 to vector<16xi32>
      %shift_left3A_451 = arith.shli %shift_right_arithmetic3A_448, %shift_left3A_450 : vector<16xi32>
      %shift_right_arithmetic3A_452 = arith.constant 7 : i32
      %shift_right_arithmetic3A_453 = vector.broadcast %shift_right_arithmetic3A_452 : i32 to vector<16xi32>
      %shift_right_arithmetic3A_454 = arith.shrsi %get3A_445, %shift_right_arithmetic3A_453 : vector<16xi32>
      %shift_left3A_455 = arith.constant 10 : i32
      %shift_left3A_456 = vector.broadcast %shift_left3A_455 : i32 to vector<16xi32>
      %shift_left3A_457 = arith.shli %shift_right_arithmetic3A_454, %shift_left3A_456 : vector<16xi32>
      %add3A_458 = arith.addi %shift_left3A_451, %shift_left3A_457 : vector<16xi32>
      %and3A_459 = arith.constant 7 : i32
      %and3A_460 = vector.broadcast %and3A_459 : i32 to vector<16xi32>
      %and3A_461 = arith.andi %get3A_439, %and3A_460 : vector<16xi32>
      %shift_left3A_462 = arith.constant 7 : i32
      %shift_left3A_463 = vector.broadcast %shift_left3A_462 : i32 to vector<16xi32>
      %shift_left3A_464 = arith.shli %and3A_461, %shift_left3A_463 : vector<16xi32>
      %add3A_465 = arith.addi %add3A_458, %shift_left3A_464 : vector<16xi32>
      %and3A_466 = arith.constant 127 : i32
      %and3A_467 = vector.broadcast %and3A_466 : i32 to vector<16xi32>
      %and3A_468 = arith.andi %get3A_445, %and3A_467 : vector<16xi32>
      %add3A_469 = arith.addi %add3A_465, %and3A_468 : vector<16xi32>
      %shift_right_arithmetic3A_470 = arith.constant 3 : i32
      %shift_right_arithmetic3A_471 = vector.broadcast %shift_right_arithmetic3A_470 : i32 to vector<16xi32>
      %shift_right_arithmetic3A_472 = arith.shrsi %get3A_445, %shift_right_arithmetic3A_471 : vector<16xi32>
      %shift_left3A_473 = arith.constant 15 : i32
      %shift_left3A_474 = vector.broadcast %shift_left3A_473 : i32 to vector<16xi32>
      %shift_left3A_475 = arith.shli %shift_right_arithmetic3A_472, %shift_left3A_474 : vector<16xi32>
      %shift_right_arithmetic3A_476 = arith.constant 7 : i32
      %shift_right_arithmetic3A_477 = vector.broadcast %shift_right_arithmetic3A_476 : i32 to vector<16xi32>
      %shift_right_arithmetic3A_478 = arith.shrsi %get3A_439, %shift_right_arithmetic3A_477 : vector<16xi32>
      %shift_left3A_479 = arith.constant 10 : i32
      %shift_left3A_480 = vector.broadcast %shift_left3A_479 : i32 to vector<16xi32>
      %shift_left3A_481 = arith.shli %shift_right_arithmetic3A_478, %shift_left3A_480 : vector<16xi32>
      %add3A_482 = arith.addi %shift_left3A_475, %shift_left3A_481 : vector<16xi32>
      %and3A_483 = arith.constant 7 : i32
      %and3A_484 = vector.broadcast %and3A_483 : i32 to vector<16xi32>
      %and3A_485 = arith.andi %get3A_445, %and3A_484 : vector<16xi32>
      %shift_left3A_486 = arith.constant 7 : i32
      %shift_left3A_487 = vector.broadcast %shift_left3A_486 : i32 to vector<16xi32>
      %shift_left3A_488 = arith.shli %and3A_485, %shift_left3A_487 : vector<16xi32>
      %add3A_489 = arith.addi %add3A_482, %shift_left3A_488 : vector<16xi32>
      %and3A_490 = arith.constant 127 : i32
      %and3A_491 = vector.broadcast %and3A_490 : i32 to vector<16xi32>
      %and3A_492 = arith.andi %get3A_439, %and3A_491 : vector<16xi32>
      %add3A_493 = arith.addi %add3A_489, %and3A_492 : vector<16xi32>
      %swap3A_494 = arith.index_cast %add3A_433 : i32 to index
      %swap3A_495 = tpu.vector_load %arg8[%swap3A_494] {strides = array<i32>} : memref<5248xi32, #tpu.memory_space<vmem>>, vector<16xi32>,
      %swap3A_496 = vector.shape_cast %swap3A_495 : vector<16xi32> to vector<16xi32>
      %swap3A_497 = vector.shape_cast %add3A_493 : vector<16xi32> to vector<16xi32>
      tpu.vector_store %arg8[%swap3A_494], %swap3A_497 {strides = array<i32>} : memref<5248xi32, #tpu.memory_space<vmem>>, vector<16xi32>,
      %swap3A_498 = arith.index_cast %add3A_433 : i32 to index
      %swap3A_499 = tpu.vector_load %arg7[%swap3A_498] {strides = array<i32>} : memref<5248xi32, #tpu.memory_space<vmem>>, vector<16xi32>,
      %swap3A_500 = vector.shape_cast %swap3A_499 : vector<16xi32> to vector<16xi32>
      %swap3A_501 = vector.shape_cast %add3A_469 : vector<16xi32> to vector<16xi32>
      tpu.vector_store %arg7[%swap3A_498], %swap3A_501 {strides = array<i32>} : memref<5248xi32, #tpu.memory_space<vmem>>, vector<16xi32>,
      %mul3A_502 = arith.constant 128 : i32
      %mul3A_503 = arith.muli %scan3A_217, %mul3A_502 : i32
      %add3A_504 = arith.constant 64 : i32
      %add3A_505 = arith.addi %mul3A_503, %add3A_504 : i32
      %get3A_506 = arith.constant 0 : i32
      %get3A_507 = arith.index_cast %scan3A_217 : i32 to index
      %get3A_508 = arith.index_cast %get3A_506 : i32 to index
      %get3A_509 = arith.constant 64 : index
      %get3A_510 = tpu.vector_load %arg6[%get3A_507, %get3A_508, %get3A_509] {strides = array<i32>} : memref<41x2x128xi32, #tpu.memory_space<vmem>>, vector<1x1x16xi32>,
      %get3A_511 = vector.shape_cast %get3A_510 : vector<1x1x16xi32> to vector<16xi32>
      %get3A_512 = arith.constant 1 : i32
      %get3A_513 = arith.index_cast %scan3A_217 : i32 to index
      %get3A_514 = arith.index_cast %get3A_512 : i32 to index
      %get3A_515 = arith.constant 64 : index
      %get3A_516 = tpu.vector_load %arg6[%get3A_513, %get3A_514, %get3A_515] {strides = array<i32>} : memref<41x2x128xi32, #tpu.memory_space<vmem>>, vector<1x1x16xi32>,
      %get3A_517 = vector.shape_cast %get3A_516 : vector<1x1x16xi32> to vector<16xi32>
      %shift_right_arithmetic3A_518 = arith.constant 3 : i32
      %shift_right_arithmetic3A_519 = vector.broadcast %shift_right_arithmetic3A_518 : i32 to vector<16xi32>
      %shift_right_arithmetic3A_520 = arith.shrsi %get3A_511, %shift_right_arithmetic3A_519 : vector<16xi32>
      %shift_left3A_521 = arith.constant 15 : i32
      %shift_left3A_522 = vector.broadcast %shift_left3A_521 : i32 to vector<16xi32>
      %shift_left3A_523 = arith.shli %shift_right_arithmetic3A_520, %shift_left3A_522 : vector<16xi32>
      %shift_right_arithmetic3A_524 = arith.constant 7 : i32
      %shift_right_arithmetic3A_525 = vector.broadcast %shift_right_arithmetic3A_524 : i32 to vector<16xi32>
      %shift_right_arithmetic3A_526 = arith.shrsi %get3A_517, %shift_right_arithmetic3A_525 : vector<16xi32>
      %shift_left3A_527 = arith.constant 10 : i32
      %shift_left3A_528 = vector.broadcast %shift_left3A_527 : i32 to vector<16xi32>
      %shift_left3A_529 = arith.shli %shift_right_arithmetic3A_526, %shift_left3A_528 : vector<16xi32>
      %add3A_530 = arith.addi %shift_left3A_523, %shift_left3A_529 : vector<16xi32>
      %and3A_531 = arith.constant 7 : i32
      %and3A_532 = vector.broadcast %and3A_531 : i32 to vector<16xi32>
      %and3A_533 = arith.andi %get3A_511, %and3A_532 : vector<16xi32>
      %shift_left3A_534 = arith.constant 7 : i32
      %shift_left3A_535 = vector.broadcast %shift_left3A_534 : i32 to vector<16xi32>
      %shift_left3A_536 = arith.shli %and3A_533, %shift_left3A_535 : vector<16xi32>
      %add3A_537 = arith.addi %add3A_530, %shift_left3A_536 : vector<16xi32>
      %and3A_538 = arith.constant 127 : i32
      %and3A_539 = vector.broadcast %and3A_538 : i32 to vector<16xi32>
      %and3A_540 = arith.andi %get3A_517, %and3A_539 : vector<16xi32>
      %add3A_541 = arith.addi %add3A_537, %and3A_540 : vector<16xi32>
      %shift_right_arithmetic3A_542 = arith.constant 3 : i32
      %shift_right_arithmetic3A_543 = vector.broadcast %shift_right_arithmetic3A_542 : i32 to vector<16xi32>
      %shift_right_arithmetic3A_544 = arith.shrsi %get3A_517, %shift_right_arithmetic3A_543 : vector<16xi32>
      %shift_left3A_545 = arith.constant 15 : i32
      %shift_left3A_546 = vector.broadcast %shift_left3A_545 : i32 to vector<16xi32>
      %shift_left3A_547 = arith.shli %shift_right_arithmetic3A_544, %shift_left3A_546 : vector<16xi32>
      %shift_right_arithmetic3A_548 = arith.constant 7 : i32
      %shift_right_arithmetic3A_549 = vector.broadcast %shift_right_arithmetic3A_548 : i32 to vector<16xi32>
      %shift_right_arithmetic3A_550 = arith.shrsi %get3A_511, %shift_right_arithmetic3A_549 : vector<16xi32>
      %shift_left3A_551 = arith.constant 10 : i32
      %shift_left3A_552 = vector.broadcast %shift_left3A_551 : i32 to vector<16xi32>
      %shift_left3A_553 = arith.shli %shift_right_arithmetic3A_550, %shift_left3A_552 : vector<16xi32>
      %add3A_554 = arith.addi %shift_left3A_547, %shift_left3A_553 : vector<16xi32>
      %and3A_555 = arith.constant 7 : i32
      %and3A_556 = vector.broadcast %and3A_555 : i32 to vector<16xi32>
      %and3A_557 = arith.andi %get3A_517, %and3A_556 : vector<16xi32>
      %shift_left3A_558 = arith.constant 7 : i32
      %shift_left3A_559 = vector.broadcast %shift_left3A_558 : i32 to vector<16xi32>
      %shift_left3A_560 = arith.shli %and3A_557, %shift_left3A_559 : vector<16xi32>
      %add3A_561 = arith.addi %add3A_554, %shift_left3A_560 : vector<16xi32>
      %and3A_562 = arith.constant 127 : i32
      %and3A_563 = vector.broadcast %and3A_562 : i32 to vector<16xi32>
      %and3A_564 = arith.andi %get3A_511, %and3A_563 : vector<16xi32>
      %add3A_565 = arith.addi %add3A_561, %and3A_564 : vector<16xi32>
      %swap3A_566 = arith.index_cast %add3A_505 : i32 to index
      %swap3A_567 = tpu.vector_load %arg8[%swap3A_566] {strides = array<i32>} : memref<5248xi32, #tpu.memory_space<vmem>>, vector<16xi32>,
      %swap3A_568 = vector.shape_cast %swap3A_567 : vector<16xi32> to vector<16xi32>
      %swap3A_569 = vector.shape_cast %add3A_565 : vector<16xi32> to vector<16xi32>
      tpu.vector_store %arg8[%swap3A_566], %swap3A_569 {strides = array<i32>} : memref<5248xi32, #tpu.memory_space<vmem>>, vector<16xi32>,
      %swap3A_570 = arith.index_cast %add3A_505 : i32 to index
      %swap3A_571 = tpu.vector_load %arg7[%swap3A_570] {strides = array<i32>} : memref<5248xi32, #tpu.memory_space<vmem>>, vector<16xi32>,
      %swap3A_572 = vector.shape_cast %swap3A_571 : vector<16xi32> to vector<16xi32>
      %swap3A_573 = vector.shape_cast %add3A_541 : vector<16xi32> to vector<16xi32>
      tpu.vector_store %arg7[%swap3A_570], %swap3A_573 {strides = array<i32>} : memref<5248xi32, #tpu.memory_space<vmem>>, vector<16xi32>,
      %mul3A_574 = arith.constant 128 : i32
      %mul3A_575 = arith.muli %scan3A_217, %mul3A_574 : i32
      %add3A_576 = arith.constant 80 : i32
      %add3A_577 = arith.addi %mul3A_575, %add3A_576 : i32
      %get3A_578 = arith.constant 0 : i32
      %get3A_579 = arith.index_cast %scan3A_217 : i32 to index
      %get3A_580 = arith.index_cast %get3A_578 : i32 to index
      %get3A_581 = arith.constant 80 : index
      %get3A_582 = tpu.vector_load %arg6[%get3A_579, %get3A_580, %get3A_581] {strides = array<i32>} : memref<41x2x128xi32, #tpu.memory_space<vmem>>, vector<1x1x16xi32>,
      %get3A_583 = vector.shape_cast %get3A_582 : vector<1x1x16xi32> to vector<16xi32>
      %get3A_584 = arith.constant 1 : i32
      %get3A_585 = arith.index_cast %scan3A_217 : i32 to index
      %get3A_586 = arith.index_cast %get3A_584 : i32 to index
      %get3A_587 = arith.constant 80 : index
      %get3A_588 = tpu.vector_load %arg6[%get3A_585, %get3A_586, %get3A_587] {strides = array<i32>} : memref<41x2x128xi32, #tpu.memory_space<vmem>>, vector<1x1x16xi32>,
      %get3A_589 = vector.shape_cast %get3A_588 : vector<1x1x16xi32> to vector<16xi32>
      %shift_right_arithmetic3A_590 = arith.constant 3 : i32
      %shift_right_arithmetic3A_591 = vector.broadcast %shift_right_arithmetic3A_590 : i32 to vector<16xi32>
      %shift_right_arithmetic3A_592 = arith.shrsi %get3A_583, %shift_right_arithmetic3A_591 : vector<16xi32>
      %shift_left3A_593 = arith.constant 15 : i32
      %shift_left3A_594 = vector.broadcast %shift_left3A_593 : i32 to vector<16xi32>
      %shift_left3A_595 = arith.shli %shift_right_arithmetic3A_592, %shift_left3A_594 : vector<16xi32>
      %shift_right_arithmetic3A_596 = arith.constant 7 : i32
      %shift_right_arithmetic3A_597 = vector.broadcast %shift_right_arithmetic3A_596 : i32 to vector<16xi32>
      %shift_right_arithmetic3A_598 = arith.shrsi %get3A_589, %shift_right_arithmetic3A_597 : vector<16xi32>
      %shift_left3A_599 = arith.constant 10 : i32
      %shift_left3A_600 = vector.broadcast %shift_left3A_599 : i32 to vector<16xi32>
      %shift_left3A_601 = arith.shli %shift_right_arithmetic3A_598, %shift_left3A_600 : vector<16xi32>
      %add3A_602 = arith.addi %shift_left3A_595, %shift_left3A_601 : vector<16xi32>
      %and3A_603 = arith.constant 7 : i32
      %and3A_604 = vector.broadcast %and3A_603 : i32 to vector<16xi32>
      %and3A_605 = arith.andi %get3A_583, %and3A_604 : vector<16xi32>
      %shift_left3A_606 = arith.constant 7 : i32
      %shift_left3A_607 = vector.broadcast %shift_left3A_606 : i32 to vector<16xi32>
      %shift_left3A_608 = arith.shli %and3A_605, %shift_left3A_607 : vector<16xi32>
      %add3A_609 = arith.addi %add3A_602, %shift_left3A_608 : vector<16xi32>
      %and3A_610 = arith.constant 127 : i32
      %and3A_611 = vector.broadcast %and3A_610 : i32 to vector<16xi32>
      %and3A_612 = arith.andi %get3A_589, %and3A_611 : vector<16xi32>
      %add3A_613 = arith.addi %add3A_609, %and3A_612 : vector<16xi32>
      %shift_right_arithmetic3A_614 = arith.constant 3 : i32
      %shift_right_arithmetic3A_615 = vector.broadcast %shift_right_arithmetic3A_614 : i32 to vector<16xi32>
      %shift_right_arithmetic3A_616 = arith.shrsi %get3A_589, %shift_right_arithmetic3A_615 : vector<16xi32>
      %shift_left3A_617 = arith.constant 15 : i32
      %shift_left3A_618 = vector.broadcast %shift_left3A_617 : i32 to vector<16xi32>
      %shift_left3A_619 = arith.shli %shift_right_arithmetic3A_616, %shift_left3A_618 : vector<16xi32>
      %shift_right_arithmetic3A_620 = arith.constant 7 : i32
      %shift_right_arithmetic3A_621 = vector.broadcast %shift_right_arithmetic3A_620 : i32 to vector<16xi32>
      %shift_right_arithmetic3A_622 = arith.shrsi %get3A_583, %shift_right_arithmetic3A_621 : vector<16xi32>
      %shift_left3A_623 = arith.constant 10 : i32
      %shift_left3A_624 = vector.broadcast %shift_left3A_623 : i32 to vector<16xi32>
      %shift_left3A_625 = arith.shli %shift_right_arithmetic3A_622, %shift_left3A_624 : vector<16xi32>
      %add3A_626 = arith.addi %shift_left3A_619, %shift_left3A_625 : vector<16xi32>
      %and3A_627 = arith.constant 7 : i32
      %and3A_628 = vector.broadcast %and3A_627 : i32 to vector<16xi32>
      %and3A_629 = arith.andi %get3A_589, %and3A_628 : vector<16xi32>
      %shift_left3A_630 = arith.constant 7 : i32
      %shift_left3A_631 = vector.broadcast %shift_left3A_630 : i32 to vector<16xi32>
      %shift_left3A_632 = arith.shli %and3A_629, %shift_left3A_631 : vector<16xi32>
      %add3A_633 = arith.addi %add3A_626, %shift_left3A_632 : vector<16xi32>
      %and3A_634 = arith.constant 127 : i32
      %and3A_635 = vector.broadcast %and3A_634 : i32 to vector<16xi32>
      %and3A_636 = arith.andi %get3A_583, %and3A_635 : vector<16xi32>
      %add3A_637 = arith.addi %add3A_633, %and3A_636 : vector<16xi32>
      %swap3A_638 = arith.index_cast %add3A_577 : i32 to index
      %swap3A_639 = tpu.vector_load %arg8[%swap3A_638] {strides = array<i32>} : memref<5248xi32, #tpu.memory_space<vmem>>, vector<16xi32>,
      %swap3A_640 = vector.shape_cast %swap3A_639 : vector<16xi32> to vector<16xi32>
      %swap3A_641 = vector.shape_cast %add3A_637 : vector<16xi32> to vector<16xi32>
      tpu.vector_store %arg8[%swap3A_638], %swap3A_641 {strides = array<i32>} : memref<5248xi32, #tpu.memory_space<vmem>>, vector<16xi32>,
      %swap3A_642 = arith.index_cast %add3A_577 : i32 to index
      %swap3A_643 = tpu.vector_load %arg7[%swap3A_642] {strides = array<i32>} : memref<5248xi32, #tpu.memory_space<vmem>>, vector<16xi32>,
      %swap3A_644 = vector.shape_cast %swap3A_643 : vector<16xi32> to vector<16xi32>
      %swap3A_645 = vector.shape_cast %add3A_613 : vector<16xi32> to vector<16xi32>
      tpu.vector_store %arg7[%swap3A_642], %swap3A_645 {strides = array<i32>} : memref<5248xi32, #tpu.memory_space<vmem>>, vector<16xi32>,
      %mul3A_646 = arith.constant 128 : i32
      %mul3A_647 = arith.muli %scan3A_217, %mul3A_646 : i32
      %add3A_648 = arith.constant 96 : i32
      %add3A_649 = arith.addi %mul3A_647, %add3A_648 : i32
      %get3A_650 = arith.constant 0 : i32
      %get3A_651 = arith.index_cast %scan3A_217 : i32 to index
      %get3A_652 = arith.index_cast %get3A_650 : i32 to index
      %get3A_653 = arith.constant 96 : index
      %get3A_654 = tpu.vector_load %arg6[%get3A_651, %get3A_652, %get3A_653] {strides = array<i32>} : memref<41x2x128xi32, #tpu.memory_space<vmem>>, vector<1x1x16xi32>,
      %get3A_655 = vector.shape_cast %get3A_654 : vector<1x1x16xi32> to vector<16xi32>
      %get3A_656 = arith.constant 1 : i32
      %get3A_657 = arith.index_cast %scan3A_217 : i32 to index
      %get3A_658 = arith.index_cast %get3A_656 : i32 to index
      %get3A_659 = arith.constant 96 : index
      %get3A_660 = tpu.vector_load %arg6[%get3A_657, %get3A_658, %get3A_659] {strides = array<i32>} : memref<41x2x128xi32, #tpu.memory_space<vmem>>, vector<1x1x16xi32>,
      %get3A_661 = vector.shape_cast %get3A_660 : vector<1x1x16xi32> to vector<16xi32>
      %shift_right_arithmetic3A_662 = arith.constant 3 : i32
      %shift_right_arithmetic3A_663 = vector.broadcast %shift_right_arithmetic3A_662 : i32 to vector<16xi32>
      %shift_right_arithmetic3A_664 = arith.shrsi %get3A_655, %shift_right_arithmetic3A_663 : vector<16xi32>
      %shift_left3A_665 = arith.constant 15 : i32
      %shift_left3A_666 = vector.broadcast %shift_left3A_665 : i32 to vector<16xi32>
      %shift_left3A_667 = arith.shli %shift_right_arithmetic3A_664, %shift_left3A_666 : vector<16xi32>
      %shift_right_arithmetic3A_668 = arith.constant 7 : i32
      %shift_right_arithmetic3A_669 = vector.broadcast %shift_right_arithmetic3A_668 : i32 to vector<16xi32>
      %shift_right_arithmetic3A_670 = arith.shrsi %get3A_661, %shift_right_arithmetic3A_669 : vector<16xi32>
      %shift_left3A_671 = arith.constant 10 : i32
      %shift_left3A_672 = vector.broadcast %shift_left3A_671 : i32 to vector<16xi32>
      %shift_left3A_673 = arith.shli %shift_right_arithmetic3A_670, %shift_left3A_672 : vector<16xi32>
      %add3A_674 = arith.addi %shift_left3A_667, %shift_left3A_673 : vector<16xi32>
      %and3A_675 = arith.constant 7 : i32
      %and3A_676 = vector.broadcast %and3A_675 : i32 to vector<16xi32>
      %and3A_677 = arith.andi %get3A_655, %and3A_676 : vector<16xi32>
      %shift_left3A_678 = arith.constant 7 : i32
      %shift_left3A_679 = vector.broadcast %shift_left3A_678 : i32 to vector<16xi32>
      %shift_left3A_680 = arith.shli %and3A_677, %shift_left3A_679 : vector<16xi32>
      %add3A_681 = arith.addi %add3A_674, %shift_left3A_680 : vector<16xi32>
      %and3A_682 = arith.constant 127 : i32
      %and3A_683 = vector.broadcast %and3A_682 : i32 to vector<16xi32>
      %and3A_684 = arith.andi %get3A_661, %and3A_683 : vector<16xi32>
      %add3A_685 = arith.addi %add3A_681, %and3A_684 : vector<16xi32>
      %shift_right_arithmetic3A_686 = arith.constant 3 : i32
      %shift_right_arithmetic3A_687 = vector.broadcast %shift_right_arithmetic3A_686 : i32 to vector<16xi32>
      %shift_right_arithmetic3A_688 = arith.shrsi %get3A_661, %shift_right_arithmetic3A_687 : vector<16xi32>
      %shift_left3A_689 = arith.constant 15 : i32
      %shift_left3A_690 = vector.broadcast %shift_left3A_689 : i32 to vector<16xi32>
      %shift_left3A_691 = arith.shli %shift_right_arithmetic3A_688, %shift_left3A_690 : vector<16xi32>
      %shift_right_arithmetic3A_692 = arith.constant 7 : i32
      %shift_right_arithmetic3A_693 = vector.broadcast %shift_right_arithmetic3A_692 : i32 to vector<16xi32>
      %shift_right_arithmetic3A_694 = arith.shrsi %get3A_655, %shift_right_arithmetic3A_693 : vector<16xi32>
      %shift_left3A_695 = arith.constant 10 : i32
      %shift_left3A_696 = vector.broadcast %shift_left3A_695 : i32 to vector<16xi32>
      %shift_left3A_697 = arith.shli %shift_right_arithmetic3A_694, %shift_left3A_696 : vector<16xi32>
      %add3A_698 = arith.addi %shift_left3A_691, %shift_left3A_697 : vector<16xi32>
      %and3A_699 = arith.constant 7 : i32
      %and3A_700 = vector.broadcast %and3A_699 : i32 to vector<16xi32>
      %and3A_701 = arith.andi %get3A_661, %and3A_700 : vector<16xi32>
      %shift_left3A_702 = arith.constant 7 : i32
      %shift_left3A_703 = vector.broadcast %shift_left3A_702 : i32 to vector<16xi32>
      %shift_left3A_704 = arith.shli %and3A_701, %shift_left3A_703 : vector<16xi32>
      %add3A_705 = arith.addi %add3A_698, %shift_left3A_704 : vector<16xi32>
      %and3A_706 = arith.constant 127 : i32
      %and3A_707 = vector.broadcast %and3A_706 : i32 to vector<16xi32>
      %and3A_708 = arith.andi %get3A_655, %and3A_707 : vector<16xi32>
      %add3A_709 = arith.addi %add3A_705, %and3A_708 : vector<16xi32>
      %swap3A_710 = arith.index_cast %add3A_649 : i32 to index
      %swap3A_711 = tpu.vector_load %arg8[%swap3A_710] {strides = array<i32>} : memref<5248xi32, #tpu.memory_space<vmem>>, vector<16xi32>,
      %swap3A_712 = vector.shape_cast %swap3A_711 : vector<16xi32> to vector<16xi32>
      %swap3A_713 = vector.shape_cast %add3A_709 : vector<16xi32> to vector<16xi32>
      tpu.vector_store %arg8[%swap3A_710], %swap3A_713 {strides = array<i32>} : memref<5248xi32, #tpu.memory_space<vmem>>, vector<16xi32>,
      %swap3A_714 = arith.index_cast %add3A_649 : i32 to index
      %swap3A_715 = tpu.vector_load %arg7[%swap3A_714] {strides = array<i32>} : memref<5248xi32, #tpu.memory_space<vmem>>, vector<16xi32>,
      %swap3A_716 = vector.shape_cast %swap3A_715 : vector<16xi32> to vector<16xi32>
      %swap3A_717 = vector.shape_cast %add3A_685 : vector<16xi32> to vector<16xi32>
      tpu.vector_store %arg7[%swap3A_714], %swap3A_717 {strides = array<i32>} : memref<5248xi32, #tpu.memory_space<vmem>>, vector<16xi32>,
      %mul3A_718 = arith.constant 128 : i32
      %mul3A_719 = arith.muli %scan3A_217, %mul3A_718 : i32
      %add3A_720 = arith.constant 112 : i32
      %add3A_721 = arith.addi %mul3A_719, %add3A_720 : i32
      %get3A_722 = arith.constant 0 : i32
      %get3A_723 = arith.index_cast %scan3A_217 : i32 to index
      %get3A_724 = arith.index_cast %get3A_722 : i32 to index
      %get3A_725 = arith.constant 112 : index
      %get3A_726 = tpu.vector_load %arg6[%get3A_723, %get3A_724, %get3A_725] {strides = array<i32>} : memref<41x2x128xi32, #tpu.memory_space<vmem>>, vector<1x1x16xi32>,
      %get3A_727 = vector.shape_cast %get3A_726 : vector<1x1x16xi32> to vector<16xi32>
      %get3A_728 = arith.constant 1 : i32
      %get3A_729 = arith.index_cast %scan3A_217 : i32 to index
      %get3A_730 = arith.index_cast %get3A_728 : i32 to index
      %get3A_731 = arith.constant 112 : index
      %get3A_732 = tpu.vector_load %arg6[%get3A_729, %get3A_730, %get3A_731] {strides = array<i32>} : memref<41x2x128xi32, #tpu.memory_space<vmem>>, vector<1x1x16xi32>,
      %get3A_733 = vector.shape_cast %get3A_732 : vector<1x1x16xi32> to vector<16xi32>
      %shift_right_arithmetic3A_734 = arith.constant 3 : i32
      %shift_right_arithmetic3A_735 = vector.broadcast %shift_right_arithmetic3A_734 : i32 to vector<16xi32>
      %shift_right_arithmetic3A_736 = arith.shrsi %get3A_727, %shift_right_arithmetic3A_735 : vector<16xi32>
      %shift_left3A_737 = arith.constant 15 : i32
      %shift_left3A_738 = vector.broadcast %shift_left3A_737 : i32 to vector<16xi32>
      %shift_left3A_739 = arith.shli %shift_right_arithmetic3A_736, %shift_left3A_738 : vector<16xi32>
      %shift_right_arithmetic3A_740 = arith.constant 7 : i32
      %shift_right_arithmetic3A_741 = vector.broadcast %shift_right_arithmetic3A_740 : i32 to vector<16xi32>
      %shift_right_arithmetic3A_742 = arith.shrsi %get3A_733, %shift_right_arithmetic3A_741 : vector<16xi32>
      %shift_left3A_743 = arith.constant 10 : i32
      %shift_left3A_744 = vector.broadcast %shift_left3A_743 : i32 to vector<16xi32>
      %shift_left3A_745 = arith.shli %shift_right_arithmetic3A_742, %shift_left3A_744 : vector<16xi32>
      %add3A_746 = arith.addi %shift_left3A_739, %shift_left3A_745 : vector<16xi32>
      %and3A_747 = arith.constant 7 : i32
      %and3A_748 = vector.broadcast %and3A_747 : i32 to vector<16xi32>
      %and3A_749 = arith.andi %get3A_727, %and3A_748 : vector<16xi32>
      %shift_left3A_750 = arith.constant 7 : i32
      %shift_left3A_751 = vector.broadcast %shift_left3A_750 : i32 to vector<16xi32>
      %shift_left3A_752 = arith.shli %and3A_749, %shift_left3A_751 : vector<16xi32>
      %add3A_753 = arith.addi %add3A_746, %shift_left3A_752 : vector<16xi32>
      %and3A_754 = arith.constant 127 : i32
      %and3A_755 = vector.broadcast %and3A_754 : i32 to vector<16xi32>
      %and3A_756 = arith.andi %get3A_733, %and3A_755 : vector<16xi32>
      %add3A_757 = arith.addi %add3A_753, %and3A_756 : vector<16xi32>
      %shift_right_arithmetic3A_758 = arith.constant 3 : i32
      %shift_right_arithmetic3A_759 = vector.broadcast %shift_right_arithmetic3A_758 : i32 to vector<16xi32>
      %shift_right_arithmetic3A_760 = arith.shrsi %get3A_733, %shift_right_arithmetic3A_759 : vector<16xi32>
      %shift_left3A_761 = arith.constant 15 : i32
      %shift_left3A_762 = vector.broadcast %shift_left3A_761 : i32 to vector<16xi32>
      %shift_left3A_763 = arith.shli %shift_right_arithmetic3A_760, %shift_left3A_762 : vector<16xi32>
      %shift_right_arithmetic3A_764 = arith.constant 7 : i32
      %shift_right_arithmetic3A_765 = vector.broadcast %shift_right_arithmetic3A_764 : i32 to vector<16xi32>
      %shift_right_arithmetic3A_766 = arith.shrsi %get3A_727, %shift_right_arithmetic3A_765 : vector<16xi32>
      %shift_left3A_767 = arith.constant 10 : i32
      %shift_left3A_768 = vector.broadcast %shift_left3A_767 : i32 to vector<16xi32>
      %shift_left3A_769 = arith.shli %shift_right_arithmetic3A_766, %shift_left3A_768 : vector<16xi32>
      %add3A_770 = arith.addi %shift_left3A_763, %shift_left3A_769 : vector<16xi32>
      %and3A_771 = arith.constant 7 : i32
      %and3A_772 = vector.broadcast %and3A_771 : i32 to vector<16xi32>
      %and3A_773 = arith.andi %get3A_733, %and3A_772 : vector<16xi32>
      %shift_left3A_774 = arith.constant 7 : i32
      %shift_left3A_775 = vector.broadcast %shift_left3A_774 : i32 to vector<16xi32>
      %shift_left3A_776 = arith.shli %and3A_773, %shift_left3A_775 : vector<16xi32>
      %add3A_777 = arith.addi %add3A_770, %shift_left3A_776 : vector<16xi32>
      %and3A_778 = arith.constant 127 : i32
      %and3A_779 = vector.broadcast %and3A_778 : i32 to vector<16xi32>
      %and3A_780 = arith.andi %get3A_727, %and3A_779 : vector<16xi32>
      %add3A_781 = arith.addi %add3A_777, %and3A_780 : vector<16xi32>
      %swap3A_782 = arith.index_cast %add3A_721 : i32 to index
      %swap3A_783 = tpu.vector_load %arg8[%swap3A_782] {strides = array<i32>} : memref<5248xi32, #tpu.memory_space<vmem>>, vector<16xi32>,
      %swap3A_784 = vector.shape_cast %swap3A_783 : vector<16xi32> to vector<16xi32>
      %swap3A_785 = vector.shape_cast %add3A_781 : vector<16xi32> to vector<16xi32>
      tpu.vector_store %arg8[%swap3A_782], %swap3A_785 {strides = array<i32>} : memref<5248xi32, #tpu.memory_space<vmem>>, vector<16xi32>,
      %swap3A_786 = arith.index_cast %add3A_721 : i32 to index
      %swap3A_787 = tpu.vector_load %arg7[%swap3A_786] {strides = array<i32>} : memref<5248xi32, #tpu.memory_space<vmem>>, vector<16xi32>,
      %swap3A_788 = vector.shape_cast %swap3A_787 : vector<16xi32> to vector<16xi32>
      %swap3A_789 = vector.shape_cast %add3A_757 : vector<16xi32> to vector<16xi32>
      tpu.vector_store %arg7[%swap3A_786], %swap3A_789 {strides = array<i32>} : memref<5248xi32, #tpu.memory_space<vmem>>, vector<16xi32>,
      %scan3A_790 = arith.constant 0 : i32
      scf.yield %scan3A_790 : i32
    }
    %scan3A_41 = arith.constant 10 : i32
    "tpu.trace_stop"() : () -> ()
    %dma_start3A_42 = arith.constant 1280 : i32
    %dma_start3A_43 = tpu.memref_slice %arg10[%dma_start3A_42] : memref<5248xf32, #tpu.memory_space<vmem>> -> memref<1280xf32, #tpu.memory_space<vmem>>
    %dma_start3A_44 = arith.constant 1280 : i32
    %dma_start3A_45 = tpu.memref_slice %arg7[%dma_start3A_44] : memref<5248xi32, #tpu.memory_space<vmem>> -> memref<1280xi32, #tpu.memory_space<vmem>>
    %dma_start3A_46 = arith.constant 0 : i32
    %dma_start3A_47 = tpu.memref_slice %arg4[%dma_start3A_46] : memref<16777216xf32, #tpu.memory_space<hbm>> -> memref<16777216xf32, #tpu.memory_space<hbm>>
    tpu.enqueue_indirect_dma source(%dma_start3A_47 : memref<16777216xf32, #tpu.memory_space<hbm>>) target(%dma_start3A_43 : memref<1280xf32, #tpu.memory_space<vmem>>) offsets(%dma_start3A_45 : memref<1280xi32, #tpu.memory_space<vmem>>) semaphore(%arg15 : memref<!tpu.dma_semaphore, #tpu.memory_space<semaphore_mem>>)
    %dma_start3A_48 = arith.constant 1280 : i32
    %dma_start3A_49 = tpu.memref_slice %arg11[%dma_start3A_48] : memref<5248xf32, #tpu.memory_space<vmem>> -> memref<1280xf32, #tpu.memory_space<vmem>>
    %dma_start3A_50 = arith.constant 1280 : i32
    %dma_start3A_51 = tpu.memref_slice %arg8[%dma_start3A_50] : memref<5248xi32, #tpu.memory_space<vmem>> -> memref<1280xi32, #tpu.memory_space<vmem>>
    %dma_start3A_52 = arith.constant 0 : i32
    %dma_start3A_53 = tpu.memref_slice %arg4[%dma_start3A_52] : memref<16777216xf32, #tpu.memory_space<hbm>> -> memref<16777216xf32, #tpu.memory_space<hbm>>
    tpu.enqueue_indirect_dma source(%dma_start3A_53 : memref<16777216xf32, #tpu.memory_space<hbm>>) target(%dma_start3A_49 : memref<1280xf32, #tpu.memory_space<vmem>>) offsets(%dma_start3A_51 : memref<1280xi32, #tpu.memory_space<vmem>>) semaphore(%arg15 : memref<!tpu.dma_semaphore, #tpu.memory_space<semaphore_mem>>)
    "tpu.trace_start"() <{level = 10 : i32, message = "idx_compute"}> : () -> ()
    %scan3A_54 = arith.constant 0 : i32
    %scan3A_55 = arith.constant 20 : i32
    %scan3A_56 = arith.constant 10 : i32
    %scan3A_57 = arith.addi %scan3A_55, %scan3A_56 : i32
    %scan3A_58 = arith.constant 1 : i32
    %scan3A_59 = scf.for %scan3A_217 = %scan3A_55 to %scan3A_57 step %scan3A_58 iter_args(%scan3A_218 = %scan3A_54) -> (i32)  : i32 {
      %mul3A_219 = arith.constant 128 : i32
      %mul3A_220 = arith.muli %scan3A_217, %mul3A_219 : i32
      %add3A_221 = arith.constant 0 : i32
      %add3A_222 = arith.addi %mul3A_220, %add3A_221 : i32
      %get3A = arith.constant 0 : i32
      %get3A_223 = arith.index_cast %scan3A_217 : i32 to index
      %get3A_224 = arith.index_cast %get3A : i32 to index
      %get3A_225 = arith.constant 0 : index
      %get3A_226 = tpu.vector_load %arg6[%get3A_223, %get3A_224, %get3A_225] {strides = array<i32>} : memref<41x2x128xi32, #tpu.memory_space<vmem>>, vector<1x1x16xi32>,
      %get3A_227 = vector.shape_cast %get3A_226 : vector<1x1x16xi32> to vector<16xi32>
      %get3A_228 = arith.constant 1 : i32
      %get3A_229 = arith.index_cast %scan3A_217 : i32 to index
      %get3A_230 = arith.index_cast %get3A_228 : i32 to index
      %get3A_231 = arith.constant 0 : index
      %get3A_232 = tpu.vector_load %arg6[%get3A_229, %get3A_230, %get3A_231] {strides = array<i32>} : memref<41x2x128xi32, #tpu.memory_space<vmem>>, vector<1x1x16xi32>,
      %get3A_233 = vector.shape_cast %get3A_232 : vector<1x1x16xi32> to vector<16xi32>
      %shift_right_arithmetic3A = arith.constant 3 : i32
      %shift_right_arithmetic3A_234 = vector.broadcast %shift_right_arithmetic3A : i32 to vector<16xi32>
      %shift_right_arithmetic3A_235 = arith.shrsi %get3A_227, %shift_right_arithmetic3A_234 : vector<16xi32>
      %shift_left3A = arith.constant 15 : i32
      %shift_left3A_236 = vector.broadcast %shift_left3A : i32 to vector<16xi32>
      %shift_left3A_237 = arith.shli %shift_right_arithmetic3A_235, %shift_left3A_236 : vector<16xi32>
      %shift_right_arithmetic3A_238 = arith.constant 7 : i32
      %shift_right_arithmetic3A_239 = vector.broadcast %shift_right_arithmetic3A_238 : i32 to vector<16xi32>
      %shift_right_arithmetic3A_240 = arith.shrsi %get3A_233, %shift_right_arithmetic3A_239 : vector<16xi32>
      %shift_left3A_241 = arith.constant 10 : i32
      %shift_left3A_242 = vector.broadcast %shift_left3A_241 : i32 to vector<16xi32>
      %shift_left3A_243 = arith.shli %shift_right_arithmetic3A_240, %shift_left3A_242 : vector<16xi32>
      %add3A_244 = arith.addi %shift_left3A_237, %shift_left3A_243 : vector<16xi32>
      %and3A = arith.constant 7 : i32
      %and3A_245 = vector.broadcast %and3A : i32 to vector<16xi32>
      %and3A_246 = arith.andi %get3A_227, %and3A_245 : vector<16xi32>
      %shift_left3A_247 = arith.constant 7 : i32
      %shift_left3A_248 = vector.broadcast %shift_left3A_247 : i32 to vector<16xi32>
      %shift_left3A_249 = arith.shli %and3A_246, %shift_left3A_248 : vector<16xi32>
      %add3A_250 = arith.addi %add3A_244, %shift_left3A_249 : vector<16xi32>
      %and3A_251 = arith.constant 127 : i32
      %and3A_252 = vector.broadcast %and3A_251 : i32 to vector<16xi32>
      %and3A_253 = arith.andi %get3A_233, %and3A_252 : vector<16xi32>
      %add3A_254 = arith.addi %add3A_250, %and3A_253 : vector<16xi32>
      %shift_right_arithmetic3A_255 = arith.constant 3 : i32
      %shift_right_arithmetic3A_256 = vector.broadcast %shift_right_arithmetic3A_255 : i32 to vector<16xi32>
      %shift_right_arithmetic3A_257 = arith.shrsi %get3A_233, %shift_right_arithmetic3A_256 : vector<16xi32>
      %shift_left3A_258 = arith.constant 15 : i32
      %shift_left3A_259 = vector.broadcast %shift_left3A_258 : i32 to vector<16xi32>
      %shift_left3A_260 = arith.shli %shift_right_arithmetic3A_257, %shift_left3A_259 : vector<16xi32>
      %shift_right_arithmetic3A_261 = arith.constant 7 : i32
      %shift_right_arithmetic3A_262 = vector.broadcast %shift_right_arithmetic3A_261 : i32 to vector<16xi32>
      %shift_right_arithmetic3A_263 = arith.shrsi %get3A_227, %shift_right_arithmetic3A_262 : vector<16xi32>
      %shift_left3A_264 = arith.constant 10 : i32
      %shift_left3A_265 = vector.broadcast %shift_left3A_264 : i32 to vector<16xi32>
      %shift_left3A_266 = arith.shli %shift_right_arithmetic3A_263, %shift_left3A_265 : vector<16xi32>
      %add3A_267 = arith.addi %shift_left3A_260, %shift_left3A_266 : vector<16xi32>
      %and3A_268 = arith.constant 7 : i32
      %and3A_269 = vector.broadcast %and3A_268 : i32 to vector<16xi32>
      %and3A_270 = arith.andi %get3A_233, %and3A_269 : vector<16xi32>
      %shift_left3A_271 = arith.constant 7 : i32
      %shift_left3A_272 = vector.broadcast %shift_left3A_271 : i32 to vector<16xi32>
      %shift_left3A_273 = arith.shli %and3A_270, %shift_left3A_272 : vector<16xi32>
      %add3A_274 = arith.addi %add3A_267, %shift_left3A_273 : vector<16xi32>
      %and3A_275 = arith.constant 127 : i32
      %and3A_276 = vector.broadcast %and3A_275 : i32 to vector<16xi32>
      %and3A_277 = arith.andi %get3A_227, %and3A_276 : vector<16xi32>
      %add3A_278 = arith.addi %add3A_274, %and3A_277 : vector<16xi32>
      %swap3A = arith.index_cast %add3A_222 : i32 to index
      %swap3A_279 = tpu.vector_load %arg8[%swap3A] {strides = array<i32>} : memref<5248xi32, #tpu.memory_space<vmem>>, vector<16xi32>,
      %swap3A_280 = vector.shape_cast %swap3A_279 : vector<16xi32> to vector<16xi32>
      %swap3A_281 = vector.shape_cast %add3A_278 : vector<16xi32> to vector<16xi32>
      tpu.vector_store %arg8[%swap3A], %swap3A_281 {strides = array<i32>} : memref<5248xi32, #tpu.memory_space<vmem>>, vector<16xi32>,
      %swap3A_282 = arith.index_cast %add3A_222 : i32 to index
      %swap3A_283 = tpu.vector_load %arg7[%swap3A_282] {strides = array<i32>} : memref<5248xi32, #tpu.memory_space<vmem>>, vector<16xi32>,
      %swap3A_284 = vector.shape_cast %swap3A_283 : vector<16xi32> to vector<16xi32>
      %swap3A_285 = vector.shape_cast %add3A_254 : vector<16xi32> to vector<16xi32>
      tpu.vector_store %arg7[%swap3A_282], %swap3A_285 {strides = array<i32>} : memref<5248xi32, #tpu.memory_space<vmem>>, vector<16xi32>,
      %mul3A_286 = arith.constant 128 : i32
      %mul3A_287 = arith.muli %scan3A_217, %mul3A_286 : i32
      %add3A_288 = arith.constant 16 : i32
      %add3A_289 = arith.addi %mul3A_287, %add3A_288 : i32
      %get3A_290 = arith.constant 0 : i32
      %get3A_291 = arith.index_cast %scan3A_217 : i32 to index
      %get3A_292 = arith.index_cast %get3A_290 : i32 to index
      %get3A_293 = arith.constant 16 : index
      %get3A_294 = tpu.vector_load %arg6[%get3A_291, %get3A_292, %get3A_293] {strides = array<i32>} : memref<41x2x128xi32, #tpu.memory_space<vmem>>, vector<1x1x16xi32>,
      %get3A_295 = vector.shape_cast %get3A_294 : vector<1x1x16xi32> to vector<16xi32>
      %get3A_296 = arith.constant 1 : i32
      %get3A_297 = arith.index_cast %scan3A_217 : i32 to index
      %get3A_298 = arith.index_cast %get3A_296 : i32 to index
      %get3A_299 = arith.constant 16 : index
      %get3A_300 = tpu.vector_load %arg6[%get3A_297, %get3A_298, %get3A_299] {strides = array<i32>} : memref<41x2x128xi32, #tpu.memory_space<vmem>>, vector<1x1x16xi32>,
      %get3A_301 = vector.shape_cast %get3A_300 : vector<1x1x16xi32> to vector<16xi32>
      %shift_right_arithmetic3A_302 = arith.constant 3 : i32
      %shift_right_arithmetic3A_303 = vector.broadcast %shift_right_arithmetic3A_302 : i32 to vector<16xi32>
      %shift_right_arithmetic3A_304 = arith.shrsi %get3A_295, %shift_right_arithmetic3A_303 : vector<16xi32>
      %shift_left3A_305 = arith.constant 15 : i32
      %shift_left3A_306 = vector.broadcast %shift_left3A_305 : i32 to vector<16xi32>
      %shift_left3A_307 = arith.shli %shift_right_arithmetic3A_304, %shift_left3A_306 : vector<16xi32>
      %shift_right_arithmetic3A_308 = arith.constant 7 : i32
      %shift_right_arithmetic3A_309 = vector.broadcast %shift_right_arithmetic3A_308 : i32 to vector<16xi32>
      %shift_right_arithmetic3A_310 = arith.shrsi %get3A_301, %shift_right_arithmetic3A_309 : vector<16xi32>
      %shift_left3A_311 = arith.constant 10 : i32
      %shift_left3A_312 = vector.broadcast %shift_left3A_311 : i32 to vector<16xi32>
      %shift_left3A_313 = arith.shli %shift_right_arithmetic3A_310, %shift_left3A_312 : vector<16xi32>
      %add3A_314 = arith.addi %shift_left3A_307, %shift_left3A_313 : vector<16xi32>
      %and3A_315 = arith.constant 7 : i32
      %and3A_316 = vector.broadcast %and3A_315 : i32 to vector<16xi32>
      %and3A_317 = arith.andi %get3A_295, %and3A_316 : vector<16xi32>
      %shift_left3A_318 = arith.constant 7 : i32
      %shift_left3A_319 = vector.broadcast %shift_left3A_318 : i32 to vector<16xi32>
      %shift_left3A_320 = arith.shli %and3A_317, %shift_left3A_319 : vector<16xi32>
      %add3A_321 = arith.addi %add3A_314, %shift_left3A_320 : vector<16xi32>
      %and3A_322 = arith.constant 127 : i32
      %and3A_323 = vector.broadcast %and3A_322 : i32 to vector<16xi32>
      %and3A_324 = arith.andi %get3A_301, %and3A_323 : vector<16xi32>
      %add3A_325 = arith.addi %add3A_321, %and3A_324 : vector<16xi32>
      %shift_right_arithmetic3A_326 = arith.constant 3 : i32
      %shift_right_arithmetic3A_327 = vector.broadcast %shift_right_arithmetic3A_326 : i32 to vector<16xi32>
      %shift_right_arithmetic3A_328 = arith.shrsi %get3A_301, %shift_right_arithmetic3A_327 : vector<16xi32>
      %shift_left3A_329 = arith.constant 15 : i32
      %shift_left3A_330 = vector.broadcast %shift_left3A_329 : i32 to vector<16xi32>
      %shift_left3A_331 = arith.shli %shift_right_arithmetic3A_328, %shift_left3A_330 : vector<16xi32>
      %shift_right_arithmetic3A_332 = arith.constant 7 : i32
      %shift_right_arithmetic3A_333 = vector.broadcast %shift_right_arithmetic3A_332 : i32 to vector<16xi32>
      %shift_right_arithmetic3A_334 = arith.shrsi %get3A_295, %shift_right_arithmetic3A_333 : vector<16xi32>
      %shift_left3A_335 = arith.constant 10 : i32
      %shift_left3A_336 = vector.broadcast %shift_left3A_335 : i32 to vector<16xi32>
      %shift_left3A_337 = arith.shli %shift_right_arithmetic3A_334, %shift_left3A_336 : vector<16xi32>
      %add3A_338 = arith.addi %shift_left3A_331, %shift_left3A_337 : vector<16xi32>
      %and3A_339 = arith.constant 7 : i32
      %and3A_340 = vector.broadcast %and3A_339 : i32 to vector<16xi32>
      %and3A_341 = arith.andi %get3A_301, %and3A_340 : vector<16xi32>
      %shift_left3A_342 = arith.constant 7 : i32
      %shift_left3A_343 = vector.broadcast %shift_left3A_342 : i32 to vector<16xi32>
      %shift_left3A_344 = arith.shli %and3A_341, %shift_left3A_343 : vector<16xi32>
      %add3A_345 = arith.addi %add3A_338, %shift_left3A_344 : vector<16xi32>
      %and3A_346 = arith.constant 127 : i32
      %and3A_347 = vector.broadcast %and3A_346 : i32 to vector<16xi32>
      %and3A_348 = arith.andi %get3A_295, %and3A_347 : vector<16xi32>
      %add3A_349 = arith.addi %add3A_345, %and3A_348 : vector<16xi32>
      %swap3A_350 = arith.index_cast %add3A_289 : i32 to index
      %swap3A_351 = tpu.vector_load %arg8[%swap3A_350] {strides = array<i32>} : memref<5248xi32, #tpu.memory_space<vmem>>, vector<16xi32>,
      %swap3A_352 = vector.shape_cast %swap3A_351 : vector<16xi32> to vector<16xi32>
      %swap3A_353 = vector.shape_cast %add3A_349 : vector<16xi32> to vector<16xi32>
      tpu.vector_store %arg8[%swap3A_350], %swap3A_353 {strides = array<i32>} : memref<5248xi32, #tpu.memory_space<vmem>>, vector<16xi32>,
      %swap3A_354 = arith.index_cast %add3A_289 : i32 to index
      %swap3A_355 = tpu.vector_load %arg7[%swap3A_354] {strides = array<i32>} : memref<5248xi32, #tpu.memory_space<vmem>>, vector<16xi32>,
      %swap3A_356 = vector.shape_cast %swap3A_355 : vector<16xi32> to vector<16xi32>
      %swap3A_357 = vector.shape_cast %add3A_325 : vector<16xi32> to vector<16xi32>
      tpu.vector_store %arg7[%swap3A_354], %swap3A_357 {strides = array<i32>} : memref<5248xi32, #tpu.memory_space<vmem>>, vector<16xi32>,
      %mul3A_358 = arith.constant 128 : i32
      %mul3A_359 = arith.muli %scan3A_217, %mul3A_358 : i32
      %add3A_360 = arith.constant 32 : i32
      %add3A_361 = arith.addi %mul3A_359, %add3A_360 : i32
      %get3A_362 = arith.constant 0 : i32
      %get3A_363 = arith.index_cast %scan3A_217 : i32 to index
      %get3A_364 = arith.index_cast %get3A_362 : i32 to index
      %get3A_365 = arith.constant 32 : index
      %get3A_366 = tpu.vector_load %arg6[%get3A_363, %get3A_364, %get3A_365] {strides = array<i32>} : memref<41x2x128xi32, #tpu.memory_space<vmem>>, vector<1x1x16xi32>,
      %get3A_367 = vector.shape_cast %get3A_366 : vector<1x1x16xi32> to vector<16xi32>
      %get3A_368 = arith.constant 1 : i32
      %get3A_369 = arith.index_cast %scan3A_217 : i32 to index
      %get3A_370 = arith.index_cast %get3A_368 : i32 to index
      %get3A_371 = arith.constant 32 : index
      %get3A_372 = tpu.vector_load %arg6[%get3A_369, %get3A_370, %get3A_371] {strides = array<i32>} : memref<41x2x128xi32, #tpu.memory_space<vmem>>, vector<1x1x16xi32>,
      %get3A_373 = vector.shape_cast %get3A_372 : vector<1x1x16xi32> to vector<16xi32>
      %shift_right_arithmetic3A_374 = arith.constant 3 : i32
      %shift_right_arithmetic3A_375 = vector.broadcast %shift_right_arithmetic3A_374 : i32 to vector<16xi32>
      %shift_right_arithmetic3A_376 = arith.shrsi %get3A_367, %shift_right_arithmetic3A_375 : vector<16xi32>
      %shift_left3A_377 = arith.constant 15 : i32
      %shift_left3A_378 = vector.broadcast %shift_left3A_377 : i32 to vector<16xi32>
      %shift_left3A_379 = arith.shli %shift_right_arithmetic3A_376, %shift_left3A_378 : vector<16xi32>
      %shift_right_arithmetic3A_380 = arith.constant 7 : i32
      %shift_right_arithmetic3A_381 = vector.broadcast %shift_right_arithmetic3A_380 : i32 to vector<16xi32>
      %shift_right_arithmetic3A_382 = arith.shrsi %get3A_373, %shift_right_arithmetic3A_381 : vector<16xi32>
      %shift_left3A_383 = arith.constant 10 : i32
      %shift_left3A_384 = vector.broadcast %shift_left3A_383 : i32 to vector<16xi32>
      %shift_left3A_385 = arith.shli %shift_right_arithmetic3A_382, %shift_left3A_384 : vector<16xi32>
      %add3A_386 = arith.addi %shift_left3A_379, %shift_left3A_385 : vector<16xi32>
      %and3A_387 = arith.constant 7 : i32
      %and3A_388 = vector.broadcast %and3A_387 : i32 to vector<16xi32>
      %and3A_389 = arith.andi %get3A_367, %and3A_388 : vector<16xi32>
      %shift_left3A_390 = arith.constant 7 : i32
      %shift_left3A_391 = vector.broadcast %shift_left3A_390 : i32 to vector<16xi32>
      %shift_left3A_392 = arith.shli %and3A_389, %shift_left3A_391 : vector<16xi32>
      %add3A_393 = arith.addi %add3A_386, %shift_left3A_392 : vector<16xi32>
      %and3A_394 = arith.constant 127 : i32
      %and3A_395 = vector.broadcast %and3A_394 : i32 to vector<16xi32>
      %and3A_396 = arith.andi %get3A_373, %and3A_395 : vector<16xi32>
      %add3A_397 = arith.addi %add3A_393, %and3A_396 : vector<16xi32>
      %shift_right_arithmetic3A_398 = arith.constant 3 : i32
      %shift_right_arithmetic3A_399 = vector.broadcast %shift_right_arithmetic3A_398 : i32 to vector<16xi32>
      %shift_right_arithmetic3A_400 = arith.shrsi %get3A_373, %shift_right_arithmetic3A_399 : vector<16xi32>
      %shift_left3A_401 = arith.constant 15 : i32
      %shift_left3A_402 = vector.broadcast %shift_left3A_401 : i32 to vector<16xi32>
      %shift_left3A_403 = arith.shli %shift_right_arithmetic3A_400, %shift_left3A_402 : vector<16xi32>
      %shift_right_arithmetic3A_404 = arith.constant 7 : i32
      %shift_right_arithmetic3A_405 = vector.broadcast %shift_right_arithmetic3A_404 : i32 to vector<16xi32>
      %shift_right_arithmetic3A_406 = arith.shrsi %get3A_367, %shift_right_arithmetic3A_405 : vector<16xi32>
      %shift_left3A_407 = arith.constant 10 : i32
      %shift_left3A_408 = vector.broadcast %shift_left3A_407 : i32 to vector<16xi32>
      %shift_left3A_409 = arith.shli %shift_right_arithmetic3A_406, %shift_left3A_408 : vector<16xi32>
      %add3A_410 = arith.addi %shift_left3A_403, %shift_left3A_409 : vector<16xi32>
      %and3A_411 = arith.constant 7 : i32
      %and3A_412 = vector.broadcast %and3A_411 : i32 to vector<16xi32>
      %and3A_413 = arith.andi %get3A_373, %and3A_412 : vector<16xi32>
      %shift_left3A_414 = arith.constant 7 : i32
      %shift_left3A_415 = vector.broadcast %shift_left3A_414 : i32 to vector<16xi32>
      %shift_left3A_416 = arith.shli %and3A_413, %shift_left3A_415 : vector<16xi32>
      %add3A_417 = arith.addi %add3A_410, %shift_left3A_416 : vector<16xi32>
      %and3A_418 = arith.constant 127 : i32
      %and3A_419 = vector.broadcast %and3A_418 : i32 to vector<16xi32>
      %and3A_420 = arith.andi %get3A_367, %and3A_419 : vector<16xi32>
      %add3A_421 = arith.addi %add3A_417, %and3A_420 : vector<16xi32>
      %swap3A_422 = arith.index_cast %add3A_361 : i32 to index
      %swap3A_423 = tpu.vector_load %arg8[%swap3A_422] {strides = array<i32>} : memref<5248xi32, #tpu.memory_space<vmem>>, vector<16xi32>,
      %swap3A_424 = vector.shape_cast %swap3A_423 : vector<16xi32> to vector<16xi32>
      %swap3A_425 = vector.shape_cast %add3A_421 : vector<16xi32> to vector<16xi32>
      tpu.vector_store %arg8[%swap3A_422], %swap3A_425 {strides = array<i32>} : memref<5248xi32, #tpu.memory_space<vmem>>, vector<16xi32>,
      %swap3A_426 = arith.index_cast %add3A_361 : i32 to index
      %swap3A_427 = tpu.vector_load %arg7[%swap3A_426] {strides = array<i32>} : memref<5248xi32, #tpu.memory_space<vmem>>, vector<16xi32>,
      %swap3A_428 = vector.shape_cast %swap3A_427 : vector<16xi32> to vector<16xi32>
      %swap3A_429 = vector.shape_cast %add3A_397 : vector<16xi32> to vector<16xi32>
      tpu.vector_store %arg7[%swap3A_426], %swap3A_429 {strides = array<i32>} : memref<5248xi32, #tpu.memory_space<vmem>>, vector<16xi32>,
      %mul3A_430 = arith.constant 128 : i32
      %mul3A_431 = arith.muli %scan3A_217, %mul3A_430 : i32
      %add3A_432 = arith.constant 48 : i32
      %add3A_433 = arith.addi %mul3A_431, %add3A_432 : i32
      %get3A_434 = arith.constant 0 : i32
      %get3A_435 = arith.index_cast %scan3A_217 : i32 to index
      %get3A_436 = arith.index_cast %get3A_434 : i32 to index
      %get3A_437 = arith.constant 48 : index
      %get3A_438 = tpu.vector_load %arg6[%get3A_435, %get3A_436, %get3A_437] {strides = array<i32>} : memref<41x2x128xi32, #tpu.memory_space<vmem>>, vector<1x1x16xi32>,
      %get3A_439 = vector.shape_cast %get3A_438 : vector<1x1x16xi32> to vector<16xi32>
      %get3A_440 = arith.constant 1 : i32
      %get3A_441 = arith.index_cast %scan3A_217 : i32 to index
      %get3A_442 = arith.index_cast %get3A_440 : i32 to index
      %get3A_443 = arith.constant 48 : index
      %get3A_444 = tpu.vector_load %arg6[%get3A_441, %get3A_442, %get3A_443] {strides = array<i32>} : memref<41x2x128xi32, #tpu.memory_space<vmem>>, vector<1x1x16xi32>,
      %get3A_445 = vector.shape_cast %get3A_444 : vector<1x1x16xi32> to vector<16xi32>
      %shift_right_arithmetic3A_446 = arith.constant 3 : i32
      %shift_right_arithmetic3A_447 = vector.broadcast %shift_right_arithmetic3A_446 : i32 to vector<16xi32>
      %shift_right_arithmetic3A_448 = arith.shrsi %get3A_439, %shift_right_arithmetic3A_447 : vector<16xi32>
      %shift_left3A_449 = arith.constant 15 : i32
      %shift_left3A_450 = vector.broadcast %shift_left3A_449 : i32 to vector<16xi32>
      %shift_left3A_451 = arith.shli %shift_right_arithmetic3A_448, %shift_left3A_450 : vector<16xi32>
      %shift_right_arithmetic3A_452 = arith.constant 7 : i32
      %shift_right_arithmetic3A_453 = vector.broadcast %shift_right_arithmetic3A_452 : i32 to vector<16xi32>
      %shift_right_arithmetic3A_454 = arith.shrsi %get3A_445, %shift_right_arithmetic3A_453 : vector<16xi32>
      %shift_left3A_455 = arith.constant 10 : i32
      %shift_left3A_456 = vector.broadcast %shift_left3A_455 : i32 to vector<16xi32>
      %shift_left3A_457 = arith.shli %shift_right_arithmetic3A_454, %shift_left3A_456 : vector<16xi32>
      %add3A_458 = arith.addi %shift_left3A_451, %shift_left3A_457 : vector<16xi32>
      %and3A_459 = arith.constant 7 : i32
      %and3A_460 = vector.broadcast %and3A_459 : i32 to vector<16xi32>
      %and3A_461 = arith.andi %get3A_439, %and3A_460 : vector<16xi32>
      %shift_left3A_462 = arith.constant 7 : i32
      %shift_left3A_463 = vector.broadcast %shift_left3A_462 : i32 to vector<16xi32>
      %shift_left3A_464 = arith.shli %and3A_461, %shift_left3A_463 : vector<16xi32>
      %add3A_465 = arith.addi %add3A_458, %shift_left3A_464 : vector<16xi32>
      %and3A_466 = arith.constant 127 : i32
      %and3A_467 = vector.broadcast %and3A_466 : i32 to vector<16xi32>
      %and3A_468 = arith.andi %get3A_445, %and3A_467 : vector<16xi32>
      %add3A_469 = arith.addi %add3A_465, %and3A_468 : vector<16xi32>
      %shift_right_arithmetic3A_470 = arith.constant 3 : i32
      %shift_right_arithmetic3A_471 = vector.broadcast %shift_right_arithmetic3A_470 : i32 to vector<16xi32>
      %shift_right_arithmetic3A_472 = arith.shrsi %get3A_445, %shift_right_arithmetic3A_471 : vector<16xi32>
      %shift_left3A_473 = arith.constant 15 : i32
      %shift_left3A_474 = vector.broadcast %shift_left3A_473 : i32 to vector<16xi32>
      %shift_left3A_475 = arith.shli %shift_right_arithmetic3A_472, %shift_left3A_474 : vector<16xi32>
      %shift_right_arithmetic3A_476 = arith.constant 7 : i32
      %shift_right_arithmetic3A_477 = vector.broadcast %shift_right_arithmetic3A_476 : i32 to vector<16xi32>
      %shift_right_arithmetic3A_478 = arith.shrsi %get3A_439, %shift_right_arithmetic3A_477 : vector<16xi32>
      %shift_left3A_479 = arith.constant 10 : i32
      %shift_left3A_480 = vector.broadcast %shift_left3A_479 : i32 to vector<16xi32>
      %shift_left3A_481 = arith.shli %shift_right_arithmetic3A_478, %shift_left3A_480 : vector<16xi32>
      %add3A_482 = arith.addi %shift_left3A_475, %shift_left3A_481 : vector<16xi32>
      %and3A_483 = arith.constant 7 : i32
      %and3A_484 = vector.broadcast %and3A_483 : i32 to vector<16xi32>
      %and3A_485 = arith.andi %get3A_445, %and3A_484 : vector<16xi32>
      %shift_left3A_486 = arith.constant 7 : i32
      %shift_left3A_487 = vector.broadcast %shift_left3A_486 : i32 to vector<16xi32>
      %shift_left3A_488 = arith.shli %and3A_485, %shift_left3A_487 : vector<16xi32>
      %add3A_489 = arith.addi %add3A_482, %shift_left3A_488 : vector<16xi32>
      %and3A_490 = arith.constant 127 : i32
      %and3A_491 = vector.broadcast %and3A_490 : i32 to vector<16xi32>
      %and3A_492 = arith.andi %get3A_439, %and3A_491 : vector<16xi32>
      %add3A_493 = arith.addi %add3A_489, %and3A_492 : vector<16xi32>
      %swap3A_494 = arith.index_cast %add3A_433 : i32 to index
      %swap3A_495 = tpu.vector_load %arg8[%swap3A_494] {strides = array<i32>} : memref<5248xi32, #tpu.memory_space<vmem>>, vector<16xi32>,
      %swap3A_496 = vector.shape_cast %swap3A_495 : vector<16xi32> to vector<16xi32>
      %swap3A_497 = vector.shape_cast %add3A_493 : vector<16xi32> to vector<16xi32>
      tpu.vector_store %arg8[%swap3A_494], %swap3A_497 {strides = array<i32>} : memref<5248xi32, #tpu.memory_space<vmem>>, vector<16xi32>,
      %swap3A_498 = arith.index_cast %add3A_433 : i32 to index
      %swap3A_499 = tpu.vector_load %arg7[%swap3A_498] {strides = array<i32>} : memref<5248xi32, #tpu.memory_space<vmem>>, vector<16xi32>,
      %swap3A_500 = vector.shape_cast %swap3A_499 : vector<16xi32> to vector<16xi32>
      %swap3A_501 = vector.shape_cast %add3A_469 : vector<16xi32> to vector<16xi32>
      tpu.vector_store %arg7[%swap3A_498], %swap3A_501 {strides = array<i32>} : memref<5248xi32, #tpu.memory_space<vmem>>, vector<16xi32>,
      %mul3A_502 = arith.constant 128 : i32
      %mul3A_503 = arith.muli %scan3A_217, %mul3A_502 : i32
      %add3A_504 = arith.constant 64 : i32
      %add3A_505 = arith.addi %mul3A_503, %add3A_504 : i32
      %get3A_506 = arith.constant 0 : i32
      %get3A_507 = arith.index_cast %scan3A_217 : i32 to index
      %get3A_508 = arith.index_cast %get3A_506 : i32 to index
      %get3A_509 = arith.constant 64 : index
      %get3A_510 = tpu.vector_load %arg6[%get3A_507, %get3A_508, %get3A_509] {strides = array<i32>} : memref<41x2x128xi32, #tpu.memory_space<vmem>>, vector<1x1x16xi32>,
      %get3A_511 = vector.shape_cast %get3A_510 : vector<1x1x16xi32> to vector<16xi32>
      %get3A_512 = arith.constant 1 : i32
      %get3A_513 = arith.index_cast %scan3A_217 : i32 to index
      %get3A_514 = arith.index_cast %get3A_512 : i32 to index
      %get3A_515 = arith.constant 64 : index
      %get3A_516 = tpu.vector_load %arg6[%get3A_513, %get3A_514, %get3A_515] {strides = array<i32>} : memref<41x2x128xi32, #tpu.memory_space<vmem>>, vector<1x1x16xi32>,
      %get3A_517 = vector.shape_cast %get3A_516 : vector<1x1x16xi32> to vector<16xi32>
      %shift_right_arithmetic3A_518 = arith.constant 3 : i32
      %shift_right_arithmetic3A_519 = vector.broadcast %shift_right_arithmetic3A_518 : i32 to vector<16xi32>
      %shift_right_arithmetic3A_520 = arith.shrsi %get3A_511, %shift_right_arithmetic3A_519 : vector<16xi32>
      %shift_left3A_521 = arith.constant 15 : i32
      %shift_left3A_522 = vector.broadcast %shift_left3A_521 : i32 to vector<16xi32>
      %shift_left3A_523 = arith.shli %shift_right_arithmetic3A_520, %shift_left3A_522 : vector<16xi32>
      %shift_right_arithmetic3A_524 = arith.constant 7 : i32
      %shift_right_arithmetic3A_525 = vector.broadcast %shift_right_arithmetic3A_524 : i32 to vector<16xi32>
      %shift_right_arithmetic3A_526 = arith.shrsi %get3A_517, %shift_right_arithmetic3A_525 : vector<16xi32>
      %shift_left3A_527 = arith.constant 10 : i32
      %shift_left3A_528 = vector.broadcast %shift_left3A_527 : i32 to vector<16xi32>
      %shift_left3A_529 = arith.shli %shift_right_arithmetic3A_526, %shift_left3A_528 : vector<16xi32>
      %add3A_530 = arith.addi %shift_left3A_523, %shift_left3A_529 : vector<16xi32>
      %and3A_531 = arith.constant 7 : i32
      %and3A_532 = vector.broadcast %and3A_531 : i32 to vector<16xi32>
      %and3A_533 = arith.andi %get3A_511, %and3A_532 : vector<16xi32>
      %shift_left3A_534 = arith.constant 7 : i32
      %shift_left3A_535 = vector.broadcast %shift_left3A_534 : i32 to vector<16xi32>
      %shift_left3A_536 = arith.shli %and3A_533, %shift_left3A_535 : vector<16xi32>
      %add3A_537 = arith.addi %add3A_530, %shift_left3A_536 : vector<16xi32>
      %and3A_538 = arith.constant 127 : i32
      %and3A_539 = vector.broadcast %and3A_538 : i32 to vector<16xi32>
      %and3A_540 = arith.andi %get3A_517, %and3A_539 : vector<16xi32>
      %add3A_541 = arith.addi %add3A_537, %and3A_540 : vector<16xi32>
      %shift_right_arithmetic3A_542 = arith.constant 3 : i32
      %shift_right_arithmetic3A_543 = vector.broadcast %shift_right_arithmetic3A_542 : i32 to vector<16xi32>
      %shift_right_arithmetic3A_544 = arith.shrsi %get3A_517, %shift_right_arithmetic3A_543 : vector<16xi32>
      %shift_left3A_545 = arith.constant 15 : i32
      %shift_left3A_546 = vector.broadcast %shift_left3A_545 : i32 to vector<16xi32>
      %shift_left3A_547 = arith.shli %shift_right_arithmetic3A_544, %shift_left3A_546 : vector<16xi32>
      %shift_right_arithmetic3A_548 = arith.constant 7 : i32
      %shift_right_arithmetic3A_549 = vector.broadcast %shift_right_arithmetic3A_548 : i32 to vector<16xi32>
      %shift_right_arithmetic3A_550 = arith.shrsi %get3A_511, %shift_right_arithmetic3A_549 : vector<16xi32>
      %shift_left3A_551 = arith.constant 10 : i32
      %shift_left3A_552 = vector.broadcast %shift_left3A_551 : i32 to vector<16xi32>
      %shift_left3A_553 = arith.shli %shift_right_arithmetic3A_550, %shift_left3A_552 : vector<16xi32>
      %add3A_554 = arith.addi %shift_left3A_547, %shift_left3A_553 : vector<16xi32>
      %and3A_555 = arith.constant 7 : i32
      %and3A_556 = vector.broadcast %and3A_555 : i32 to vector<16xi32>
      %and3A_557 = arith.andi %get3A_517, %and3A_556 : vector<16xi32>
      %shift_left3A_558 = arith.constant 7 : i32
      %shift_left3A_559 = vector.broadcast %shift_left3A_558 : i32 to vector<16xi32>
      %shift_left3A_560 = arith.shli %and3A_557, %shift_left3A_559 : vector<16xi32>
      %add3A_561 = arith.addi %add3A_554, %shift_left3A_560 : vector<16xi32>
      %and3A_562 = arith.constant 127 : i32
      %and3A_563 = vector.broadcast %and3A_562 : i32 to vector<16xi32>
      %and3A_564 = arith.andi %get3A_511, %and3A_563 : vector<16xi32>
      %add3A_565 = arith.addi %add3A_561, %and3A_564 : vector<16xi32>
      %swap3A_566 = arith.index_cast %add3A_505 : i32 to index
      %swap3A_567 = tpu.vector_load %arg8[%swap3A_566] {strides = array<i32>} : memref<5248xi32, #tpu.memory_space<vmem>>, vector<16xi32>,
      %swap3A_568 = vector.shape_cast %swap3A_567 : vector<16xi32> to vector<16xi32>
      %swap3A_569 = vector.shape_cast %add3A_565 : vector<16xi32> to vector<16xi32>
      tpu.vector_store %arg8[%swap3A_566], %swap3A_569 {strides = array<i32>} : memref<5248xi32, #tpu.memory_space<vmem>>, vector<16xi32>,
      %swap3A_570 = arith.index_cast %add3A_505 : i32 to index
      %swap3A_571 = tpu.vector_load %arg7[%swap3A_570] {strides = array<i32>} : memref<5248xi32, #tpu.memory_space<vmem>>, vector<16xi32>,
      %swap3A_572 = vector.shape_cast %swap3A_571 : vector<16xi32> to vector<16xi32>
      %swap3A_573 = vector.shape_cast %add3A_541 : vector<16xi32> to vector<16xi32>
      tpu.vector_store %arg7[%swap3A_570], %swap3A_573 {strides = array<i32>} : memref<5248xi32, #tpu.memory_space<vmem>>, vector<16xi32>,
      %mul3A_574 = arith.constant 128 : i32
      %mul3A_575 = arith.muli %scan3A_217, %mul3A_574 : i32
      %add3A_576 = arith.constant 80 : i32
      %add3A_577 = arith.addi %mul3A_575, %add3A_576 : i32
      %get3A_578 = arith.constant 0 : i32
      %get3A_579 = arith.index_cast %scan3A_217 : i32 to index
      %get3A_580 = arith.index_cast %get3A_578 : i32 to index
      %get3A_581 = arith.constant 80 : index
      %get3A_582 = tpu.vector_load %arg6[%get3A_579, %get3A_580, %get3A_581] {strides = array<i32>} : memref<41x2x128xi32, #tpu.memory_space<vmem>>, vector<1x1x16xi32>,
      %get3A_583 = vector.shape_cast %get3A_582 : vector<1x1x16xi32> to vector<16xi32>
      %get3A_584 = arith.constant 1 : i32
      %get3A_585 = arith.index_cast %scan3A_217 : i32 to index
      %get3A_586 = arith.index_cast %get3A_584 : i32 to index
      %get3A_587 = arith.constant 80 : index
      %get3A_588 = tpu.vector_load %arg6[%get3A_585, %get3A_586, %get3A_587] {strides = array<i32>} : memref<41x2x128xi32, #tpu.memory_space<vmem>>, vector<1x1x16xi32>,
      %get3A_589 = vector.shape_cast %get3A_588 : vector<1x1x16xi32> to vector<16xi32>
      %shift_right_arithmetic3A_590 = arith.constant 3 : i32
      %shift_right_arithmetic3A_591 = vector.broadcast %shift_right_arithmetic3A_590 : i32 to vector<16xi32>
      %shift_right_arithmetic3A_592 = arith.shrsi %get3A_583, %shift_right_arithmetic3A_591 : vector<16xi32>
      %shift_left3A_593 = arith.constant 15 : i32
      %shift_left3A_594 = vector.broadcast %shift_left3A_593 : i32 to vector<16xi32>
      %shift_left3A_595 = arith.shli %shift_right_arithmetic3A_592, %shift_left3A_594 : vector<16xi32>
      %shift_right_arithmetic3A_596 = arith.constant 7 : i32
      %shift_right_arithmetic3A_597 = vector.broadcast %shift_right_arithmetic3A_596 : i32 to vector<16xi32>
      %shift_right_arithmetic3A_598 = arith.shrsi %get3A_589, %shift_right_arithmetic3A_597 : vector<16xi32>
      %shift_left3A_599 = arith.constant 10 : i32
      %shift_left3A_600 = vector.broadcast %shift_left3A_599 : i32 to vector<16xi32>
      %shift_left3A_601 = arith.shli %shift_right_arithmetic3A_598, %shift_left3A_600 : vector<16xi32>
      %add3A_602 = arith.addi %shift_left3A_595, %shift_left3A_601 : vector<16xi32>
      %and3A_603 = arith.constant 7 : i32
      %and3A_604 = vector.broadcast %and3A_603 : i32 to vector<16xi32>
      %and3A_605 = arith.andi %get3A_583, %and3A_604 : vector<16xi32>
      %shift_left3A_606 = arith.constant 7 : i32
      %shift_left3A_607 = vector.broadcast %shift_left3A_606 : i32 to vector<16xi32>
      %shift_left3A_608 = arith.shli %and3A_605, %shift_left3A_607 : vector<16xi32>
      %add3A_609 = arith.addi %add3A_602, %shift_left3A_608 : vector<16xi32>
      %and3A_610 = arith.constant 127 : i32
      %and3A_611 = vector.broadcast %and3A_610 : i32 to vector<16xi32>
      %and3A_612 = arith.andi %get3A_589, %and3A_611 : vector<16xi32>
      %add3A_613 = arith.addi %add3A_609, %and3A_612 : vector<16xi32>
      %shift_right_arithmetic3A_614 = arith.constant 3 : i32
      %shift_right_arithmetic3A_615 = vector.broadcast %shift_right_arithmetic3A_614 : i32 to vector<16xi32>
      %shift_right_arithmetic3A_616 = arith.shrsi %get3A_589, %shift_right_arithmetic3A_615 : vector<16xi32>
      %shift_left3A_617 = arith.constant 15 : i32
      %shift_left3A_618 = vector.broadcast %shift_left3A_617 : i32 to vector<16xi32>
      %shift_left3A_619 = arith.shli %shift_right_arithmetic3A_616, %shift_left3A_618 : vector<16xi32>
      %shift_right_arithmetic3A_620 = arith.constant 7 : i32
      %shift_right_arithmetic3A_621 = vector.broadcast %shift_right_arithmetic3A_620 : i32 to vector<16xi32>
      %shift_right_arithmetic3A_622 = arith.shrsi %get3A_583, %shift_right_arithmetic3A_621 : vector<16xi32>
      %shift_left3A_623 = arith.constant 10 : i32
      %shift_left3A_624 = vector.broadcast %shift_left3A_623 : i32 to vector<16xi32>
      %shift_left3A_625 = arith.shli %shift_right_arithmetic3A_622, %shift_left3A_624 : vector<16xi32>
      %add3A_626 = arith.addi %shift_left3A_619, %shift_left3A_625 : vector<16xi32>
      %and3A_627 = arith.constant 7 : i32
      %and3A_628 = vector.broadcast %and3A_627 : i32 to vector<16xi32>
      %and3A_629 = arith.andi %get3A_589, %and3A_628 : vector<16xi32>
      %shift_left3A_630 = arith.constant 7 : i32
      %shift_left3A_631 = vector.broadcast %shift_left3A_630 : i32 to vector<16xi32>
      %shift_left3A_632 = arith.shli %and3A_629, %shift_left3A_631 : vector<16xi32>
      %add3A_633 = arith.addi %add3A_626, %shift_left3A_632 : vector<16xi32>
      %and3A_634 = arith.constant 127 : i32
      %and3A_635 = vector.broadcast %and3A_634 : i32 to vector<16xi32>
      %and3A_636 = arith.andi %get3A_583, %and3A_635 : vector<16xi32>
      %add3A_637 = arith.addi %add3A_633, %and3A_636 : vector<16xi32>
      %swap3A_638 = arith.index_cast %add3A_577 : i32 to index
      %swap3A_639 = tpu.vector_load %arg8[%swap3A_638] {strides = array<i32>} : memref<5248xi32, #tpu.memory_space<vmem>>, vector<16xi32>,
      %swap3A_640 = vector.shape_cast %swap3A_639 : vector<16xi32> to vector<16xi32>
      %swap3A_641 = vector.shape_cast %add3A_637 : vector<16xi32> to vector<16xi32>
      tpu.vector_store %arg8[%swap3A_638], %swap3A_641 {strides = array<i32>} : memref<5248xi32, #tpu.memory_space<vmem>>, vector<16xi32>,
      %swap3A_642 = arith.index_cast %add3A_577 : i32 to index
      %swap3A_643 = tpu.vector_load %arg7[%swap3A_642] {strides = array<i32>} : memref<5248xi32, #tpu.memory_space<vmem>>, vector<16xi32>,
      %swap3A_644 = vector.shape_cast %swap3A_643 : vector<16xi32> to vector<16xi32>
      %swap3A_645 = vector.shape_cast %add3A_613 : vector<16xi32> to vector<16xi32>
      tpu.vector_store %arg7[%swap3A_642], %swap3A_645 {strides = array<i32>} : memref<5248xi32, #tpu.memory_space<vmem>>, vector<16xi32>,
      %mul3A_646 = arith.constant 128 : i32
      %mul3A_647 = arith.muli %scan3A_217, %mul3A_646 : i32
      %add3A_648 = arith.constant 96 : i32
      %add3A_649 = arith.addi %mul3A_647, %add3A_648 : i32
      %get3A_650 = arith.constant 0 : i32
      %get3A_651 = arith.index_cast %scan3A_217 : i32 to index
      %get3A_652 = arith.index_cast %get3A_650 : i32 to index
      %get3A_653 = arith.constant 96 : index
      %get3A_654 = tpu.vector_load %arg6[%get3A_651, %get3A_652, %get3A_653] {strides = array<i32>} : memref<41x2x128xi32, #tpu.memory_space<vmem>>, vector<1x1x16xi32>,
      %get3A_655 = vector.shape_cast %get3A_654 : vector<1x1x16xi32> to vector<16xi32>
      %get3A_656 = arith.constant 1 : i32
      %get3A_657 = arith.index_cast %scan3A_217 : i32 to index
      %get3A_658 = arith.index_cast %get3A_656 : i32 to index
      %get3A_659 = arith.constant 96 : index
      %get3A_660 = tpu.vector_load %arg6[%get3A_657, %get3A_658, %get3A_659] {strides = array<i32>} : memref<41x2x128xi32, #tpu.memory_space<vmem>>, vector<1x1x16xi32>,
      %get3A_661 = vector.shape_cast %get3A_660 : vector<1x1x16xi32> to vector<16xi32>
      %shift_right_arithmetic3A_662 = arith.constant 3 : i32
      %shift_right_arithmetic3A_663 = vector.broadcast %shift_right_arithmetic3A_662 : i32 to vector<16xi32>
      %shift_right_arithmetic3A_664 = arith.shrsi %get3A_655, %shift_right_arithmetic3A_663 : vector<16xi32>
      %shift_left3A_665 = arith.constant 15 : i32
      %shift_left3A_666 = vector.broadcast %shift_left3A_665 : i32 to vector<16xi32>
      %shift_left3A_667 = arith.shli %shift_right_arithmetic3A_664, %shift_left3A_666 : vector<16xi32>
      %shift_right_arithmetic3A_668 = arith.constant 7 : i32
      %shift_right_arithmetic3A_669 = vector.broadcast %shift_right_arithmetic3A_668 : i32 to vector<16xi32>
      %shift_right_arithmetic3A_670 = arith.shrsi %get3A_661, %shift_right_arithmetic3A_669 : vector<16xi32>
      %shift_left3A_671 = arith.constant 10 : i32
      %shift_left3A_672 = vector.broadcast %shift_left3A_671 : i32 to vector<16xi32>
      %shift_left3A_673 = arith.shli %shift_right_arithmetic3A_670, %shift_left3A_672 : vector<16xi32>
      %add3A_674 = arith.addi %shift_left3A_667, %shift_left3A_673 : vector<16xi32>
      %and3A_675 = arith.constant 7 : i32
      %and3A_676 = vector.broadcast %and3A_675 : i32 to vector<16xi32>
      %and3A_677 = arith.andi %get3A_655, %and3A_676 : vector<16xi32>
      %shift_left3A_678 = arith.constant 7 : i32
      %shift_left3A_679 = vector.broadcast %shift_left3A_678 : i32 to vector<16xi32>
      %shift_left3A_680 = arith.shli %and3A_677, %shift_left3A_679 : vector<16xi32>
      %add3A_681 = arith.addi %add3A_674, %shift_left3A_680 : vector<16xi32>
      %and3A_682 = arith.constant 127 : i32
      %and3A_683 = vector.broadcast %and3A_682 : i32 to vector<16xi32>
      %and3A_684 = arith.andi %get3A_661, %and3A_683 : vector<16xi32>
      %add3A_685 = arith.addi %add3A_681, %and3A_684 : vector<16xi32>
      %shift_right_arithmetic3A_686 = arith.constant 3 : i32
      %shift_right_arithmetic3A_687 = vector.broadcast %shift_right_arithmetic3A_686 : i32 to vector<16xi32>
      %shift_right_arithmetic3A_688 = arith.shrsi %get3A_661, %shift_right_arithmetic3A_687 : vector<16xi32>
      %shift_left3A_689 = arith.constant 15 : i32
      %shift_left3A_690 = vector.broadcast %shift_left3A_689 : i32 to vector<16xi32>
      %shift_left3A_691 = arith.shli %shift_right_arithmetic3A_688, %shift_left3A_690 : vector<16xi32>
      %shift_right_arithmetic3A_692 = arith.constant 7 : i32
      %shift_right_arithmetic3A_693 = vector.broadcast %shift_right_arithmetic3A_692 : i32 to vector<16xi32>
      %shift_right_arithmetic3A_694 = arith.shrsi %get3A_655, %shift_right_arithmetic3A_693 : vector<16xi32>
      %shift_left3A_695 = arith.constant 10 : i32
      %shift_left3A_696 = vector.broadcast %shift_left3A_695 : i32 to vector<16xi32>
      %shift_left3A_697 = arith.shli %shift_right_arithmetic3A_694, %shift_left3A_696 : vector<16xi32>
      %add3A_698 = arith.addi %shift_left3A_691, %shift_left3A_697 : vector<16xi32>
      %and3A_699 = arith.constant 7 : i32
      %and3A_700 = vector.broadcast %and3A_699 : i32 to vector<16xi32>
      %and3A_701 = arith.andi %get3A_661, %and3A_700 : vector<16xi32>
      %shift_left3A_702 = arith.constant 7 : i32
      %shift_left3A_703 = vector.broadcast %shift_left3A_702 : i32 to vector<16xi32>
      %shift_left3A_704 = arith.shli %and3A_701, %shift_left3A_703 : vector<16xi32>
      %add3A_705 = arith.addi %add3A_698, %shift_left3A_704 : vector<16xi32>
      %and3A_706 = arith.constant 127 : i32
      %and3A_707 = vector.broadcast %and3A_706 : i32 to vector<16xi32>
      %and3A_708 = arith.andi %get3A_655, %and3A_707 : vector<16xi32>
      %add3A_709 = arith.addi %add3A_705, %and3A_708 : vector<16xi32>
      %swap3A_710 = arith.index_cast %add3A_649 : i32 to index
      %swap3A_711 = tpu.vector_load %arg8[%swap3A_710] {strides = array<i32>} : memref<5248xi32, #tpu.memory_space<vmem>>, vector<16xi32>,
      %swap3A_712 = vector.shape_cast %swap3A_711 : vector<16xi32> to vector<16xi32>
      %swap3A_713 = vector.shape_cast %add3A_709 : vector<16xi32> to vector<16xi32>
      tpu.vector_store %arg8[%swap3A_710], %swap3A_713 {strides = array<i32>} : memref<5248xi32, #tpu.memory_space<vmem>>, vector<16xi32>,
      %swap3A_714 = arith.index_cast %add3A_649 : i32 to index
      %swap3A_715 = tpu.vector_load %arg7[%swap3A_714] {strides = array<i32>} : memref<5248xi32, #tpu.memory_space<vmem>>, vector<16xi32>,
      %swap3A_716 = vector.shape_cast %swap3A_715 : vector<16xi32> to vector<16xi32>
      %swap3A_717 = vector.shape_cast %add3A_685 : vector<16xi32> to vector<16xi32>
      tpu.vector_store %arg7[%swap3A_714], %swap3A_717 {strides = array<i32>} : memref<5248xi32, #tpu.memory_space<vmem>>, vector<16xi32>,
      %mul3A_718 = arith.constant 128 : i32
      %mul3A_719 = arith.muli %scan3A_217, %mul3A_718 : i32
      %add3A_720 = arith.constant 112 : i32
      %add3A_721 = arith.addi %mul3A_719, %add3A_720 : i32
      %get3A_722 = arith.constant 0 : i32
      %get3A_723 = arith.index_cast %scan3A_217 : i32 to index
      %get3A_724 = arith.index_cast %get3A_722 : i32 to index
      %get3A_725 = arith.constant 112 : index
      %get3A_726 = tpu.vector_load %arg6[%get3A_723, %get3A_724, %get3A_725] {strides = array<i32>} : memref<41x2x128xi32, #tpu.memory_space<vmem>>, vector<1x1x16xi32>,
      %get3A_727 = vector.shape_cast %get3A_726 : vector<1x1x16xi32> to vector<16xi32>
      %get3A_728 = arith.constant 1 : i32
      %get3A_729 = arith.index_cast %scan3A_217 : i32 to index
      %get3A_730 = arith.index_cast %get3A_728 : i32 to index
      %get3A_731 = arith.constant 112 : index
      %get3A_732 = tpu.vector_load %arg6[%get3A_729, %get3A_730, %get3A_731] {strides = array<i32>} : memref<41x2x128xi32, #tpu.memory_space<vmem>>, vector<1x1x16xi32>,
      %get3A_733 = vector.shape_cast %get3A_732 : vector<1x1x16xi32> to vector<16xi32>
      %shift_right_arithmetic3A_734 = arith.constant 3 : i32
      %shift_right_arithmetic3A_735 = vector.broadcast %shift_right_arithmetic3A_734 : i32 to vector<16xi32>
      %shift_right_arithmetic3A_736 = arith.shrsi %get3A_727, %shift_right_arithmetic3A_735 : vector<16xi32>
      %shift_left3A_737 = arith.constant 15 : i32
      %shift_left3A_738 = vector.broadcast %shift_left3A_737 : i32 to vector<16xi32>
      %shift_left3A_739 = arith.shli %shift_right_arithmetic3A_736, %shift_left3A_738 : vector<16xi32>
      %shift_right_arithmetic3A_740 = arith.constant 7 : i32
      %shift_right_arithmetic3A_741 = vector.broadcast %shift_right_arithmetic3A_740 : i32 to vector<16xi32>
      %shift_right_arithmetic3A_742 = arith.shrsi %get3A_733, %shift_right_arithmetic3A_741 : vector<16xi32>
      %shift_left3A_743 = arith.constant 10 : i32
      %shift_left3A_744 = vector.broadcast %shift_left3A_743 : i32 to vector<16xi32>
      %shift_left3A_745 = arith.shli %shift_right_arithmetic3A_742, %shift_left3A_744 : vector<16xi32>
      %add3A_746 = arith.addi %shift_left3A_739, %shift_left3A_745 : vector<16xi32>
      %and3A_747 = arith.constant 7 : i32
      %and3A_748 = vector.broadcast %and3A_747 : i32 to vector<16xi32>
      %and3A_749 = arith.andi %get3A_727, %and3A_748 : vector<16xi32>
      %shift_left3A_750 = arith.constant 7 : i32
      %shift_left3A_751 = vector.broadcast %shift_left3A_750 : i32 to vector<16xi32>
      %shift_left3A_752 = arith.shli %and3A_749, %shift_left3A_751 : vector<16xi32>
      %add3A_753 = arith.addi %add3A_746, %shift_left3A_752 : vector<16xi32>
      %and3A_754 = arith.constant 127 : i32
      %and3A_755 = vector.broadcast %and3A_754 : i32 to vector<16xi32>
      %and3A_756 = arith.andi %get3A_733, %and3A_755 : vector<16xi32>
      %add3A_757 = arith.addi %add3A_753, %and3A_756 : vector<16xi32>
      %shift_right_arithmetic3A_758 = arith.constant 3 : i32
      %shift_right_arithmetic3A_759 = vector.broadcast %shift_right_arithmetic3A_758 : i32 to vector<16xi32>
      %shift_right_arithmetic3A_760 = arith.shrsi %get3A_733, %shift_right_arithmetic3A_759 : vector<16xi32>
      %shift_left3A_761 = arith.constant 15 : i32
      %shift_left3A_762 = vector.broadcast %shift_left3A_761 : i32 to vector<16xi32>
      %shift_left3A_763 = arith.shli %shift_right_arithmetic3A_760, %shift_left3A_762 : vector<16xi32>
      %shift_right_arithmetic3A_764 = arith.constant 7 : i32
      %shift_right_arithmetic3A_765 = vector.broadcast %shift_right_arithmetic3A_764 : i32 to vector<16xi32>
      %shift_right_arithmetic3A_766 = arith.shrsi %get3A_727, %shift_right_arithmetic3A_765 : vector<16xi32>
      %shift_left3A_767 = arith.constant 10 : i32
      %shift_left3A_768 = vector.broadcast %shift_left3A_767 : i32 to vector<16xi32>
      %shift_left3A_769 = arith.shli %shift_right_arithmetic3A_766, %shift_left3A_768 : vector<16xi32>
      %add3A_770 = arith.addi %shift_left3A_763, %shift_left3A_769 : vector<16xi32>
      %and3A_771 = arith.constant 7 : i32
      %and3A_772 = vector.broadcast %and3A_771 : i32 to vector<16xi32>
      %and3A_773 = arith.andi %get3A_733, %and3A_772 : vector<16xi32>
      %shift_left3A_774 = arith.constant 7 : i32
      %shift_left3A_775 = vector.broadcast %shift_left3A_774 : i32 to vector<16xi32>
      %shift_left3A_776 = arith.shli %and3A_773, %shift_left3A_775 : vector<16xi32>
      %add3A_777 = arith.addi %add3A_770, %shift_left3A_776 : vector<16xi32>
      %and3A_778 = arith.constant 127 : i32
      %and3A_779 = vector.broadcast %and3A_778 : i32 to vector<16xi32>
      %and3A_780 = arith.andi %get3A_727, %and3A_779 : vector<16xi32>
      %add3A_781 = arith.addi %add3A_777, %and3A_780 : vector<16xi32>
      %swap3A_782 = arith.index_cast %add3A_721 : i32 to index
      %swap3A_783 = tpu.vector_load %arg8[%swap3A_782] {strides = array<i32>} : memref<5248xi32, #tpu.memory_space<vmem>>, vector<16xi32>,
      %swap3A_784 = vector.shape_cast %swap3A_783 : vector<16xi32> to vector<16xi32>
      %swap3A_785 = vector.shape_cast %add3A_781 : vector<16xi32> to vector<16xi32>
      tpu.vector_store %arg8[%swap3A_782], %swap3A_785 {strides = array<i32>} : memref<5248xi32, #tpu.memory_space<vmem>>, vector<16xi32>,
      %swap3A_786 = arith.index_cast %add3A_721 : i32 to index
      %swap3A_787 = tpu.vector_load %arg7[%swap3A_786] {strides = array<i32>} : memref<5248xi32, #tpu.memory_space<vmem>>, vector<16xi32>,
      %swap3A_788 = vector.shape_cast %swap3A_787 : vector<16xi32> to vector<16xi32>
      %swap3A_789 = vector.shape_cast %add3A_757 : vector<16xi32> to vector<16xi32>
      tpu.vector_store %arg7[%swap3A_786], %swap3A_789 {strides = array<i32>} : memref<5248xi32, #tpu.memory_space<vmem>>, vector<16xi32>,
      %scan3A_790 = arith.constant 0 : i32
      scf.yield %scan3A_790 : i32
    }
    %scan3A_60 = arith.constant 10 : i32
    "tpu.trace_stop"() : () -> ()
    %dma_start3A_61 = arith.constant 2560 : i32
    %dma_start3A_62 = tpu.memref_slice %arg10[%dma_start3A_61] : memref<5248xf32, #tpu.memory_space<vmem>> -> memref<1280xf32, #tpu.memory_space<vmem>>
    %dma_start3A_63 = arith.constant 2560 : i32
    %dma_start3A_64 = tpu.memref_slice %arg7[%dma_start3A_63] : memref<5248xi32, #tpu.memory_space<vmem>> -> memref<1280xi32, #tpu.memory_space<vmem>>
    %dma_start3A_65 = arith.constant 0 : i32
    %dma_start3A_66 = tpu.memref_slice %arg4[%dma_start3A_65] : memref<16777216xf32, #tpu.memory_space<hbm>> -> memref<16777216xf32, #tpu.memory_space<hbm>>
    tpu.enqueue_indirect_dma source(%dma_start3A_66 : memref<16777216xf32, #tpu.memory_space<hbm>>) target(%dma_start3A_62 : memref<1280xf32, #tpu.memory_space<vmem>>) offsets(%dma_start3A_64 : memref<1280xi32, #tpu.memory_space<vmem>>) semaphore(%arg16 : memref<!tpu.dma_semaphore, #tpu.memory_space<semaphore_mem>>)
    %dma_start3A_67 = arith.constant 2560 : i32
    %dma_start3A_68 = tpu.memref_slice %arg11[%dma_start3A_67] : memref<5248xf32, #tpu.memory_space<vmem>> -> memref<1280xf32, #tpu.memory_space<vmem>>
    %dma_start3A_69 = arith.constant 2560 : i32
    %dma_start3A_70 = tpu.memref_slice %arg8[%dma_start3A_69] : memref<5248xi32, #tpu.memory_space<vmem>> -> memref<1280xi32, #tpu.memory_space<vmem>>
    %dma_start3A_71 = arith.constant 0 : i32
    %dma_start3A_72 = tpu.memref_slice %arg4[%dma_start3A_71] : memref<16777216xf32, #tpu.memory_space<hbm>> -> memref<16777216xf32, #tpu.memory_space<hbm>>
    tpu.enqueue_indirect_dma source(%dma_start3A_72 : memref<16777216xf32, #tpu.memory_space<hbm>>) target(%dma_start3A_68 : memref<1280xf32, #tpu.memory_space<vmem>>) offsets(%dma_start3A_70 : memref<1280xi32, #tpu.memory_space<vmem>>) semaphore(%arg16 : memref<!tpu.dma_semaphore, #tpu.memory_space<semaphore_mem>>)
    "tpu.trace_start"() <{level = 10 : i32, message = "idx_compute"}> : () -> ()
    %scan3A_73 = arith.constant 0 : i32
    %scan3A_74 = arith.constant 30 : i32
    %scan3A_75 = arith.constant 11 : i32
    %scan3A_76 = arith.addi %scan3A_74, %scan3A_75 : i32
    %scan3A_77 = arith.constant 1 : i32
    %scan3A_78 = scf.for %scan3A_217 = %scan3A_74 to %scan3A_76 step %scan3A_77 iter_args(%scan3A_218 = %scan3A_73) -> (i32)  : i32 {
      %mul3A_219 = arith.constant 128 : i32
      %mul3A_220 = arith.muli %scan3A_217, %mul3A_219 : i32
      %add3A_221 = arith.constant 0 : i32
      %add3A_222 = arith.addi %mul3A_220, %add3A_221 : i32
      %get3A = arith.constant 0 : i32
      %get3A_223 = arith.index_cast %scan3A_217 : i32 to index
      %get3A_224 = arith.index_cast %get3A : i32 to index
      %get3A_225 = arith.constant 0 : index
      %get3A_226 = tpu.vector_load %arg6[%get3A_223, %get3A_224, %get3A_225] {strides = array<i32>} : memref<41x2x128xi32, #tpu.memory_space<vmem>>, vector<1x1x16xi32>,
      %get3A_227 = vector.shape_cast %get3A_226 : vector<1x1x16xi32> to vector<16xi32>
      %get3A_228 = arith.constant 1 : i32
      %get3A_229 = arith.index_cast %scan3A_217 : i32 to index
      %get3A_230 = arith.index_cast %get3A_228 : i32 to index
      %get3A_231 = arith.constant 0 : index
      %get3A_232 = tpu.vector_load %arg6[%get3A_229, %get3A_230, %get3A_231] {strides = array<i32>} : memref<41x2x128xi32, #tpu.memory_space<vmem>>, vector<1x1x16xi32>,
      %get3A_233 = vector.shape_cast %get3A_232 : vector<1x1x16xi32> to vector<16xi32>
      %shift_right_arithmetic3A = arith.constant 3 : i32
      %shift_right_arithmetic3A_234 = vector.broadcast %shift_right_arithmetic3A : i32 to vector<16xi32>
      %shift_right_arithmetic3A_235 = arith.shrsi %get3A_227, %shift_right_arithmetic3A_234 : vector<16xi32>
      %shift_left3A = arith.constant 15 : i32
      %shift_left3A_236 = vector.broadcast %shift_left3A : i32 to vector<16xi32>
      %shift_left3A_237 = arith.shli %shift_right_arithmetic3A_235, %shift_left3A_236 : vector<16xi32>
      %shift_right_arithmetic3A_238 = arith.constant 7 : i32
      %shift_right_arithmetic3A_239 = vector.broadcast %shift_right_arithmetic3A_238 : i32 to vector<16xi32>
      %shift_right_arithmetic3A_240 = arith.shrsi %get3A_233, %shift_right_arithmetic3A_239 : vector<16xi32>
      %shift_left3A_241 = arith.constant 10 : i32
      %shift_left3A_242 = vector.broadcast %shift_left3A_241 : i32 to vector<16xi32>
      %shift_left3A_243 = arith.shli %shift_right_arithmetic3A_240, %shift_left3A_242 : vector<16xi32>
      %add3A_244 = arith.addi %shift_left3A_237, %shift_left3A_243 : vector<16xi32>
      %and3A = arith.constant 7 : i32
      %and3A_245 = vector.broadcast %and3A : i32 to vector<16xi32>
      %and3A_246 = arith.andi %get3A_227, %and3A_245 : vector<16xi32>
      %shift_left3A_247 = arith.constant 7 : i32
      %shift_left3A_248 = vector.broadcast %shift_left3A_247 : i32 to vector<16xi32>
      %shift_left3A_249 = arith.shli %and3A_246, %shift_left3A_248 : vector<16xi32>
      %add3A_250 = arith.addi %add3A_244, %shift_left3A_249 : vector<16xi32>
      %and3A_251 = arith.constant 127 : i32
      %and3A_252 = vector.broadcast %and3A_251 : i32 to vector<16xi32>
      %and3A_253 = arith.andi %get3A_233, %and3A_252 : vector<16xi32>
      %add3A_254 = arith.addi %add3A_250, %and3A_253 : vector<16xi32>
      %shift_right_arithmetic3A_255 = arith.constant 3 : i32
      %shift_right_arithmetic3A_256 = vector.broadcast %shift_right_arithmetic3A_255 : i32 to vector<16xi32>
      %shift_right_arithmetic3A_257 = arith.shrsi %get3A_233, %shift_right_arithmetic3A_256 : vector<16xi32>
      %shift_left3A_258 = arith.constant 15 : i32
      %shift_left3A_259 = vector.broadcast %shift_left3A_258 : i32 to vector<16xi32>
      %shift_left3A_260 = arith.shli %shift_right_arithmetic3A_257, %shift_left3A_259 : vector<16xi32>
      %shift_right_arithmetic3A_261 = arith.constant 7 : i32
      %shift_right_arithmetic3A_262 = vector.broadcast %shift_right_arithmetic3A_261 : i32 to vector<16xi32>
      %shift_right_arithmetic3A_263 = arith.shrsi %get3A_227, %shift_right_arithmetic3A_262 : vector<16xi32>
      %shift_left3A_264 = arith.constant 10 : i32
      %shift_left3A_265 = vector.broadcast %shift_left3A_264 : i32 to vector<16xi32>
      %shift_left3A_266 = arith.shli %shift_right_arithmetic3A_263, %shift_left3A_265 : vector<16xi32>
      %add3A_267 = arith.addi %shift_left3A_260, %shift_left3A_266 : vector<16xi32>
      %and3A_268 = arith.constant 7 : i32
      %and3A_269 = vector.broadcast %and3A_268 : i32 to vector<16xi32>
      %and3A_270 = arith.andi %get3A_233, %and3A_269 : vector<16xi32>
      %shift_left3A_271 = arith.constant 7 : i32
      %shift_left3A_272 = vector.broadcast %shift_left3A_271 : i32 to vector<16xi32>
      %shift_left3A_273 = arith.shli %and3A_270, %shift_left3A_272 : vector<16xi32>
      %add3A_274 = arith.addi %add3A_267, %shift_left3A_273 : vector<16xi32>
      %and3A_275 = arith.constant 127 : i32
      %and3A_276 = vector.broadcast %and3A_275 : i32 to vector<16xi32>
      %and3A_277 = arith.andi %get3A_227, %and3A_276 : vector<16xi32>
      %add3A_278 = arith.addi %add3A_274, %and3A_277 : vector<16xi32>
      %swap3A = arith.index_cast %add3A_222 : i32 to index
      %swap3A_279 = tpu.vector_load %arg8[%swap3A] {strides = array<i32>} : memref<5248xi32, #tpu.memory_space<vmem>>, vector<16xi32>,
      %swap3A_280 = vector.shape_cast %swap3A_279 : vector<16xi32> to vector<16xi32>
      %swap3A_281 = vector.shape_cast %add3A_278 : vector<16xi32> to vector<16xi32>
      tpu.vector_store %arg8[%swap3A], %swap3A_281 {strides = array<i32>} : memref<5248xi32, #tpu.memory_space<vmem>>, vector<16xi32>,
      %swap3A_282 = arith.index_cast %add3A_222 : i32 to index
      %swap3A_283 = tpu.vector_load %arg7[%swap3A_282] {strides = array<i32>} : memref<5248xi32, #tpu.memory_space<vmem>>, vector<16xi32>,
      %swap3A_284 = vector.shape_cast %swap3A_283 : vector<16xi32> to vector<16xi32>
      %swap3A_285 = vector.shape_cast %add3A_254 : vector<16xi32> to vector<16xi32>
      tpu.vector_store %arg7[%swap3A_282], %swap3A_285 {strides = array<i32>} : memref<5248xi32, #tpu.memory_space<vmem>>, vector<16xi32>,
      %mul3A_286 = arith.constant 128 : i32
      %mul3A_287 = arith.muli %scan3A_217, %mul3A_286 : i32
      %add3A_288 = arith.constant 16 : i32
      %add3A_289 = arith.addi %mul3A_287, %add3A_288 : i32
      %get3A_290 = arith.constant 0 : i32
      %get3A_291 = arith.index_cast %scan3A_217 : i32 to index
      %get3A_292 = arith.index_cast %get3A_290 : i32 to index
      %get3A_293 = arith.constant 16 : index
      %get3A_294 = tpu.vector_load %arg6[%get3A_291, %get3A_292, %get3A_293] {strides = array<i32>} : memref<41x2x128xi32, #tpu.memory_space<vmem>>, vector<1x1x16xi32>,
      %get3A_295 = vector.shape_cast %get3A_294 : vector<1x1x16xi32> to vector<16xi32>
      %get3A_296 = arith.constant 1 : i32
      %get3A_297 = arith.index_cast %scan3A_217 : i32 to index
      %get3A_298 = arith.index_cast %get3A_296 : i32 to index
      %get3A_299 = arith.constant 16 : index
      %get3A_300 = tpu.vector_load %arg6[%get3A_297, %get3A_298, %get3A_299] {strides = array<i32>} : memref<41x2x128xi32, #tpu.memory_space<vmem>>, vector<1x1x16xi32>,
      %get3A_301 = vector.shape_cast %get3A_300 : vector<1x1x16xi32> to vector<16xi32>
      %shift_right_arithmetic3A_302 = arith.constant 3 : i32
      %shift_right_arithmetic3A_303 = vector.broadcast %shift_right_arithmetic3A_302 : i32 to vector<16xi32>
      %shift_right_arithmetic3A_304 = arith.shrsi %get3A_295, %shift_right_arithmetic3A_303 : vector<16xi32>
      %shift_left3A_305 = arith.constant 15 : i32
      %shift_left3A_306 = vector.broadcast %shift_left3A_305 : i32 to vector<16xi32>
      %shift_left3A_307 = arith.shli %shift_right_arithmetic3A_304, %shift_left3A_306 : vector<16xi32>
      %shift_right_arithmetic3A_308 = arith.constant 7 : i32
      %shift_right_arithmetic3A_309 = vector.broadcast %shift_right_arithmetic3A_308 : i32 to vector<16xi32>
      %shift_right_arithmetic3A_310 = arith.shrsi %get3A_301, %shift_right_arithmetic3A_309 : vector<16xi32>
      %shift_left3A_311 = arith.constant 10 : i32
      %shift_left3A_312 = vector.broadcast %shift_left3A_311 : i32 to vector<16xi32>
      %shift_left3A_313 = arith.shli %shift_right_arithmetic3A_310, %shift_left3A_312 : vector<16xi32>
      %add3A_314 = arith.addi %shift_left3A_307, %shift_left3A_313 : vector<16xi32>
      %and3A_315 = arith.constant 7 : i32
      %and3A_316 = vector.broadcast %and3A_315 : i32 to vector<16xi32>
      %and3A_317 = arith.andi %get3A_295, %and3A_316 : vector<16xi32>
      %shift_left3A_318 = arith.constant 7 : i32
      %shift_left3A_319 = vector.broadcast %shift_left3A_318 : i32 to vector<16xi32>
      %shift_left3A_320 = arith.shli %and3A_317, %shift_left3A_319 : vector<16xi32>
      %add3A_321 = arith.addi %add3A_314, %shift_left3A_320 : vector<16xi32>
      %and3A_322 = arith.constant 127 : i32
      %and3A_323 = vector.broadcast %and3A_322 : i32 to vector<16xi32>
      %and3A_324 = arith.andi %get3A_301, %and3A_323 : vector<16xi32>
      %add3A_325 = arith.addi %add3A_321, %and3A_324 : vector<16xi32>
      %shift_right_arithmetic3A_326 = arith.constant 3 : i32
      %shift_right_arithmetic3A_327 = vector.broadcast %shift_right_arithmetic3A_326 : i32 to vector<16xi32>
      %shift_right_arithmetic3A_328 = arith.shrsi %get3A_301, %shift_right_arithmetic3A_327 : vector<16xi32>
      %shift_left3A_329 = arith.constant 15 : i32
      %shift_left3A_330 = vector.broadcast %shift_left3A_329 : i32 to vector<16xi32>
      %shift_left3A_331 = arith.shli %shift_right_arithmetic3A_328, %shift_left3A_330 : vector<16xi32>
      %shift_right_arithmetic3A_332 = arith.constant 7 : i32
      %shift_right_arithmetic3A_333 = vector.broadcast %shift_right_arithmetic3A_332 : i32 to vector<16xi32>
      %shift_right_arithmetic3A_334 = arith.shrsi %get3A_295, %shift_right_arithmetic3A_333 : vector<16xi32>
      %shift_left3A_335 = arith.constant 10 : i32
      %shift_left3A_336 = vector.broadcast %shift_left3A_335 : i32 to vector<16xi32>
      %shift_left3A_337 = arith.shli %shift_right_arithmetic3A_334, %shift_left3A_336 : vector<16xi32>
      %add3A_338 = arith.addi %shift_left3A_331, %shift_left3A_337 : vector<16xi32>
      %and3A_339 = arith.constant 7 : i32
      %and3A_340 = vector.broadcast %and3A_339 : i32 to vector<16xi32>
      %and3A_341 = arith.andi %get3A_301, %and3A_340 : vector<16xi32>
      %shift_left3A_342 = arith.constant 7 : i32
      %shift_left3A_343 = vector.broadcast %shift_left3A_342 : i32 to vector<16xi32>
      %shift_left3A_344 = arith.shli %and3A_341, %shift_left3A_343 : vector<16xi32>
      %add3A_345 = arith.addi %add3A_338, %shift_left3A_344 : vector<16xi32>
      %and3A_346 = arith.constant 127 : i32
      %and3A_347 = vector.broadcast %and3A_346 : i32 to vector<16xi32>
      %and3A_348 = arith.andi %get3A_295, %and3A_347 : vector<16xi32>
      %add3A_349 = arith.addi %add3A_345, %and3A_348 : vector<16xi32>
      %swap3A_350 = arith.index_cast %add3A_289 : i32 to index
      %swap3A_351 = tpu.vector_load %arg8[%swap3A_350] {strides = array<i32>} : memref<5248xi32, #tpu.memory_space<vmem>>, vector<16xi32>,
      %swap3A_352 = vector.shape_cast %swap3A_351 : vector<16xi32> to vector<16xi32>
      %swap3A_353 = vector.shape_cast %add3A_349 : vector<16xi32> to vector<16xi32>
      tpu.vector_store %arg8[%swap3A_350], %swap3A_353 {strides = array<i32>} : memref<5248xi32, #tpu.memory_space<vmem>>, vector<16xi32>,
      %swap3A_354 = arith.index_cast %add3A_289 : i32 to index
      %swap3A_355 = tpu.vector_load %arg7[%swap3A_354] {strides = array<i32>} : memref<5248xi32, #tpu.memory_space<vmem>>, vector<16xi32>,
      %swap3A_356 = vector.shape_cast %swap3A_355 : vector<16xi32> to vector<16xi32>
      %swap3A_357 = vector.shape_cast %add3A_325 : vector<16xi32> to vector<16xi32>
      tpu.vector_store %arg7[%swap3A_354], %swap3A_357 {strides = array<i32>} : memref<5248xi32, #tpu.memory_space<vmem>>, vector<16xi32>,
      %mul3A_358 = arith.constant 128 : i32
      %mul3A_359 = arith.muli %scan3A_217, %mul3A_358 : i32
      %add3A_360 = arith.constant 32 : i32
      %add3A_361 = arith.addi %mul3A_359, %add3A_360 : i32
      %get3A_362 = arith.constant 0 : i32
      %get3A_363 = arith.index_cast %scan3A_217 : i32 to index
      %get3A_364 = arith.index_cast %get3A_362 : i32 to index
      %get3A_365 = arith.constant 32 : index
      %get3A_366 = tpu.vector_load %arg6[%get3A_363, %get3A_364, %get3A_365] {strides = array<i32>} : memref<41x2x128xi32, #tpu.memory_space<vmem>>, vector<1x1x16xi32>,
      %get3A_367 = vector.shape_cast %get3A_366 : vector<1x1x16xi32> to vector<16xi32>
      %get3A_368 = arith.constant 1 : i32
      %get3A_369 = arith.index_cast %scan3A_217 : i32 to index
      %get3A_370 = arith.index_cast %get3A_368 : i32 to index
      %get3A_371 = arith.constant 32 : index
      %get3A_372 = tpu.vector_load %arg6[%get3A_369, %get3A_370, %get3A_371] {strides = array<i32>} : memref<41x2x128xi32, #tpu.memory_space<vmem>>, vector<1x1x16xi32>,
      %get3A_373 = vector.shape_cast %get3A_372 : vector<1x1x16xi32> to vector<16xi32>
      %shift_right_arithmetic3A_374 = arith.constant 3 : i32
      %shift_right_arithmetic3A_375 = vector.broadcast %shift_right_arithmetic3A_374 : i32 to vector<16xi32>
      %shift_right_arithmetic3A_376 = arith.shrsi %get3A_367, %shift_right_arithmetic3A_375 : vector<16xi32>
      %shift_left3A_377 = arith.constant 15 : i32
      %shift_left3A_378 = vector.broadcast %shift_left3A_377 : i32 to vector<16xi32>
      %shift_left3A_379 = arith.shli %shift_right_arithmetic3A_376, %shift_left3A_378 : vector<16xi32>
      %shift_right_arithmetic3A_380 = arith.constant 7 : i32
      %shift_right_arithmetic3A_381 = vector.broadcast %shift_right_arithmetic3A_380 : i32 to vector<16xi32>
      %shift_right_arithmetic3A_382 = arith.shrsi %get3A_373, %shift_right_arithmetic3A_381 : vector<16xi32>
      %shift_left3A_383 = arith.constant 10 : i32
      %shift_left3A_384 = vector.broadcast %shift_left3A_383 : i32 to vector<16xi32>
      %shift_left3A_385 = arith.shli %shift_right_arithmetic3A_382, %shift_left3A_384 : vector<16xi32>
      %add3A_386 = arith.addi %shift_left3A_379, %shift_left3A_385 : vector<16xi32>
      %and3A_387 = arith.constant 7 : i32
      %and3A_388 = vector.broadcast %and3A_387 : i32 to vector<16xi32>
      %and3A_389 = arith.andi %get3A_367, %and3A_388 : vector<16xi32>
      %shift_left3A_390 = arith.constant 7 : i32
      %shift_left3A_391 = vector.broadcast %shift_left3A_390 : i32 to vector<16xi32>
      %shift_left3A_392 = arith.shli %and3A_389, %shift_left3A_391 : vector<16xi32>
      %add3A_393 = arith.addi %add3A_386, %shift_left3A_392 : vector<16xi32>
      %and3A_394 = arith.constant 127 : i32
      %and3A_395 = vector.broadcast %and3A_394 : i32 to vector<16xi32>
      %and3A_396 = arith.andi %get3A_373, %and3A_395 : vector<16xi32>
      %add3A_397 = arith.addi %add3A_393, %and3A_396 : vector<16xi32>
      %shift_right_arithmetic3A_398 = arith.constant 3 : i32
      %shift_right_arithmetic3A_399 = vector.broadcast %shift_right_arithmetic3A_398 : i32 to vector<16xi32>
      %shift_right_arithmetic3A_400 = arith.shrsi %get3A_373, %shift_right_arithmetic3A_399 : vector<16xi32>
      %shift_left3A_401 = arith.constant 15 : i32
      %shift_left3A_402 = vector.broadcast %shift_left3A_401 : i32 to vector<16xi32>
      %shift_left3A_403 = arith.shli %shift_right_arithmetic3A_400, %shift_left3A_402 : vector<16xi32>
      %shift_right_arithmetic3A_404 = arith.constant 7 : i32
      %shift_right_arithmetic3A_405 = vector.broadcast %shift_right_arithmetic3A_404 : i32 to vector<16xi32>
      %shift_right_arithmetic3A_406 = arith.shrsi %get3A_367, %shift_right_arithmetic3A_405 : vector<16xi32>
      %shift_left3A_407 = arith.constant 10 : i32
      %shift_left3A_408 = vector.broadcast %shift_left3A_407 : i32 to vector<16xi32>
      %shift_left3A_409 = arith.shli %shift_right_arithmetic3A_406, %shift_left3A_408 : vector<16xi32>
      %add3A_410 = arith.addi %shift_left3A_403, %shift_left3A_409 : vector<16xi32>
      %and3A_411 = arith.constant 7 : i32
      %and3A_412 = vector.broadcast %and3A_411 : i32 to vector<16xi32>
      %and3A_413 = arith.andi %get3A_373, %and3A_412 : vector<16xi32>
      %shift_left3A_414 = arith.constant 7 : i32
      %shift_left3A_415 = vector.broadcast %shift_left3A_414 : i32 to vector<16xi32>
      %shift_left3A_416 = arith.shli %and3A_413, %shift_left3A_415 : vector<16xi32>
      %add3A_417 = arith.addi %add3A_410, %shift_left3A_416 : vector<16xi32>
      %and3A_418 = arith.constant 127 : i32
      %and3A_419 = vector.broadcast %and3A_418 : i32 to vector<16xi32>
      %and3A_420 = arith.andi %get3A_367, %and3A_419 : vector<16xi32>
      %add3A_421 = arith.addi %add3A_417, %and3A_420 : vector<16xi32>
      %swap3A_422 = arith.index_cast %add3A_361 : i32 to index
      %swap3A_423 = tpu.vector_load %arg8[%swap3A_422] {strides = array<i32>} : memref<5248xi32, #tpu.memory_space<vmem>>, vector<16xi32>,
      %swap3A_424 = vector.shape_cast %swap3A_423 : vector<16xi32> to vector<16xi32>
      %swap3A_425 = vector.shape_cast %add3A_421 : vector<16xi32> to vector<16xi32>
      tpu.vector_store %arg8[%swap3A_422], %swap3A_425 {strides = array<i32>} : memref<5248xi32, #tpu.memory_space<vmem>>, vector<16xi32>,
      %swap3A_426 = arith.index_cast %add3A_361 : i32 to index
      %swap3A_427 = tpu.vector_load %arg7[%swap3A_426] {strides = array<i32>} : memref<5248xi32, #tpu.memory_space<vmem>>, vector<16xi32>,
      %swap3A_428 = vector.shape_cast %swap3A_427 : vector<16xi32> to vector<16xi32>
      %swap3A_429 = vector.shape_cast %add3A_397 : vector<16xi32> to vector<16xi32>
      tpu.vector_store %arg7[%swap3A_426], %swap3A_429 {strides = array<i32>} : memref<5248xi32, #tpu.memory_space<vmem>>, vector<16xi32>,
      %mul3A_430 = arith.constant 128 : i32
      %mul3A_431 = arith.muli %scan3A_217, %mul3A_430 : i32
      %add3A_432 = arith.constant 48 : i32
      %add3A_433 = arith.addi %mul3A_431, %add3A_432 : i32
      %get3A_434 = arith.constant 0 : i32
      %get3A_435 = arith.index_cast %scan3A_217 : i32 to index
      %get3A_436 = arith.index_cast %get3A_434 : i32 to index
      %get3A_437 = arith.constant 48 : index
      %get3A_438 = tpu.vector_load %arg6[%get3A_435, %get3A_436, %get3A_437] {strides = array<i32>} : memref<41x2x128xi32, #tpu.memory_space<vmem>>, vector<1x1x16xi32>,
      %get3A_439 = vector.shape_cast %get3A_438 : vector<1x1x16xi32> to vector<16xi32>
      %get3A_440 = arith.constant 1 : i32
      %get3A_441 = arith.index_cast %scan3A_217 : i32 to index
      %get3A_442 = arith.index_cast %get3A_440 : i32 to index
      %get3A_443 = arith.constant 48 : index
      %get3A_444 = tpu.vector_load %arg6[%get3A_441, %get3A_442, %get3A_443] {strides = array<i32>} : memref<41x2x128xi32, #tpu.memory_space<vmem>>, vector<1x1x16xi32>,
      %get3A_445 = vector.shape_cast %get3A_444 : vector<1x1x16xi32> to vector<16xi32>
      %shift_right_arithmetic3A_446 = arith.constant 3 : i32
      %shift_right_arithmetic3A_447 = vector.broadcast %shift_right_arithmetic3A_446 : i32 to vector<16xi32>
      %shift_right_arithmetic3A_448 = arith.shrsi %get3A_439, %shift_right_arithmetic3A_447 : vector<16xi32>
      %shift_left3A_449 = arith.constant 15 : i32
      %shift_left3A_450 = vector.broadcast %shift_left3A_449 : i32 to vector<16xi32>
      %shift_left3A_451 = arith.shli %shift_right_arithmetic3A_448, %shift_left3A_450 : vector<16xi32>
      %shift_right_arithmetic3A_452 = arith.constant 7 : i32
      %shift_right_arithmetic3A_453 = vector.broadcast %shift_right_arithmetic3A_452 : i32 to vector<16xi32>
      %shift_right_arithmetic3A_454 = arith.shrsi %get3A_445, %shift_right_arithmetic3A_453 : vector<16xi32>
      %shift_left3A_455 = arith.constant 10 : i32
      %shift_left3A_456 = vector.broadcast %shift_left3A_455 : i32 to vector<16xi32>
      %shift_left3A_457 = arith.shli %shift_right_arithmetic3A_454, %shift_left3A_456 : vector<16xi32>
      %add3A_458 = arith.addi %shift_left3A_451, %shift_left3A_457 : vector<16xi32>
      %and3A_459 = arith.constant 7 : i32
      %and3A_460 = vector.broadcast %and3A_459 : i32 to vector<16xi32>
      %and3A_461 = arith.andi %get3A_439, %and3A_460 : vector<16xi32>
      %shift_left3A_462 = arith.constant 7 : i32
      %shift_left3A_463 = vector.broadcast %shift_left3A_462 : i32 to vector<16xi32>
      %shift_left3A_464 = arith.shli %and3A_461, %shift_left3A_463 : vector<16xi32>
      %add3A_465 = arith.addi %add3A_458, %shift_left3A_464 : vector<16xi32>
      %and3A_466 = arith.constant 127 : i32
      %and3A_467 = vector.broadcast %and3A_466 : i32 to vector<16xi32>
      %and3A_468 = arith.andi %get3A_445, %and3A_467 : vector<16xi32>
      %add3A_469 = arith.addi %add3A_465, %and3A_468 : vector<16xi32>
      %shift_right_arithmetic3A_470 = arith.constant 3 : i32
      %shift_right_arithmetic3A_471 = vector.broadcast %shift_right_arithmetic3A_470 : i32 to vector<16xi32>
      %shift_right_arithmetic3A_472 = arith.shrsi %get3A_445, %shift_right_arithmetic3A_471 : vector<16xi32>
      %shift_left3A_473 = arith.constant 15 : i32
      %shift_left3A_474 = vector.broadcast %shift_left3A_473 : i32 to vector<16xi32>
      %shift_left3A_475 = arith.shli %shift_right_arithmetic3A_472, %shift_left3A_474 : vector<16xi32>
      %shift_right_arithmetic3A_476 = arith.constant 7 : i32
      %shift_right_arithmetic3A_477 = vector.broadcast %shift_right_arithmetic3A_476 : i32 to vector<16xi32>
      %shift_right_arithmetic3A_478 = arith.shrsi %get3A_439, %shift_right_arithmetic3A_477 : vector<16xi32>
      %shift_left3A_479 = arith.constant 10 : i32
      %shift_left3A_480 = vector.broadcast %shift_left3A_479 : i32 to vector<16xi32>
      %shift_left3A_481 = arith.shli %shift_right_arithmetic3A_478, %shift_left3A_480 : vector<16xi32>
      %add3A_482 = arith.addi %shift_left3A_475, %shift_left3A_481 : vector<16xi32>
      %and3A_483 = arith.constant 7 : i32
      %and3A_484 = vector.broadcast %and3A_483 : i32 to vector<16xi32>
      %and3A_485 = arith.andi %get3A_445, %and3A_484 : vector<16xi32>
      %shift_left3A_486 = arith.constant 7 : i32
      %shift_left3A_487 = vector.broadcast %shift_left3A_486 : i32 to vector<16xi32>
      %shift_left3A_488 = arith.shli %and3A_485, %shift_left3A_487 : vector<16xi32>
      %add3A_489 = arith.addi %add3A_482, %shift_left3A_488 : vector<16xi32>
      %and3A_490 = arith.constant 127 : i32
      %and3A_491 = vector.broadcast %and3A_490 : i32 to vector<16xi32>
      %and3A_492 = arith.andi %get3A_439, %and3A_491 : vector<16xi32>
      %add3A_493 = arith.addi %add3A_489, %and3A_492 : vector<16xi32>
      %swap3A_494 = arith.index_cast %add3A_433 : i32 to index
      %swap3A_495 = tpu.vector_load %arg8[%swap3A_494] {strides = array<i32>} : memref<5248xi32, #tpu.memory_space<vmem>>, vector<16xi32>,
      %swap3A_496 = vector.shape_cast %swap3A_495 : vector<16xi32> to vector<16xi32>
      %swap3A_497 = vector.shape_cast %add3A_493 : vector<16xi32> to vector<16xi32>
      tpu.vector_store %arg8[%swap3A_494], %swap3A_497 {strides = array<i32>} : memref<5248xi32, #tpu.memory_space<vmem>>, vector<16xi32>,
      %swap3A_498 = arith.index_cast %add3A_433 : i32 to index
      %swap3A_499 = tpu.vector_load %arg7[%swap3A_498] {strides = array<i32>} : memref<5248xi32, #tpu.memory_space<vmem>>, vector<16xi32>,
      %swap3A_500 = vector.shape_cast %swap3A_499 : vector<16xi32> to vector<16xi32>
      %swap3A_501 = vector.shape_cast %add3A_469 : vector<16xi32> to vector<16xi32>
      tpu.vector_store %arg7[%swap3A_498], %swap3A_501 {strides = array<i32>} : memref<5248xi32, #tpu.memory_space<vmem>>, vector<16xi32>,
      %mul3A_502 = arith.constant 128 : i32
      %mul3A_503 = arith.muli %scan3A_217, %mul3A_502 : i32
      %add3A_504 = arith.constant 64 : i32
      %add3A_505 = arith.addi %mul3A_503, %add3A_504 : i32
      %get3A_506 = arith.constant 0 : i32
      %get3A_507 = arith.index_cast %scan3A_217 : i32 to index
      %get3A_508 = arith.index_cast %get3A_506 : i32 to index
      %get3A_509 = arith.constant 64 : index
      %get3A_510 = tpu.vector_load %arg6[%get3A_507, %get3A_508, %get3A_509] {strides = array<i32>} : memref<41x2x128xi32, #tpu.memory_space<vmem>>, vector<1x1x16xi32>,
      %get3A_511 = vector.shape_cast %get3A_510 : vector<1x1x16xi32> to vector<16xi32>
      %get3A_512 = arith.constant 1 : i32
      %get3A_513 = arith.index_cast %scan3A_217 : i32 to index
      %get3A_514 = arith.index_cast %get3A_512 : i32 to index
      %get3A_515 = arith.constant 64 : index
      %get3A_516 = tpu.vector_load %arg6[%get3A_513, %get3A_514, %get3A_515] {strides = array<i32>} : memref<41x2x128xi32, #tpu.memory_space<vmem>>, vector<1x1x16xi32>,
      %get3A_517 = vector.shape_cast %get3A_516 : vector<1x1x16xi32> to vector<16xi32>
      %shift_right_arithmetic3A_518 = arith.constant 3 : i32
      %shift_right_arithmetic3A_519 = vector.broadcast %shift_right_arithmetic3A_518 : i32 to vector<16xi32>
      %shift_right_arithmetic3A_520 = arith.shrsi %get3A_511, %shift_right_arithmetic3A_519 : vector<16xi32>
      %shift_left3A_521 = arith.constant 15 : i32
      %shift_left3A_522 = vector.broadcast %shift_left3A_521 : i32 to vector<16xi32>
      %shift_left3A_523 = arith.shli %shift_right_arithmetic3A_520, %shift_left3A_522 : vector<16xi32>
      %shift_right_arithmetic3A_524 = arith.constant 7 : i32
      %shift_right_arithmetic3A_525 = vector.broadcast %shift_right_arithmetic3A_524 : i32 to vector<16xi32>
      %shift_right_arithmetic3A_526 = arith.shrsi %get3A_517, %shift_right_arithmetic3A_525 : vector<16xi32>
      %shift_left3A_527 = arith.constant 10 : i32
      %shift_left3A_528 = vector.broadcast %shift_left3A_527 : i32 to vector<16xi32>
      %shift_left3A_529 = arith.shli %shift_right_arithmetic3A_526, %shift_left3A_528 : vector<16xi32>
      %add3A_530 = arith.addi %shift_left3A_523, %shift_left3A_529 : vector<16xi32>
      %and3A_531 = arith.constant 7 : i32
      %and3A_532 = vector.broadcast %and3A_531 : i32 to vector<16xi32>
      %and3A_533 = arith.andi %get3A_511, %and3A_532 : vector<16xi32>
      %shift_left3A_534 = arith.constant 7 : i32
      %shift_left3A_535 = vector.broadcast %shift_left3A_534 : i32 to vector<16xi32>
      %shift_left3A_536 = arith.shli %and3A_533, %shift_left3A_535 : vector<16xi32>
      %add3A_537 = arith.addi %add3A_530, %shift_left3A_536 : vector<16xi32>
      %and3A_538 = arith.constant 127 : i32
      %and3A_539 = vector.broadcast %and3A_538 : i32 to vector<16xi32>
      %and3A_540 = arith.andi %get3A_517, %and3A_539 : vector<16xi32>
      %add3A_541 = arith.addi %add3A_537, %and3A_540 : vector<16xi32>
      %shift_right_arithmetic3A_542 = arith.constant 3 : i32
      %shift_right_arithmetic3A_543 = vector.broadcast %shift_right_arithmetic3A_542 : i32 to vector<16xi32>
      %shift_right_arithmetic3A_544 = arith.shrsi %get3A_517, %shift_right_arithmetic3A_543 : vector<16xi32>
      %shift_left3A_545 = arith.constant 15 : i32
      %shift_left3A_546 = vector.broadcast %shift_left3A_545 : i32 to vector<16xi32>
      %shift_left3A_547 = arith.shli %shift_right_arithmetic3A_544, %shift_left3A_546 : vector<16xi32>
      %shift_right_arithmetic3A_548 = arith.constant 7 : i32
      %shift_right_arithmetic3A_549 = vector.broadcast %shift_right_arithmetic3A_548 : i32 to vector<16xi32>
      %shift_right_arithmetic3A_550 = arith.shrsi %get3A_511, %shift_right_arithmetic3A_549 : vector<16xi32>
      %shift_left3A_551 = arith.constant 10 : i32
      %shift_left3A_552 = vector.broadcast %shift_left3A_551 : i32 to vector<16xi32>
      %shift_left3A_553 = arith.shli %shift_right_arithmetic3A_550, %shift_left3A_552 : vector<16xi32>
      %add3A_554 = arith.addi %shift_left3A_547, %shift_left3A_553 : vector<16xi32>
      %and3A_555 = arith.constant 7 : i32
      %and3A_556 = vector.broadcast %and3A_555 : i32 to vector<16xi32>
      %and3A_557 = arith.andi %get3A_517, %and3A_556 : vector<16xi32>
      %shift_left3A_558 = arith.constant 7 : i32
      %shift_left3A_559 = vector.broadcast %shift_left3A_558 : i32 to vector<16xi32>
      %shift_left3A_560 = arith.shli %and3A_557, %shift_left3A_559 : vector<16xi32>
      %add3A_561 = arith.addi %add3A_554, %shift_left3A_560 : vector<16xi32>
      %and3A_562 = arith.constant 127 : i32
      %and3A_563 = vector.broadcast %and3A_562 : i32 to vector<16xi32>
      %and3A_564 = arith.andi %get3A_511, %and3A_563 : vector<16xi32>
      %add3A_565 = arith.addi %add3A_561, %and3A_564 : vector<16xi32>
      %swap3A_566 = arith.index_cast %add3A_505 : i32 to index
      %swap3A_567 = tpu.vector_load %arg8[%swap3A_566] {strides = array<i32>} : memref<5248xi32, #tpu.memory_space<vmem>>, vector<16xi32>,
      %swap3A_568 = vector.shape_cast %swap3A_567 : vector<16xi32> to vector<16xi32>
      %swap3A_569 = vector.shape_cast %add3A_565 : vector<16xi32> to vector<16xi32>
      tpu.vector_store %arg8[%swap3A_566], %swap3A_569 {strides = array<i32>} : memref<5248xi32, #tpu.memory_space<vmem>>, vector<16xi32>,
      %swap3A_570 = arith.index_cast %add3A_505 : i32 to index
      %swap3A_571 = tpu.vector_load %arg7[%swap3A_570] {strides = array<i32>} : memref<5248xi32, #tpu.memory_space<vmem>>, vector<16xi32>,
      %swap3A_572 = vector.shape_cast %swap3A_571 : vector<16xi32> to vector<16xi32>
      %swap3A_573 = vector.shape_cast %add3A_541 : vector<16xi32> to vector<16xi32>
      tpu.vector_store %arg7[%swap3A_570], %swap3A_573 {strides = array<i32>} : memref<5248xi32, #tpu.memory_space<vmem>>, vector<16xi32>,
      %mul3A_574 = arith.constant 128 : i32
      %mul3A_575 = arith.muli %scan3A_217, %mul3A_574 : i32
      %add3A_576 = arith.constant 80 : i32
      %add3A_577 = arith.addi %mul3A_575, %add3A_576 : i32
      %get3A_578 = arith.constant 0 : i32
      %get3A_579 = arith.index_cast %scan3A_217 : i32 to index
      %get3A_580 = arith.index_cast %get3A_578 : i32 to index
      %get3A_581 = arith.constant 80 : index
      %get3A_582 = tpu.vector_load %arg6[%get3A_579, %get3A_580, %get3A_581] {strides = array<i32>} : memref<41x2x128xi32, #tpu.memory_space<vmem>>, vector<1x1x16xi32>,
      %get3A_583 = vector.shape_cast %get3A_582 : vector<1x1x16xi32> to vector<16xi32>
      %get3A_584 = arith.constant 1 : i32
      %get3A_585 = arith.index_cast %scan3A_217 : i32 to index
      %get3A_586 = arith.index_cast %get3A_584 : i32 to index
      %get3A_587 = arith.constant 80 : index
      %get3A_588 = tpu.vector_load %arg6[%get3A_585, %get3A_586, %get3A_587] {strides = array<i32>} : memref<41x2x128xi32, #tpu.memory_space<vmem>>, vector<1x1x16xi32>,
      %get3A_589 = vector.shape_cast %get3A_588 : vector<1x1x16xi32> to vector<16xi32>
      %shift_right_arithmetic3A_590 = arith.constant 3 : i32
      %shift_right_arithmetic3A_591 = vector.broadcast %shift_right_arithmetic3A_590 : i32 to vector<16xi32>
      %shift_right_arithmetic3A_592 = arith.shrsi %get3A_583, %shift_right_arithmetic3A_591 : vector<16xi32>
      %shift_left3A_593 = arith.constant 15 : i32
      %shift_left3A_594 = vector.broadcast %shift_left3A_593 : i32 to vector<16xi32>
      %shift_left3A_595 = arith.shli %shift_right_arithmetic3A_592, %shift_left3A_594 : vector<16xi32>
      %shift_right_arithmetic3A_596 = arith.constant 7 : i32
      %shift_right_arithmetic3A_597 = vector.broadcast %shift_right_arithmetic3A_596 : i32 to vector<16xi32>
      %shift_right_arithmetic3A_598 = arith.shrsi %get3A_589, %shift_right_arithmetic3A_597 : vector<16xi32>
      %shift_left3A_599 = arith.constant 10 : i32
      %shift_left3A_600 = vector.broadcast %shift_left3A_599 : i32 to vector<16xi32>
      %shift_left3A_601 = arith.shli %shift_right_arithmetic3A_598, %shift_left3A_600 : vector<16xi32>
      %add3A_602 = arith.addi %shift_left3A_595, %shift_left3A_601 : vector<16xi32>
      %and3A_603 = arith.constant 7 : i32
      %and3A_604 = vector.broadcast %and3A_603 : i32 to vector<16xi32>
      %and3A_605 = arith.andi %get3A_583, %and3A_604 : vector<16xi32>
      %shift_left3A_606 = arith.constant 7 : i32
      %shift_left3A_607 = vector.broadcast %shift_left3A_606 : i32 to vector<16xi32>
      %shift_left3A_608 = arith.shli %and3A_605, %shift_left3A_607 : vector<16xi32>
      %add3A_609 = arith.addi %add3A_602, %shift_left3A_608 : vector<16xi32>
      %and3A_610 = arith.constant 127 : i32
      %and3A_611 = vector.broadcast %and3A_610 : i32 to vector<16xi32>
      %and3A_612 = arith.andi %get3A_589, %and3A_611 : vector<16xi32>
      %add3A_613 = arith.addi %add3A_609, %and3A_612 : vector<16xi32>
      %shift_right_arithmetic3A_614 = arith.constant 3 : i32
      %shift_right_arithmetic3A_615 = vector.broadcast %shift_right_arithmetic3A_614 : i32 to vector<16xi32>
      %shift_right_arithmetic3A_616 = arith.shrsi %get3A_589, %shift_right_arithmetic3A_615 : vector<16xi32>
      %shift_left3A_617 = arith.constant 15 : i32
      %shift_left3A_618 = vector.broadcast %shift_left3A_617 : i32 to vector<16xi32>
      %shift_left3A_619 = arith.shli %shift_right_arithmetic3A_616, %shift_left3A_618 : vector<16xi32>
      %shift_right_arithmetic3A_620 = arith.constant 7 : i32
      %shift_right_arithmetic3A_621 = vector.broadcast %shift_right_arithmetic3A_620 : i32 to vector<16xi32>
      %shift_right_arithmetic3A_622 = arith.shrsi %get3A_583, %shift_right_arithmetic3A_621 : vector<16xi32>
      %shift_left3A_623 = arith.constant 10 : i32
      %shift_left3A_624 = vector.broadcast %shift_left3A_623 : i32 to vector<16xi32>
      %shift_left3A_625 = arith.shli %shift_right_arithmetic3A_622, %shift_left3A_624 : vector<16xi32>
      %add3A_626 = arith.addi %shift_left3A_619, %shift_left3A_625 : vector<16xi32>
      %and3A_627 = arith.constant 7 : i32
      %and3A_628 = vector.broadcast %and3A_627 : i32 to vector<16xi32>
      %and3A_629 = arith.andi %get3A_589, %and3A_628 : vector<16xi32>
      %shift_left3A_630 = arith.constant 7 : i32
      %shift_left3A_631 = vector.broadcast %shift_left3A_630 : i32 to vector<16xi32>
      %shift_left3A_632 = arith.shli %and3A_629, %shift_left3A_631 : vector<16xi32>
      %add3A_633 = arith.addi %add3A_626, %shift_left3A_632 : vector<16xi32>
      %and3A_634 = arith.constant 127 : i32
      %and3A_635 = vector.broadcast %and3A_634 : i32 to vector<16xi32>
      %and3A_636 = arith.andi %get3A_583, %and3A_635 : vector<16xi32>
      %add3A_637 = arith.addi %add3A_633, %and3A_636 : vector<16xi32>
      %swap3A_638 = arith.index_cast %add3A_577 : i32 to index
      %swap3A_639 = tpu.vector_load %arg8[%swap3A_638] {strides = array<i32>} : memref<5248xi32, #tpu.memory_space<vmem>>, vector<16xi32>,
      %swap3A_640 = vector.shape_cast %swap3A_639 : vector<16xi32> to vector<16xi32>
      %swap3A_641 = vector.shape_cast %add3A_637 : vector<16xi32> to vector<16xi32>
      tpu.vector_store %arg8[%swap3A_638], %swap3A_641 {strides = array<i32>} : memref<5248xi32, #tpu.memory_space<vmem>>, vector<16xi32>,
      %swap3A_642 = arith.index_cast %add3A_577 : i32 to index
      %swap3A_643 = tpu.vector_load %arg7[%swap3A_642] {strides = array<i32>} : memref<5248xi32, #tpu.memory_space<vmem>>, vector<16xi32>,
      %swap3A_644 = vector.shape_cast %swap3A_643 : vector<16xi32> to vector<16xi32>
      %swap3A_645 = vector.shape_cast %add3A_613 : vector<16xi32> to vector<16xi32>
      tpu.vector_store %arg7[%swap3A_642], %swap3A_645 {strides = array<i32>} : memref<5248xi32, #tpu.memory_space<vmem>>, vector<16xi32>,
      %mul3A_646 = arith.constant 128 : i32
      %mul3A_647 = arith.muli %scan3A_217, %mul3A_646 : i32
      %add3A_648 = arith.constant 96 : i32
      %add3A_649 = arith.addi %mul3A_647, %add3A_648 : i32
      %get3A_650 = arith.constant 0 : i32
      %get3A_651 = arith.index_cast %scan3A_217 : i32 to index
      %get3A_652 = arith.index_cast %get3A_650 : i32 to index
      %get3A_653 = arith.constant 96 : index
      %get3A_654 = tpu.vector_load %arg6[%get3A_651, %get3A_652, %get3A_653] {strides = array<i32>} : memref<41x2x128xi32, #tpu.memory_space<vmem>>, vector<1x1x16xi32>,
      %get3A_655 = vector.shape_cast %get3A_654 : vector<1x1x16xi32> to vector<16xi32>
      %get3A_656 = arith.constant 1 : i32
      %get3A_657 = arith.index_cast %scan3A_217 : i32 to index
      %get3A_658 = arith.index_cast %get3A_656 : i32 to index
      %get3A_659 = arith.constant 96 : index
      %get3A_660 = tpu.vector_load %arg6[%get3A_657, %get3A_658, %get3A_659] {strides = array<i32>} : memref<41x2x128xi32, #tpu.memory_space<vmem>>, vector<1x1x16xi32>,
      %get3A_661 = vector.shape_cast %get3A_660 : vector<1x1x16xi32> to vector<16xi32>
      %shift_right_arithmetic3A_662 = arith.constant 3 : i32
      %shift_right_arithmetic3A_663 = vector.broadcast %shift_right_arithmetic3A_662 : i32 to vector<16xi32>
      %shift_right_arithmetic3A_664 = arith.shrsi %get3A_655, %shift_right_arithmetic3A_663 : vector<16xi32>
      %shift_left3A_665 = arith.constant 15 : i32
      %shift_left3A_666 = vector.broadcast %shift_left3A_665 : i32 to vector<16xi32>
      %shift_left3A_667 = arith.shli %shift_right_arithmetic3A_664, %shift_left3A_666 : vector<16xi32>
      %shift_right_arithmetic3A_668 = arith.constant 7 : i32
      %shift_right_arithmetic3A_669 = vector.broadcast %shift_right_arithmetic3A_668 : i32 to vector<16xi32>
      %shift_right_arithmetic3A_670 = arith.shrsi %get3A_661, %shift_right_arithmetic3A_669 : vector<16xi32>
      %shift_left3A_671 = arith.constant 10 : i32
      %shift_left3A_672 = vector.broadcast %shift_left3A_671 : i32 to vector<16xi32>
      %shift_left3A_673 = arith.shli %shift_right_arithmetic3A_670, %shift_left3A_672 : vector<16xi32>
      %add3A_674 = arith.addi %shift_left3A_667, %shift_left3A_673 : vector<16xi32>
      %and3A_675 = arith.constant 7 : i32
      %and3A_676 = vector.broadcast %and3A_675 : i32 to vector<16xi32>
      %and3A_677 = arith.andi %get3A_655, %and3A_676 : vector<16xi32>
      %shift_left3A_678 = arith.constant 7 : i32
      %shift_left3A_679 = vector.broadcast %shift_left3A_678 : i32 to vector<16xi32>
      %shift_left3A_680 = arith.shli %and3A_677, %shift_left3A_679 : vector<16xi32>
      %add3A_681 = arith.addi %add3A_674, %shift_left3A_680 : vector<16xi32>
      %and3A_682 = arith.constant 127 : i32
      %and3A_683 = vector.broadcast %and3A_682 : i32 to vector<16xi32>
      %and3A_684 = arith.andi %get3A_661, %and3A_683 : vector<16xi32>
      %add3A_685 = arith.addi %add3A_681, %and3A_684 : vector<16xi32>
      %shift_right_arithmetic3A_686 = arith.constant 3 : i32
      %shift_right_arithmetic3A_687 = vector.broadcast %shift_right_arithmetic3A_686 : i32 to vector<16xi32>
      %shift_right_arithmetic3A_688 = arith.shrsi %get3A_661, %shift_right_arithmetic3A_687 : vector<16xi32>
      %shift_left3A_689 = arith.constant 15 : i32
      %shift_left3A_690 = vector.broadcast %shift_left3A_689 : i32 to vector<16xi32>
      %shift_left3A_691 = arith.shli %shift_right_arithmetic3A_688, %shift_left3A_690 : vector<16xi32>
      %shift_right_arithmetic3A_692 = arith.constant 7 : i32
      %shift_right_arithmetic3A_693 = vector.broadcast %shift_right_arithmetic3A_692 : i32 to vector<16xi32>
      %shift_right_arithmetic3A_694 = arith.shrsi %get3A_655, %shift_right_arithmetic3A_693 : vector<16xi32>
      %shift_left3A_695 = arith.constant 10 : i32
      %shift_left3A_696 = vector.broadcast %shift_left3A_695 : i32 to vector<16xi32>
      %shift_left3A_697 = arith.shli %shift_right_arithmetic3A_694, %shift_left3A_696 : vector<16xi32>
      %add3A_698 = arith.addi %shift_left3A_691, %shift_left3A_697 : vector<16xi32>
      %and3A_699 = arith.constant 7 : i32
      %and3A_700 = vector.broadcast %and3A_699 : i32 to vector<16xi32>
      %and3A_701 = arith.andi %get3A_661, %and3A_700 : vector<16xi32>
      %shift_left3A_702 = arith.constant 7 : i32
      %shift_left3A_703 = vector.broadcast %shift_left3A_702 : i32 to vector<16xi32>
      %shift_left3A_704 = arith.shli %and3A_701, %shift_left3A_703 : vector<16xi32>
      %add3A_705 = arith.addi %add3A_698, %shift_left3A_704 : vector<16xi32>
      %and3A_706 = arith.constant 127 : i32
      %and3A_707 = vector.broadcast %and3A_706 : i32 to vector<16xi32>
      %and3A_708 = arith.andi %get3A_655, %and3A_707 : vector<16xi32>
      %add3A_709 = arith.addi %add3A_705, %and3A_708 : vector<16xi32>
      %swap3A_710 = arith.index_cast %add3A_649 : i32 to index
      %swap3A_711 = tpu.vector_load %arg8[%swap3A_710] {strides = array<i32>} : memref<5248xi32, #tpu.memory_space<vmem>>, vector<16xi32>,
      %swap3A_712 = vector.shape_cast %swap3A_711 : vector<16xi32> to vector<16xi32>
      %swap3A_713 = vector.shape_cast %add3A_709 : vector<16xi32> to vector<16xi32>
      tpu.vector_store %arg8[%swap3A_710], %swap3A_713 {strides = array<i32>} : memref<5248xi32, #tpu.memory_space<vmem>>, vector<16xi32>,
      %swap3A_714 = arith.index_cast %add3A_649 : i32 to index
      %swap3A_715 = tpu.vector_load %arg7[%swap3A_714] {strides = array<i32>} : memref<5248xi32, #tpu.memory_space<vmem>>, vector<16xi32>,
      %swap3A_716 = vector.shape_cast %swap3A_715 : vector<16xi32> to vector<16xi32>
      %swap3A_717 = vector.shape_cast %add3A_685 : vector<16xi32> to vector<16xi32>
      tpu.vector_store %arg7[%swap3A_714], %swap3A_717 {strides = array<i32>} : memref<5248xi32, #tpu.memory_space<vmem>>, vector<16xi32>,
      %mul3A_718 = arith.constant 128 : i32
      %mul3A_719 = arith.muli %scan3A_217, %mul3A_718 : i32
      %add3A_720 = arith.constant 112 : i32
      %add3A_721 = arith.addi %mul3A_719, %add3A_720 : i32
      %get3A_722 = arith.constant 0 : i32
      %get3A_723 = arith.index_cast %scan3A_217 : i32 to index
      %get3A_724 = arith.index_cast %get3A_722 : i32 to index
      %get3A_725 = arith.constant 112 : index
      %get3A_726 = tpu.vector_load %arg6[%get3A_723, %get3A_724, %get3A_725] {strides = array<i32>} : memref<41x2x128xi32, #tpu.memory_space<vmem>>, vector<1x1x16xi32>,
      %get3A_727 = vector.shape_cast %get3A_726 : vector<1x1x16xi32> to vector<16xi32>
      %get3A_728 = arith.constant 1 : i32
      %get3A_729 = arith.index_cast %scan3A_217 : i32 to index
      %get3A_730 = arith.index_cast %get3A_728 : i32 to index
      %get3A_731 = arith.constant 112 : index
      %get3A_732 = tpu.vector_load %arg6[%get3A_729, %get3A_730, %get3A_731] {strides = array<i32>} : memref<41x2x128xi32, #tpu.memory_space<vmem>>, vector<1x1x16xi32>,
      %get3A_733 = vector.shape_cast %get3A_732 : vector<1x1x16xi32> to vector<16xi32>
      %shift_right_arithmetic3A_734 = arith.constant 3 : i32
      %shift_right_arithmetic3A_735 = vector.broadcast %shift_right_arithmetic3A_734 : i32 to vector<16xi32>
      %shift_right_arithmetic3A_736 = arith.shrsi %get3A_727, %shift_right_arithmetic3A_735 : vector<16xi32>
      %shift_left3A_737 = arith.constant 15 : i32
      %shift_left3A_738 = vector.broadcast %shift_left3A_737 : i32 to vector<16xi32>
      %shift_left3A_739 = arith.shli %shift_right_arithmetic3A_736, %shift_left3A_738 : vector<16xi32>
      %shift_right_arithmetic3A_740 = arith.constant 7 : i32
      %shift_right_arithmetic3A_741 = vector.broadcast %shift_right_arithmetic3A_740 : i32 to vector<16xi32>
      %shift_right_arithmetic3A_742 = arith.shrsi %get3A_733, %shift_right_arithmetic3A_741 : vector<16xi32>
      %shift_left3A_743 = arith.constant 10 : i32
      %shift_left3A_744 = vector.broadcast %shift_left3A_743 : i32 to vector<16xi32>
      %shift_left3A_745 = arith.shli %shift_right_arithmetic3A_742, %shift_left3A_744 : vector<16xi32>
      %add3A_746 = arith.addi %shift_left3A_739, %shift_left3A_745 : vector<16xi32>
      %and3A_747 = arith.constant 7 : i32
      %and3A_748 = vector.broadcast %and3A_747 : i32 to vector<16xi32>
      %and3A_749 = arith.andi %get3A_727, %and3A_748 : vector<16xi32>
      %shift_left3A_750 = arith.constant 7 : i32
      %shift_left3A_751 = vector.broadcast %shift_left3A_750 : i32 to vector<16xi32>
      %shift_left3A_752 = arith.shli %and3A_749, %shift_left3A_751 : vector<16xi32>
      %add3A_753 = arith.addi %add3A_746, %shift_left3A_752 : vector<16xi32>
      %and3A_754 = arith.constant 127 : i32
      %and3A_755 = vector.broadcast %and3A_754 : i32 to vector<16xi32>
      %and3A_756 = arith.andi %get3A_733, %and3A_755 : vector<16xi32>
      %add3A_757 = arith.addi %add3A_753, %and3A_756 : vector<16xi32>
      %shift_right_arithmetic3A_758 = arith.constant 3 : i32
      %shift_right_arithmetic3A_759 = vector.broadcast %shift_right_arithmetic3A_758 : i32 to vector<16xi32>
      %shift_right_arithmetic3A_760 = arith.shrsi %get3A_733, %shift_right_arithmetic3A_759 : vector<16xi32>
      %shift_left3A_761 = arith.constant 15 : i32
      %shift_left3A_762 = vector.broadcast %shift_left3A_761 : i32 to vector<16xi32>
      %shift_left3A_763 = arith.shli %shift_right_arithmetic3A_760, %shift_left3A_762 : vector<16xi32>
      %shift_right_arithmetic3A_764 = arith.constant 7 : i32
      %shift_right_arithmetic3A_765 = vector.broadcast %shift_right_arithmetic3A_764 : i32 to vector<16xi32>
      %shift_right_arithmetic3A_766 = arith.shrsi %get3A_727, %shift_right_arithmetic3A_765 : vector<16xi32>
      %shift_left3A_767 = arith.constant 10 : i32
      %shift_left3A_768 = vector.broadcast %shift_left3A_767 : i32 to vector<16xi32>
      %shift_left3A_769 = arith.shli %shift_right_arithmetic3A_766, %shift_left3A_768 : vector<16xi32>
      %add3A_770 = arith.addi %shift_left3A_763, %shift_left3A_769 : vector<16xi32>
      %and3A_771 = arith.constant 7 : i32
      %and3A_772 = vector.broadcast %and3A_771 : i32 to vector<16xi32>
      %and3A_773 = arith.andi %get3A_733, %and3A_772 : vector<16xi32>
      %shift_left3A_774 = arith.constant 7 : i32
      %shift_left3A_775 = vector.broadcast %shift_left3A_774 : i32 to vector<16xi32>
      %shift_left3A_776 = arith.shli %and3A_773, %shift_left3A_775 : vector<16xi32>
      %add3A_777 = arith.addi %add3A_770, %shift_left3A_776 : vector<16xi32>
      %and3A_778 = arith.constant 127 : i32
      %and3A_779 = vector.broadcast %and3A_778 : i32 to vector<16xi32>
      %and3A_780 = arith.andi %get3A_727, %and3A_779 : vector<16xi32>
      %add3A_781 = arith.addi %add3A_777, %and3A_780 : vector<16xi32>
      %swap3A_782 = arith.index_cast %add3A_721 : i32 to index
      %swap3A_783 = tpu.vector_load %arg8[%swap3A_782] {strides = array<i32>} : memref<5248xi32, #tpu.memory_space<vmem>>, vector<16xi32>,
      %swap3A_784 = vector.shape_cast %swap3A_783 : vector<16xi32> to vector<16xi32>
      %swap3A_785 = vector.shape_cast %add3A_781 : vector<16xi32> to vector<16xi32>
      tpu.vector_store %arg8[%swap3A_782], %swap3A_785 {strides = array<i32>} : memref<5248xi32, #tpu.memory_space<vmem>>, vector<16xi32>,
      %swap3A_786 = arith.index_cast %add3A_721 : i32 to index
      %swap3A_787 = tpu.vector_load %arg7[%swap3A_786] {strides = array<i32>} : memref<5248xi32, #tpu.memory_space<vmem>>, vector<16xi32>,
      %swap3A_788 = vector.shape_cast %swap3A_787 : vector<16xi32> to vector<16xi32>
      %swap3A_789 = vector.shape_cast %add3A_757 : vector<16xi32> to vector<16xi32>
      tpu.vector_store %arg7[%swap3A_786], %swap3A_789 {strides = array<i32>} : memref<5248xi32, #tpu.memory_space<vmem>>, vector<16xi32>,
      %scan3A_790 = arith.constant 0 : i32
      scf.yield %scan3A_790 : i32
    }
    %scan3A_79 = arith.constant 11 : i32
    "tpu.trace_stop"() : () -> ()
    %dma_start3A_80 = arith.constant 3840 : i32
    %dma_start3A_81 = tpu.memref_slice %arg10[%dma_start3A_80] : memref<5248xf32, #tpu.memory_space<vmem>> -> memref<1408xf32, #tpu.memory_space<vmem>>
    %dma_start3A_82 = arith.constant 3840 : i32
    %dma_start3A_83 = tpu.memref_slice %arg7[%dma_start3A_82] : memref<5248xi32, #tpu.memory_space<vmem>> -> memref<1408xi32, #tpu.memory_space<vmem>>
    %dma_start3A_84 = arith.constant 0 : i32
    %dma_start3A_85 = tpu.memref_slice %arg4[%dma_start3A_84] : memref<16777216xf32, #tpu.memory_space<hbm>> -> memref<16777216xf32, #tpu.memory_space<hbm>>
    tpu.enqueue_indirect_dma source(%dma_start3A_85 : memref<16777216xf32, #tpu.memory_space<hbm>>) target(%dma_start3A_81 : memref<1408xf32, #tpu.memory_space<vmem>>) offsets(%dma_start3A_83 : memref<1408xi32, #tpu.memory_space<vmem>>) semaphore(%arg17 : memref<!tpu.dma_semaphore, #tpu.memory_space<semaphore_mem>>)
    %dma_start3A_86 = arith.constant 3840 : i32
    %dma_start3A_87 = tpu.memref_slice %arg11[%dma_start3A_86] : memref<5248xf32, #tpu.memory_space<vmem>> -> memref<1408xf32, #tpu.memory_space<vmem>>
    %dma_start3A_88 = arith.constant 3840 : i32
    %dma_start3A_89 = tpu.memref_slice %arg8[%dma_start3A_88] : memref<5248xi32, #tpu.memory_space<vmem>> -> memref<1408xi32, #tpu.memory_space<vmem>>
    %dma_start3A_90 = arith.constant 0 : i32
    %dma_start3A_91 = tpu.memref_slice %arg4[%dma_start3A_90] : memref<16777216xf32, #tpu.memory_space<hbm>> -> memref<16777216xf32, #tpu.memory_space<hbm>>
    tpu.enqueue_indirect_dma source(%dma_start3A_91 : memref<16777216xf32, #tpu.memory_space<hbm>>) target(%dma_start3A_87 : memref<1408xf32, #tpu.memory_space<vmem>>) offsets(%dma_start3A_89 : memref<1408xi32, #tpu.memory_space<vmem>>) semaphore(%arg17 : memref<!tpu.dma_semaphore, #tpu.memory_space<semaphore_mem>>)
    %scan3A_92 = arith.constant 0 : i32
    %scan3A_93 = arith.constant 0 : i32
    %scan3A_94 = arith.constant 32 : i32
    %scan3A_95 = arith.addi %scan3A_93, %scan3A_94 : i32
    %scan3A_96 = arith.constant 1 : i32
    %scan3A_97 = scf.for %scan3A_217 = %scan3A_93 to %scan3A_95 step %scan3A_96 iter_args(%scan3A_218 = %scan3A_92) -> (i32)  : i32 {
      %mul3A_219 = arith.constant 8 : i32
      %mul3A_220 = arith.muli %scan3A_217, %mul3A_219 : i32
      %mul3A_221 = arith.constant 16 : i32
      %mul3A_222 = arith.muli %mul3A_220, %mul3A_221 : i32
      %add3A_223 = arith.constant 0 : i32
      %add3A_224 = arith.addi %mul3A_222, %add3A_223 : i32
      %broadcast_in_dim3A = arith.constant 0.000000e+00 : f32
      %broadcast_in_dim3A_225 = vector.broadcast %broadcast_in_dim3A : f32 to vector<16xf32>
      %swap3A = arith.index_cast %add3A_224 : i32 to index
      %swap3A_226 = tpu.vector_load %arg13[%swap3A] {strides = array<i32>} : memref<4096xf32, #tpu.memory_space<vmem>>, vector<16xf32>,
      %swap3A_227 = vector.shape_cast %swap3A_226 : vector<16xf32> to vector<16xf32>
      %swap3A_228 = vector.shape_cast %broadcast_in_dim3A_225 : vector<16xf32> to vector<16xf32>
      tpu.vector_store %arg13[%swap3A], %swap3A_228 {strides = array<i32>} : memref<4096xf32, #tpu.memory_space<vmem>>, vector<16xf32>,
      %mul3A_229 = arith.constant 8 : i32
      %mul3A_230 = arith.muli %scan3A_217, %mul3A_229 : i32
      %mul3A_231 = arith.constant 16 : i32
      %mul3A_232 = arith.muli %mul3A_230, %mul3A_231 : i32
      %add3A_233 = arith.constant 16 : i32
      %add3A_234 = arith.addi %mul3A_232, %add3A_233 : i32
      %broadcast_in_dim3A_235 = arith.constant 0.000000e+00 : f32
      %broadcast_in_dim3A_236 = vector.broadcast %broadcast_in_dim3A_235 : f32 to vector<16xf32>
      %swap3A_237 = arith.index_cast %add3A_234 : i32 to index
      %swap3A_238 = tpu.vector_load %arg13[%swap3A_237] {strides = array<i32>} : memref<4096xf32, #tpu.memory_space<vmem>>, vector<16xf32>,
      %swap3A_239 = vector.shape_cast %swap3A_238 : vector<16xf32> to vector<16xf32>
      %swap3A_240 = vector.shape_cast %broadcast_in_dim3A_236 : vector<16xf32> to vector<16xf32>
      tpu.vector_store %arg13[%swap3A_237], %swap3A_240 {strides = array<i32>} : memref<4096xf32, #tpu.memory_space<vmem>>, vector<16xf32>,
      %mul3A_241 = arith.constant 8 : i32
      %mul3A_242 = arith.muli %scan3A_217, %mul3A_241 : i32
      %mul3A_243 = arith.constant 16 : i32
      %mul3A_244 = arith.muli %mul3A_242, %mul3A_243 : i32
      %add3A_245 = arith.constant 32 : i32
      %add3A_246 = arith.addi %mul3A_244, %add3A_245 : i32
      %broadcast_in_dim3A_247 = arith.constant 0.000000e+00 : f32
      %broadcast_in_dim3A_248 = vector.broadcast %broadcast_in_dim3A_247 : f32 to vector<16xf32>
      %swap3A_249 = arith.index_cast %add3A_246 : i32 to index
      %swap3A_250 = tpu.vector_load %arg13[%swap3A_249] {strides = array<i32>} : memref<4096xf32, #tpu.memory_space<vmem>>, vector<16xf32>,
      %swap3A_251 = vector.shape_cast %swap3A_250 : vector<16xf32> to vector<16xf32>
      %swap3A_252 = vector.shape_cast %broadcast_in_dim3A_248 : vector<16xf32> to vector<16xf32>
      tpu.vector_store %arg13[%swap3A_249], %swap3A_252 {strides = array<i32>} : memref<4096xf32, #tpu.memory_space<vmem>>, vector<16xf32>,
      %mul3A_253 = arith.constant 8 : i32
      %mul3A_254 = arith.muli %scan3A_217, %mul3A_253 : i32
      %mul3A_255 = arith.constant 16 : i32
      %mul3A_256 = arith.muli %mul3A_254, %mul3A_255 : i32
      %add3A_257 = arith.constant 48 : i32
      %add3A_258 = arith.addi %mul3A_256, %add3A_257 : i32
      %broadcast_in_dim3A_259 = arith.constant 0.000000e+00 : f32
      %broadcast_in_dim3A_260 = vector.broadcast %broadcast_in_dim3A_259 : f32 to vector<16xf32>
      %swap3A_261 = arith.index_cast %add3A_258 : i32 to index
      %swap3A_262 = tpu.vector_load %arg13[%swap3A_261] {strides = array<i32>} : memref<4096xf32, #tpu.memory_space<vmem>>, vector<16xf32>,
      %swap3A_263 = vector.shape_cast %swap3A_262 : vector<16xf32> to vector<16xf32>
      %swap3A_264 = vector.shape_cast %broadcast_in_dim3A_260 : vector<16xf32> to vector<16xf32>
      tpu.vector_store %arg13[%swap3A_261], %swap3A_264 {strides = array<i32>} : memref<4096xf32, #tpu.memory_space<vmem>>, vector<16xf32>,
      %mul3A_265 = arith.constant 8 : i32
      %mul3A_266 = arith.muli %scan3A_217, %mul3A_265 : i32
      %mul3A_267 = arith.constant 16 : i32
      %mul3A_268 = arith.muli %mul3A_266, %mul3A_267 : i32
      %add3A_269 = arith.constant 64 : i32
      %add3A_270 = arith.addi %mul3A_268, %add3A_269 : i32
      %broadcast_in_dim3A_271 = arith.constant 0.000000e+00 : f32
      %broadcast_in_dim3A_272 = vector.broadcast %broadcast_in_dim3A_271 : f32 to vector<16xf32>
      %swap3A_273 = arith.index_cast %add3A_270 : i32 to index
      %swap3A_274 = tpu.vector_load %arg13[%swap3A_273] {strides = array<i32>} : memref<4096xf32, #tpu.memory_space<vmem>>, vector<16xf32>,
      %swap3A_275 = vector.shape_cast %swap3A_274 : vector<16xf32> to vector<16xf32>
      %swap3A_276 = vector.shape_cast %broadcast_in_dim3A_272 : vector<16xf32> to vector<16xf32>
      tpu.vector_store %arg13[%swap3A_273], %swap3A_276 {strides = array<i32>} : memref<4096xf32, #tpu.memory_space<vmem>>, vector<16xf32>,
      %mul3A_277 = arith.constant 8 : i32
      %mul3A_278 = arith.muli %scan3A_217, %mul3A_277 : i32
      %mul3A_279 = arith.constant 16 : i32
      %mul3A_280 = arith.muli %mul3A_278, %mul3A_279 : i32
      %add3A_281 = arith.constant 80 : i32
      %add3A_282 = arith.addi %mul3A_280, %add3A_281 : i32
      %broadcast_in_dim3A_283 = arith.constant 0.000000e+00 : f32
      %broadcast_in_dim3A_284 = vector.broadcast %broadcast_in_dim3A_283 : f32 to vector<16xf32>
      %swap3A_285 = arith.index_cast %add3A_282 : i32 to index
      %swap3A_286 = tpu.vector_load %arg13[%swap3A_285] {strides = array<i32>} : memref<4096xf32, #tpu.memory_space<vmem>>, vector<16xf32>,
      %swap3A_287 = vector.shape_cast %swap3A_286 : vector<16xf32> to vector<16xf32>
      %swap3A_288 = vector.shape_cast %broadcast_in_dim3A_284 : vector<16xf32> to vector<16xf32>
      tpu.vector_store %arg13[%swap3A_285], %swap3A_288 {strides = array<i32>} : memref<4096xf32, #tpu.memory_space<vmem>>, vector<16xf32>,
      %mul3A_289 = arith.constant 8 : i32
      %mul3A_290 = arith.muli %scan3A_217, %mul3A_289 : i32
      %mul3A_291 = arith.constant 16 : i32
      %mul3A_292 = arith.muli %mul3A_290, %mul3A_291 : i32
      %add3A_293 = arith.constant 96 : i32
      %add3A_294 = arith.addi %mul3A_292, %add3A_293 : i32
      %broadcast_in_dim3A_295 = arith.constant 0.000000e+00 : f32
      %broadcast_in_dim3A_296 = vector.broadcast %broadcast_in_dim3A_295 : f32 to vector<16xf32>
      %swap3A_297 = arith.index_cast %add3A_294 : i32 to index
      %swap3A_298 = tpu.vector_load %arg13[%swap3A_297] {strides = array<i32>} : memref<4096xf32, #tpu.memory_space<vmem>>, vector<16xf32>,
      %swap3A_299 = vector.shape_cast %swap3A_298 : vector<16xf32> to vector<16xf32>
      %swap3A_300 = vector.shape_cast %broadcast_in_dim3A_296 : vector<16xf32> to vector<16xf32>
      tpu.vector_store %arg13[%swap3A_297], %swap3A_300 {strides = array<i32>} : memref<4096xf32, #tpu.memory_space<vmem>>, vector<16xf32>,
      %mul3A_301 = arith.constant 8 : i32
      %mul3A_302 = arith.muli %scan3A_217, %mul3A_301 : i32
      %mul3A_303 = arith.constant 16 : i32
      %mul3A_304 = arith.muli %mul3A_302, %mul3A_303 : i32
      %add3A_305 = arith.constant 112 : i32
      %add3A_306 = arith.addi %mul3A_304, %add3A_305 : i32
      %broadcast_in_dim3A_307 = arith.constant 0.000000e+00 : f32
      %broadcast_in_dim3A_308 = vector.broadcast %broadcast_in_dim3A_307 : f32 to vector<16xf32>
      %swap3A_309 = arith.index_cast %add3A_306 : i32 to index
      %swap3A_310 = tpu.vector_load %arg13[%swap3A_309] {strides = array<i32>} : memref<4096xf32, #tpu.memory_space<vmem>>, vector<16xf32>,
      %swap3A_311 = vector.shape_cast %swap3A_310 : vector<16xf32> to vector<16xf32>
      %swap3A_312 = vector.shape_cast %broadcast_in_dim3A_308 : vector<16xf32> to vector<16xf32>
      tpu.vector_store %arg13[%swap3A_309], %swap3A_312 {strides = array<i32>} : memref<4096xf32, #tpu.memory_space<vmem>>, vector<16xf32>,
      %scan3A_313 = arith.constant 0 : i32
      scf.yield %scan3A_313 : i32
    }
    %scan3A_98 = arith.constant 32 : i32
    %eq3A = arith.constant 0 : i32
    %eq3A_99 = arith.cmpi eq, %arg1, %eq3A : i32
    %convert_element_type3A = arith.extui %eq3A_99 : i1 to i32
    %cond3A = arith.constant 0 : i32
    %cond3A_100 = arith.cmpi ne, %convert_element_type3A, %cond3A : i32
    scf.if %cond3A_100 {
      "tpu.region"() ({
        %run_scoped3A = tpu.sem_alloc : memref<!tpu.dma_semaphore, #tpu.memory_space<semaphore_mem>>
        tpu.enqueue_dma source(%arg13 : memref<4096xf32, #tpu.memory_space<vmem>>) target(%arg12 : memref<4096xf32, #tpu.memory_space<vmem_shared>>) target_semaphore(%run_scoped3A : memref<!tpu.dma_semaphore, #tpu.memory_space<semaphore_mem>>)
        tpu.wait_dma2 semaphore(%run_scoped3A : memref<!tpu.dma_semaphore, #tpu.memory_space<semaphore_mem>>) src(%arg13 : memref<4096xf32, #tpu.memory_space<vmem>>) dst(%arg12 : memref<4096xf32, #tpu.memory_space<vmem_shared>>)
        tpu.yield
      }) : () -> ()
    } else {
    }
    %dma_wait3A_101 = tpu.memref_slice %arg3[%mul3A_9] : memref<167936xf32, #tpu.memory_space<hbm>> -> memref<5248xf32, #tpu.memory_space<hbm>>
    %dma_wait3A_102 = tpu.memref_slice %arg3[%mul3A_9] : memref<167936xf32, #tpu.memory_space<hbm>> -> memref<5248xf32, #tpu.memory_space<hbm>>
    tpu.wait_dma2 semaphore(%arg19 : memref<!tpu.dma_semaphore, #tpu.memory_space<semaphore_mem>>) src(%dma_wait3A_102 : memref<5248xf32, #tpu.memory_space<hbm>>) dst(%arg9 : memref<5248xf32, #tpu.memory_space<vmem>>)
    %barrier3A = arith.constant 0 : index
    tpu.barrier barrier_id(%barrier3A)
    "tpu.trace_start"() <{level = 10 : i32, message = "gather_wait"}> : () -> ()
    %dma_wait3A_103 = arith.constant 0 : i32
    %dma_wait3A_104 = tpu.memref_slice %arg10[%dma_wait3A_103] : memref<5248xf32, #tpu.memory_space<vmem>> -> memref<1280xf32, #tpu.memory_space<vmem>>
    %dma_wait3A_105 = arith.constant 0 : i32
    %dma_wait3A_106 = tpu.memref_slice %arg7[%dma_wait3A_105] : memref<5248xi32, #tpu.memory_space<vmem>> -> memref<1280xi32, #tpu.memory_space<vmem>>
    %dma_wait3A_107 = arith.constant 0 : i32
    %dma_wait3A_108 = tpu.memref_slice %arg4[%dma_wait3A_107] : memref<16777216xf32, #tpu.memory_space<hbm>> -> memref<16777216xf32, #tpu.memory_space<hbm>>
    tpu.wait_indirect_dma semaphore(%arg14 : memref<!tpu.dma_semaphore, #tpu.memory_space<semaphore_mem>>) src(%dma_wait3A_108 : memref<16777216xf32, #tpu.memory_space<hbm>>) dst(%dma_wait3A_104 : memref<1280xf32, #tpu.memory_space<vmem>>)
    %dma_wait3A_109 = arith.constant 0 : i32
    %dma_wait3A_110 = tpu.memref_slice %arg11[%dma_wait3A_109] : memref<5248xf32, #tpu.memory_space<vmem>> -> memref<1280xf32, #tpu.memory_space<vmem>>
    %dma_wait3A_111 = arith.constant 0 : i32
    %dma_wait3A_112 = tpu.memref_slice %arg8[%dma_wait3A_111] : memref<5248xi32, #tpu.memory_space<vmem>> -> memref<1280xi32, #tpu.memory_space<vmem>>
    %dma_wait3A_113 = arith.constant 0 : i32
    %dma_wait3A_114 = tpu.memref_slice %arg4[%dma_wait3A_113] : memref<16777216xf32, #tpu.memory_space<hbm>> -> memref<16777216xf32, #tpu.memory_space<hbm>>
    tpu.wait_indirect_dma semaphore(%arg14 : memref<!tpu.dma_semaphore, #tpu.memory_space<semaphore_mem>>) src(%dma_wait3A_114 : memref<16777216xf32, #tpu.memory_space<hbm>>) dst(%dma_wait3A_110 : memref<1280xf32, #tpu.memory_space<vmem>>)
    "tpu.trace_stop"() : () -> ()
    "tpu.trace_start"() <{level = 10 : i32, message = "contrib"}> : () -> ()
    %scan3A_115 = arith.constant 0 : i32
    %scan3A_116 = arith.constant 0 : i32
    %scan3A_117 = arith.constant 10 : i32
    %scan3A_118 = arith.addi %scan3A_116, %scan3A_117 : i32
    %scan3A_119 = arith.constant 1 : i32
    %scan3A_120 = scf.for %scan3A_217 = %scan3A_116 to %scan3A_118 step %scan3A_119 iter_args(%scan3A_218 = %scan3A_115) -> (i32)  : i32 {
      %mul3A_219 = arith.constant 128 : i32
      %mul3A_220 = arith.muli %scan3A_217, %mul3A_219 : i32
      %add3A_221 = arith.constant 0 : i32
      %add3A_222 = arith.addi %mul3A_220, %add3A_221 : i32
      %get3A = arith.index_cast %add3A_222 : i32 to index
      %get3A_223 = tpu.vector_load %arg10[%get3A] {strides = array<i32>} : memref<5248xf32, #tpu.memory_space<vmem>>, vector<16xf32>,
      %get3A_224 = vector.shape_cast %get3A_223 : vector<16xf32> to vector<16xf32>
      %get3A_225 = arith.index_cast %add3A_222 : i32 to index
      %get3A_226 = tpu.vector_load %arg11[%get3A_225] {strides = array<i32>} : memref<5248xf32, #tpu.memory_space<vmem>>, vector<16xf32>,
      %get3A_227 = vector.shape_cast %get3A_226 : vector<16xf32> to vector<16xf32>
      %get3A_228 = arith.index_cast %add3A_222 : i32 to index
      %get3A_229 = tpu.vector_load %arg9[%get3A_228] {strides = array<i32>} : memref<5248xf32, #tpu.memory_space<vmem>>, vector<16xf32>,
      %get3A_230 = vector.shape_cast %get3A_229 : vector<16xf32> to vector<16xf32>
      %add3A_231 = arith.addf %get3A_224, %get3A_227 : vector<16xf32>
      %abs3A = math.absf %add3A_231 : vector<16xf32>
      %mul3A_232 = arith.mulf %get3A_230, %abs3A : vector<16xf32>
      %swap3A = arith.index_cast %add3A_222 : i32 to index
      %swap3A_233 = tpu.vector_load %arg9[%swap3A] {strides = array<i32>} : memref<5248xf32, #tpu.memory_space<vmem>>, vector<16xf32>,
      %swap3A_234 = vector.shape_cast %swap3A_233 : vector<16xf32> to vector<16xf32>
      %swap3A_235 = vector.shape_cast %mul3A_232 : vector<16xf32> to vector<16xf32>
      tpu.vector_store %arg9[%swap3A], %swap3A_235 {strides = array<i32>} : memref<5248xf32, #tpu.memory_space<vmem>>, vector<16xf32>,
      %mul3A_236 = arith.constant 128 : i32
      %mul3A_237 = arith.muli %scan3A_217, %mul3A_236 : i32
      %add3A_238 = arith.constant 16 : i32
      %add3A_239 = arith.addi %mul3A_237, %add3A_238 : i32
      %get3A_240 = arith.index_cast %add3A_239 : i32 to index
      %get3A_241 = tpu.vector_load %arg10[%get3A_240] {strides = array<i32>} : memref<5248xf32, #tpu.memory_space<vmem>>, vector<16xf32>,
      %get3A_242 = vector.shape_cast %get3A_241 : vector<16xf32> to vector<16xf32>
      %get3A_243 = arith.index_cast %add3A_239 : i32 to index
      %get3A_244 = tpu.vector_load %arg11[%get3A_243] {strides = array<i32>} : memref<5248xf32, #tpu.memory_space<vmem>>, vector<16xf32>,
      %get3A_245 = vector.shape_cast %get3A_244 : vector<16xf32> to vector<16xf32>
      %get3A_246 = arith.index_cast %add3A_239 : i32 to index
      %get3A_247 = tpu.vector_load %arg9[%get3A_246] {strides = array<i32>} : memref<5248xf32, #tpu.memory_space<vmem>>, vector<16xf32>,
      %get3A_248 = vector.shape_cast %get3A_247 : vector<16xf32> to vector<16xf32>
      %add3A_249 = arith.addf %get3A_242, %get3A_245 : vector<16xf32>
      %abs3A_250 = math.absf %add3A_249 : vector<16xf32>
      %mul3A_251 = arith.mulf %get3A_248, %abs3A_250 : vector<16xf32>
      %swap3A_252 = arith.index_cast %add3A_239 : i32 to index
      %swap3A_253 = tpu.vector_load %arg9[%swap3A_252] {strides = array<i32>} : memref<5248xf32, #tpu.memory_space<vmem>>, vector<16xf32>,
      %swap3A_254 = vector.shape_cast %swap3A_253 : vector<16xf32> to vector<16xf32>
      %swap3A_255 = vector.shape_cast %mul3A_251 : vector<16xf32> to vector<16xf32>
      tpu.vector_store %arg9[%swap3A_252], %swap3A_255 {strides = array<i32>} : memref<5248xf32, #tpu.memory_space<vmem>>, vector<16xf32>,
      %mul3A_256 = arith.constant 128 : i32
      %mul3A_257 = arith.muli %scan3A_217, %mul3A_256 : i32
      %add3A_258 = arith.constant 32 : i32
      %add3A_259 = arith.addi %mul3A_257, %add3A_258 : i32
      %get3A_260 = arith.index_cast %add3A_259 : i32 to index
      %get3A_261 = tpu.vector_load %arg10[%get3A_260] {strides = array<i32>} : memref<5248xf32, #tpu.memory_space<vmem>>, vector<16xf32>,
      %get3A_262 = vector.shape_cast %get3A_261 : vector<16xf32> to vector<16xf32>
      %get3A_263 = arith.index_cast %add3A_259 : i32 to index
      %get3A_264 = tpu.vector_load %arg11[%get3A_263] {strides = array<i32>} : memref<5248xf32, #tpu.memory_space<vmem>>, vector<16xf32>,
      %get3A_265 = vector.shape_cast %get3A_264 : vector<16xf32> to vector<16xf32>
      %get3A_266 = arith.index_cast %add3A_259 : i32 to index
      %get3A_267 = tpu.vector_load %arg9[%get3A_266] {strides = array<i32>} : memref<5248xf32, #tpu.memory_space<vmem>>, vector<16xf32>,
      %get3A_268 = vector.shape_cast %get3A_267 : vector<16xf32> to vector<16xf32>
      %add3A_269 = arith.addf %get3A_262, %get3A_265 : vector<16xf32>
      %abs3A_270 = math.absf %add3A_269 : vector<16xf32>
      %mul3A_271 = arith.mulf %get3A_268, %abs3A_270 : vector<16xf32>
      %swap3A_272 = arith.index_cast %add3A_259 : i32 to index
      %swap3A_273 = tpu.vector_load %arg9[%swap3A_272] {strides = array<i32>} : memref<5248xf32, #tpu.memory_space<vmem>>, vector<16xf32>,
      %swap3A_274 = vector.shape_cast %swap3A_273 : vector<16xf32> to vector<16xf32>
      %swap3A_275 = vector.shape_cast %mul3A_271 : vector<16xf32> to vector<16xf32>
      tpu.vector_store %arg9[%swap3A_272], %swap3A_275 {strides = array<i32>} : memref<5248xf32, #tpu.memory_space<vmem>>, vector<16xf32>,
      %mul3A_276 = arith.constant 128 : i32
      %mul3A_277 = arith.muli %scan3A_217, %mul3A_276 : i32
      %add3A_278 = arith.constant 48 : i32
      %add3A_279 = arith.addi %mul3A_277, %add3A_278 : i32
      %get3A_280 = arith.index_cast %add3A_279 : i32 to index
      %get3A_281 = tpu.vector_load %arg10[%get3A_280] {strides = array<i32>} : memref<5248xf32, #tpu.memory_space<vmem>>, vector<16xf32>,
      %get3A_282 = vector.shape_cast %get3A_281 : vector<16xf32> to vector<16xf32>
      %get3A_283 = arith.index_cast %add3A_279 : i32 to index
      %get3A_284 = tpu.vector_load %arg11[%get3A_283] {strides = array<i32>} : memref<5248xf32, #tpu.memory_space<vmem>>, vector<16xf32>,
      %get3A_285 = vector.shape_cast %get3A_284 : vector<16xf32> to vector<16xf32>
      %get3A_286 = arith.index_cast %add3A_279 : i32 to index
      %get3A_287 = tpu.vector_load %arg9[%get3A_286] {strides = array<i32>} : memref<5248xf32, #tpu.memory_space<vmem>>, vector<16xf32>,
      %get3A_288 = vector.shape_cast %get3A_287 : vector<16xf32> to vector<16xf32>
      %add3A_289 = arith.addf %get3A_282, %get3A_285 : vector<16xf32>
      %abs3A_290 = math.absf %add3A_289 : vector<16xf32>
      %mul3A_291 = arith.mulf %get3A_288, %abs3A_290 : vector<16xf32>
      %swap3A_292 = arith.index_cast %add3A_279 : i32 to index
      %swap3A_293 = tpu.vector_load %arg9[%swap3A_292] {strides = array<i32>} : memref<5248xf32, #tpu.memory_space<vmem>>, vector<16xf32>,
      %swap3A_294 = vector.shape_cast %swap3A_293 : vector<16xf32> to vector<16xf32>
      %swap3A_295 = vector.shape_cast %mul3A_291 : vector<16xf32> to vector<16xf32>
      tpu.vector_store %arg9[%swap3A_292], %swap3A_295 {strides = array<i32>} : memref<5248xf32, #tpu.memory_space<vmem>>, vector<16xf32>,
      %mul3A_296 = arith.constant 128 : i32
      %mul3A_297 = arith.muli %scan3A_217, %mul3A_296 : i32
      %add3A_298 = arith.constant 64 : i32
      %add3A_299 = arith.addi %mul3A_297, %add3A_298 : i32
      %get3A_300 = arith.index_cast %add3A_299 : i32 to index
      %get3A_301 = tpu.vector_load %arg10[%get3A_300] {strides = array<i32>} : memref<5248xf32, #tpu.memory_space<vmem>>, vector<16xf32>,
      %get3A_302 = vector.shape_cast %get3A_301 : vector<16xf32> to vector<16xf32>
      %get3A_303 = arith.index_cast %add3A_299 : i32 to index
      %get3A_304 = tpu.vector_load %arg11[%get3A_303] {strides = array<i32>} : memref<5248xf32, #tpu.memory_space<vmem>>, vector<16xf32>,
      %get3A_305 = vector.shape_cast %get3A_304 : vector<16xf32> to vector<16xf32>
      %get3A_306 = arith.index_cast %add3A_299 : i32 to index
      %get3A_307 = tpu.vector_load %arg9[%get3A_306] {strides = array<i32>} : memref<5248xf32, #tpu.memory_space<vmem>>, vector<16xf32>,
      %get3A_308 = vector.shape_cast %get3A_307 : vector<16xf32> to vector<16xf32>
      %add3A_309 = arith.addf %get3A_302, %get3A_305 : vector<16xf32>
      %abs3A_310 = math.absf %add3A_309 : vector<16xf32>
      %mul3A_311 = arith.mulf %get3A_308, %abs3A_310 : vector<16xf32>
      %swap3A_312 = arith.index_cast %add3A_299 : i32 to index
      %swap3A_313 = tpu.vector_load %arg9[%swap3A_312] {strides = array<i32>} : memref<5248xf32, #tpu.memory_space<vmem>>, vector<16xf32>,
      %swap3A_314 = vector.shape_cast %swap3A_313 : vector<16xf32> to vector<16xf32>
      %swap3A_315 = vector.shape_cast %mul3A_311 : vector<16xf32> to vector<16xf32>
      tpu.vector_store %arg9[%swap3A_312], %swap3A_315 {strides = array<i32>} : memref<5248xf32, #tpu.memory_space<vmem>>, vector<16xf32>,
      %mul3A_316 = arith.constant 128 : i32
      %mul3A_317 = arith.muli %scan3A_217, %mul3A_316 : i32
      %add3A_318 = arith.constant 80 : i32
      %add3A_319 = arith.addi %mul3A_317, %add3A_318 : i32
      %get3A_320 = arith.index_cast %add3A_319 : i32 to index
      %get3A_321 = tpu.vector_load %arg10[%get3A_320] {strides = array<i32>} : memref<5248xf32, #tpu.memory_space<vmem>>, vector<16xf32>,
      %get3A_322 = vector.shape_cast %get3A_321 : vector<16xf32> to vector<16xf32>
      %get3A_323 = arith.index_cast %add3A_319 : i32 to index
      %get3A_324 = tpu.vector_load %arg11[%get3A_323] {strides = array<i32>} : memref<5248xf32, #tpu.memory_space<vmem>>, vector<16xf32>,
      %get3A_325 = vector.shape_cast %get3A_324 : vector<16xf32> to vector<16xf32>
      %get3A_326 = arith.index_cast %add3A_319 : i32 to index
      %get3A_327 = tpu.vector_load %arg9[%get3A_326] {strides = array<i32>} : memref<5248xf32, #tpu.memory_space<vmem>>, vector<16xf32>,
      %get3A_328 = vector.shape_cast %get3A_327 : vector<16xf32> to vector<16xf32>
      %add3A_329 = arith.addf %get3A_322, %get3A_325 : vector<16xf32>
      %abs3A_330 = math.absf %add3A_329 : vector<16xf32>
      %mul3A_331 = arith.mulf %get3A_328, %abs3A_330 : vector<16xf32>
      %swap3A_332 = arith.index_cast %add3A_319 : i32 to index
      %swap3A_333 = tpu.vector_load %arg9[%swap3A_332] {strides = array<i32>} : memref<5248xf32, #tpu.memory_space<vmem>>, vector<16xf32>,
      %swap3A_334 = vector.shape_cast %swap3A_333 : vector<16xf32> to vector<16xf32>
      %swap3A_335 = vector.shape_cast %mul3A_331 : vector<16xf32> to vector<16xf32>
      tpu.vector_store %arg9[%swap3A_332], %swap3A_335 {strides = array<i32>} : memref<5248xf32, #tpu.memory_space<vmem>>, vector<16xf32>,
      %mul3A_336 = arith.constant 128 : i32
      %mul3A_337 = arith.muli %scan3A_217, %mul3A_336 : i32
      %add3A_338 = arith.constant 96 : i32
      %add3A_339 = arith.addi %mul3A_337, %add3A_338 : i32
      %get3A_340 = arith.index_cast %add3A_339 : i32 to index
      %get3A_341 = tpu.vector_load %arg10[%get3A_340] {strides = array<i32>} : memref<5248xf32, #tpu.memory_space<vmem>>, vector<16xf32>,
      %get3A_342 = vector.shape_cast %get3A_341 : vector<16xf32> to vector<16xf32>
      %get3A_343 = arith.index_cast %add3A_339 : i32 to index
      %get3A_344 = tpu.vector_load %arg11[%get3A_343] {strides = array<i32>} : memref<5248xf32, #tpu.memory_space<vmem>>, vector<16xf32>,
      %get3A_345 = vector.shape_cast %get3A_344 : vector<16xf32> to vector<16xf32>
      %get3A_346 = arith.index_cast %add3A_339 : i32 to index
      %get3A_347 = tpu.vector_load %arg9[%get3A_346] {strides = array<i32>} : memref<5248xf32, #tpu.memory_space<vmem>>, vector<16xf32>,
      %get3A_348 = vector.shape_cast %get3A_347 : vector<16xf32> to vector<16xf32>
      %add3A_349 = arith.addf %get3A_342, %get3A_345 : vector<16xf32>
      %abs3A_350 = math.absf %add3A_349 : vector<16xf32>
      %mul3A_351 = arith.mulf %get3A_348, %abs3A_350 : vector<16xf32>
      %swap3A_352 = arith.index_cast %add3A_339 : i32 to index
      %swap3A_353 = tpu.vector_load %arg9[%swap3A_352] {strides = array<i32>} : memref<5248xf32, #tpu.memory_space<vmem>>, vector<16xf32>,
      %swap3A_354 = vector.shape_cast %swap3A_353 : vector<16xf32> to vector<16xf32>
      %swap3A_355 = vector.shape_cast %mul3A_351 : vector<16xf32> to vector<16xf32>
      tpu.vector_store %arg9[%swap3A_352], %swap3A_355 {strides = array<i32>} : memref<5248xf32, #tpu.memory_space<vmem>>, vector<16xf32>,
      %mul3A_356 = arith.constant 128 : i32
      %mul3A_357 = arith.muli %scan3A_217, %mul3A_356 : i32
      %add3A_358 = arith.constant 112 : i32
      %add3A_359 = arith.addi %mul3A_357, %add3A_358 : i32
      %get3A_360 = arith.index_cast %add3A_359 : i32 to index
      %get3A_361 = tpu.vector_load %arg10[%get3A_360] {strides = array<i32>} : memref<5248xf32, #tpu.memory_space<vmem>>, vector<16xf32>,
      %get3A_362 = vector.shape_cast %get3A_361 : vector<16xf32> to vector<16xf32>
      %get3A_363 = arith.index_cast %add3A_359 : i32 to index
      %get3A_364 = tpu.vector_load %arg11[%get3A_363] {strides = array<i32>} : memref<5248xf32, #tpu.memory_space<vmem>>, vector<16xf32>,
      %get3A_365 = vector.shape_cast %get3A_364 : vector<16xf32> to vector<16xf32>
      %get3A_366 = arith.index_cast %add3A_359 : i32 to index
      %get3A_367 = tpu.vector_load %arg9[%get3A_366] {strides = array<i32>} : memref<5248xf32, #tpu.memory_space<vmem>>, vector<16xf32>,
      %get3A_368 = vector.shape_cast %get3A_367 : vector<16xf32> to vector<16xf32>
      %add3A_369 = arith.addf %get3A_362, %get3A_365 : vector<16xf32>
      %abs3A_370 = math.absf %add3A_369 : vector<16xf32>
      %mul3A_371 = arith.mulf %get3A_368, %abs3A_370 : vector<16xf32>
      %swap3A_372 = arith.index_cast %add3A_359 : i32 to index
      %swap3A_373 = tpu.vector_load %arg9[%swap3A_372] {strides = array<i32>} : memref<5248xf32, #tpu.memory_space<vmem>>, vector<16xf32>,
      %swap3A_374 = vector.shape_cast %swap3A_373 : vector<16xf32> to vector<16xf32>
      %swap3A_375 = vector.shape_cast %mul3A_371 : vector<16xf32> to vector<16xf32>
      tpu.vector_store %arg9[%swap3A_372], %swap3A_375 {strides = array<i32>} : memref<5248xf32, #tpu.memory_space<vmem>>, vector<16xf32>,
      %scan3A_376 = arith.constant 0 : i32
      scf.yield %scan3A_376 : i32
    }
    %scan3A_121 = arith.constant 10 : i32
    "tpu.trace_stop"() : () -> ()
    "tpu.trace_start"() <{level = 10 : i32, message = "scatter_add"}> : () -> ()
    %scan3A_122 = arith.constant 0 : i32
    %scan3A_123 = arith.constant 0 : i32
    %scan3A_124 = arith.constant 10 : i32
    %scan3A_125 = arith.addi %scan3A_123, %scan3A_124 : i32
    %scan3A_126 = arith.constant 1 : i32
    %scan3A_127 = scf.for %scan3A_217 = %scan3A_123 to %scan3A_125 step %scan3A_126 iter_args(%scan3A_218 = %scan3A_122) -> (i32)  : i32 {
      %mul3A_219 = arith.constant 128 : i32
      %mul3A_220 = arith.muli %scan3A_217, %mul3A_219 : i32
      %dma_start3A_221 = arith.constant 0 : i32
      %dma_start3A_222 = tpu.memref_slice %arg9[%mul3A_220] : memref<5248xf32, #tpu.memory_space<vmem>> -> memref<128xf32, #tpu.memory_space<vmem>>
      %dma_start3A_223 = arith.constant 0 : i32
      %dma_start3A_224 = tpu.memref_slice %arg6[%scan3A_217, %dma_start3A_221, %dma_start3A_223] : memref<41x2x128xi32, #tpu.memory_space<vmem>> -> memref<1x1x128xi32, #tpu.memory_space<vmem>>
      %dma_start3A_225 = tpu.memref_squeeze %dma_start3A_224 : memref<1x1x128xi32, #tpu.memory_space<vmem>> -> memref<128xi32, #tpu.memory_space<vmem>>
      %dma_start3A_226 = arith.constant 0 : i32
      %dma_start3A_227 = tpu.memref_slice %arg12[%dma_start3A_226] : memref<4096xf32, #tpu.memory_space<vmem_shared>> -> memref<4096xf32, #tpu.memory_space<vmem_shared>>
      tpu.enqueue_indirect_dma source(%dma_start3A_222 : memref<128xf32, #tpu.memory_space<vmem>>) target(%dma_start3A_227 : memref<4096xf32, #tpu.memory_space<vmem_shared>>) offsets(%dma_start3A_225 : memref<128xi32, #tpu.memory_space<vmem>>) semaphore(%arg18 : memref<!tpu.dma_semaphore, #tpu.memory_space<semaphore_mem>>) {add = true}
      %scan3A_228 = arith.constant 0 : i32
      scf.yield %scan3A_228 : i32
    }
    %scan3A_128 = arith.constant 10 : i32
    "tpu.trace_stop"() : () -> ()
    "tpu.trace_start"() <{level = 10 : i32, message = "gather_wait"}> : () -> ()
    %dma_wait3A_129 = arith.constant 1280 : i32
    %dma_wait3A_130 = tpu.memref_slice %arg10[%dma_wait3A_129] : memref<5248xf32, #tpu.memory_space<vmem>> -> memref<1280xf32, #tpu.memory_space<vmem>>
    %dma_wait3A_131 = arith.constant 1280 : i32
    %dma_wait3A_132 = tpu.memref_slice %arg7[%dma_wait3A_131] : memref<5248xi32, #tpu.memory_space<vmem>> -> memref<1280xi32, #tpu.memory_space<vmem>>
    %dma_wait3A_133 = arith.constant 0 : i32
    %dma_wait3A_134 = tpu.memref_slice %arg4[%dma_wait3A_133] : memref<16777216xf32, #tpu.memory_space<hbm>> -> memref<16777216xf32, #tpu.memory_space<hbm>>
    tpu.wait_indirect_dma semaphore(%arg15 : memref<!tpu.dma_semaphore, #tpu.memory_space<semaphore_mem>>) src(%dma_wait3A_134 : memref<16777216xf32, #tpu.memory_space<hbm>>) dst(%dma_wait3A_130 : memref<1280xf32, #tpu.memory_space<vmem>>)
    %dma_wait3A_135 = arith.constant 1280 : i32
    %dma_wait3A_136 = tpu.memref_slice %arg11[%dma_wait3A_135] : memref<5248xf32, #tpu.memory_space<vmem>> -> memref<1280xf32, #tpu.memory_space<vmem>>
    %dma_wait3A_137 = arith.constant 1280 : i32
    %dma_wait3A_138 = tpu.memref_slice %arg8[%dma_wait3A_137] : memref<5248xi32, #tpu.memory_space<vmem>> -> memref<1280xi32, #tpu.memory_space<vmem>>
    %dma_wait3A_139 = arith.constant 0 : i32
    %dma_wait3A_140 = tpu.memref_slice %arg4[%dma_wait3A_139] : memref<16777216xf32, #tpu.memory_space<hbm>> -> memref<16777216xf32, #tpu.memory_space<hbm>>
    tpu.wait_indirect_dma semaphore(%arg15 : memref<!tpu.dma_semaphore, #tpu.memory_space<semaphore_mem>>) src(%dma_wait3A_140 : memref<16777216xf32, #tpu.memory_space<hbm>>) dst(%dma_wait3A_136 : memref<1280xf32, #tpu.memory_space<vmem>>)
    "tpu.trace_stop"() : () -> ()
    "tpu.trace_start"() <{level = 10 : i32, message = "contrib"}> : () -> ()
    %scan3A_141 = arith.constant 0 : i32
    %scan3A_142 = arith.constant 10 : i32
    %scan3A_143 = arith.constant 10 : i32
    %scan3A_144 = arith.addi %scan3A_142, %scan3A_143 : i32
    %scan3A_145 = arith.constant 1 : i32
    %scan3A_146 = scf.for %scan3A_217 = %scan3A_142 to %scan3A_144 step %scan3A_145 iter_args(%scan3A_218 = %scan3A_141) -> (i32)  : i32 {
      %mul3A_219 = arith.constant 128 : i32
      %mul3A_220 = arith.muli %scan3A_217, %mul3A_219 : i32
      %add3A_221 = arith.constant 0 : i32
      %add3A_222 = arith.addi %mul3A_220, %add3A_221 : i32
      %get3A = arith.index_cast %add3A_222 : i32 to index
      %get3A_223 = tpu.vector_load %arg10[%get3A] {strides = array<i32>} : memref<5248xf32, #tpu.memory_space<vmem>>, vector<16xf32>,
      %get3A_224 = vector.shape_cast %get3A_223 : vector<16xf32> to vector<16xf32>
      %get3A_225 = arith.index_cast %add3A_222 : i32 to index
      %get3A_226 = tpu.vector_load %arg11[%get3A_225] {strides = array<i32>} : memref<5248xf32, #tpu.memory_space<vmem>>, vector<16xf32>,
      %get3A_227 = vector.shape_cast %get3A_226 : vector<16xf32> to vector<16xf32>
      %get3A_228 = arith.index_cast %add3A_222 : i32 to index
      %get3A_229 = tpu.vector_load %arg9[%get3A_228] {strides = array<i32>} : memref<5248xf32, #tpu.memory_space<vmem>>, vector<16xf32>,
      %get3A_230 = vector.shape_cast %get3A_229 : vector<16xf32> to vector<16xf32>
      %add3A_231 = arith.addf %get3A_224, %get3A_227 : vector<16xf32>
      %abs3A = math.absf %add3A_231 : vector<16xf32>
      %mul3A_232 = arith.mulf %get3A_230, %abs3A : vector<16xf32>
      %swap3A = arith.index_cast %add3A_222 : i32 to index
      %swap3A_233 = tpu.vector_load %arg9[%swap3A] {strides = array<i32>} : memref<5248xf32, #tpu.memory_space<vmem>>, vector<16xf32>,
      %swap3A_234 = vector.shape_cast %swap3A_233 : vector<16xf32> to vector<16xf32>
      %swap3A_235 = vector.shape_cast %mul3A_232 : vector<16xf32> to vector<16xf32>
      tpu.vector_store %arg9[%swap3A], %swap3A_235 {strides = array<i32>} : memref<5248xf32, #tpu.memory_space<vmem>>, vector<16xf32>,
      %mul3A_236 = arith.constant 128 : i32
      %mul3A_237 = arith.muli %scan3A_217, %mul3A_236 : i32
      %add3A_238 = arith.constant 16 : i32
      %add3A_239 = arith.addi %mul3A_237, %add3A_238 : i32
      %get3A_240 = arith.index_cast %add3A_239 : i32 to index
      %get3A_241 = tpu.vector_load %arg10[%get3A_240] {strides = array<i32>} : memref<5248xf32, #tpu.memory_space<vmem>>, vector<16xf32>,
      %get3A_242 = vector.shape_cast %get3A_241 : vector<16xf32> to vector<16xf32>
      %get3A_243 = arith.index_cast %add3A_239 : i32 to index
      %get3A_244 = tpu.vector_load %arg11[%get3A_243] {strides = array<i32>} : memref<5248xf32, #tpu.memory_space<vmem>>, vector<16xf32>,
      %get3A_245 = vector.shape_cast %get3A_244 : vector<16xf32> to vector<16xf32>
      %get3A_246 = arith.index_cast %add3A_239 : i32 to index
      %get3A_247 = tpu.vector_load %arg9[%get3A_246] {strides = array<i32>} : memref<5248xf32, #tpu.memory_space<vmem>>, vector<16xf32>,
      %get3A_248 = vector.shape_cast %get3A_247 : vector<16xf32> to vector<16xf32>
      %add3A_249 = arith.addf %get3A_242, %get3A_245 : vector<16xf32>
      %abs3A_250 = math.absf %add3A_249 : vector<16xf32>
      %mul3A_251 = arith.mulf %get3A_248, %abs3A_250 : vector<16xf32>
      %swap3A_252 = arith.index_cast %add3A_239 : i32 to index
      %swap3A_253 = tpu.vector_load %arg9[%swap3A_252] {strides = array<i32>} : memref<5248xf32, #tpu.memory_space<vmem>>, vector<16xf32>,
      %swap3A_254 = vector.shape_cast %swap3A_253 : vector<16xf32> to vector<16xf32>
      %swap3A_255 = vector.shape_cast %mul3A_251 : vector<16xf32> to vector<16xf32>
      tpu.vector_store %arg9[%swap3A_252], %swap3A_255 {strides = array<i32>} : memref<5248xf32, #tpu.memory_space<vmem>>, vector<16xf32>,
      %mul3A_256 = arith.constant 128 : i32
      %mul3A_257 = arith.muli %scan3A_217, %mul3A_256 : i32
      %add3A_258 = arith.constant 32 : i32
      %add3A_259 = arith.addi %mul3A_257, %add3A_258 : i32
      %get3A_260 = arith.index_cast %add3A_259 : i32 to index
      %get3A_261 = tpu.vector_load %arg10[%get3A_260] {strides = array<i32>} : memref<5248xf32, #tpu.memory_space<vmem>>, vector<16xf32>,
      %get3A_262 = vector.shape_cast %get3A_261 : vector<16xf32> to vector<16xf32>
      %get3A_263 = arith.index_cast %add3A_259 : i32 to index
      %get3A_264 = tpu.vector_load %arg11[%get3A_263] {strides = array<i32>} : memref<5248xf32, #tpu.memory_space<vmem>>, vector<16xf32>,
      %get3A_265 = vector.shape_cast %get3A_264 : vector<16xf32> to vector<16xf32>
      %get3A_266 = arith.index_cast %add3A_259 : i32 to index
      %get3A_267 = tpu.vector_load %arg9[%get3A_266] {strides = array<i32>} : memref<5248xf32, #tpu.memory_space<vmem>>, vector<16xf32>,
      %get3A_268 = vector.shape_cast %get3A_267 : vector<16xf32> to vector<16xf32>
      %add3A_269 = arith.addf %get3A_262, %get3A_265 : vector<16xf32>
      %abs3A_270 = math.absf %add3A_269 : vector<16xf32>
      %mul3A_271 = arith.mulf %get3A_268, %abs3A_270 : vector<16xf32>
      %swap3A_272 = arith.index_cast %add3A_259 : i32 to index
      %swap3A_273 = tpu.vector_load %arg9[%swap3A_272] {strides = array<i32>} : memref<5248xf32, #tpu.memory_space<vmem>>, vector<16xf32>,
      %swap3A_274 = vector.shape_cast %swap3A_273 : vector<16xf32> to vector<16xf32>
      %swap3A_275 = vector.shape_cast %mul3A_271 : vector<16xf32> to vector<16xf32>
      tpu.vector_store %arg9[%swap3A_272], %swap3A_275 {strides = array<i32>} : memref<5248xf32, #tpu.memory_space<vmem>>, vector<16xf32>,
      %mul3A_276 = arith.constant 128 : i32
      %mul3A_277 = arith.muli %scan3A_217, %mul3A_276 : i32
      %add3A_278 = arith.constant 48 : i32
      %add3A_279 = arith.addi %mul3A_277, %add3A_278 : i32
      %get3A_280 = arith.index_cast %add3A_279 : i32 to index
      %get3A_281 = tpu.vector_load %arg10[%get3A_280] {strides = array<i32>} : memref<5248xf32, #tpu.memory_space<vmem>>, vector<16xf32>,
      %get3A_282 = vector.shape_cast %get3A_281 : vector<16xf32> to vector<16xf32>
      %get3A_283 = arith.index_cast %add3A_279 : i32 to index
      %get3A_284 = tpu.vector_load %arg11[%get3A_283] {strides = array<i32>} : memref<5248xf32, #tpu.memory_space<vmem>>, vector<16xf32>,
      %get3A_285 = vector.shape_cast %get3A_284 : vector<16xf32> to vector<16xf32>
      %get3A_286 = arith.index_cast %add3A_279 : i32 to index
      %get3A_287 = tpu.vector_load %arg9[%get3A_286] {strides = array<i32>} : memref<5248xf32, #tpu.memory_space<vmem>>, vector<16xf32>,
      %get3A_288 = vector.shape_cast %get3A_287 : vector<16xf32> to vector<16xf32>
      %add3A_289 = arith.addf %get3A_282, %get3A_285 : vector<16xf32>
      %abs3A_290 = math.absf %add3A_289 : vector<16xf32>
      %mul3A_291 = arith.mulf %get3A_288, %abs3A_290 : vector<16xf32>
      %swap3A_292 = arith.index_cast %add3A_279 : i32 to index
      %swap3A_293 = tpu.vector_load %arg9[%swap3A_292] {strides = array<i32>} : memref<5248xf32, #tpu.memory_space<vmem>>, vector<16xf32>,
      %swap3A_294 = vector.shape_cast %swap3A_293 : vector<16xf32> to vector<16xf32>
      %swap3A_295 = vector.shape_cast %mul3A_291 : vector<16xf32> to vector<16xf32>
      tpu.vector_store %arg9[%swap3A_292], %swap3A_295 {strides = array<i32>} : memref<5248xf32, #tpu.memory_space<vmem>>, vector<16xf32>,
      %mul3A_296 = arith.constant 128 : i32
      %mul3A_297 = arith.muli %scan3A_217, %mul3A_296 : i32
      %add3A_298 = arith.constant 64 : i32
      %add3A_299 = arith.addi %mul3A_297, %add3A_298 : i32
      %get3A_300 = arith.index_cast %add3A_299 : i32 to index
      %get3A_301 = tpu.vector_load %arg10[%get3A_300] {strides = array<i32>} : memref<5248xf32, #tpu.memory_space<vmem>>, vector<16xf32>,
      %get3A_302 = vector.shape_cast %get3A_301 : vector<16xf32> to vector<16xf32>
      %get3A_303 = arith.index_cast %add3A_299 : i32 to index
      %get3A_304 = tpu.vector_load %arg11[%get3A_303] {strides = array<i32>} : memref<5248xf32, #tpu.memory_space<vmem>>, vector<16xf32>,
      %get3A_305 = vector.shape_cast %get3A_304 : vector<16xf32> to vector<16xf32>
      %get3A_306 = arith.index_cast %add3A_299 : i32 to index
      %get3A_307 = tpu.vector_load %arg9[%get3A_306] {strides = array<i32>} : memref<5248xf32, #tpu.memory_space<vmem>>, vector<16xf32>,
      %get3A_308 = vector.shape_cast %get3A_307 : vector<16xf32> to vector<16xf32>
      %add3A_309 = arith.addf %get3A_302, %get3A_305 : vector<16xf32>
      %abs3A_310 = math.absf %add3A_309 : vector<16xf32>
      %mul3A_311 = arith.mulf %get3A_308, %abs3A_310 : vector<16xf32>
      %swap3A_312 = arith.index_cast %add3A_299 : i32 to index
      %swap3A_313 = tpu.vector_load %arg9[%swap3A_312] {strides = array<i32>} : memref<5248xf32, #tpu.memory_space<vmem>>, vector<16xf32>,
      %swap3A_314 = vector.shape_cast %swap3A_313 : vector<16xf32> to vector<16xf32>
      %swap3A_315 = vector.shape_cast %mul3A_311 : vector<16xf32> to vector<16xf32>
      tpu.vector_store %arg9[%swap3A_312], %swap3A_315 {strides = array<i32>} : memref<5248xf32, #tpu.memory_space<vmem>>, vector<16xf32>,
      %mul3A_316 = arith.constant 128 : i32
      %mul3A_317 = arith.muli %scan3A_217, %mul3A_316 : i32
      %add3A_318 = arith.constant 80 : i32
      %add3A_319 = arith.addi %mul3A_317, %add3A_318 : i32
      %get3A_320 = arith.index_cast %add3A_319 : i32 to index
      %get3A_321 = tpu.vector_load %arg10[%get3A_320] {strides = array<i32>} : memref<5248xf32, #tpu.memory_space<vmem>>, vector<16xf32>,
      %get3A_322 = vector.shape_cast %get3A_321 : vector<16xf32> to vector<16xf32>
      %get3A_323 = arith.index_cast %add3A_319 : i32 to index
      %get3A_324 = tpu.vector_load %arg11[%get3A_323] {strides = array<i32>} : memref<5248xf32, #tpu.memory_space<vmem>>, vector<16xf32>,
      %get3A_325 = vector.shape_cast %get3A_324 : vector<16xf32> to vector<16xf32>
      %get3A_326 = arith.index_cast %add3A_319 : i32 to index
      %get3A_327 = tpu.vector_load %arg9[%get3A_326] {strides = array<i32>} : memref<5248xf32, #tpu.memory_space<vmem>>, vector<16xf32>,
      %get3A_328 = vector.shape_cast %get3A_327 : vector<16xf32> to vector<16xf32>
      %add3A_329 = arith.addf %get3A_322, %get3A_325 : vector<16xf32>
      %abs3A_330 = math.absf %add3A_329 : vector<16xf32>
      %mul3A_331 = arith.mulf %get3A_328, %abs3A_330 : vector<16xf32>
      %swap3A_332 = arith.index_cast %add3A_319 : i32 to index
      %swap3A_333 = tpu.vector_load %arg9[%swap3A_332] {strides = array<i32>} : memref<5248xf32, #tpu.memory_space<vmem>>, vector<16xf32>,
      %swap3A_334 = vector.shape_cast %swap3A_333 : vector<16xf32> to vector<16xf32>
      %swap3A_335 = vector.shape_cast %mul3A_331 : vector<16xf32> to vector<16xf32>
      tpu.vector_store %arg9[%swap3A_332], %swap3A_335 {strides = array<i32>} : memref<5248xf32, #tpu.memory_space<vmem>>, vector<16xf32>,
      %mul3A_336 = arith.constant 128 : i32
      %mul3A_337 = arith.muli %scan3A_217, %mul3A_336 : i32
      %add3A_338 = arith.constant 96 : i32
      %add3A_339 = arith.addi %mul3A_337, %add3A_338 : i32
      %get3A_340 = arith.index_cast %add3A_339 : i32 to index
      %get3A_341 = tpu.vector_load %arg10[%get3A_340] {strides = array<i32>} : memref<5248xf32, #tpu.memory_space<vmem>>, vector<16xf32>,
      %get3A_342 = vector.shape_cast %get3A_341 : vector<16xf32> to vector<16xf32>
      %get3A_343 = arith.index_cast %add3A_339 : i32 to index
      %get3A_344 = tpu.vector_load %arg11[%get3A_343] {strides = array<i32>} : memref<5248xf32, #tpu.memory_space<vmem>>, vector<16xf32>,
      %get3A_345 = vector.shape_cast %get3A_344 : vector<16xf32> to vector<16xf32>
      %get3A_346 = arith.index_cast %add3A_339 : i32 to index
      %get3A_347 = tpu.vector_load %arg9[%get3A_346] {strides = array<i32>} : memref<5248xf32, #tpu.memory_space<vmem>>, vector<16xf32>,
      %get3A_348 = vector.shape_cast %get3A_347 : vector<16xf32> to vector<16xf32>
      %add3A_349 = arith.addf %get3A_342, %get3A_345 : vector<16xf32>
      %abs3A_350 = math.absf %add3A_349 : vector<16xf32>
      %mul3A_351 = arith.mulf %get3A_348, %abs3A_350 : vector<16xf32>
      %swap3A_352 = arith.index_cast %add3A_339 : i32 to index
      %swap3A_353 = tpu.vector_load %arg9[%swap3A_352] {strides = array<i32>} : memref<5248xf32, #tpu.memory_space<vmem>>, vector<16xf32>,
      %swap3A_354 = vector.shape_cast %swap3A_353 : vector<16xf32> to vector<16xf32>
      %swap3A_355 = vector.shape_cast %mul3A_351 : vector<16xf32> to vector<16xf32>
      tpu.vector_store %arg9[%swap3A_352], %swap3A_355 {strides = array<i32>} : memref<5248xf32, #tpu.memory_space<vmem>>, vector<16xf32>,
      %mul3A_356 = arith.constant 128 : i32
      %mul3A_357 = arith.muli %scan3A_217, %mul3A_356 : i32
      %add3A_358 = arith.constant 112 : i32
      %add3A_359 = arith.addi %mul3A_357, %add3A_358 : i32
      %get3A_360 = arith.index_cast %add3A_359 : i32 to index
      %get3A_361 = tpu.vector_load %arg10[%get3A_360] {strides = array<i32>} : memref<5248xf32, #tpu.memory_space<vmem>>, vector<16xf32>,
      %get3A_362 = vector.shape_cast %get3A_361 : vector<16xf32> to vector<16xf32>
      %get3A_363 = arith.index_cast %add3A_359 : i32 to index
      %get3A_364 = tpu.vector_load %arg11[%get3A_363] {strides = array<i32>} : memref<5248xf32, #tpu.memory_space<vmem>>, vector<16xf32>,
      %get3A_365 = vector.shape_cast %get3A_364 : vector<16xf32> to vector<16xf32>
      %get3A_366 = arith.index_cast %add3A_359 : i32 to index
      %get3A_367 = tpu.vector_load %arg9[%get3A_366] {strides = array<i32>} : memref<5248xf32, #tpu.memory_space<vmem>>, vector<16xf32>,
      %get3A_368 = vector.shape_cast %get3A_367 : vector<16xf32> to vector<16xf32>
      %add3A_369 = arith.addf %get3A_362, %get3A_365 : vector<16xf32>
      %abs3A_370 = math.absf %add3A_369 : vector<16xf32>
      %mul3A_371 = arith.mulf %get3A_368, %abs3A_370 : vector<16xf32>
      %swap3A_372 = arith.index_cast %add3A_359 : i32 to index
      %swap3A_373 = tpu.vector_load %arg9[%swap3A_372] {strides = array<i32>} : memref<5248xf32, #tpu.memory_space<vmem>>, vector<16xf32>,
      %swap3A_374 = vector.shape_cast %swap3A_373 : vector<16xf32> to vector<16xf32>
      %swap3A_375 = vector.shape_cast %mul3A_371 : vector<16xf32> to vector<16xf32>
      tpu.vector_store %arg9[%swap3A_372], %swap3A_375 {strides = array<i32>} : memref<5248xf32, #tpu.memory_space<vmem>>, vector<16xf32>,
      %scan3A_376 = arith.constant 0 : i32
      scf.yield %scan3A_376 : i32
    }
    %scan3A_147 = arith.constant 10 : i32
    "tpu.trace_stop"() : () -> ()
    "tpu.trace_start"() <{level = 10 : i32, message = "scatter_add"}> : () -> ()
    %scan3A_148 = arith.constant 0 : i32
    %scan3A_149 = arith.constant 10 : i32
    %scan3A_150 = arith.constant 10 : i32
    %scan3A_151 = arith.addi %scan3A_149, %scan3A_150 : i32
    %scan3A_152 = arith.constant 1 : i32
    %scan3A_153 = scf.for %scan3A_217 = %scan3A_149 to %scan3A_151 step %scan3A_152 iter_args(%scan3A_218 = %scan3A_148) -> (i32)  : i32 {
      %mul3A_219 = arith.constant 128 : i32
      %mul3A_220 = arith.muli %scan3A_217, %mul3A_219 : i32
      %dma_start3A_221 = arith.constant 0 : i32
      %dma_start3A_222 = tpu.memref_slice %arg9[%mul3A_220] : memref<5248xf32, #tpu.memory_space<vmem>> -> memref<128xf32, #tpu.memory_space<vmem>>
      %dma_start3A_223 = arith.constant 0 : i32
      %dma_start3A_224 = tpu.memref_slice %arg6[%scan3A_217, %dma_start3A_221, %dma_start3A_223] : memref<41x2x128xi32, #tpu.memory_space<vmem>> -> memref<1x1x128xi32, #tpu.memory_space<vmem>>
      %dma_start3A_225 = tpu.memref_squeeze %dma_start3A_224 : memref<1x1x128xi32, #tpu.memory_space<vmem>> -> memref<128xi32, #tpu.memory_space<vmem>>
      %dma_start3A_226 = arith.constant 0 : i32
      %dma_start3A_227 = tpu.memref_slice %arg12[%dma_start3A_226] : memref<4096xf32, #tpu.memory_space<vmem_shared>> -> memref<4096xf32, #tpu.memory_space<vmem_shared>>
      tpu.enqueue_indirect_dma source(%dma_start3A_222 : memref<128xf32, #tpu.memory_space<vmem>>) target(%dma_start3A_227 : memref<4096xf32, #tpu.memory_space<vmem_shared>>) offsets(%dma_start3A_225 : memref<128xi32, #tpu.memory_space<vmem>>) semaphore(%arg18 : memref<!tpu.dma_semaphore, #tpu.memory_space<semaphore_mem>>) {add = true}
      %scan3A_228 = arith.constant 0 : i32
      scf.yield %scan3A_228 : i32
    }
    %scan3A_154 = arith.constant 10 : i32
    "tpu.trace_stop"() : () -> ()
    "tpu.trace_start"() <{level = 10 : i32, message = "gather_wait"}> : () -> ()
    %dma_wait3A_155 = arith.constant 2560 : i32
    %dma_wait3A_156 = tpu.memref_slice %arg10[%dma_wait3A_155] : memref<5248xf32, #tpu.memory_space<vmem>> -> memref<1280xf32, #tpu.memory_space<vmem>>
    %dma_wait3A_157 = arith.constant 2560 : i32
    %dma_wait3A_158 = tpu.memref_slice %arg7[%dma_wait3A_157] : memref<5248xi32, #tpu.memory_space<vmem>> -> memref<1280xi32, #tpu.memory_space<vmem>>
    %dma_wait3A_159 = arith.constant 0 : i32
    %dma_wait3A_160 = tpu.memref_slice %arg4[%dma_wait3A_159] : memref<16777216xf32, #tpu.memory_space<hbm>> -> memref<16777216xf32, #tpu.memory_space<hbm>>
    tpu.wait_indirect_dma semaphore(%arg16 : memref<!tpu.dma_semaphore, #tpu.memory_space<semaphore_mem>>) src(%dma_wait3A_160 : memref<16777216xf32, #tpu.memory_space<hbm>>) dst(%dma_wait3A_156 : memref<1280xf32, #tpu.memory_space<vmem>>)
    %dma_wait3A_161 = arith.constant 2560 : i32
    %dma_wait3A_162 = tpu.memref_slice %arg11[%dma_wait3A_161] : memref<5248xf32, #tpu.memory_space<vmem>> -> memref<1280xf32, #tpu.memory_space<vmem>>
    %dma_wait3A_163 = arith.constant 2560 : i32
    %dma_wait3A_164 = tpu.memref_slice %arg8[%dma_wait3A_163] : memref<5248xi32, #tpu.memory_space<vmem>> -> memref<1280xi32, #tpu.memory_space<vmem>>
    %dma_wait3A_165 = arith.constant 0 : i32
    %dma_wait3A_166 = tpu.memref_slice %arg4[%dma_wait3A_165] : memref<16777216xf32, #tpu.memory_space<hbm>> -> memref<16777216xf32, #tpu.memory_space<hbm>>
    tpu.wait_indirect_dma semaphore(%arg16 : memref<!tpu.dma_semaphore, #tpu.memory_space<semaphore_mem>>) src(%dma_wait3A_166 : memref<16777216xf32, #tpu.memory_space<hbm>>) dst(%dma_wait3A_162 : memref<1280xf32, #tpu.memory_space<vmem>>)
    "tpu.trace_stop"() : () -> ()
    "tpu.trace_start"() <{level = 10 : i32, message = "contrib"}> : () -> ()
    %scan3A_167 = arith.constant 0 : i32
    %scan3A_168 = arith.constant 20 : i32
    %scan3A_169 = arith.constant 10 : i32
    %scan3A_170 = arith.addi %scan3A_168, %scan3A_169 : i32
    %scan3A_171 = arith.constant 1 : i32
    %scan3A_172 = scf.for %scan3A_217 = %scan3A_168 to %scan3A_170 step %scan3A_171 iter_args(%scan3A_218 = %scan3A_167) -> (i32)  : i32 {
      %mul3A_219 = arith.constant 128 : i32
      %mul3A_220 = arith.muli %scan3A_217, %mul3A_219 : i32
      %add3A_221 = arith.constant 0 : i32
      %add3A_222 = arith.addi %mul3A_220, %add3A_221 : i32
      %get3A = arith.index_cast %add3A_222 : i32 to index
      %get3A_223 = tpu.vector_load %arg10[%get3A] {strides = array<i32>} : memref<5248xf32, #tpu.memory_space<vmem>>, vector<16xf32>,
      %get3A_224 = vector.shape_cast %get3A_223 : vector<16xf32> to vector<16xf32>
      %get3A_225 = arith.index_cast %add3A_222 : i32 to index
      %get3A_226 = tpu.vector_load %arg11[%get3A_225] {strides = array<i32>} : memref<5248xf32, #tpu.memory_space<vmem>>, vector<16xf32>,
      %get3A_227 = vector.shape_cast %get3A_226 : vector<16xf32> to vector<16xf32>
      %get3A_228 = arith.index_cast %add3A_222 : i32 to index
      %get3A_229 = tpu.vector_load %arg9[%get3A_228] {strides = array<i32>} : memref<5248xf32, #tpu.memory_space<vmem>>, vector<16xf32>,
      %get3A_230 = vector.shape_cast %get3A_229 : vector<16xf32> to vector<16xf32>
      %add3A_231 = arith.addf %get3A_224, %get3A_227 : vector<16xf32>
      %abs3A = math.absf %add3A_231 : vector<16xf32>
      %mul3A_232 = arith.mulf %get3A_230, %abs3A : vector<16xf32>
      %swap3A = arith.index_cast %add3A_222 : i32 to index
      %swap3A_233 = tpu.vector_load %arg9[%swap3A] {strides = array<i32>} : memref<5248xf32, #tpu.memory_space<vmem>>, vector<16xf32>,
      %swap3A_234 = vector.shape_cast %swap3A_233 : vector<16xf32> to vector<16xf32>
      %swap3A_235 = vector.shape_cast %mul3A_232 : vector<16xf32> to vector<16xf32>
      tpu.vector_store %arg9[%swap3A], %swap3A_235 {strides = array<i32>} : memref<5248xf32, #tpu.memory_space<vmem>>, vector<16xf32>,
      %mul3A_236 = arith.constant 128 : i32
      %mul3A_237 = arith.muli %scan3A_217, %mul3A_236 : i32
      %add3A_238 = arith.constant 16 : i32
      %add3A_239 = arith.addi %mul3A_237, %add3A_238 : i32
      %get3A_240 = arith.index_cast %add3A_239 : i32 to index
      %get3A_241 = tpu.vector_load %arg10[%get3A_240] {strides = array<i32>} : memref<5248xf32, #tpu.memory_space<vmem>>, vector<16xf32>,
      %get3A_242 = vector.shape_cast %get3A_241 : vector<16xf32> to vector<16xf32>
      %get3A_243 = arith.index_cast %add3A_239 : i32 to index
      %get3A_244 = tpu.vector_load %arg11[%get3A_243] {strides = array<i32>} : memref<5248xf32, #tpu.memory_space<vmem>>, vector<16xf32>,
      %get3A_245 = vector.shape_cast %get3A_244 : vector<16xf32> to vector<16xf32>
      %get3A_246 = arith.index_cast %add3A_239 : i32 to index
      %get3A_247 = tpu.vector_load %arg9[%get3A_246] {strides = array<i32>} : memref<5248xf32, #tpu.memory_space<vmem>>, vector<16xf32>,
      %get3A_248 = vector.shape_cast %get3A_247 : vector<16xf32> to vector<16xf32>
      %add3A_249 = arith.addf %get3A_242, %get3A_245 : vector<16xf32>
      %abs3A_250 = math.absf %add3A_249 : vector<16xf32>
      %mul3A_251 = arith.mulf %get3A_248, %abs3A_250 : vector<16xf32>
      %swap3A_252 = arith.index_cast %add3A_239 : i32 to index
      %swap3A_253 = tpu.vector_load %arg9[%swap3A_252] {strides = array<i32>} : memref<5248xf32, #tpu.memory_space<vmem>>, vector<16xf32>,
      %swap3A_254 = vector.shape_cast %swap3A_253 : vector<16xf32> to vector<16xf32>
      %swap3A_255 = vector.shape_cast %mul3A_251 : vector<16xf32> to vector<16xf32>
      tpu.vector_store %arg9[%swap3A_252], %swap3A_255 {strides = array<i32>} : memref<5248xf32, #tpu.memory_space<vmem>>, vector<16xf32>,
      %mul3A_256 = arith.constant 128 : i32
      %mul3A_257 = arith.muli %scan3A_217, %mul3A_256 : i32
      %add3A_258 = arith.constant 32 : i32
      %add3A_259 = arith.addi %mul3A_257, %add3A_258 : i32
      %get3A_260 = arith.index_cast %add3A_259 : i32 to index
      %get3A_261 = tpu.vector_load %arg10[%get3A_260] {strides = array<i32>} : memref<5248xf32, #tpu.memory_space<vmem>>, vector<16xf32>,
      %get3A_262 = vector.shape_cast %get3A_261 : vector<16xf32> to vector<16xf32>
      %get3A_263 = arith.index_cast %add3A_259 : i32 to index
      %get3A_264 = tpu.vector_load %arg11[%get3A_263] {strides = array<i32>} : memref<5248xf32, #tpu.memory_space<vmem>>, vector<16xf32>,
      %get3A_265 = vector.shape_cast %get3A_264 : vector<16xf32> to vector<16xf32>
      %get3A_266 = arith.index_cast %add3A_259 : i32 to index
      %get3A_267 = tpu.vector_load %arg9[%get3A_266] {strides = array<i32>} : memref<5248xf32, #tpu.memory_space<vmem>>, vector<16xf32>,
      %get3A_268 = vector.shape_cast %get3A_267 : vector<16xf32> to vector<16xf32>
      %add3A_269 = arith.addf %get3A_262, %get3A_265 : vector<16xf32>
      %abs3A_270 = math.absf %add3A_269 : vector<16xf32>
      %mul3A_271 = arith.mulf %get3A_268, %abs3A_270 : vector<16xf32>
      %swap3A_272 = arith.index_cast %add3A_259 : i32 to index
      %swap3A_273 = tpu.vector_load %arg9[%swap3A_272] {strides = array<i32>} : memref<5248xf32, #tpu.memory_space<vmem>>, vector<16xf32>,
      %swap3A_274 = vector.shape_cast %swap3A_273 : vector<16xf32> to vector<16xf32>
      %swap3A_275 = vector.shape_cast %mul3A_271 : vector<16xf32> to vector<16xf32>
      tpu.vector_store %arg9[%swap3A_272], %swap3A_275 {strides = array<i32>} : memref<5248xf32, #tpu.memory_space<vmem>>, vector<16xf32>,
      %mul3A_276 = arith.constant 128 : i32
      %mul3A_277 = arith.muli %scan3A_217, %mul3A_276 : i32
      %add3A_278 = arith.constant 48 : i32
      %add3A_279 = arith.addi %mul3A_277, %add3A_278 : i32
      %get3A_280 = arith.index_cast %add3A_279 : i32 to index
      %get3A_281 = tpu.vector_load %arg10[%get3A_280] {strides = array<i32>} : memref<5248xf32, #tpu.memory_space<vmem>>, vector<16xf32>,
      %get3A_282 = vector.shape_cast %get3A_281 : vector<16xf32> to vector<16xf32>
      %get3A_283 = arith.index_cast %add3A_279 : i32 to index
      %get3A_284 = tpu.vector_load %arg11[%get3A_283] {strides = array<i32>} : memref<5248xf32, #tpu.memory_space<vmem>>, vector<16xf32>,
      %get3A_285 = vector.shape_cast %get3A_284 : vector<16xf32> to vector<16xf32>
      %get3A_286 = arith.index_cast %add3A_279 : i32 to index
      %get3A_287 = tpu.vector_load %arg9[%get3A_286] {strides = array<i32>} : memref<5248xf32, #tpu.memory_space<vmem>>, vector<16xf32>,
      %get3A_288 = vector.shape_cast %get3A_287 : vector<16xf32> to vector<16xf32>
      %add3A_289 = arith.addf %get3A_282, %get3A_285 : vector<16xf32>
      %abs3A_290 = math.absf %add3A_289 : vector<16xf32>
      %mul3A_291 = arith.mulf %get3A_288, %abs3A_290 : vector<16xf32>
      %swap3A_292 = arith.index_cast %add3A_279 : i32 to index
      %swap3A_293 = tpu.vector_load %arg9[%swap3A_292] {strides = array<i32>} : memref<5248xf32, #tpu.memory_space<vmem>>, vector<16xf32>,
      %swap3A_294 = vector.shape_cast %swap3A_293 : vector<16xf32> to vector<16xf32>
      %swap3A_295 = vector.shape_cast %mul3A_291 : vector<16xf32> to vector<16xf32>
      tpu.vector_store %arg9[%swap3A_292], %swap3A_295 {strides = array<i32>} : memref<5248xf32, #tpu.memory_space<vmem>>, vector<16xf32>,
      %mul3A_296 = arith.constant 128 : i32
      %mul3A_297 = arith.muli %scan3A_217, %mul3A_296 : i32
      %add3A_298 = arith.constant 64 : i32
      %add3A_299 = arith.addi %mul3A_297, %add3A_298 : i32
      %get3A_300 = arith.index_cast %add3A_299 : i32 to index
      %get3A_301 = tpu.vector_load %arg10[%get3A_300] {strides = array<i32>} : memref<5248xf32, #tpu.memory_space<vmem>>, vector<16xf32>,
      %get3A_302 = vector.shape_cast %get3A_301 : vector<16xf32> to vector<16xf32>
      %get3A_303 = arith.index_cast %add3A_299 : i32 to index
      %get3A_304 = tpu.vector_load %arg11[%get3A_303] {strides = array<i32>} : memref<5248xf32, #tpu.memory_space<vmem>>, vector<16xf32>,
      %get3A_305 = vector.shape_cast %get3A_304 : vector<16xf32> to vector<16xf32>
      %get3A_306 = arith.index_cast %add3A_299 : i32 to index
      %get3A_307 = tpu.vector_load %arg9[%get3A_306] {strides = array<i32>} : memref<5248xf32, #tpu.memory_space<vmem>>, vector<16xf32>,
      %get3A_308 = vector.shape_cast %get3A_307 : vector<16xf32> to vector<16xf32>
      %add3A_309 = arith.addf %get3A_302, %get3A_305 : vector<16xf32>
      %abs3A_310 = math.absf %add3A_309 : vector<16xf32>
      %mul3A_311 = arith.mulf %get3A_308, %abs3A_310 : vector<16xf32>
      %swap3A_312 = arith.index_cast %add3A_299 : i32 to index
      %swap3A_313 = tpu.vector_load %arg9[%swap3A_312] {strides = array<i32>} : memref<5248xf32, #tpu.memory_space<vmem>>, vector<16xf32>,
      %swap3A_314 = vector.shape_cast %swap3A_313 : vector<16xf32> to vector<16xf32>
      %swap3A_315 = vector.shape_cast %mul3A_311 : vector<16xf32> to vector<16xf32>
      tpu.vector_store %arg9[%swap3A_312], %swap3A_315 {strides = array<i32>} : memref<5248xf32, #tpu.memory_space<vmem>>, vector<16xf32>,
      %mul3A_316 = arith.constant 128 : i32
      %mul3A_317 = arith.muli %scan3A_217, %mul3A_316 : i32
      %add3A_318 = arith.constant 80 : i32
      %add3A_319 = arith.addi %mul3A_317, %add3A_318 : i32
      %get3A_320 = arith.index_cast %add3A_319 : i32 to index
      %get3A_321 = tpu.vector_load %arg10[%get3A_320] {strides = array<i32>} : memref<5248xf32, #tpu.memory_space<vmem>>, vector<16xf32>,
      %get3A_322 = vector.shape_cast %get3A_321 : vector<16xf32> to vector<16xf32>
      %get3A_323 = arith.index_cast %add3A_319 : i32 to index
      %get3A_324 = tpu.vector_load %arg11[%get3A_323] {strides = array<i32>} : memref<5248xf32, #tpu.memory_space<vmem>>, vector<16xf32>,
      %get3A_325 = vector.shape_cast %get3A_324 : vector<16xf32> to vector<16xf32>
      %get3A_326 = arith.index_cast %add3A_319 : i32 to index
      %get3A_327 = tpu.vector_load %arg9[%get3A_326] {strides = array<i32>} : memref<5248xf32, #tpu.memory_space<vmem>>, vector<16xf32>,
      %get3A_328 = vector.shape_cast %get3A_327 : vector<16xf32> to vector<16xf32>
      %add3A_329 = arith.addf %get3A_322, %get3A_325 : vector<16xf32>
      %abs3A_330 = math.absf %add3A_329 : vector<16xf32>
      %mul3A_331 = arith.mulf %get3A_328, %abs3A_330 : vector<16xf32>
      %swap3A_332 = arith.index_cast %add3A_319 : i32 to index
      %swap3A_333 = tpu.vector_load %arg9[%swap3A_332] {strides = array<i32>} : memref<5248xf32, #tpu.memory_space<vmem>>, vector<16xf32>,
      %swap3A_334 = vector.shape_cast %swap3A_333 : vector<16xf32> to vector<16xf32>
      %swap3A_335 = vector.shape_cast %mul3A_331 : vector<16xf32> to vector<16xf32>
      tpu.vector_store %arg9[%swap3A_332], %swap3A_335 {strides = array<i32>} : memref<5248xf32, #tpu.memory_space<vmem>>, vector<16xf32>,
      %mul3A_336 = arith.constant 128 : i32
      %mul3A_337 = arith.muli %scan3A_217, %mul3A_336 : i32
      %add3A_338 = arith.constant 96 : i32
      %add3A_339 = arith.addi %mul3A_337, %add3A_338 : i32
      %get3A_340 = arith.index_cast %add3A_339 : i32 to index
      %get3A_341 = tpu.vector_load %arg10[%get3A_340] {strides = array<i32>} : memref<5248xf32, #tpu.memory_space<vmem>>, vector<16xf32>,
      %get3A_342 = vector.shape_cast %get3A_341 : vector<16xf32> to vector<16xf32>
      %get3A_343 = arith.index_cast %add3A_339 : i32 to index
      %get3A_344 = tpu.vector_load %arg11[%get3A_343] {strides = array<i32>} : memref<5248xf32, #tpu.memory_space<vmem>>, vector<16xf32>,
      %get3A_345 = vector.shape_cast %get3A_344 : vector<16xf32> to vector<16xf32>
      %get3A_346 = arith.index_cast %add3A_339 : i32 to index
      %get3A_347 = tpu.vector_load %arg9[%get3A_346] {strides = array<i32>} : memref<5248xf32, #tpu.memory_space<vmem>>, vector<16xf32>,
      %get3A_348 = vector.shape_cast %get3A_347 : vector<16xf32> to vector<16xf32>
      %add3A_349 = arith.addf %get3A_342, %get3A_345 : vector<16xf32>
      %abs3A_350 = math.absf %add3A_349 : vector<16xf32>
      %mul3A_351 = arith.mulf %get3A_348, %abs3A_350 : vector<16xf32>
      %swap3A_352 = arith.index_cast %add3A_339 : i32 to index
      %swap3A_353 = tpu.vector_load %arg9[%swap3A_352] {strides = array<i32>} : memref<5248xf32, #tpu.memory_space<vmem>>, vector<16xf32>,
      %swap3A_354 = vector.shape_cast %swap3A_353 : vector<16xf32> to vector<16xf32>
      %swap3A_355 = vector.shape_cast %mul3A_351 : vector<16xf32> to vector<16xf32>
      tpu.vector_store %arg9[%swap3A_352], %swap3A_355 {strides = array<i32>} : memref<5248xf32, #tpu.memory_space<vmem>>, vector<16xf32>,
      %mul3A_356 = arith.constant 128 : i32
      %mul3A_357 = arith.muli %scan3A_217, %mul3A_356 : i32
      %add3A_358 = arith.constant 112 : i32
      %add3A_359 = arith.addi %mul3A_357, %add3A_358 : i32
      %get3A_360 = arith.index_cast %add3A_359 : i32 to index
      %get3A_361 = tpu.vector_load %arg10[%get3A_360] {strides = array<i32>} : memref<5248xf32, #tpu.memory_space<vmem>>, vector<16xf32>,
      %get3A_362 = vector.shape_cast %get3A_361 : vector<16xf32> to vector<16xf32>
      %get3A_363 = arith.index_cast %add3A_359 : i32 to index
      %get3A_364 = tpu.vector_load %arg11[%get3A_363] {strides = array<i32>} : memref<5248xf32, #tpu.memory_space<vmem>>, vector<16xf32>,
      %get3A_365 = vector.shape_cast %get3A_364 : vector<16xf32> to vector<16xf32>
      %get3A_366 = arith.index_cast %add3A_359 : i32 to index
      %get3A_367 = tpu.vector_load %arg9[%get3A_366] {strides = array<i32>} : memref<5248xf32, #tpu.memory_space<vmem>>, vector<16xf32>,
      %get3A_368 = vector.shape_cast %get3A_367 : vector<16xf32> to vector<16xf32>
      %add3A_369 = arith.addf %get3A_362, %get3A_365 : vector<16xf32>
      %abs3A_370 = math.absf %add3A_369 : vector<16xf32>
      %mul3A_371 = arith.mulf %get3A_368, %abs3A_370 : vector<16xf32>
      %swap3A_372 = arith.index_cast %add3A_359 : i32 to index
      %swap3A_373 = tpu.vector_load %arg9[%swap3A_372] {strides = array<i32>} : memref<5248xf32, #tpu.memory_space<vmem>>, vector<16xf32>,
      %swap3A_374 = vector.shape_cast %swap3A_373 : vector<16xf32> to vector<16xf32>
      %swap3A_375 = vector.shape_cast %mul3A_371 : vector<16xf32> to vector<16xf32>
      tpu.vector_store %arg9[%swap3A_372], %swap3A_375 {strides = array<i32>} : memref<5248xf32, #tpu.memory_space<vmem>>, vector<16xf32>,
      %scan3A_376 = arith.constant 0 : i32
      scf.yield %scan3A_376 : i32
    }
    %scan3A_173 = arith.constant 10 : i32
    "tpu.trace_stop"() : () -> ()
    "tpu.trace_start"() <{level = 10 : i32, message = "scatter_add"}> : () -> ()
    %scan3A_174 = arith.constant 0 : i32
    %scan3A_175 = arith.constant 20 : i32
    %scan3A_176 = arith.constant 10 : i32
    %scan3A_177 = arith.addi %scan3A_175, %scan3A_176 : i32
    %scan3A_178 = arith.constant 1 : i32
    %scan3A_179 = scf.for %scan3A_217 = %scan3A_175 to %scan3A_177 step %scan3A_178 iter_args(%scan3A_218 = %scan3A_174) -> (i32)  : i32 {
      %mul3A_219 = arith.constant 128 : i32
      %mul3A_220 = arith.muli %scan3A_217, %mul3A_219 : i32
      %dma_start3A_221 = arith.constant 0 : i32
      %dma_start3A_222 = tpu.memref_slice %arg9[%mul3A_220] : memref<5248xf32, #tpu.memory_space<vmem>> -> memref<128xf32, #tpu.memory_space<vmem>>
      %dma_start3A_223 = arith.constant 0 : i32
      %dma_start3A_224 = tpu.memref_slice %arg6[%scan3A_217, %dma_start3A_221, %dma_start3A_223] : memref<41x2x128xi32, #tpu.memory_space<vmem>> -> memref<1x1x128xi32, #tpu.memory_space<vmem>>
      %dma_start3A_225 = tpu.memref_squeeze %dma_start3A_224 : memref<1x1x128xi32, #tpu.memory_space<vmem>> -> memref<128xi32, #tpu.memory_space<vmem>>
      %dma_start3A_226 = arith.constant 0 : i32
      %dma_start3A_227 = tpu.memref_slice %arg12[%dma_start3A_226] : memref<4096xf32, #tpu.memory_space<vmem_shared>> -> memref<4096xf32, #tpu.memory_space<vmem_shared>>
      tpu.enqueue_indirect_dma source(%dma_start3A_222 : memref<128xf32, #tpu.memory_space<vmem>>) target(%dma_start3A_227 : memref<4096xf32, #tpu.memory_space<vmem_shared>>) offsets(%dma_start3A_225 : memref<128xi32, #tpu.memory_space<vmem>>) semaphore(%arg18 : memref<!tpu.dma_semaphore, #tpu.memory_space<semaphore_mem>>) {add = true}
      %scan3A_228 = arith.constant 0 : i32
      scf.yield %scan3A_228 : i32
    }
    %scan3A_180 = arith.constant 10 : i32
    "tpu.trace_stop"() : () -> ()
    "tpu.trace_start"() <{level = 10 : i32, message = "gather_wait"}> : () -> ()
    %dma_wait3A_181 = arith.constant 3840 : i32
    %dma_wait3A_182 = tpu.memref_slice %arg10[%dma_wait3A_181] : memref<5248xf32, #tpu.memory_space<vmem>> -> memref<1408xf32, #tpu.memory_space<vmem>>
    %dma_wait3A_183 = arith.constant 3840 : i32
    %dma_wait3A_184 = tpu.memref_slice %arg7[%dma_wait3A_183] : memref<5248xi32, #tpu.memory_space<vmem>> -> memref<1408xi32, #tpu.memory_space<vmem>>
    %dma_wait3A_185 = arith.constant 0 : i32
    %dma_wait3A_186 = tpu.memref_slice %arg4[%dma_wait3A_185] : memref<16777216xf32, #tpu.memory_space<hbm>> -> memref<16777216xf32, #tpu.memory_space<hbm>>
    tpu.wait_indirect_dma semaphore(%arg17 : memref<!tpu.dma_semaphore, #tpu.memory_space<semaphore_mem>>) src(%dma_wait3A_186 : memref<16777216xf32, #tpu.memory_space<hbm>>) dst(%dma_wait3A_182 : memref<1408xf32, #tpu.memory_space<vmem>>)
    %dma_wait3A_187 = arith.constant 3840 : i32
    %dma_wait3A_188 = tpu.memref_slice %arg11[%dma_wait3A_187] : memref<5248xf32, #tpu.memory_space<vmem>> -> memref<1408xf32, #tpu.memory_space<vmem>>
    %dma_wait3A_189 = arith.constant 3840 : i32
    %dma_wait3A_190 = tpu.memref_slice %arg8[%dma_wait3A_189] : memref<5248xi32, #tpu.memory_space<vmem>> -> memref<1408xi32, #tpu.memory_space<vmem>>
    %dma_wait3A_191 = arith.constant 0 : i32
    %dma_wait3A_192 = tpu.memref_slice %arg4[%dma_wait3A_191] : memref<16777216xf32, #tpu.memory_space<hbm>> -> memref<16777216xf32, #tpu.memory_space<hbm>>
    tpu.wait_indirect_dma semaphore(%arg17 : memref<!tpu.dma_semaphore, #tpu.memory_space<semaphore_mem>>) src(%dma_wait3A_192 : memref<16777216xf32, #tpu.memory_space<hbm>>) dst(%dma_wait3A_188 : memref<1408xf32, #tpu.memory_space<vmem>>)
    "tpu.trace_stop"() : () -> ()
    "tpu.trace_start"() <{level = 10 : i32, message = "contrib"}> : () -> ()
    %scan3A_193 = arith.constant 0 : i32
    %scan3A_194 = arith.constant 30 : i32
    %scan3A_195 = arith.constant 11 : i32
    %scan3A_196 = arith.addi %scan3A_194, %scan3A_195 : i32
    %scan3A_197 = arith.constant 1 : i32
    %scan3A_198 = scf.for %scan3A_217 = %scan3A_194 to %scan3A_196 step %scan3A_197 iter_args(%scan3A_218 = %scan3A_193) -> (i32)  : i32 {
      %mul3A_219 = arith.constant 128 : i32
      %mul3A_220 = arith.muli %scan3A_217, %mul3A_219 : i32
      %add3A_221 = arith.constant 0 : i32
      %add3A_222 = arith.addi %mul3A_220, %add3A_221 : i32
      %get3A = arith.index_cast %add3A_222 : i32 to index
      %get3A_223 = tpu.vector_load %arg10[%get3A] {strides = array<i32>} : memref<5248xf32, #tpu.memory_space<vmem>>, vector<16xf32>,
      %get3A_224 = vector.shape_cast %get3A_223 : vector<16xf32> to vector<16xf32>
      %get3A_225 = arith.index_cast %add3A_222 : i32 to index
      %get3A_226 = tpu.vector_load %arg11[%get3A_225] {strides = array<i32>} : memref<5248xf32, #tpu.memory_space<vmem>>, vector<16xf32>,
      %get3A_227 = vector.shape_cast %get3A_226 : vector<16xf32> to vector<16xf32>
      %get3A_228 = arith.index_cast %add3A_222 : i32 to index
      %get3A_229 = tpu.vector_load %arg9[%get3A_228] {strides = array<i32>} : memref<5248xf32, #tpu.memory_space<vmem>>, vector<16xf32>,
      %get3A_230 = vector.shape_cast %get3A_229 : vector<16xf32> to vector<16xf32>
      %add3A_231 = arith.addf %get3A_224, %get3A_227 : vector<16xf32>
      %abs3A = math.absf %add3A_231 : vector<16xf32>
      %mul3A_232 = arith.mulf %get3A_230, %abs3A : vector<16xf32>
      %swap3A = arith.index_cast %add3A_222 : i32 to index
      %swap3A_233 = tpu.vector_load %arg9[%swap3A] {strides = array<i32>} : memref<5248xf32, #tpu.memory_space<vmem>>, vector<16xf32>,
      %swap3A_234 = vector.shape_cast %swap3A_233 : vector<16xf32> to vector<16xf32>
      %swap3A_235 = vector.shape_cast %mul3A_232 : vector<16xf32> to vector<16xf32>
      tpu.vector_store %arg9[%swap3A], %swap3A_235 {strides = array<i32>} : memref<5248xf32, #tpu.memory_space<vmem>>, vector<16xf32>,
      %mul3A_236 = arith.constant 128 : i32
      %mul3A_237 = arith.muli %scan3A_217, %mul3A_236 : i32
      %add3A_238 = arith.constant 16 : i32
      %add3A_239 = arith.addi %mul3A_237, %add3A_238 : i32
      %get3A_240 = arith.index_cast %add3A_239 : i32 to index
      %get3A_241 = tpu.vector_load %arg10[%get3A_240] {strides = array<i32>} : memref<5248xf32, #tpu.memory_space<vmem>>, vector<16xf32>,
      %get3A_242 = vector.shape_cast %get3A_241 : vector<16xf32> to vector<16xf32>
      %get3A_243 = arith.index_cast %add3A_239 : i32 to index
      %get3A_244 = tpu.vector_load %arg11[%get3A_243] {strides = array<i32>} : memref<5248xf32, #tpu.memory_space<vmem>>, vector<16xf32>,
      %get3A_245 = vector.shape_cast %get3A_244 : vector<16xf32> to vector<16xf32>
      %get3A_246 = arith.index_cast %add3A_239 : i32 to index
      %get3A_247 = tpu.vector_load %arg9[%get3A_246] {strides = array<i32>} : memref<5248xf32, #tpu.memory_space<vmem>>, vector<16xf32>,
      %get3A_248 = vector.shape_cast %get3A_247 : vector<16xf32> to vector<16xf32>
      %add3A_249 = arith.addf %get3A_242, %get3A_245 : vector<16xf32>
      %abs3A_250 = math.absf %add3A_249 : vector<16xf32>
      %mul3A_251 = arith.mulf %get3A_248, %abs3A_250 : vector<16xf32>
      %swap3A_252 = arith.index_cast %add3A_239 : i32 to index
      %swap3A_253 = tpu.vector_load %arg9[%swap3A_252] {strides = array<i32>} : memref<5248xf32, #tpu.memory_space<vmem>>, vector<16xf32>,
      %swap3A_254 = vector.shape_cast %swap3A_253 : vector<16xf32> to vector<16xf32>
      %swap3A_255 = vector.shape_cast %mul3A_251 : vector<16xf32> to vector<16xf32>
      tpu.vector_store %arg9[%swap3A_252], %swap3A_255 {strides = array<i32>} : memref<5248xf32, #tpu.memory_space<vmem>>, vector<16xf32>,
      %mul3A_256 = arith.constant 128 : i32
      %mul3A_257 = arith.muli %scan3A_217, %mul3A_256 : i32
      %add3A_258 = arith.constant 32 : i32
      %add3A_259 = arith.addi %mul3A_257, %add3A_258 : i32
      %get3A_260 = arith.index_cast %add3A_259 : i32 to index
      %get3A_261 = tpu.vector_load %arg10[%get3A_260] {strides = array<i32>} : memref<5248xf32, #tpu.memory_space<vmem>>, vector<16xf32>,
      %get3A_262 = vector.shape_cast %get3A_261 : vector<16xf32> to vector<16xf32>
      %get3A_263 = arith.index_cast %add3A_259 : i32 to index
      %get3A_264 = tpu.vector_load %arg11[%get3A_263] {strides = array<i32>} : memref<5248xf32, #tpu.memory_space<vmem>>, vector<16xf32>,
      %get3A_265 = vector.shape_cast %get3A_264 : vector<16xf32> to vector<16xf32>
      %get3A_266 = arith.index_cast %add3A_259 : i32 to index
      %get3A_267 = tpu.vector_load %arg9[%get3A_266] {strides = array<i32>} : memref<5248xf32, #tpu.memory_space<vmem>>, vector<16xf32>,
      %get3A_268 = vector.shape_cast %get3A_267 : vector<16xf32> to vector<16xf32>
      %add3A_269 = arith.addf %get3A_262, %get3A_265 : vector<16xf32>
      %abs3A_270 = math.absf %add3A_269 : vector<16xf32>
      %mul3A_271 = arith.mulf %get3A_268, %abs3A_270 : vector<16xf32>
      %swap3A_272 = arith.index_cast %add3A_259 : i32 to index
      %swap3A_273 = tpu.vector_load %arg9[%swap3A_272] {strides = array<i32>} : memref<5248xf32, #tpu.memory_space<vmem>>, vector<16xf32>,
      %swap3A_274 = vector.shape_cast %swap3A_273 : vector<16xf32> to vector<16xf32>
      %swap3A_275 = vector.shape_cast %mul3A_271 : vector<16xf32> to vector<16xf32>
      tpu.vector_store %arg9[%swap3A_272], %swap3A_275 {strides = array<i32>} : memref<5248xf32, #tpu.memory_space<vmem>>, vector<16xf32>,
      %mul3A_276 = arith.constant 128 : i32
      %mul3A_277 = arith.muli %scan3A_217, %mul3A_276 : i32
      %add3A_278 = arith.constant 48 : i32
      %add3A_279 = arith.addi %mul3A_277, %add3A_278 : i32
      %get3A_280 = arith.index_cast %add3A_279 : i32 to index
      %get3A_281 = tpu.vector_load %arg10[%get3A_280] {strides = array<i32>} : memref<5248xf32, #tpu.memory_space<vmem>>, vector<16xf32>,
      %get3A_282 = vector.shape_cast %get3A_281 : vector<16xf32> to vector<16xf32>
      %get3A_283 = arith.index_cast %add3A_279 : i32 to index
      %get3A_284 = tpu.vector_load %arg11[%get3A_283] {strides = array<i32>} : memref<5248xf32, #tpu.memory_space<vmem>>, vector<16xf32>,
      %get3A_285 = vector.shape_cast %get3A_284 : vector<16xf32> to vector<16xf32>
      %get3A_286 = arith.index_cast %add3A_279 : i32 to index
      %get3A_287 = tpu.vector_load %arg9[%get3A_286] {strides = array<i32>} : memref<5248xf32, #tpu.memory_space<vmem>>, vector<16xf32>,
      %get3A_288 = vector.shape_cast %get3A_287 : vector<16xf32> to vector<16xf32>
      %add3A_289 = arith.addf %get3A_282, %get3A_285 : vector<16xf32>
      %abs3A_290 = math.absf %add3A_289 : vector<16xf32>
      %mul3A_291 = arith.mulf %get3A_288, %abs3A_290 : vector<16xf32>
      %swap3A_292 = arith.index_cast %add3A_279 : i32 to index
      %swap3A_293 = tpu.vector_load %arg9[%swap3A_292] {strides = array<i32>} : memref<5248xf32, #tpu.memory_space<vmem>>, vector<16xf32>,
      %swap3A_294 = vector.shape_cast %swap3A_293 : vector<16xf32> to vector<16xf32>
      %swap3A_295 = vector.shape_cast %mul3A_291 : vector<16xf32> to vector<16xf32>
      tpu.vector_store %arg9[%swap3A_292], %swap3A_295 {strides = array<i32>} : memref<5248xf32, #tpu.memory_space<vmem>>, vector<16xf32>,
      %mul3A_296 = arith.constant 128 : i32
      %mul3A_297 = arith.muli %scan3A_217, %mul3A_296 : i32
      %add3A_298 = arith.constant 64 : i32
      %add3A_299 = arith.addi %mul3A_297, %add3A_298 : i32
      %get3A_300 = arith.index_cast %add3A_299 : i32 to index
      %get3A_301 = tpu.vector_load %arg10[%get3A_300] {strides = array<i32>} : memref<5248xf32, #tpu.memory_space<vmem>>, vector<16xf32>,
      %get3A_302 = vector.shape_cast %get3A_301 : vector<16xf32> to vector<16xf32>
      %get3A_303 = arith.index_cast %add3A_299 : i32 to index
      %get3A_304 = tpu.vector_load %arg11[%get3A_303] {strides = array<i32>} : memref<5248xf32, #tpu.memory_space<vmem>>, vector<16xf32>,
      %get3A_305 = vector.shape_cast %get3A_304 : vector<16xf32> to vector<16xf32>
      %get3A_306 = arith.index_cast %add3A_299 : i32 to index
      %get3A_307 = tpu.vector_load %arg9[%get3A_306] {strides = array<i32>} : memref<5248xf32, #tpu.memory_space<vmem>>, vector<16xf32>,
      %get3A_308 = vector.shape_cast %get3A_307 : vector<16xf32> to vector<16xf32>
      %add3A_309 = arith.addf %get3A_302, %get3A_305 : vector<16xf32>
      %abs3A_310 = math.absf %add3A_309 : vector<16xf32>
      %mul3A_311 = arith.mulf %get3A_308, %abs3A_310 : vector<16xf32>
      %swap3A_312 = arith.index_cast %add3A_299 : i32 to index
      %swap3A_313 = tpu.vector_load %arg9[%swap3A_312] {strides = array<i32>} : memref<5248xf32, #tpu.memory_space<vmem>>, vector<16xf32>,
      %swap3A_314 = vector.shape_cast %swap3A_313 : vector<16xf32> to vector<16xf32>
      %swap3A_315 = vector.shape_cast %mul3A_311 : vector<16xf32> to vector<16xf32>
      tpu.vector_store %arg9[%swap3A_312], %swap3A_315 {strides = array<i32>} : memref<5248xf32, #tpu.memory_space<vmem>>, vector<16xf32>,
      %mul3A_316 = arith.constant 128 : i32
      %mul3A_317 = arith.muli %scan3A_217, %mul3A_316 : i32
      %add3A_318 = arith.constant 80 : i32
      %add3A_319 = arith.addi %mul3A_317, %add3A_318 : i32
      %get3A_320 = arith.index_cast %add3A_319 : i32 to index
      %get3A_321 = tpu.vector_load %arg10[%get3A_320] {strides = array<i32>} : memref<5248xf32, #tpu.memory_space<vmem>>, vector<16xf32>,
      %get3A_322 = vector.shape_cast %get3A_321 : vector<16xf32> to vector<16xf32>
      %get3A_323 = arith.index_cast %add3A_319 : i32 to index
      %get3A_324 = tpu.vector_load %arg11[%get3A_323] {strides = array<i32>} : memref<5248xf32, #tpu.memory_space<vmem>>, vector<16xf32>,
      %get3A_325 = vector.shape_cast %get3A_324 : vector<16xf32> to vector<16xf32>
      %get3A_326 = arith.index_cast %add3A_319 : i32 to index
      %get3A_327 = tpu.vector_load %arg9[%get3A_326] {strides = array<i32>} : memref<5248xf32, #tpu.memory_space<vmem>>, vector<16xf32>,
      %get3A_328 = vector.shape_cast %get3A_327 : vector<16xf32> to vector<16xf32>
      %add3A_329 = arith.addf %get3A_322, %get3A_325 : vector<16xf32>
      %abs3A_330 = math.absf %add3A_329 : vector<16xf32>
      %mul3A_331 = arith.mulf %get3A_328, %abs3A_330 : vector<16xf32>
      %swap3A_332 = arith.index_cast %add3A_319 : i32 to index
      %swap3A_333 = tpu.vector_load %arg9[%swap3A_332] {strides = array<i32>} : memref<5248xf32, #tpu.memory_space<vmem>>, vector<16xf32>,
      %swap3A_334 = vector.shape_cast %swap3A_333 : vector<16xf32> to vector<16xf32>
      %swap3A_335 = vector.shape_cast %mul3A_331 : vector<16xf32> to vector<16xf32>
      tpu.vector_store %arg9[%swap3A_332], %swap3A_335 {strides = array<i32>} : memref<5248xf32, #tpu.memory_space<vmem>>, vector<16xf32>,
      %mul3A_336 = arith.constant 128 : i32
      %mul3A_337 = arith.muli %scan3A_217, %mul3A_336 : i32
      %add3A_338 = arith.constant 96 : i32
      %add3A_339 = arith.addi %mul3A_337, %add3A_338 : i32
      %get3A_340 = arith.index_cast %add3A_339 : i32 to index
      %get3A_341 = tpu.vector_load %arg10[%get3A_340] {strides = array<i32>} : memref<5248xf32, #tpu.memory_space<vmem>>, vector<16xf32>,
      %get3A_342 = vector.shape_cast %get3A_341 : vector<16xf32> to vector<16xf32>
      %get3A_343 = arith.index_cast %add3A_339 : i32 to index
      %get3A_344 = tpu.vector_load %arg11[%get3A_343] {strides = array<i32>} : memref<5248xf32, #tpu.memory_space<vmem>>, vector<16xf32>,
      %get3A_345 = vector.shape_cast %get3A_344 : vector<16xf32> to vector<16xf32>
      %get3A_346 = arith.index_cast %add3A_339 : i32 to index
      %get3A_347 = tpu.vector_load %arg9[%get3A_346] {strides = array<i32>} : memref<5248xf32, #tpu.memory_space<vmem>>, vector<16xf32>,
      %get3A_348 = vector.shape_cast %get3A_347 : vector<16xf32> to vector<16xf32>
      %add3A_349 = arith.addf %get3A_342, %get3A_345 : vector<16xf32>
      %abs3A_350 = math.absf %add3A_349 : vector<16xf32>
      %mul3A_351 = arith.mulf %get3A_348, %abs3A_350 : vector<16xf32>
      %swap3A_352 = arith.index_cast %add3A_339 : i32 to index
      %swap3A_353 = tpu.vector_load %arg9[%swap3A_352] {strides = array<i32>} : memref<5248xf32, #tpu.memory_space<vmem>>, vector<16xf32>,
      %swap3A_354 = vector.shape_cast %swap3A_353 : vector<16xf32> to vector<16xf32>
      %swap3A_355 = vector.shape_cast %mul3A_351 : vector<16xf32> to vector<16xf32>
      tpu.vector_store %arg9[%swap3A_352], %swap3A_355 {strides = array<i32>} : memref<5248xf32, #tpu.memory_space<vmem>>, vector<16xf32>,
      %mul3A_356 = arith.constant 128 : i32
      %mul3A_357 = arith.muli %scan3A_217, %mul3A_356 : i32
      %add3A_358 = arith.constant 112 : i32
      %add3A_359 = arith.addi %mul3A_357, %add3A_358 : i32
      %get3A_360 = arith.index_cast %add3A_359 : i32 to index
      %get3A_361 = tpu.vector_load %arg10[%get3A_360] {strides = array<i32>} : memref<5248xf32, #tpu.memory_space<vmem>>, vector<16xf32>,
      %get3A_362 = vector.shape_cast %get3A_361 : vector<16xf32> to vector<16xf32>
      %get3A_363 = arith.index_cast %add3A_359 : i32 to index
      %get3A_364 = tpu.vector_load %arg11[%get3A_363] {strides = array<i32>} : memref<5248xf32, #tpu.memory_space<vmem>>, vector<16xf32>,
      %get3A_365 = vector.shape_cast %get3A_364 : vector<16xf32> to vector<16xf32>
      %get3A_366 = arith.index_cast %add3A_359 : i32 to index
      %get3A_367 = tpu.vector_load %arg9[%get3A_366] {strides = array<i32>} : memref<5248xf32, #tpu.memory_space<vmem>>, vector<16xf32>,
      %get3A_368 = vector.shape_cast %get3A_367 : vector<16xf32> to vector<16xf32>
      %add3A_369 = arith.addf %get3A_362, %get3A_365 : vector<16xf32>
      %abs3A_370 = math.absf %add3A_369 : vector<16xf32>
      %mul3A_371 = arith.mulf %get3A_368, %abs3A_370 : vector<16xf32>
      %swap3A_372 = arith.index_cast %add3A_359 : i32 to index
      %swap3A_373 = tpu.vector_load %arg9[%swap3A_372] {strides = array<i32>} : memref<5248xf32, #tpu.memory_space<vmem>>, vector<16xf32>,
      %swap3A_374 = vector.shape_cast %swap3A_373 : vector<16xf32> to vector<16xf32>
      %swap3A_375 = vector.shape_cast %mul3A_371 : vector<16xf32> to vector<16xf32>
      tpu.vector_store %arg9[%swap3A_372], %swap3A_375 {strides = array<i32>} : memref<5248xf32, #tpu.memory_space<vmem>>, vector<16xf32>,
      %scan3A_376 = arith.constant 0 : i32
      scf.yield %scan3A_376 : i32
    }
    %scan3A_199 = arith.constant 11 : i32
    "tpu.trace_stop"() : () -> ()
    "tpu.trace_start"() <{level = 10 : i32, message = "scatter_add"}> : () -> ()
    %scan3A_200 = arith.constant 0 : i32
    %scan3A_201 = arith.constant 30 : i32
    %scan3A_202 = arith.constant 11 : i32
    %scan3A_203 = arith.addi %scan3A_201, %scan3A_202 : i32
    %scan3A_204 = arith.constant 1 : i32
    %scan3A_205 = scf.for %scan3A_217 = %scan3A_201 to %scan3A_203 step %scan3A_204 iter_args(%scan3A_218 = %scan3A_200) -> (i32)  : i32 {
      %mul3A_219 = arith.constant 128 : i32
      %mul3A_220 = arith.muli %scan3A_217, %mul3A_219 : i32
      %dma_start3A_221 = arith.constant 0 : i32
      %dma_start3A_222 = tpu.memref_slice %arg9[%mul3A_220] : memref<5248xf32, #tpu.memory_space<vmem>> -> memref<128xf32, #tpu.memory_space<vmem>>
      %dma_start3A_223 = arith.constant 0 : i32
      %dma_start3A_224 = tpu.memref_slice %arg6[%scan3A_217, %dma_start3A_221, %dma_start3A_223] : memref<41x2x128xi32, #tpu.memory_space<vmem>> -> memref<1x1x128xi32, #tpu.memory_space<vmem>>
      %dma_start3A_225 = tpu.memref_squeeze %dma_start3A_224 : memref<1x1x128xi32, #tpu.memory_space<vmem>> -> memref<128xi32, #tpu.memory_space<vmem>>
      %dma_start3A_226 = arith.constant 0 : i32
      %dma_start3A_227 = tpu.memref_slice %arg12[%dma_start3A_226] : memref<4096xf32, #tpu.memory_space<vmem_shared>> -> memref<4096xf32, #tpu.memory_space<vmem_shared>>
      tpu.enqueue_indirect_dma source(%dma_start3A_222 : memref<128xf32, #tpu.memory_space<vmem>>) target(%dma_start3A_227 : memref<4096xf32, #tpu.memory_space<vmem_shared>>) offsets(%dma_start3A_225 : memref<128xi32, #tpu.memory_space<vmem>>) semaphore(%arg18 : memref<!tpu.dma_semaphore, #tpu.memory_space<semaphore_mem>>) {add = true}
      %scan3A_228 = arith.constant 0 : i32
      scf.yield %scan3A_228 : i32
    }
    %scan3A_206 = arith.constant 11 : i32
    "tpu.trace_stop"() : () -> ()
    "tpu.trace_start"() <{level = 10 : i32, message = "scatter_drain"}> : () -> ()
    %mul3A_207 = arith.constant 5248 : i32
    %mul3A_208 = arith.muli %add3A, %mul3A_207 : i32
    %dma_wait3A_209 = tpu.memref_slice %arg3[%mul3A_208] : memref<167936xf32, #tpu.memory_space<hbm>> -> memref<5248xf32, #tpu.memory_space<hbm>>
    %dma_wait3A_210 = tpu.memref_slice %arg3[%mul3A_208] : memref<167936xf32, #tpu.memory_space<hbm>> -> memref<5248xf32, #tpu.memory_space<hbm>>
    tpu.wait_dma2 semaphore(%arg18 : memref<!tpu.dma_semaphore, #tpu.memory_space<semaphore_mem>>) src(%dma_wait3A_210 : memref<5248xf32, #tpu.memory_space<hbm>>) dst(%arg9 : memref<5248xf32, #tpu.memory_space<vmem>>)
    "tpu.trace_stop"() : () -> ()
    %barrier3A_211 = arith.constant 0 : index
    tpu.barrier barrier_id(%barrier3A_211)
    %eq3A_212 = arith.constant 0 : i32
    %eq3A_213 = arith.cmpi eq, %arg1, %eq3A_212 : i32
    %convert_element_type3A_214 = arith.extui %eq3A_213 : i1 to i32
    %cond3A_215 = arith.constant 0 : i32
    %cond3A_216 = arith.cmpi ne, %convert_element_type3A_214, %cond3A_215 : i32
    scf.if %cond3A_216 {
      "tpu.region"() ({
        %run_scoped3A = tpu.sem_alloc : memref<!tpu.dma_semaphore, #tpu.memory_space<semaphore_mem>>
        %dma_start3A_217 = arith.constant 0 : i32
        %dma_start3A_218 = tpu.memref_slice %arg5[%arg0, %dma_start3A_217] : memref<2x4096xf32, #tpu.memory_space<hbm>> -> memref<1x4096xf32, #tpu.memory_space<hbm>>
        %dma_start3A_219 = tpu.memref_squeeze %dma_start3A_218 : memref<1x4096xf32, #tpu.memory_space<hbm>> -> memref<4096xf32, #tpu.memory_space<hbm>>
        tpu.enqueue_dma source(%arg12 : memref<4096xf32, #tpu.memory_space<vmem_shared>>) target(%dma_start3A_219 : memref<4096xf32, #tpu.memory_space<hbm>>) target_semaphore(%run_scoped3A : memref<!tpu.dma_semaphore, #tpu.memory_space<semaphore_mem>>)
        %dma_wait3A_220 = arith.constant 0 : i32
        %dma_wait3A_221 = tpu.memref_slice %arg5[%arg0, %dma_wait3A_220] : memref<2x4096xf32, #tpu.memory_space<hbm>> -> memref<1x4096xf32, #tpu.memory_space<hbm>>
        %dma_wait3A_222 = tpu.memref_squeeze %dma_wait3A_221 : memref<1x4096xf32, #tpu.memory_space<hbm>> -> memref<4096xf32, #tpu.memory_space<hbm>>
        tpu.wait_dma2 semaphore(%run_scoped3A : memref<!tpu.dma_semaphore, #tpu.memory_space<semaphore_mem>>) src(%arg12 : memref<4096xf32, #tpu.memory_space<vmem_shared>>) dst(%dma_wait3A_222 : memref<4096xf32, #tpu.memory_space<hbm>>)
        tpu.yield
      }) : () -> ()
    } else {
    }
    return
  }
}

module attributes {stable_mosaic.version = 14 : i64} {
  func.func @_tc_outer(%arg0: memref<2x4096xf32, #tpu.memory_space<vmem>>, %arg1: memref<1x128xf32, #tpu.memory_space<vmem>>, %arg2: memref<4096x128xf32, #tpu.memory_space<vmem>>) attributes {dimension_semantics = [], scalar_prefetch = 0 : i64, scratch_operands = 0 : i64, tpu.core_type = #tpu.core_type<tc>} {
    %get3A = arith.constant 0 : index
    %get3A_0 = arith.constant 0 : index
    %get3A_1 = vector.load %arg1[%get3A, %get3A_0] : memref<1x128xf32, #tpu.memory_space<vmem>>, vector<1x128xf32>
    %broadcast_in_dim3A = vector.shape_cast %get3A_1 : vector<1x128xf32> to vector<1x128xf32>
    %broadcast_in_dim3A_2 = vector.broadcast %broadcast_in_dim3A : vector<1x128xf32> to vector<2x128xf32>
    %get3A_3 = arith.constant 0 : index
    %get3A_4 = arith.constant 0 : index
    %get3A_5 = vector.load %arg0[%get3A_3, %get3A_4] : memref<2x4096xf32, #tpu.memory_space<vmem>>, vector<2x4096xf32>
    %dot_general3A = arith.constant dense<0.000000e+00> : vector<4096x128xf32>
    %dot_general3A_6 = tpu.matmul %get3A_5, %broadcast_in_dim3A_2, %dot_general3A {dimension_numbers = #tpu.dot_dimension_numbers<[0], [0], [1], [1], [0, 1, 1, 1], [], []>, precision = #tpu.contract_precision<fp32>, transpose_lhs_hint = false} : vector<2x4096xf32>, vector<2x128xf32>, vector<4096x128xf32> -> vector<4096x128xf32>
    %max3A = arith.constant 0.000000e+00 : f32
    %max3A_7 = vector.broadcast %max3A : f32 to vector<4096x128xf32>
    %max3A_8 = arith.maximumf %dot_general3A_6, %max3A_7 : vector<4096x128xf32>
    %swap3A = arith.constant 0 : index
    %swap3A_9 = arith.constant 0 : index
    %swap3A_10 = vector.load %arg2[%swap3A, %swap3A_9] : memref<4096x128xf32, #tpu.memory_space<vmem>>, vector<4096x128xf32>
    tpu.vector_store %arg2[%swap3A, %swap3A_9], %max3A_8 {strides = array<i32>} : memref<4096x128xf32, #tpu.memory_space<vmem>>, vector<4096x128xf32>,
    return
  }
}

</mosaic_0001>

<sc_bundles>
// kernel: kernel.4.cloned.1.call-start
scs
__scs_entry_jumppad:
0x0: {  	(pc) =	sbr.rel $0x88, $3  }
0x1: {  	(tag) =	ssettag $0x0;
	lr =	simm.s32 $0x1  }
0x2: {  	[smem:$0x3F9D] =	sst lr;
	_ =	strace $0xD0000000  }
0x3: {  	_ = 	snop  }
0x4: {  	_ = 	snop  }
0x5: {  	_ = 	snop  }
0x6: {  	_ = 	snop  }
0x7: {  	_ = 	snop  }
__scs_overlays_trampoline_lowered:
0x8: {  	[smem:$0x3FAC] =	sst s0  }
0x9: {  	[smem:$0x3FAD] =	sst s1  }
0xa: {  	[smem:$0x3FAE] =	sst s2  }
0xb: {  	[smem:$0x3FAF] =	sst s3  }
0xc: {  	[smem:$0x3FB0] =	sst s4  }
0xd: {  	[smem:$0x3FB1] =	sst s5  }
0xe: {  	[smem:$0x3FB2] =	sst s6  }
0xf: {  	[smem:$0x3FB3] =	sst s7  }
0x10: {  	[smem:$0x3FB4] =	sst s8  }
0x11: {  	[smem:$0x3FB5] =	sst s9;
	s0 =	simm.s32 @!p0 $0x0  }
0x12: {  	s1 =	sld [smem:$0x3F9B];
	s0 =	simm.s32 @p0 $0x1  }
0x13: {  	[smem:$0x3FB6] =	sst s0;
	s0 =	simm.s32 @!p1 $0x0  }
0x14: {  	s2 =	sld [smem:$0x3F9A];
	s0 =	simm.s32 @p1 $0x1  }
0x15: {  	[smem:$0x3FB7] =	sst s0;
	s0 =	simm.s32 @!p2 $0x0  }
0x16: {  	s3 =	sld [smem:$0x3FDB];
	s0 =	simm.s32 @p2 $0x1  }
0x17: {  	s4 =	simm.s32 $0x1BF5;
	[smem:$0x3FB9] =	sst s0  }
0x18: {  	s0 =	sld [smem:$0x3F9C];
	_ =	swait.ge [sflag:s4], $0x0  }
0x19: {  	s7 =	sld [smem:$0x3F9D]  }
0x1a: {  	s8 =	sadd.s32 $0xFFFFE003, lr  }
0x1b: {  	s9 =	sadd.s32 $0xFFFFFEF7, lr;
	s5 =	simm.s32 $0xFFFFFFFF;
	p2 =	slt.u32 s8, $0xFFFFF086  }
0x1c: {  	p1 =	slt.u32 s9, $0xF7A;
	s5 =	simm.s32 @!p2 $0x0  }
0x1d: {  	s5 =	simm.s32 @p1 $0x1;
	p0 =	seq.s32 s7, s2  }
0x1e: {  	s7 =	smul.u32 @!p0 $0xF7A, s2;
	p2 =	seq.s32 @!p0 s5, $0x0  }
0x1f: {  	s9 =	smul.u32 $0xF7A, s1;
	s8 =	simm.s32 @!p0 $0x1BF5;
	p2 =	por !p2, p0  }
0x20: {  	[sflag:s8] =	ssyncset.s32 @!p0 $0xFFFFF086;
	s6 =	sadd.s32 @!p0 s3, s7;
	s7 =	simm.s32 @!p0 $0x108  }
0x21: {  	s3 =	sadd.s32 s3, s9;
	s6 =	sadd.s32 @!p0 $0x88, s6;
	s7 =	simm.s32 @p2 $0x1082  }
0x22: {  	[simem:s7], [sflag:s8] =	dma.local @!p0 [hbm:s6], $0xF7A  }
0x23: {  	s9 =	sor.u32 $0xD0000000, s2;
	s6 =	simm.s32 $0x108;
	_ =	swait.ge @!p0 [sflag:s8], $0x0  }
0x24: {  	s3 =	sadd.s32 $0x88, s3;
	s6 =	simm.s32 @!p1 $0x1082;
	[sflag:s4] =	ssyncset.s32 $0xFFFFF086  }
0x25: {  	[simem:s6], [sflag:s4] =	dma.local [hbm:s3], $0xF7A  }
0x26: {  	[smem:$0x3F9D] =	sst s1;
	(tag) =	ssettag s2;
	_ =	strace s9  }
0x27: {  	s1 =	sld [smem:$0x3FAD]  }
0x28: {  	s2 =	sld [smem:$0x3FAE]  }
0x29: {  	s4 =	sld [smem:$0x3FB0]  }
0x2a: {  	p0 =	seq.s32 s5, $0x0;
	s5 =	sld [smem:$0x3FB1]  }
0x2b: {  	s6 =	sld [smem:$0x3FB2]  }
0x2c: {  	s7 =	sld [smem:$0x3FB3]  }
0x2d: {  	s3 =	simm.s32 $0x108;
	s8 =	sld [smem:$0x3FB4]  }
0x2e: {  	s3 =	simm.s32 @!p0 $0x1082;
	s9 =	sld [smem:$0x3FB5]  }
0x2f: {  	lr =	sadd.s32 s0, s3;
	s0 =	sld [smem:$0x3FAC]  }
0x30: {  	s3 =	sld [smem:$0x3FAF]  }
0x31: {  	[smem:$0x3FB8] =	sst s10  }
0x32: {  	s10 =	sld [smem:$0x3FB6];
	_ =	sdelay $0x3  }
0x33: {  	p0 =	seq.s32 s10, $0x1;
	s10 =	sld [smem:$0x3FB8];
	_ =	sdelay $0x3  }
0x34: {  	[smem:$0x3FB8] =	sst s10  }
0x35: {  	s10 =	sld [smem:$0x3FB7];
	_ =	sdelay $0x3  }
0x36: {  	p1 =	seq.s32 s10, $0x1;
	s10 =	sld [smem:$0x3FB8];
	_ =	sdelay $0x3  }
0x37: {  	[smem:$0x3FB8] =	sst s10  }
0x38: {  	s10 =	sld [smem:$0x3FB9]  }
0x39: {  	_ = 	snop;
	(pc) =	sbr.ind lr, $3  }
0x3a: {  	_ = 	snop  }
0x3b: {  	_ = 	snop  }
0x3c: {  	p2 =	seq.s32 s10, $0x1;
	s10 =	sld [smem:$0x3FB8]  }
0x3d: {  	_ =	shalt  }
0x3e: {  	_ =	shalt  }
0x3f: {  	_ =	shalt  }
0x40: {  	_ =	shalt  }
0x41: {  	_ =	shalt  }
0x42: {  	_ =	shalt  }
0x43: {  	_ =	shalt  }
0x44: {  	_ =	shalt  }
0x45: {  	_ =	shalt  }
0x46: {  	_ =	shalt  }
0x47: {  	_ =	shalt  }
0x48: {  	_ =	shalt  }
0x49: {  	_ =	shalt  }
0x4a: {  	_ =	shalt  }
0x4b: {  	_ =	shalt  }
0x4c: {  	_ =	shalt  }
0x4d: {  	_ =	shalt  }
0x4e: {  	_ =	shalt  }
0x4f: {  	_ =	shalt  }
0x50: {  	_ =	shalt  }
0x51: {  	_ =	shalt  }
0x52: {  	_ =	shalt  }
0x53: {  	_ =	shalt  }
0x54: {  	_ =	shalt  }
0x55: {  	_ =	shalt  }
0x56: {  	_ =	shalt  }
0x57: {  	_ =	shalt  }
0x58: {  	_ =	shalt  }
0x59: {  	_ =	shalt  }
0x5a: {  	_ =	shalt  }
0x5b: {  	_ =	shalt  }
0x5c: {  	_ =	shalt  }
0x5d: {  	_ =	shalt  }
0x5e: {  	_ =	shalt  }
0x5f: {  	_ =	shalt  }
0x60: {  	_ =	shalt  }
0x61: {  	_ =	shalt  }
0x62: {  	_ =	shalt  }
0x63: {  	_ =	shalt  }
0x64: {  	_ =	shalt  }
0x65: {  	_ =	shalt  }
0x66: {  	_ =	shalt  }
0x67: {  	_ =	shalt  }
0x68: {  	_ =	shalt  }
0x69: {  	_ =	shalt  }
0x6a: {  	_ =	shalt  }
0x6b: {  	_ =	shalt  }
0x6c: {  	_ =	shalt  }
0x6d: {  	_ =	shalt  }
0x6e: {  	_ =	shalt  }
0x6f: {  	_ =	shalt  }
0x70: {  	_ =	shalt  }
0x71: {  	_ =	shalt  }
0x72: {  	_ =	shalt  }
0x73: {  	_ =	shalt  }
0x74: {  	_ =	shalt  }
0x75: {  	_ =	shalt  }
0x76: {  	_ =	shalt  }
0x77: {  	_ =	shalt  }
0x78: {  	_ =	shalt  }
0x79: {  	_ =	shalt  }
0x7a: {  	_ =	shalt  }
0x7b: {  	_ =	shalt  }
0x7c: {  	_ =	shalt  }
0x7d: {  	_ =	shalt  }
0x7e: {  	_ =	shalt  }
0x7f: {  	_ =	shalt  }
0x80: {  	_ =	shalt  }
0x81: {  	_ =	shalt  }
0x82: {  	_ =	shalt  }
0x83: {  	_ =	shalt  }
0x84: {  	_ =	shalt  }
0x85: {  	_ =	shalt  }
0x86: {  	_ =	shalt  }
0x87: {  	_ =	shalt  }
.Lfunc_end0:
.L_simem_size_0:
called_computation_lowered:
.L_overlay_start_0:
0x88: {  	s2 =	sld [smem:$0x3FD9]  }
0x89: {  	s3 =	sld [smem:$0x3FFE];
	_ =	sdelay $0x1  }
0x8a: {  	s1 =	srdreg.scid  }
0x8b: {  	s0 =	sand.u32 $0x1, s1  }
0x8c: {  	s17 =	sshll.u32 s0, $0xA;
	s2 =	sadd.s32 s3, s2  }
0x8d: {  	s2 =	sadd.s32 s2, s17  }
0x8e: {  	[smem:$0x3FC4] =	sst s2  }
0x8f: {  	_ = 	snop  }
0x90: {  	s2 =	sld [smem:$0x3FC9]  }
0x91: {  	s18 =	sld [smem:$0x3FD0];
	(tm) =	ssettm $0x1  }
0x92: {  	s4 =	sld [smem:$0x3FFB];
	_ =	sdelay $0x3  }
0x93: {  	_ =	strace s4  }
0x94: {  	s4 =	sld [smem:$0x3FFC];
	_ =	sdelay $0x3  }
0x95: {  	_ =	strace s4  }
0x96: {  	s4 =	sld [smem:$0x3FFD];
	_ =	sdelay $0x3  }
0x97: {  	_ =	strace s4  }
0x98: {  	_ =	strace $0x8FFFFFFF  }
0x99: {  	s19 =	sld [smem:$0x3FDB];
	_ =	sdelay $0x1  }
0x9a: {  	s5 =	simm.s32 $_scs_section_size  }
0x9b: {  	s6 =	simm.s32 $_size__tile_overlayer_lowered;
	s7 =	simm.s32 $_tile_overlayer_lowered  }
0x9c: {  	s22 =	simm.s32 $0x1BFF;
	s21 =	sshll.u32 s7, $0x1;
	s4 =	sadd.s32 s5, s19  }
0x9d: {  	s8 =	simm.s32 $0x0;
	s20 =	sshll.u32 s6, $0x1;
	s6 =	sadd.s32 s21, s4  }
0x9e: {  	[timem:s8], [sflag:s22] =	dma.local [hbm:s6], s20  }
0x9f: {  	_ =	swait.ge [sflag:s22], s20  }
0xa0: {  	s5 =	ssub.s32 $0x0, s20;
	[sflag:s22] =	ssyncset.done $0x0  }
0xa1: {  	[sflag:s22] =	ssyncadd.s32 s5;
	_ =	sdelay $0x1  }
0xa2: {  	s23 =	simm.s32 $0x1B8B  }
0xa3: {  	_ =	swait.ge [sflag:s23], $0x1  }
0xa4: {  	[sflag:s23] =	ssyncset.done $0x0  }
0xa5: {  	s25 =	simm.s32 $0x1B8E;
	s24 =	sld [smem:$0x3FFE];
	[sflag:s23] =	ssyncadd.s32 $0xFFFFFFFF  }
0xa6: {  	s26 =	simm.s32 $execute0_lowered;
	[smem:$0x3FD2] =	sst s25  }
0xa7: {  	s6 =	sshll.u32 s26, $0x1;
	_ =	strace $0x80000046;
	[dreg:$0x1] =	wrdreg $0xFFFFFFFF  }
0xa8: {  	s28 =	simm.s32 $_size_execute0_lowered;
	s4 =	sadd.s32 s4, s6;
	[dreg:$0x0] =	wrdreg $0x0  }
0xa9: {  	s6 =	sshll.u32 s28, $0x1;
	[dreg:$0x2] =	wrdreg s4  }
0xaa: {  	[dreg:$0x3] =	wrdreg s6  }
0xab: {  	[dreg:$0x4] =	wrdreg $0xC0  }
0xac: {  	_ =	task [dreg:s8], $0x5FFFF  }
0xad: {  	[dreg:$0x1] =	wrdreg $0xFFFFFFFF  }
0xae: {  	[dreg:$0x0] =	wrdreg $0x60  }
0xaf: {  	[dreg:$0x2] =	wrdreg s18  }
0xb0: {  	[dreg:$0x3] =	wrdreg s24  }
0xb1: {  	[dreg:$0x4] =	wrdreg s2  }
0xb2: {  	[dreg:$0x5] =	wrdreg $0x8F800  }
0xb3: {  	[dreg:$0x6] =	wrdreg $0x9  }
0xb4: {  	_ =	task.clear_ibuf [dreg:s8], $0x7FFFF;
	_ =	strace $0x90000046  }
0xb5: {  	s29 =	simm.s32 $0x9;
	_ =	strace $0x80000059  }
0xb6: {  	_ =	swait.ge [sflag:s29], $0x1  }
0xb7: {  	[sflag:s29] =	ssyncadd.s32 $0xFFFFFFFF  }
0xb8: {  	_ =	strace $0x90000059  }
0xb9: {  	_ =	sfence  }
0xba: {  	s30 =	sld [smem:$0x0];
	_ =	sdelay $0x2  }
0xbb: {  	s31 =	sshll.u32 s1, $0xD;
	s1 =	sshrl.u32 s1, $0x2  }
0xbc: {  	s3 =	sand.u32 $0x4000, s31;
	s1 =	sadd.s32 s1, s30  }
0xbd: {  	s0 =	sor.u32 s3, s0;
	s1 =	sshll.u32 s1, $0x11  }
0xbe: {  	s0 =	sor.u32 s1, s0  }
0xbf: {  	s0 =	sadd.s32 $0x8F2B, s0  }
0xc0: {  	[sflag:s0] =	ssyncadd.remote.s32 $0x1  }
0xc1: {  	_ =	sfence.sel $0xFFFF  }
0xc2: {  	[dreg:$0x0] =	wrdreg $0xFFFFFFFF;
	(pc) =	sbr.abs _section_cstart, $3  }
0xc3: {  	[dreg:$0x1] =	wrdreg $0xFFFFFFFF  }
0xc4: {  	_ =	task.clear_ibuf [dreg:s8], $0x2FFFF;
	_ =	strace $0x9FFFFFFF  }
0xc5: {  	(tm) =	ssettm $0x7FFFFFFF  }
tec
execute0_lowered:
.L_overlay_start_1:
0x0: {  	(tag) =	ssettag $0x1  }
0x1: {  	s0 =	rddreg [dreg:$0x0]  }
0x2: {  	s4 =	rddreg [dreg:$0x1]  }
0x3: {  	s1 =	rddreg [dreg:$0x2]  }
0x4: {  	s2 =	rddreg [dreg:$0x3];
	s5 =	srdreg.scid  }
0x5: {  	s11 =	stileid.u32;
	s3 =	simm.s32 $0x0;
	s23 =	simm.s32 $0x580  }
0x6: {  	s29 =	simm.s32 $0x6;
	s30 =	simm.s32 $0x1;
	s31 =	simm.s32 $0x80  }
0x7: {  	s15 =	simm.s32 $0x3;
	s21 =	simm.s32 $0x4;
	s22 =	simm.s32 $0x2500  }
0x8: {  	s24 =	simm.s32 $0x6480;
	s25 =	simm.s32 $0x2600;
	s26 =	simm.s32 $0x6500  }
0x9: {  	s28 =	simm.s32 $0x2700;
	s12 =	simm.s32 $0x2800;
	s13 =	simm.s32 $0x6600  }
0xa: {  	s14 =	simm.s32 $0x0;
	s5 =	sand.u32 $0x1, s5;
	s6 =	sshll.u32 s11, $0x1  }
0xb: {  	[smem:$0x7FF] =	sst s3;
	p0 =	sne.s32 s11, $0x0;
	s6 =	sor.u32 s5, s6  }
0xc: {  	s11 =	simm.s32 $0x6580;
	s8 =	ssub.s32 $0x2, s5;
	s7 =	smul.u32 $0x290, s6  }
0xd: {  	s5 =	sshll.u32 s5, $0x4;
	s9 =	sshrl.u32 s8, $0x1;
	s6 =	smul.u32 $0x520, s6  }
0xe: {  	_ =	strace $0x80000047;
	s10 =	sadd.s32 s5, s4;
	s8 =	ssub.s32 s8, s9  }
0xf: {  	s9 =	simm.s32 $0x5;
	s7 =	sadd.s32 s7, s4;
	s4 =	sadd.s32 s0, s6  }
0x10: {  	s6 =	sadd.s32 $0x5C00, s10;
	s10 =	simm.s32 $0x500;
	s0 =	simm.s32 $0x2  }
0x11: {  	v0 =	vimm.f32 $0.0e+00;
	s5 =	sadd.s32 $0xA00, s7;
	s7 =	smax.u32 s8, $0x1;
	s8 =	simm.s32 $0x5200  }
.LBB2_1:
0x12: {  	[tilespmem:s3], [sflag:$0x5] =	stream.linear.gather [hbm4b:s4+s3], $0x2900, $0x38;
	[tilespmem:$0xA080] =	vst v63  }
0x13: {  	_ = 	snop  }
0x14: {  	[tilespmem:s8], [sflag:$0x6] =	stream.linear.gather [hbm4b:s5+s3], $0x1480, $0x38;
	[tilespmem:$0xA080] =	vst v63  }
0x15: {  	_ =	swait.ge [sflag:s9], $0x2900  }
0x16: {  	[sflag:s9] =	ssyncset.done $0x0  }
0x17: {  	[sflag:s9] =	ssyncadd.s32 $0xFFFFD700  }
0x18: {  	_ =	strace $0x80000048  }
0x19: {  	v1 =	vld [tilespmem:s31+$0xFFFFFF80]  }
0x1a: {  	v2 =	vld [tilespmem:s31+$0x0];
	_ =	sdelay $0x3  }
0x1b: {  	v3 =	vshll.u32 v1, $0xC  }
0x1c: {  	v4 =	vshll.u32 v1, $0x7;
	v5 =	vshll.u32 v1, $0x3;
	v6 =	vshll.u32 v2, $0x3  }
0x1d: {  	v7 =	vshll.u32 v2, $0xC;
	v26 =	vshll.u32 v2, $0x7;
	v2 =	vand.u32 $0x7F, v2  }
0x1e: {  	v3 =	vand.u32 $0xFFFF8000, v3;
	v6 =	vand.u32 $0xFFFFFC00, v6;
	v4 =	vand.u32 $0x380, v4  }
0x1f: {  	v7 =	vand.u32 $0xFFFF8000, v7;
	v5 =	vand.u32 $0xFFFFFC00, v5;
	v3 =	vadd.s32 v3, v6  }
0x20: {  	v28 =	vand.u32 $0x380, v26;
	v27 =	vadd.s32 v5, v7;
	v3 =	vor.u32 v4, v3  }
0x21: {  	s16 =	simm.s32 $0x0;
	v1 =	vand.u32 $0x7F, v1;
	v2 =	vor.u32 v2, v3;
	v3 =	vor.u32 v28, v27  }
0x22: {  	v1 =	vor.u32 v1, v3;
	[tilespmem:s16+$0x2900] =	vst v2  }
0x23: {  	[tilespmem:s16+$0x3D80] =	vst v1  }
0x24: {  	v1 =	vld [tilespmem:s31+$0xFFFFFF90]  }
0x25: {  	v2 =	vld [tilespmem:s31+$0x10];
	_ =	sdelay $0x3  }
0x26: {  	v3 =	vshll.u32 v1, $0xC  }
0x27: {  	v29 =	vshll.u32 v1, $0x7;
	v30 =	vshll.u32 v1, $0x3;
	v31 =	vshll.u32 v2, $0x3  }
0x28: {  	v32 =	vshll.u32 v2, $0xC;
	v33 =	vshll.u32 v2, $0x7;
	v2 =	vand.u32 $0x7F, v2  }
0x29: {  	v3 =	vand.u32 $0xFFFF8000, v3;
	v6 =	vand.u32 $0xFFFFFC00, v31;
	v5 =	vand.u32 $0xFFFFFC00, v30  }
0x2a: {  	v7 =	vand.u32 $0xFFFF8000, v32;
	v4 =	vand.u32 $0x380, v29;
	v3 =	vadd.s32 v3, v6  }
0x2b: {  	v34 =	vand.u32 $0x380, v33;
	v5 =	vadd.s32 v5, v7;
	v3 =	vor.u32 v4, v3  }
0x2c: {  	v1 =	vand.u32 $0x7F, v1;
	v2 =	vor.u32 v2, v3;
	v3 =	vor.u32 v34, v5  }
0x2d: {  	v1 =	vor.u32 v1, v3;
	[tilespmem:s16+$0x2910] =	vst v2  }
0x2e: {  	[tilespmem:s16+$0x3D90] =	vst v1  }
0x2f: {  	v1 =	vld [tilespmem:s31+$0xFFFFFFA0]  }
0x30: {  	v2 =	vld [tilespmem:s31+$0x20];
	_ =	sdelay $0x3  }
0x31: {  	v3 =	vshll.u32 v1, $0xC  }
0x32: {  	v35 =	vshll.u32 v1, $0x7;
	v36 =	vshll.u32 v1, $0x3;
	v37 =	vshll.u32 v2, $0x3  }
0x33: {  	v38 =	vshll.u32 v2, $0xC;
	v39 =	vshll.u32 v2, $0x7;
	v2 =	vand.u32 $0x7F, v2  }
0x34: {  	v3 =	vand.u32 $0xFFFF8000, v3;
	v6 =	vand.u32 $0xFFFFFC00, v37;
	v4 =	vand.u32 $0x380, v35  }
0x35: {  	v7 =	vand.u32 $0xFFFF8000, v38;
	v5 =	vand.u32 $0xFFFFFC00, v36;
	v3 =	vadd.s32 v3, v6  }
0x36: {  	v41 =	vand.u32 $0x380, v39;
	v40 =	vadd.s32 v5, v7;
	v3 =	vor.u32 v4, v3  }
0x37: {  	v1 =	vand.u32 $0x7F, v1;
	v2 =	vor.u32 v2, v3;
	v3 =	vor.u32 v41, v40  }
0x38: {  	v1 =	vor.u32 v1, v3;
	[tilespmem:s16+$0x2920] =	vst v2  }
0x39: {  	[tilespmem:s16+$0x3DA0] =	vst v1  }
0x3a: {  	v1 =	vld [tilespmem:s31+$0xFFFFFFB0]  }
0x3b: {  	v2 =	vld [tilespmem:s31+$0x30];
	_ =	sdelay $0x3  }
0x3c: {  	v3 =	vshll.u32 v1, $0xC  }
0x3d: {  	v42 =	vshll.u32 v1, $0x3;
	v43 =	vshll.u32 v2, $0x3;
	v44 =	vshll.u32 v1, $0x7  }
0x3e: {  	v45 =	vshll.u32 v2, $0xC;
	v47 =	vshll.u32 v2, $0x7;
	v2 =	vand.u32 $0x7F, v2  }
0x3f: {  	v3 =	vand.u32 $0xFFFF8000, v3;
	v5 =	vand.u32 $0xFFFFFC00, v43;
	v4 =	vand.u32 $0xFFFFFC00, v42  }
0x40: {  	v46 =	vand.u32 $0x380, v44;
	v48 =	vand.u32 $0xFFFF8000, v45;
	v3 =	vadd.s32 v3, v5  }
0x41: {  	v49 =	vand.u32 $0x380, v47;
	v4 =	vadd.s32 v4, v48;
	v3 =	vor.u32 v46, v3  }
0x42: {  	v1 =	vand.u32 $0x7F, v1;
	v2 =	vor.u32 v2, v3;
	v3 =	vor.u32 v49, v4  }
0x43: {  	v1 =	vor.u32 v1, v3;
	[tilespmem:s16+$0x2930] =	vst v2  }
0x44: {  	[tilespmem:s16+$0x3DB0] =	vst v1  }
0x45: {  	v1 =	vld [tilespmem:s31+$0xFFFFFFC0]  }
0x46: {  	v2 =	vld [tilespmem:s31+$0x40];
	_ =	sdelay $0x3  }
0x47: {  	v3 =	vshll.u32 v1, $0xC  }
0x48: {  	v50 =	vshll.u32 v1, $0x7;
	v51 =	vshll.u32 v1, $0x3;
	v52 =	vshll.u32 v2, $0x3  }
0x49: {  	v53 =	vshll.u32 v2, $0xC;
	v55 =	vshll.u32 v2, $0x7;
	v2 =	vand.u32 $0x7F, v2  }
0x4a: {  	v4 =	vand.u32 $0x380, v50;
	v3 =	vand.u32 $0xFFFF8000, v3;
	v6 =	vand.u32 $0xFFFFFC00, v52  }
0x4b: {  	v5 =	vand.u32 $0xFFFFFC00, v51;
	v54 =	vand.u32 $0xFFFF8000, v53;
	v3 =	vadd.s32 v3, v6  }
0x4c: {  	v57 =	vand.u32 $0x380, v55;
	v56 =	vadd.s32 v5, v54;
	v3 =	vor.u32 v4, v3  }
0x4d: {  	v1 =	vand.u32 $0x7F, v1;
	v2 =	vor.u32 v2, v3;
	v3 =	vor.u32 v57, v56  }
0x4e: {  	v1 =	vor.u32 v1, v3;
	[tilespmem:s16+$0x2940] =	vst v2  }
0x4f: {  	[tilespmem:s16+$0x3DC0] =	vst v1  }
0x50: {  	v1 =	vld [tilespmem:s31+$0xFFFFFFD0]  }
0x51: {  	v2 =	vld [tilespmem:s31+$0x50];
	_ =	sdelay $0x3  }
0x52: {  	v3 =	vshll.u32 v1, $0xC  }
0x53: {  	v58 =	vshll.u32 v1, $0x7;
	v59 =	vshll.u32 v1, $0x3;
	v60 =	vshll.u32 v2, $0x3  }
0x54: {  	v61 =	vshll.u32 v2, $0xC;
	v62 =	vshll.u32 v2, $0x7;
	v2 =	vand.u32 $0x7F, v2  }
0x55: {  	v3 =	vand.u32 $0xFFFF8000, v3;
	v6 =	vand.u32 $0xFFFFFC00, v60;
	v5 =	vand.u32 $0xFFFFFC00, v59  }
0x56: {  	v7 =	vand.u32 $0xFFFF8000, v61;
	v4 =	vand.u32 $0x380, v58;
	v3 =	vadd.s32 v3, v6  }
0x57: {  	v63 =	vand.u32 $0x380, v62;
	v5 =	vadd.s32 v5, v7;
	v3 =	vor.u32 v4, v3  }
0x58: {  	v1 =	vand.u32 $0x7F, v1;
	v2 =	vor.u32 v2, v3;
	v3 =	vor.u32 v63, v5  }
0x59: {  	v1 =	vor.u32 v1, v3;
	[tilespmem:s16+$0x2950] =	vst v2  }
0x5a: {  	[tilespmem:s16+$0x3DD0] =	vst v1  }
0x5b: {  	v1 =	vld [tilespmem:s31+$0xFFFFFFE0]  }
0x5c: {  	s18 =	simm.s32 $0x200;
	s19 =	simm.s32 $0x80;
	s17 =	simm.s32 $0x80;
	v2 =	vld [tilespmem:s31+$0x60]  }
.LBB2_2:
0x5d: {  	_ = 	snop  }
0x5e: {  	p1 =	sne.s32 s18, $0x1200  }
0x5f: {  	s19 =	sadd.s32 $0x100, s19;
	s20 =	smov.u32 s18;
	s18 =	sadd.s32 $0x200, s18  }
0x60: {  	v3 =	vshll.u32 v1, $0xC;
	v4 =	vshll.u32 v1, $0x7;
	v5 =	vshll.u32 v1, $0x3  }
0x61: {  	v6 =	vshll.u32 v2, $0x3;
	v7 =	vand.u32 $0x7F, v2;
	v8 =	vshll.u32 v2, $0xC  }
0x62: {  	v4 =	vand.u32 $0x380, v4;
	v6 =	vand.u32 $0xFFFFFC00, v6;
	v8 =	vand.u32 $0xFFFF8000, v8  }
0x63: {  	v3 =	vand.u32 $0xFFFF8000, v3;
	v5 =	vand.u32 $0xFFFFFC00, v5;
	v2 =	vshll.u32 v2, $0x7  }
0x64: {  	v2 =	vand.u32 $0x380, v2;
	v3 =	vadd.s32 v3, v6;
	v5 =	vadd.s32 v5, v8  }
0x65: {  	v1 =	vand.u32 $0x7F, v1;
	v3 =	vor.u32 v4, v3;
	v2 =	vor.u32 v2, v5  }
0x66: {  	v3 =	vor.u32 v7, v3;
	v1 =	vor.u32 v1, v2  }
0x67: {  	[tilespmem:s16+$0x2960] =	vst v3  }
0x68: {  	[tilespmem:s16+$0x3DE0] =	vst v1  }
0x69: {  	v1 =	vld [tilespmem:s17+$0xFFFFFFF0]  }
0x6a: {  	v2 =	vld [tilespmem:s17+$0x70];
	s17 =	smov.u32 s19;
	_ =	sdelay $0x3  }
0x6b: {  	v3 =	vshll.u32 v1, $0xC;
	v4 =	vshll.u32 v1, $0x7;
	v5 =	vshll.u32 v1, $0x3  }
0x6c: {  	v6 =	vshll.u32 v2, $0x3;
	v7 =	vshll.u32 v2, $0xC;
	v5 =	vand.u32 $0xFFFFFC00, v5  }
0x6d: {  	v3 =	vand.u32 $0xFFFF8000, v3;
	v6 =	vand.u32 $0xFFFFFC00, v6;
	v7 =	vand.u32 $0xFFFF8000, v7  }
0x6e: {  	v4 =	vand.u32 $0x380, v4;
	v3 =	vadd.s32 v3, v6;
	v5 =	vadd.s32 v5, v7  }
0x6f: {  	v3 =	vor.u32 v4, v3;
	v4 =	vand.u32 $0x7F, v2;
	v2 =	vshll.u32 v2, $0x7  }
0x70: {  	v1 =	vand.u32 $0x7F, v1;
	v3 =	vor.u32 v4, v3;
	v2 =	vand.u32 $0x380, v2  }
0x71: {  	v2 =	vor.u32 v2, v5;
	[tilespmem:s16+$0x2970] =	vst v3  }
0x72: {  	v1 =	vor.u32 v1, v2  }
0x73: {  	[tilespmem:s16+$0x3DF0] =	vst v1  }
0x74: {  	v1 =	vld [tilespmem:s19+$0xFFFFFF80]  }
0x75: {  	v2 =	vld [tilespmem:s19+$0x0];
	_ =	sdelay $0x3  }
0x76: {  	v3 =	vshll.u32 v1, $0xC;
	v4 =	vshll.u32 v1, $0x7;
	v5 =	vshll.u32 v1, $0x3  }
0x77: {  	v6 =	vshll.u32 v2, $0x3;
	v4 =	vand.u32 $0x380, v4;
	v7 =	vshll.u32 v2, $0xC  }
0x78: {  	v3 =	vand.u32 $0xFFFF8000, v3;
	v6 =	vand.u32 $0xFFFFFC00, v6;
	v7 =	vand.u32 $0xFFFF8000, v7  }
0x79: {  	v5 =	vand.u32 $0xFFFFFC00, v5;
	v3 =	vadd.s32 v3, v6;
	v6 =	vshll.u32 v2, $0x7  }
0x7a: {  	v2 =	vand.u32 $0x7F, v2;
	v3 =	vor.u32 v4, v3;
	v4 =	vadd.s32 v5, v7  }
0x7b: {  	v2 =	vor.u32 v2, v3;
	v3 =	vand.u32 $0x380, v6  }
0x7c: {  	s16 =	sshra.s32 s20, $0x2;
	v1 =	vand.u32 $0x7F, v1;
	v3 =	vor.u32 v3, v4  }
0x7d: {  	v1 =	vor.u32 v1, v3;
	[tilespmem:s16+$0x2900] =	vst v2  }
0x7e: {  	[tilespmem:s16+$0x3D80] =	vst v1  }
0x7f: {  	v1 =	vld [tilespmem:s19+$0xFFFFFF90]  }
0x80: {  	v2 =	vld [tilespmem:s19+$0x10];
	_ =	sdelay $0x3  }
0x81: {  	v3 =	vshll.u32 v1, $0xC;
	v4 =	vshll.u32 v1, $0x7;
	v5 =	vshll.u32 v1, $0x3  }
0x82: {  	v6 =	vshll.u32 v2, $0x3;
	v7 =	vshll.u32 v2, $0xC;
	v5 =	vand.u32 $0xFFFFFC00, v5  }
0x83: {  	v3 =	vand.u32 $0xFFFF8000, v3;
	v6 =	vand.u32 $0xFFFFFC00, v6;
	v7 =	vand.u32 $0xFFFF8000, v7  }
0x84: {  	v4 =	vand.u32 $0x380, v4;
	v3 =	vadd.s32 v3, v6;
	v5 =	vadd.s32 v5, v7  }
0x85: {  	v3 =	vor.u32 v4, v3;
	v4 =	vand.u32 $0x7F, v2;
	v2 =	vshll.u32 v2, $0x7  }
0x86: {  	v3 =	vor.u32 v4, v3;
	v2 =	vand.u32 $0x380, v2  }
0x87: {  	v1 =	vand.u32 $0x7F, v1;
	v2 =	vor.u32 v2, v5  }
0x88: {  	v1 =	vor.u32 v1, v2;
	[tilespmem:s16+$0x2910] =	vst v3  }
0x89: {  	[tilespmem:s16+$0x3D90] =	vst v1  }
0x8a: {  	v1 =	vld [tilespmem:s19+$0xFFFFFFA0]  }
0x8b: {  	v2 =	vld [tilespmem:s19+$0x20];
	_ =	sdelay $0x3  }
0x8c: {  	v3 =	vshll.u32 v1, $0xC;
	v4 =	vshll.u32 v1, $0x7;
	v5 =	vshll.u32 v1, $0x3  }
0x8d: {  	v6 =	vshll.u32 v2, $0x3;
	v4 =	vand.u32 $0x380, v4;
	v7 =	vshll.u32 v2, $0xC  }
0x8e: {  	v3 =	vand.u32 $0xFFFF8000, v3;
	v6 =	vand.u32 $0xFFFFFC00, v6;
	v7 =	vand.u32 $0xFFFF8000, v7  }
0x8f: {  	v5 =	vand.u32 $0xFFFFFC00, v5;
	v3 =	vadd.s32 v3, v6;
	v6 =	vshll.u32 v2, $0x7  }
0x90: {  	v2 =	vand.u32 $0x7F, v2;
	v3 =	vor.u32 v4, v3;
	v4 =	vadd.s32 v5, v7  }
0x91: {  	v2 =	vor.u32 v2, v3;
	v3 =	vand.u32 $0x380, v6  }
0x92: {  	v1 =	vand.u32 $0x7F, v1;
	v3 =	vor.u32 v3, v4  }
0x93: {  	v1 =	vor.u32 v1, v3;
	[tilespmem:s16+$0x2920] =	vst v2  }
0x94: {  	[tilespmem:s16+$0x3DA0] =	vst v1  }
0x95: {  	v1 =	vld [tilespmem:s19+$0xFFFFFFB0]  }
0x96: {  	v2 =	vld [tilespmem:s19+$0x30];
	_ =	sdelay $0x3  }
0x97: {  	v3 =	vshll.u32 v1, $0xC;
	v4 =	vshll.u32 v1, $0x3  }
0x98: {  	v6 =	vshll.u32 v1, $0x7;
	v5 =	vshll.u32 v2, $0x3;
	v7 =	vshll.u32 v2, $0xC  }
0x99: {  	v3 =	vand.u32 $0xFFFF8000, v3;
	v4 =	vand.u32 $0xFFFFFC00, v4;
	v5 =	vand.u32 $0xFFFFFC00, v5  }
0x9a: {  	v3 =	vadd.s32 v3, v5;
	v5 =	vand.u32 $0x380, v6;
	v6 =	vshll.u32 v2, $0x7  }
0x9b: {  	v2 =	vand.u32 $0x7F, v2;
	v3 =	vor.u32 v5, v3;
	v5 =	vand.u32 $0xFFFF8000, v7  }
0x9c: {  	v2 =	vor.u32 v2, v3;
	v3 =	vadd.s32 v4, v5;
	v4 =	vand.u32 $0x380, v6  }
0x9d: {  	v1 =	vand.u32 $0x7F, v1;
	v3 =	vor.u32 v4, v3  }
0x9e: {  	v1 =	vor.u32 v1, v3;
	[tilespmem:s16+$0x2930] =	vst v2  }
0x9f: {  	[tilespmem:s16+$0x3DB0] =	vst v1  }
0xa0: {  	v1 =	vld [tilespmem:s19+$0xFFFFFFC0]  }
0xa1: {  	v2 =	vld [tilespmem:s19+$0x40];
	_ =	sdelay $0x3  }
0xa2: {  	v3 =	vshll.u32 v1, $0xC;
	v4 =	vshll.u32 v1, $0x7;
	v5 =	vshll.u32 v1, $0x3  }
0xa3: {  	v6 =	vshll.u32 v2, $0x3;
	v4 =	vand.u32 $0x380, v4;
	v7 =	vshll.u32 v2, $0xC  }
0xa4: {  	v3 =	vand.u32 $0xFFFF8000, v3;
	v5 =	vand.u32 $0xFFFFFC00, v5;
	v6 =	vand.u32 $0xFFFFFC00, v6  }
0xa5: {  	v3 =	vadd.s32 v3, v6;
	v6 =	vand.u32 $0xFFFF8000, v7;
	v7 =	vshll.u32 v2, $0x7  }
0xa6: {  	v2 =	vand.u32 $0x7F, v2;
	v3 =	vor.u32 v4, v3;
	v4 =	vadd.s32 v5, v6  }
0xa7: {  	v2 =	vor.u32 v2, v3;
	v3 =	vand.u32 $0x380, v7  }
0xa8: {  	v1 =	vand.u32 $0x7F, v1;
	v3 =	vor.u32 v3, v4  }
0xa9: {  	v1 =	vor.u32 v1, v3;
	[tilespmem:s16+$0x2940] =	vst v2  }
0xaa: {  	[tilespmem:s16+$0x3DC0] =	vst v1  }
0xab: {  	v1 =	vld [tilespmem:s19+$0xFFFFFFD0]  }
0xac: {  	v2 =	vld [tilespmem:s19+$0x50];
	_ =	sdelay $0x3  }
0xad: {  	v3 =	vshll.u32 v1, $0xC;
	v4 =	vshll.u32 v1, $0x7;
	v5 =	vshll.u32 v1, $0x3  }
0xae: {  	v6 =	vshll.u32 v2, $0x3;
	v7 =	vshll.u32 v2, $0xC;
	v5 =	vand.u32 $0xFFFFFC00, v5  }
0xaf: {  	v3 =	vand.u32 $0xFFFF8000, v3;
	v6 =	vand.u32 $0xFFFFFC00, v6;
	v7 =	vand.u32 $0xFFFF8000, v7  }
0xb0: {  	v4 =	vand.u32 $0x380, v4;
	v3 =	vadd.s32 v3, v6;
	v5 =	vadd.s32 v5, v7  }
0xb1: {  	v3 =	vor.u32 v4, v3;
	v4 =	vand.u32 $0x7F, v2;
	v2 =	vshll.u32 v2, $0x7  }
0xb2: {  	v3 =	vor.u32 v4, v3;
	v2 =	vand.u32 $0x380, v2  }
.Ltmp0:
0xb3: {  	v1 =	vand.u32 $0x7F, v1;
	v2 =	vor.u32 v2, v5;
	(pc) =	sbr.rel @p1 .LBB2_2-.Ltmp0, $4  }
0xb4: {  	v1 =	vor.u32 v1, v2;
	[tilespmem:s16+$0x2950] =	vst v3  }
0xb5: {  	[tilespmem:s16+$0x3DD0] =	vst v1  }
0xb6: {  	v1 =	vld [tilespmem:s19+$0xFFFFFFE0]  }
0xb7: {  	v2 =	vld [tilespmem:s19+$0x60]  }
0xb8: {  	_ =	sdelay $0x2  }
0xb9: {  	v3 =	vshll.u32 v1, $0xC  }
0xba: {  	v4 =	vshll.u32 v1, $0x7;
	v5 =	vshll.u32 v1, $0x3;
	v6 =	vshll.u32 v2, $0x3  }
0xbb: {  	v7 =	vand.u32 $0x7F, v2;
	v8 =	vshll.u32 v2, $0xC;
	v4 =	vand.u32 $0x380, v4  }
0xbc: {  	v3 =	vand.u32 $0xFFFF8000, v3;
	v5 =	vand.u32 $0xFFFFFC00, v5;
	v6 =	vand.u32 $0xFFFFFC00, v6  }
0xbd: {  	v2 =	vshll.u32 v2, $0x7;
	v8 =	vand.u32 $0xFFFF8000, v8;
	v3 =	vadd.s32 v3, v6  }
0xbe: {  	v2 =	vand.u32 $0x380, v2;
	v5 =	vadd.s32 v5, v8;
	v3 =	vor.u32 v4, v3  }
0xbf: {  	v1 =	vand.u32 $0x7F, v1;
	v2 =	vor.u32 v2, v5;
	v3 =	vor.u32 v7, v3  }
0xc0: {  	v1 =	vor.u32 v1, v2;
	[tilespmem:s16+$0x2960] =	vst v3  }
0xc1: {  	[tilespmem:s16+$0x3DE0] =	vst v1  }
0xc2: {  	v1 =	vld [tilespmem:s17+$0xFFFFFFF0]  }
0xc3: {  	v2 =	vld [tilespmem:s17+$0x70];
	_ =	sdelay $0x3  }
0xc4: {  	v3 =	vshll.u32 v1, $0xC  }
0xc5: {  	v16 =	vshll.u32 v1, $0x7;
	v17 =	vshll.u32 v1, $0x3;
	v18 =	vshll.u32 v2, $0x3  }
0xc6: {  	v19 =	vshll.u32 v2, $0xC;
	v20 =	vshll.u32 v2, $0x7;
	v2 =	vand.u32 $0x7F, v2  }
0xc7: {  	v3 =	vand.u32 $0xFFFF8000, v3;
	v6 =	vand.u32 $0xFFFFFC00, v18;
	v5 =	vand.u32 $0xFFFFFC00, v17  }
0xc8: {  	v7 =	vand.u32 $0xFFFF8000, v19;
	v4 =	vand.u32 $0x380, v16;
	v3 =	vadd.s32 v3, v6  }
0xc9: {  	v21 =	vand.u32 $0x380, v20;
	v5 =	vadd.s32 v5, v7;
	v3 =	vor.u32 v4, v3  }
0xca: {  	v1 =	vand.u32 $0x7F, v1;
	v2 =	vor.u32 v2, v3;
	v3 =	vor.u32 v21, v5  }
0xcb: {  	[tilespmem:s16+$0x2970] =	vst v2;
	v1 =	vor.u32 v1, v3  }
0xcc: {  	[tilespmem:s16+$0x3DF0] =	vst v1  }
0xcd: {  	s18 =	simm.s32 $0x6680;
	s17 =	simm.s32 $0x2900;
	_ =	strace $0x90000048  }
0xce: {  	[tilespmem:s18], [sflag:$0x1] =	stream.indirect.gather [hbm4b:s1+s10], $0x1, s17, s10, $0xb8;
	[tilespmem:$0xA080] =	vst v63  }
0xcf: {  	s19 =	simm.s32 $0x3D80;
	s20 =	simm.s32 $0x7B00  }
0xd0: {  	[tilespmem:s20], [sflag:$0x1] =	stream.indirect.gather [hbm4b:s1+s10], $0x1, s19, s10, $0xb8;
	[tilespmem:$0xA080] =	vst v63  }
0xd1: {  	s16 =	simm.s32 $0xAF0;
	_ =	strace $0x80000049  }
0xd2: {  	v1 =	vld [tilespmem:s16+$0xFFFFFF10]  }
0xd3: {  	v2 =	vld [tilespmem:s16+$0xFFFFFF90];
	_ =	sdelay $0x3  }
0xd4: {  	v3 =	vshll.u32 v1, $0xC  }
0xd5: {  	v22 =	vshll.u32 v1, $0x7;
	v23 =	vshll.u32 v1, $0x3;
	v24 =	vshll.u32 v2, $0x3  }
0xd6: {  	v25 =	vshll.u32 v2, $0xC;
	v26 =	vshll.u32 v2, $0x7;
	v2 =	vand.u32 $0x7F, v2  }
0xd7: {  	v3 =	vand.u32 $0xFFFF8000, v3;
	v6 =	vand.u32 $0xFFFFFC00, v24;
	v4 =	vand.u32 $0x380, v22  }
0xd8: {  	v7 =	vand.u32 $0xFFFF8000, v25;
	v5 =	vand.u32 $0xFFFFFC00, v23;
	v3 =	vadd.s32 v3, v6  }
0xd9: {  	v28 =	vand.u32 $0x380, v26;
	v27 =	vadd.s32 v5, v7;
	v3 =	vor.u32 v4, v3  }
0xda: {  	s17 =	simm.s32 $0x0;
	v1 =	vand.u32 $0x7F, v1;
	v2 =	vor.u32 v2, v3;
	v3 =	vor.u32 v28, v27  }
0xdb: {  	v1 =	vor.u32 v1, v3;
	[tilespmem:s17+$0x2E00] =	vst v2  }
0xdc: {  	[tilespmem:s17+$0x4280] =	vst v1  }
0xdd: {  	v1 =	vld [tilespmem:s16+$0xFFFFFF20]  }
0xde: {  	v2 =	vld [tilespmem:s16+$0xFFFFFFA0];
	_ =	sdelay $0x3  }
0xdf: {  	v3 =	vshll.u32 v1, $0xC  }
0xe0: {  	v29 =	vshll.u32 v1, $0x7;
	v30 =	vshll.u32 v1, $0x3;
	v31 =	vshll.u32 v2, $0x3  }
0xe1: {  	v32 =	vshll.u32 v2, $0xC;
	v33 =	vshll.u32 v2, $0x7;
	v2 =	vand.u32 $0x7F, v2  }
0xe2: {  	v3 =	vand.u32 $0xFFFF8000, v3;
	v6 =	vand.u32 $0xFFFFFC00, v31;
	v5 =	vand.u32 $0xFFFFFC00, v30  }
0xe3: {  	v7 =	vand.u32 $0xFFFF8000, v32;
	v4 =	vand.u32 $0x380, v29;
	v3 =	vadd.s32 v3, v6  }
0xe4: {  	v34 =	vand.u32 $0x380, v33;
	v5 =	vadd.s32 v5, v7;
	v3 =	vor.u32 v4, v3  }
0xe5: {  	v1 =	vand.u32 $0x7F, v1;
	v2 =	vor.u32 v2, v3;
	v3 =	vor.u32 v34, v5  }
0xe6: {  	v1 =	vor.u32 v1, v3;
	[tilespmem:s17+$0x2E10] =	vst v2  }
0xe7: {  	[tilespmem:s17+$0x4290] =	vst v1  }
0xe8: {  	v1 =	vld [tilespmem:s16+$0xFFFFFF30]  }
0xe9: {  	v2 =	vld [tilespmem:s16+$0xFFFFFFB0];
	_ =	sdelay $0x3  }
0xea: {  	v3 =	vshll.u32 v1, $0xC  }
0xeb: {  	v35 =	vshll.u32 v1, $0x7;
	v36 =	vshll.u32 v1, $0x3;
	v37 =	vshll.u32 v2, $0x3  }
0xec: {  	v38 =	vshll.u32 v2, $0xC;
	v39 =	vshll.u32 v2, $0x7;
	v2 =	vand.u32 $0x7F, v2  }
0xed: {  	v3 =	vand.u32 $0xFFFF8000, v3;
	v6 =	vand.u32 $0xFFFFFC00, v37;
	v4 =	vand.u32 $0x380, v35  }
0xee: {  	v7 =	vand.u32 $0xFFFF8000, v38;
	v5 =	vand.u32 $0xFFFFFC00, v36;
	v3 =	vadd.s32 v3, v6  }
0xef: {  	v41 =	vand.u32 $0x380, v39;
	v40 =	vadd.s32 v5, v7;
	v3 =	vor.u32 v4, v3  }
0xf0: {  	v1 =	vand.u32 $0x7F, v1;
	v2 =	vor.u32 v2, v3;
	v3 =	vor.u32 v41, v40  }
0xf1: {  	v1 =	vor.u32 v1, v3;
	[tilespmem:s17+$0x2E20] =	vst v2  }
0xf2: {  	[tilespmem:s17+$0x42A0] =	vst v1  }
0xf3: {  	v1 =	vld [tilespmem:s16+$0xFFFFFF40]  }
0xf4: {  	v2 =	vld [tilespmem:s16+$0xFFFFFFC0];
	_ =	sdelay $0x3  }
0xf5: {  	v3 =	vshll.u32 v1, $0xC  }
0xf6: {  	v42 =	vshll.u32 v1, $0x3;
	v43 =	vshll.u32 v2, $0x3;
	v44 =	vshll.u32 v1, $0x7  }
0xf7: {  	v45 =	vshll.u32 v2, $0xC;
	v47 =	vshll.u32 v2, $0x7;
	v2 =	vand.u32 $0x7F, v2  }
0xf8: {  	v3 =	vand.u32 $0xFFFF8000, v3;
	v5 =	vand.u32 $0xFFFFFC00, v43;
	v4 =	vand.u32 $0xFFFFFC00, v42  }
0xf9: {  	v46 =	vand.u32 $0x380, v44;
	v48 =	vand.u32 $0xFFFF8000, v45;
	v3 =	vadd.s32 v3, v5  }
0xfa: {  	v49 =	vand.u32 $0x380, v47;
	v4 =	vadd.s32 v4, v48;
	v3 =	vor.u32 v46, v3  }
0xfb: {  	v1 =	vand.u32 $0x7F, v1;
	v2 =	vor.u32 v2, v3;
	v3 =	vor.u32 v49, v4  }
0xfc: {  	v1 =	vor.u32 v1, v3;
	[tilespmem:s17+$0x2E30] =	vst v2  }
0xfd: {  	[tilespmem:s17+$0x42B0] =	vst v1  }
0xfe: {  	v1 =	vld [tilespmem:s16+$0xFFFFFF50]  }
0xff: {  	v2 =	vld [tilespmem:s16+$0xFFFFFFD0];
	_ =	sdelay $0x3  }
0x100: {  	v3 =	vshll.u32 v1, $0xC  }
0x101: {  	v50 =	vshll.u32 v1, $0x7;
	v51 =	vshll.u32 v1, $0x3;
	v52 =	vshll.u32 v2, $0x3  }
0x102: {  	v53 =	vshll.u32 v2, $0xC;
	v55 =	vshll.u32 v2, $0x7;
	v2 =	vand.u32 $0x7F, v2  }
0x103: {  	v4 =	vand.u32 $0x380, v50;
	v3 =	vand.u32 $0xFFFF8000, v3;
	v6 =	vand.u32 $0xFFFFFC00, v52  }
0x104: {  	v5 =	vand.u32 $0xFFFFFC00, v51;
	v54 =	vand.u32 $0xFFFF8000, v53;
	v3 =	vadd.s32 v3, v6  }
0x105: {  	v57 =	vand.u32 $0x380, v55;
	v56 =	vadd.s32 v5, v54;
	v3 =	vor.u32 v4, v3  }
0x106: {  	v1 =	vand.u32 $0x7F, v1;
	v2 =	vor.u32 v2, v3;
	v3 =	vor.u32 v57, v56  }
0x107: {  	v1 =	vor.u32 v1, v3;
	[tilespmem:s17+$0x2E40] =	vst v2  }
0x108: {  	[tilespmem:s17+$0x42C0] =	vst v1  }
0x109: {  	v1 =	vld [tilespmem:s16+$0xFFFFFF60]  }
0x10a: {  	v2 =	vld [tilespmem:s16+$0xFFFFFFE0];
	_ =	sdelay $0x3  }
0x10b: {  	v3 =	vshll.u32 v1, $0xC  }
0x10c: {  	v58 =	vshll.u32 v1, $0x7;
	v59 =	vshll.u32 v1, $0x3;
	v60 =	vshll.u32 v2, $0x3  }
0x10d: {  	v61 =	vshll.u32 v2, $0xC;
	v62 =	vshll.u32 v2, $0x7;
	v2 =	vand.u32 $0x7F, v2  }
0x10e: {  	v3 =	vand.u32 $0xFFFF8000, v3;
	v6 =	vand.u32 $0xFFFFFC00, v60;
	v5 =	vand.u32 $0xFFFFFC00, v59  }
0x10f: {  	v7 =	vand.u32 $0xFFFF8000, v61;
	v4 =	vand.u32 $0x380, v58;
	v3 =	vadd.s32 v3, v6  }
0x110: {  	v63 =	vand.u32 $0x380, v62;
	v5 =	vadd.s32 v5, v7;
	v3 =	vor.u32 v4, v3  }
0x111: {  	v1 =	vand.u32 $0x7F, v1;
	v2 =	vor.u32 v2, v3;
	v3 =	vor.u32 v63, v5  }
0x112: {  	v1 =	vor.u32 v1, v3;
	[tilespmem:s17+$0x2E50] =	vst v2  }
0x113: {  	[tilespmem:s17+$0x42D0] =	vst v1  }
0x114: {  	v1 =	vld [tilespmem:s16+$0xFFFFFF70]  }
0x115: {  	s18 =	simm.s32 $0xAF0;
	s19 =	simm.s32 $0x200;
	v2 =	vld [tilespmem:s16+$0xFFFFFFF0]  }
.LBB2_4:
0x116: {  	_ = 	snop  }
0x117: {  	p1 =	sne.s32 s19, $0x1200  }
0x118: {  	s16 =	sadd.s32 $0x100, s16;
	s20 =	smov.u32 s19;
	s19 =	sadd.s32 $0x200, s19  }
0x119: {  	v3 =	vshll.u32 v1, $0xC;
	v4 =	vshll.u32 v1, $0x7;
	v5 =	vshll.u32 v1, $0x3  }
0x11a: {  	v6 =	vshll.u32 v2, $0x3;
	v7 =	vand.u32 $0x7F, v2;
	v8 =	vshll.u32 v2, $0xC  }
0x11b: {  	v4 =	vand.u32 $0x380, v4;
	v6 =	vand.u32 $0xFFFFFC00, v6;
	v8 =	vand.u32 $0xFFFF8000, v8  }
0x11c: {  	v3 =	vand.u32 $0xFFFF8000, v3;
	v5 =	vand.u32 $0xFFFFFC00, v5;
	v2 =	vshll.u32 v2, $0x7  }
0x11d: {  	v2 =	vand.u32 $0x380, v2;
	v3 =	vadd.s32 v3, v6;
	v5 =	vadd.s32 v5, v8  }
0x11e: {  	v1 =	vand.u32 $0x7F, v1;
	v3 =	vor.u32 v4, v3;
	v2 =	vor.u32 v2, v5  }
0x11f: {  	v3 =	vor.u32 v7, v3;
	v1 =	vor.u32 v1, v2  }
0x120: {  	[tilespmem:s17+$0x2E60] =	vst v3  }
0x121: {  	[tilespmem:s17+$0x42E0] =	vst v1  }
0x122: {  	v1 =	vld [tilespmem:s18+$0xFFFFFF80]  }
0x123: {  	v2 =	vld [tilespmem:s18+$0x0];
	s18 =	smov.u32 s16;
	_ =	sdelay $0x3  }
0x124: {  	v3 =	vshll.u32 v1, $0xC;
	v4 =	vshll.u32 v1, $0x7;
	v5 =	vshll.u32 v1, $0x3  }
0x125: {  	v6 =	vshll.u32 v2, $0x3;
	v7 =	vshll.u32 v2, $0xC;
	v5 =	vand.u32 $0xFFFFFC00, v5  }
0x126: {  	v3 =	vand.u32 $0xFFFF8000, v3;
	v6 =	vand.u32 $0xFFFFFC00, v6;
	v7 =	vand.u32 $0xFFFF8000, v7  }
0x127: {  	v4 =	vand.u32 $0x380, v4;
	v3 =	vadd.s32 v3, v6;
	v5 =	vadd.s32 v5, v7  }
0x128: {  	v3 =	vor.u32 v4, v3;
	v4 =	vand.u32 $0x7F, v2;
	v2 =	vshll.u32 v2, $0x7  }
0x129: {  	v1 =	vand.u32 $0x7F, v1;
	v3 =	vor.u32 v4, v3;
	v2 =	vand.u32 $0x380, v2  }
0x12a: {  	v2 =	vor.u32 v2, v5;
	[tilespmem:s17+$0x2E70] =	vst v3  }
0x12b: {  	v1 =	vor.u32 v1, v2  }
0x12c: {  	[tilespmem:s17+$0x42F0] =	vst v1  }
0x12d: {  	v1 =	vld [tilespmem:s16+$0xFFFFFF10]  }
0x12e: {  	v2 =	vld [tilespmem:s16+$0xFFFFFF90];
	_ =	sdelay $0x3  }
0x12f: {  	v3 =	vshll.u32 v1, $0xC;
	v4 =	vshll.u32 v1, $0x7;
	v5 =	vshll.u32 v1, $0x3  }
0x130: {  	v6 =	vshll.u32 v2, $0x3;
	v4 =	vand.u32 $0x380, v4;
	v7 =	vshll.u32 v2, $0xC  }
0x131: {  	v3 =	vand.u32 $0xFFFF8000, v3;
	v6 =	vand.u32 $0xFFFFFC00, v6;
	v7 =	vand.u32 $0xFFFF8000, v7  }
0x132: {  	v5 =	vand.u32 $0xFFFFFC00, v5;
	v3 =	vadd.s32 v3, v6;
	v6 =	vshll.u32 v2, $0x7  }
0x133: {  	v2 =	vand.u32 $0x7F, v2;
	v3 =	vor.u32 v4, v3;
	v4 =	vadd.s32 v5, v7  }
0x134: {  	v2 =	vor.u32 v2, v3;
	v3 =	vand.u32 $0x380, v6  }
0x135: {  	s17 =	sshra.s32 s20, $0x2;
	v1 =	vand.u32 $0x7F, v1;
	v3 =	vor.u32 v3, v4  }
0x136: {  	v1 =	vor.u32 v1, v3;
	[tilespmem:s17+$0x2E00] =	vst v2  }
0x137: {  	[tilespmem:s17+$0x4280] =	vst v1  }
0x138: {  	v1 =	vld [tilespmem:s16+$0xFFFFFF20]  }
0x139: {  	v2 =	vld [tilespmem:s16+$0xFFFFFFA0];
	_ =	sdelay $0x3  }
0x13a: {  	v3 =	vshll.u32 v1, $0xC;
	v4 =	vshll.u32 v1, $0x7;
	v5 =	vshll.u32 v1, $0x3  }
0x13b: {  	v6 =	vshll.u32 v2, $0x3;
	v7 =	vshll.u32 v2, $0xC;
	v5 =	vand.u32 $0xFFFFFC00, v5  }
0x13c: {  	v3 =	vand.u32 $0xFFFF8000, v3;
	v6 =	vand.u32 $0xFFFFFC00, v6;
	v7 =	vand.u32 $0xFFFF8000, v7  }
0x13d: {  	v4 =	vand.u32 $0x380, v4;
	v3 =	vadd.s32 v3, v6;
	v5 =	vadd.s32 v5, v7  }
0x13e: {  	v3 =	vor.u32 v4, v3;
	v4 =	vand.u32 $0x7F, v2;
	v2 =	vshll.u32 v2, $0x7  }
0x13f: {  	v3 =	vor.u32 v4, v3;
	v2 =	vand.u32 $0x380, v2  }
0x140: {  	v1 =	vand.u32 $0x7F, v1;
	v2 =	vor.u32 v2, v5  }
0x141: {  	v1 =	vor.u32 v1, v2;
	[tilespmem:s17+$0x2E10] =	vst v3  }
0x142: {  	[tilespmem:s17+$0x4290] =	vst v1  }
0x143: {  	v1 =	vld [tilespmem:s16+$0xFFFFFF30]  }
0x144: {  	v2 =	vld [tilespmem:s16+$0xFFFFFFB0];
	_ =	sdelay $0x3  }
0x145: {  	v3 =	vshll.u32 v1, $0xC;
	v4 =	vshll.u32 v1, $0x7;
	v5 =	vshll.u32 v1, $0x3  }
0x146: {  	v6 =	vshll.u32 v2, $0x3;
	v4 =	vand.u32 $0x380, v4;
	v7 =	vshll.u32 v2, $0xC  }
0x147: {  	v3 =	vand.u32 $0xFFFF8000, v3;
	v6 =	vand.u32 $0xFFFFFC00, v6;
	v7 =	vand.u32 $0xFFFF8000, v7  }
0x148: {  	v5 =	vand.u32 $0xFFFFFC00, v5;
	v3 =	vadd.s32 v3, v6;
	v6 =	vshll.u32 v2, $0x7  }
0x149: {  	v2 =	vand.u32 $0x7F, v2;
	v3 =	vor.u32 v4, v3;
	v4 =	vadd.s32 v5, v7  }
0x14a: {  	v2 =	vor.u32 v2, v3;
	v3 =	vand.u32 $0x380, v6  }
0x14b: {  	v1 =	vand.u32 $0x7F, v1;
	v3 =	vor.u32 v3, v4  }
0x14c: {  	v1 =	vor.u32 v1, v3;
	[tilespmem:s17+$0x2E20] =	vst v2  }
0x14d: {  	[tilespmem:s17+$0x42A0] =	vst v1  }
0x14e: {  	v1 =	vld [tilespmem:s16+$0xFFFFFF40]  }
0x14f: {  	v2 =	vld [tilespmem:s16+$0xFFFFFFC0];
	_ =	sdelay $0x3  }
0x150: {  	v3 =	vshll.u32 v1, $0xC;
	v4 =	vshll.u32 v1, $0x3  }
0x151: {  	v6 =	vshll.u32 v1, $0x7;
	v5 =	vshll.u32 v2, $0x3;
	v7 =	vshll.u32 v2, $0xC  }
0x152: {  	v3 =	vand.u32 $0xFFFF8000, v3;
	v4 =	vand.u32 $0xFFFFFC00, v4;
	v5 =	vand.u32 $0xFFFFFC00, v5  }
0x153: {  	v3 =	vadd.s32 v3, v5;
	v5 =	vand.u32 $0x380, v6;
	v6 =	vshll.u32 v2, $0x7  }
0x154: {  	v2 =	vand.u32 $0x7F, v2;
	v3 =	vor.u32 v5, v3;
	v5 =	vand.u32 $0xFFFF8000, v7  }
0x155: {  	v2 =	vor.u32 v2, v3;
	v3 =	vadd.s32 v4, v5;
	v4 =	vand.u32 $0x380, v6  }
0x156: {  	v1 =	vand.u32 $0x7F, v1;
	v3 =	vor.u32 v4, v3  }
0x157: {  	v1 =	vor.u32 v1, v3;
	[tilespmem:s17+$0x2E30] =	vst v2  }
0x158: {  	[tilespmem:s17+$0x42B0] =	vst v1  }
0x159: {  	v1 =	vld [tilespmem:s16+$0xFFFFFF50]  }
0x15a: {  	v2 =	vld [tilespmem:s16+$0xFFFFFFD0];
	_ =	sdelay $0x3  }
0x15b: {  	v3 =	vshll.u32 v1, $0xC;
	v4 =	vshll.u32 v1, $0x7;
	v5 =	vshll.u32 v1, $0x3  }
0x15c: {  	v6 =	vshll.u32 v2, $0x3;
	v4 =	vand.u32 $0x380, v4;
	v7 =	vshll.u32 v2, $0xC  }
0x15d: {  	v3 =	vand.u32 $0xFFFF8000, v3;
	v5 =	vand.u32 $0xFFFFFC00, v5;
	v6 =	vand.u32 $0xFFFFFC00, v6  }
0x15e: {  	v3 =	vadd.s32 v3, v6;
	v6 =	vand.u32 $0xFFFF8000, v7;
	v7 =	vshll.u32 v2, $0x7  }
0x15f: {  	v2 =	vand.u32 $0x7F, v2;
	v3 =	vor.u32 v4, v3;
	v4 =	vadd.s32 v5, v6  }
0x160: {  	v2 =	vor.u32 v2, v3;
	v3 =	vand.u32 $0x380, v7  }
0x161: {  	v1 =	vand.u32 $0x7F, v1;
	v3 =	vor.u32 v3, v4  }
0x162: {  	v1 =	vor.u32 v1, v3;
	[tilespmem:s17+$0x2E40] =	vst v2  }
0x163: {  	[tilespmem:s17+$0x42C0] =	vst v1  }
0x164: {  	v1 =	vld [tilespmem:s16+$0xFFFFFF60]  }
0x165: {  	v2 =	vld [tilespmem:s16+$0xFFFFFFE0];
	_ =	sdelay $0x3  }
0x166: {  	v3 =	vshll.u32 v1, $0xC;
	v4 =	vshll.u32 v1, $0x7;
	v5 =	vshll.u32 v1, $0x3  }
0x167: {  	v6 =	vshll.u32 v2, $0x3;
	v7 =	vshll.u32 v2, $0xC;
	v5 =	vand.u32 $0xFFFFFC00, v5  }
0x168: {  	v3 =	vand.u32 $0xFFFF8000, v3;
	v6 =	vand.u32 $0xFFFFFC00, v6;
	v7 =	vand.u32 $0xFFFF8000, v7  }
0x169: {  	v4 =	vand.u32 $0x380, v4;
	v3 =	vadd.s32 v3, v6;
	v5 =	vadd.s32 v5, v7  }
0x16a: {  	v3 =	vor.u32 v4, v3;
	v4 =	vand.u32 $0x7F, v2;
	v2 =	vshll.u32 v2, $0x7  }
0x16b: {  	v3 =	vor.u32 v4, v3;
	v2 =	vand.u32 $0x380, v2  }
.Ltmp1:
0x16c: {  	v1 =	vand.u32 $0x7F, v1;
	v2 =	vor.u32 v2, v5;
	(pc) =	sbr.rel @p1 .LBB2_4-.Ltmp1, $4  }
0x16d: {  	v1 =	vor.u32 v1, v2;
	[tilespmem:s17+$0x2E50] =	vst v3  }
0x16e: {  	[tilespmem:s17+$0x42D0] =	vst v1  }
0x16f: {  	v1 =	vld [tilespmem:s16+$0xFFFFFF70]  }
0x170: {  	v2 =	vld [tilespmem:s16+$0xFFFFFFF0]  }
0x171: {  	_ =	sdelay $0x2  }
0x172: {  	v3 =	vshll.u32 v1, $0xC  }
0x173: {  	v4 =	vshll.u32 v1, $0x7;
	v5 =	vshll.u32 v1, $0x3;
	v6 =	vshll.u32 v2, $0x3  }
0x174: {  	v7 =	vand.u32 $0x7F, v2;
	v8 =	vshll.u32 v2, $0xC;
	v4 =	vand.u32 $0x380, v4  }
0x175: {  	v3 =	vand.u32 $0xFFFF8000, v3;
	v5 =	vand.u32 $0xFFFFFC00, v5;
	v6 =	vand.u32 $0xFFFFFC00, v6  }
0x176: {  	v2 =	vshll.u32 v2, $0x7;
	v8 =	vand.u32 $0xFFFF8000, v8;
	v3 =	vadd.s32 v3, v6  }
0x177: {  	v2 =	vand.u32 $0x380, v2;
	v5 =	vadd.s32 v5, v8;
	v3 =	vor.u32 v4, v3  }
0x178: {  	v1 =	vand.u32 $0x7F, v1;
	v2 =	vor.u32 v2, v5;
	v3 =	vor.u32 v7, v3  }
0x179: {  	v1 =	vor.u32 v1, v2;
	[tilespmem:s17+$0x2E60] =	vst v3  }
0x17a: {  	[tilespmem:s17+$0x42E0] =	vst v1  }
0x17b: {  	v1 =	vld [tilespmem:s18+$0xFFFFFF80]  }
0x17c: {  	v2 =	vld [tilespmem:s18+$0x0];
	_ =	sdelay $0x3  }
0x17d: {  	v3 =	vshll.u32 v1, $0xC  }
0x17e: {  	v16 =	vshll.u32 v1, $0x7;
	v17 =	vshll.u32 v1, $0x3;
	v18 =	vshll.u32 v2, $0x3  }
0x17f: {  	v19 =	vshll.u32 v2, $0xC;
	v20 =	vshll.u32 v2, $0x7;
	v2 =	vand.u32 $0x7F, v2  }
0x180: {  	v3 =	vand.u32 $0xFFFF8000, v3;
	v6 =	vand.u32 $0xFFFFFC00, v18;
	v5 =	vand.u32 $0xFFFFFC00, v17  }
0x181: {  	v7 =	vand.u32 $0xFFFF8000, v19;
	v4 =	vand.u32 $0x380, v16;
	v3 =	vadd.s32 v3, v6  }
0x182: {  	v21 =	vand.u32 $0x380, v20;
	v5 =	vadd.s32 v5, v7;
	v3 =	vor.u32 v4, v3  }
0x183: {  	v1 =	vand.u32 $0x7F, v1;
	v2 =	vor.u32 v2, v3;
	v3 =	vor.u32 v21, v5  }
0x184: {  	[tilespmem:s17+$0x2E70] =	vst v2;
	v1 =	vor.u32 v1, v3  }
0x185: {  	[tilespmem:s17+$0x42F0] =	vst v1  }
0x186: {  	s16 =	simm.s32 $0x2E00;
	s18 =	simm.s32 $0x6B80;
	_ =	strace $0x90000049  }
0x187: {  	[tilespmem:s18], [sflag:$0x2] =	stream.indirect.gather [hbm4b:s1+s10], $0x1, s16, s10, $0xb8;
	[tilespmem:$0xA080] =	vst v63  }
0x188: {  	s19 =	simm.s32 $0x4280;
	s20 =	simm.s32 $0x8000  }
0x189: {  	[tilespmem:s20], [sflag:$0x2] =	stream.indirect.gather [hbm4b:s1+s10], $0x1, s19, s10, $0xb8;
	[tilespmem:$0xA080] =	vst v63  }
0x18a: {  	s16 =	simm.s32 $0x14F0;
	_ =	strace $0x8000004A  }
0x18b: {  	v1 =	vld [tilespmem:s16+$0xFFFFFF10]  }
0x18c: {  	v2 =	vld [tilespmem:s16+$0xFFFFFF90];
	_ =	sdelay $0x3  }
0x18d: {  	v3 =	vshll.u32 v1, $0xC  }
0x18e: {  	v22 =	vshll.u32 v1, $0x7;
	v23 =	vshll.u32 v1, $0x3;
	v24 =	vshll.u32 v2, $0x3  }
0x18f: {  	v25 =	vshll.u32 v2, $0xC;
	v26 =	vshll.u32 v2, $0x7;
	v2 =	vand.u32 $0x7F, v2  }
0x190: {  	v3 =	vand.u32 $0xFFFF8000, v3;
	v6 =	vand.u32 $0xFFFFFC00, v24;
	v4 =	vand.u32 $0x380, v22  }
0x191: {  	v7 =	vand.u32 $0xFFFF8000, v25;
	v5 =	vand.u32 $0xFFFFFC00, v23;
	v3 =	vadd.s32 v3, v6  }
0x192: {  	v28 =	vand.u32 $0x380, v26;
	v27 =	vadd.s32 v5, v7;
	v3 =	vor.u32 v4, v3  }
0x193: {  	s17 =	simm.s32 $0x0;
	v1 =	vand.u32 $0x7F, v1;
	v2 =	vor.u32 v2, v3;
	v3 =	vor.u32 v28, v27  }
0x194: {  	v1 =	vor.u32 v1, v3;
	[tilespmem:s17+$0x3300] =	vst v2  }
0x195: {  	[tilespmem:s17+$0x4780] =	vst v1  }
0x196: {  	v1 =	vld [tilespmem:s16+$0xFFFFFF20]  }
0x197: {  	v2 =	vld [tilespmem:s16+$0xFFFFFFA0];
	_ =	sdelay $0x3  }
0x198: {  	v3 =	vshll.u32 v1, $0xC  }
0x199: {  	v29 =	vshll.u32 v1, $0x7;
	v30 =	vshll.u32 v1, $0x3;
	v31 =	vshll.u32 v2, $0x3  }
0x19a: {  	v32 =	vshll.u32 v2, $0xC;
	v33 =	vshll.u32 v2, $0x7;
	v2 =	vand.u32 $0x7F, v2  }
0x19b: {  	v3 =	vand.u32 $0xFFFF8000, v3;
	v6 =	vand.u32 $0xFFFFFC00, v31;
	v5 =	vand.u32 $0xFFFFFC00, v30  }
0x19c: {  	v7 =	vand.u32 $0xFFFF8000, v32;
	v4 =	vand.u32 $0x380, v29;
	v3 =	vadd.s32 v3, v6  }
0x19d: {  	v34 =	vand.u32 $0x380, v33;
	v5 =	vadd.s32 v5, v7;
	v3 =	vor.u32 v4, v3  }
0x19e: {  	v1 =	vand.u32 $0x7F, v1;
	v2 =	vor.u32 v2, v3;
	v3 =	vor.u32 v34, v5  }
0x19f: {  	v1 =	vor.u32 v1, v3;
	[tilespmem:s17+$0x3310] =	vst v2  }
0x1a0: {  	[tilespmem:s17+$0x4790] =	vst v1  }
0x1a1: {  	v1 =	vld [tilespmem:s16+$0xFFFFFF30]  }
0x1a2: {  	v2 =	vld [tilespmem:s16+$0xFFFFFFB0];
	_ =	sdelay $0x3  }
0x1a3: {  	v3 =	vshll.u32 v1, $0xC  }
0x1a4: {  	v35 =	vshll.u32 v1, $0x7;
	v36 =	vshll.u32 v1, $0x3;
	v37 =	vshll.u32 v2, $0x3  }
0x1a5: {  	v38 =	vshll.u32 v2, $0xC;
	v39 =	vshll.u32 v2, $0x7;
	v2 =	vand.u32 $0x7F, v2  }
0x1a6: {  	v3 =	vand.u32 $0xFFFF8000, v3;
	v6 =	vand.u32 $0xFFFFFC00, v37;
	v4 =	vand.u32 $0x380, v35  }
0x1a7: {  	v7 =	vand.u32 $0xFFFF8000, v38;
	v5 =	vand.u32 $0xFFFFFC00, v36;
	v3 =	vadd.s32 v3, v6  }
0x1a8: {  	v41 =	vand.u32 $0x380, v39;
	v40 =	vadd.s32 v5, v7;
	v3 =	vor.u32 v4, v3  }
0x1a9: {  	v1 =	vand.u32 $0x7F, v1;
	v2 =	vor.u32 v2, v3;
	v3 =	vor.u32 v41, v40  }
0x1aa: {  	v1 =	vor.u32 v1, v3;
	[tilespmem:s17+$0x3320] =	vst v2  }
0x1ab: {  	[tilespmem:s17+$0x47A0] =	vst v1  }
0x1ac: {  	v1 =	vld [tilespmem:s16+$0xFFFFFF40]  }
0x1ad: {  	v2 =	vld [tilespmem:s16+$0xFFFFFFC0];
	_ =	sdelay $0x3  }
0x1ae: {  	v3 =	vshll.u32 v1, $0xC  }
0x1af: {  	v42 =	vshll.u32 v1, $0x3;
	v43 =	vshll.u32 v2, $0x3;
	v44 =	vshll.u32 v1, $0x7  }
0x1b0: {  	v45 =	vshll.u32 v2, $0xC;
	v47 =	vshll.u32 v2, $0x7;
	v2 =	vand.u32 $0x7F, v2  }
0x1b1: {  	v3 =	vand.u32 $0xFFFF8000, v3;
	v5 =	vand.u32 $0xFFFFFC00, v43;
	v4 =	vand.u32 $0xFFFFFC00, v42  }
0x1b2: {  	v46 =	vand.u32 $0x380, v44;
	v48 =	vand.u32 $0xFFFF8000, v45;
	v3 =	vadd.s32 v3, v5  }
0x1b3: {  	v49 =	vand.u32 $0x380, v47;
	v4 =	vadd.s32 v4, v48;
	v3 =	vor.u32 v46, v3  }
0x1b4: {  	v1 =	vand.u32 $0x7F, v1;
	v2 =	vor.u32 v2, v3;
	v3 =	vor.u32 v49, v4  }
0x1b5: {  	v1 =	vor.u32 v1, v3;
	[tilespmem:s17+$0x3330] =	vst v2  }
0x1b6: {  	[tilespmem:s17+$0x47B0] =	vst v1  }
0x1b7: {  	v1 =	vld [tilespmem:s16+$0xFFFFFF50]  }
0x1b8: {  	v2 =	vld [tilespmem:s16+$0xFFFFFFD0];
	_ =	sdelay $0x3  }
0x1b9: {  	v3 =	vshll.u32 v1, $0xC  }
0x1ba: {  	v50 =	vshll.u32 v1, $0x7;
	v51 =	vshll.u32 v1, $0x3;
	v52 =	vshll.u32 v2, $0x3  }
0x1bb: {  	v53 =	vshll.u32 v2, $0xC;
	v55 =	vshll.u32 v2, $0x7;
	v2 =	vand.u32 $0x7F, v2  }
0x1bc: {  	v4 =	vand.u32 $0x380, v50;
	v3 =	vand.u32 $0xFFFF8000, v3;
	v6 =	vand.u32 $0xFFFFFC00, v52  }
0x1bd: {  	v5 =	vand.u32 $0xFFFFFC00, v51;
	v54 =	vand.u32 $0xFFFF8000, v53;
	v3 =	vadd.s32 v3, v6  }
0x1be: {  	v57 =	vand.u32 $0x380, v55;
	v56 =	vadd.s32 v5, v54;
	v3 =	vor.u32 v4, v3  }
0x1bf: {  	v1 =	vand.u32 $0x7F, v1;
	v2 =	vor.u32 v2, v3;
	v3 =	vor.u32 v57, v56  }
0x1c0: {  	v1 =	vor.u32 v1, v3;
	[tilespmem:s17+$0x3340] =	vst v2  }
0x1c1: {  	[tilespmem:s17+$0x47C0] =	vst v1  }
0x1c2: {  	v1 =	vld [tilespmem:s16+$0xFFFFFF60]  }
0x1c3: {  	v2 =	vld [tilespmem:s16+$0xFFFFFFE0];
	_ =	sdelay $0x3  }
0x1c4: {  	v3 =	vshll.u32 v1, $0xC  }
0x1c5: {  	v58 =	vshll.u32 v1, $0x7;
	v59 =	vshll.u32 v1, $0x3;
	v60 =	vshll.u32 v2, $0x3  }
0x1c6: {  	v61 =	vshll.u32 v2, $0xC;
	v62 =	vshll.u32 v2, $0x7;
	v2 =	vand.u32 $0x7F, v2  }
0x1c7: {  	v3 =	vand.u32 $0xFFFF8000, v3;
	v6 =	vand.u32 $0xFFFFFC00, v60;
	v5 =	vand.u32 $0xFFFFFC00, v59  }
0x1c8: {  	v7 =	vand.u32 $0xFFFF8000, v61;
	v4 =	vand.u32 $0x380, v58;
	v3 =	vadd.s32 v3, v6  }
0x1c9: {  	v63 =	vand.u32 $0x380, v62;
	v5 =	vadd.s32 v5, v7;
	v3 =	vor.u32 v4, v3  }
0x1ca: {  	v1 =	vand.u32 $0x7F, v1;
	v2 =	vor.u32 v2, v3;
	v3 =	vor.u32 v63, v5  }
0x1cb: {  	v1 =	vor.u32 v1, v3;
	[tilespmem:s17+$0x3350] =	vst v2  }
0x1cc: {  	[tilespmem:s17+$0x47D0] =	vst v1  }
0x1cd: {  	v1 =	vld [tilespmem:s16+$0xFFFFFF70]  }
0x1ce: {  	s18 =	simm.s32 $0x14F0;
	s19 =	simm.s32 $0x200;
	v2 =	vld [tilespmem:s16+$0xFFFFFFF0]  }
.LBB2_6:
0x1cf: {  	_ = 	snop  }
0x1d0: {  	p1 =	sne.s32 s19, $0x1200  }
0x1d1: {  	s16 =	sadd.s32 $0x100, s16;
	s20 =	smov.u32 s19;
	s19 =	sadd.s32 $0x200, s19  }
0x1d2: {  	v3 =	vshll.u32 v1, $0xC;
	v4 =	vshll.u32 v1, $0x7;
	v5 =	vshll.u32 v1, $0x3  }
0x1d3: {  	v6 =	vshll.u32 v2, $0x3;
	v7 =	vand.u32 $0x7F, v2;
	v8 =	vshll.u32 v2, $0xC  }
0x1d4: {  	v4 =	vand.u32 $0x380, v4;
	v6 =	vand.u32 $0xFFFFFC00, v6;
	v8 =	vand.u32 $0xFFFF8000, v8  }
0x1d5: {  	v3 =	vand.u32 $0xFFFF8000, v3;
	v5 =	vand.u32 $0xFFFFFC00, v5;
	v2 =	vshll.u32 v2, $0x7  }
0x1d6: {  	v2 =	vand.u32 $0x380, v2;
	v3 =	vadd.s32 v3, v6;
	v5 =	vadd.s32 v5, v8  }
0x1d7: {  	v1 =	vand.u32 $0x7F, v1;
	v3 =	vor.u32 v4, v3;
	v2 =	vor.u32 v2, v5  }
0x1d8: {  	v3 =	vor.u32 v7, v3;
	v1 =	vor.u32 v1, v2  }
0x1d9: {  	[tilespmem:s17+$0x3360] =	vst v3  }
0x1da: {  	[tilespmem:s17+$0x47E0] =	vst v1  }
0x1db: {  	v1 =	vld [tilespmem:s18+$0xFFFFFF80]  }
0x1dc: {  	v2 =	vld [tilespmem:s18+$0x0];
	s18 =	smov.u32 s16;
	_ =	sdelay $0x3  }
0x1dd: {  	v3 =	vshll.u32 v1, $0xC;
	v4 =	vshll.u32 v1, $0x7;
	v5 =	vshll.u32 v1, $0x3  }
0x1de: {  	v6 =	vshll.u32 v2, $0x3;
	v7 =	vshll.u32 v2, $0xC;
	v5 =	vand.u32 $0xFFFFFC00, v5  }
0x1df: {  	v3 =	vand.u32 $0xFFFF8000, v3;
	v6 =	vand.u32 $0xFFFFFC00, v6;
	v7 =	vand.u32 $0xFFFF8000, v7  }
0x1e0: {  	v4 =	vand.u32 $0x380, v4;
	v3 =	vadd.s32 v3, v6;
	v5 =	vadd.s32 v5, v7  }
0x1e1: {  	v3 =	vor.u32 v4, v3;
	v4 =	vand.u32 $0x7F, v2;
	v2 =	vshll.u32 v2, $0x7  }
0x1e2: {  	v1 =	vand.u32 $0x7F, v1;
	v3 =	vor.u32 v4, v3;
	v2 =	vand.u32 $0x380, v2  }
0x1e3: {  	v2 =	vor.u32 v2, v5;
	[tilespmem:s17+$0x3370] =	vst v3  }
0x1e4: {  	v1 =	vor.u32 v1, v2  }
0x1e5: {  	[tilespmem:s17+$0x47F0] =	vst v1  }
0x1e6: {  	v1 =	vld [tilespmem:s16+$0xFFFFFF10]  }
0x1e7: {  	v2 =	vld [tilespmem:s16+$0xFFFFFF90];
	_ =	sdelay $0x3  }
0x1e8: {  	v3 =	vshll.u32 v1, $0xC;
	v4 =	vshll.u32 v1, $0x7;
	v5 =	vshll.u32 v1, $0x3  }
0x1e9: {  	v6 =	vshll.u32 v2, $0x3;
	v4 =	vand.u32 $0x380, v4;
	v7 =	vshll.u32 v2, $0xC  }
0x1ea: {  	v3 =	vand.u32 $0xFFFF8000, v3;
	v6 =	vand.u32 $0xFFFFFC00, v6;
	v7 =	vand.u32 $0xFFFF8000, v7  }
0x1eb: {  	v5 =	vand.u32 $0xFFFFFC00, v5;
	v3 =	vadd.s32 v3, v6;
	v6 =	vshll.u32 v2, $0x7  }
0x1ec: {  	v2 =	vand.u32 $0x7F, v2;
	v3 =	vor.u32 v4, v3;
	v4 =	vadd.s32 v5, v7  }
0x1ed: {  	v2 =	vor.u32 v2, v3;
	v3 =	vand.u32 $0x380, v6  }
0x1ee: {  	s17 =	sshra.s32 s20, $0x2;
	v1 =	vand.u32 $0x7F, v1;
	v3 =	vor.u32 v3, v4  }
0x1ef: {  	v1 =	vor.u32 v1, v3;
	[tilespmem:s17+$0x3300] =	vst v2  }
0x1f0: {  	[tilespmem:s17+$0x4780] =	vst v1  }
0x1f1: {  	v1 =	vld [tilespmem:s16+$0xFFFFFF20]  }
0x1f2: {  	v2 =	vld [tilespmem:s16+$0xFFFFFFA0];
	_ =	sdelay $0x3  }
0x1f3: {  	v3 =	vshll.u32 v1, $0xC;
	v4 =	vshll.u32 v1, $0x7;
	v5 =	vshll.u32 v1, $0x3  }
0x1f4: {  	v6 =	vshll.u32 v2, $0x3;
	v7 =	vshll.u32 v2, $0xC;
	v5 =	vand.u32 $0xFFFFFC00, v5  }
0x1f5: {  	v3 =	vand.u32 $0xFFFF8000, v3;
	v6 =	vand.u32 $0xFFFFFC00, v6;
	v7 =	vand.u32 $0xFFFF8000, v7  }
0x1f6: {  	v4 =	vand.u32 $0x380, v4;
	v3 =	vadd.s32 v3, v6;
	v5 =	vadd.s32 v5, v7  }
0x1f7: {  	v3 =	vor.u32 v4, v3;
	v4 =	vand.u32 $0x7F, v2;
	v2 =	vshll.u32 v2, $0x7  }
0x1f8: {  	v3 =	vor.u32 v4, v3;
	v2 =	vand.u32 $0x380, v2  }
0x1f9: {  	v1 =	vand.u32 $0x7F, v1;
	v2 =	vor.u32 v2, v5  }
0x1fa: {  	v1 =	vor.u32 v1, v2;
	[tilespmem:s17+$0x3310] =	vst v3  }
0x1fb: {  	[tilespmem:s17+$0x4790] =	vst v1  }
0x1fc: {  	v1 =	vld [tilespmem:s16+$0xFFFFFF30]  }
0x1fd: {  	v2 =	vld [tilespmem:s16+$0xFFFFFFB0];
	_ =	sdelay $0x3  }
0x1fe: {  	v3 =	vshll.u32 v1, $0xC;
	v4 =	vshll.u32 v1, $0x7;
	v5 =	vshll.u32 v1, $0x3  }
0x1ff: {  	v6 =	vshll.u32 v2, $0x3;
	v4 =	vand.u32 $0x380, v4;
	v7 =	vshll.u32 v2, $0xC  }
0x200: {  	v3 =	vand.u32 $0xFFFF8000, v3;
	v6 =	vand.u32 $0xFFFFFC00, v6;
	v7 =	vand.u32 $0xFFFF8000, v7  }
0x201: {  	v5 =	vand.u32 $0xFFFFFC00, v5;
	v3 =	vadd.s32 v3, v6;
	v6 =	vshll.u32 v2, $0x7  }
0x202: {  	v2 =	vand.u32 $0x7F, v2;
	v3 =	vor.u32 v4, v3;
	v4 =	vadd.s32 v5, v7  }
0x203: {  	v2 =	vor.u32 v2, v3;
	v3 =	vand.u32 $0x380, v6  }
0x204: {  	v1 =	vand.u32 $0x7F, v1;
	v3 =	vor.u32 v3, v4  }
0x205: {  	v1 =	vor.u32 v1, v3;
	[tilespmem:s17+$0x3320] =	vst v2  }
0x206: {  	[tilespmem:s17+$0x47A0] =	vst v1  }
0x207: {  	v1 =	vld [tilespmem:s16+$0xFFFFFF40]  }
0x208: {  	v2 =	vld [tilespmem:s16+$0xFFFFFFC0];
	_ =	sdelay $0x3  }
0x209: {  	v3 =	vshll.u32 v1, $0xC;
	v4 =	vshll.u32 v1, $0x3  }
0x20a: {  	v6 =	vshll.u32 v1, $0x7;
	v5 =	vshll.u32 v2, $0x3;
	v7 =	vshll.u32 v2, $0xC  }
0x20b: {  	v3 =	vand.u32 $0xFFFF8000, v3;
	v4 =	vand.u32 $0xFFFFFC00, v4;
	v5 =	vand.u32 $0xFFFFFC00, v5  }
0x20c: {  	v3 =	vadd.s32 v3, v5;
	v5 =	vand.u32 $0x380, v6;
	v6 =	vshll.u32 v2, $0x7  }
0x20d: {  	v2 =	vand.u32 $0x7F, v2;
	v3 =	vor.u32 v5, v3;
	v5 =	vand.u32 $0xFFFF8000, v7  }
0x20e: {  	v2 =	vor.u32 v2, v3;
	v3 =	vadd.s32 v4, v5;
	v4 =	vand.u32 $0x380, v6  }
0x20f: {  	v1 =	vand.u32 $0x7F, v1;
	v3 =	vor.u32 v4, v3  }
0x210: {  	v1 =	vor.u32 v1, v3;
	[tilespmem:s17+$0x3330] =	vst v2  }
0x211: {  	[tilespmem:s17+$0x47B0] =	vst v1  }
0x212: {  	v1 =	vld [tilespmem:s16+$0xFFFFFF50]  }
0x213: {  	v2 =	vld [tilespmem:s16+$0xFFFFFFD0];
	_ =	sdelay $0x3  }
0x214: {  	v3 =	vshll.u32 v1, $0xC;
	v4 =	vshll.u32 v1, $0x7;
	v5 =	vshll.u32 v1, $0x3  }
0x215: {  	v6 =	vshll.u32 v2, $0x3;
	v4 =	vand.u32 $0x380, v4;
	v7 =	vshll.u32 v2, $0xC  }
0x216: {  	v3 =	vand.u32 $0xFFFF8000, v3;
	v5 =	vand.u32 $0xFFFFFC00, v5;
	v6 =	vand.u32 $0xFFFFFC00, v6  }
0x217: {  	v3 =	vadd.s32 v3, v6;
	v6 =	vand.u32 $0xFFFF8000, v7;
	v7 =	vshll.u32 v2, $0x7  }
0x218: {  	v2 =	vand.u32 $0x7F, v2;
	v3 =	vor.u32 v4, v3;
	v4 =	vadd.s32 v5, v6  }
0x219: {  	v2 =	vor.u32 v2, v3;
	v3 =	vand.u32 $0x380, v7  }
0x21a: {  	v1 =	vand.u32 $0x7F, v1;
	v3 =	vor.u32 v3, v4  }
0x21b: {  	v1 =	vor.u32 v1, v3;
	[tilespmem:s17+$0x3340] =	vst v2  }
0x21c: {  	[tilespmem:s17+$0x47C0] =	vst v1  }
0x21d: {  	v1 =	vld [tilespmem:s16+$0xFFFFFF60]  }
0x21e: {  	v2 =	vld [tilespmem:s16+$0xFFFFFFE0];
	_ =	sdelay $0x3  }
0x21f: {  	v3 =	vshll.u32 v1, $0xC;
	v4 =	vshll.u32 v1, $0x7;
	v5 =	vshll.u32 v1, $0x3  }
0x220: {  	v6 =	vshll.u32 v2, $0x3;
	v7 =	vshll.u32 v2, $0xC;
	v5 =	vand.u32 $0xFFFFFC00, v5  }
0x221: {  	v3 =	vand.u32 $0xFFFF8000, v3;
	v6 =	vand.u32 $0xFFFFFC00, v6;
	v7 =	vand.u32 $0xFFFF8000, v7  }
0x222: {  	v4 =	vand.u32 $0x380, v4;
	v3 =	vadd.s32 v3, v6;
	v5 =	vadd.s32 v5, v7  }
0x223: {  	v3 =	vor.u32 v4, v3;
	v4 =	vand.u32 $0x7F, v2;
	v2 =	vshll.u32 v2, $0x7  }
0x224: {  	v3 =	vor.u32 v4, v3;
	v2 =	vand.u32 $0x380, v2  }
.Ltmp2:
0x225: {  	v1 =	vand.u32 $0x7F, v1;
	v2 =	vor.u32 v2, v5;
	(pc) =	sbr.rel @p1 .LBB2_6-.Ltmp2, $4  }
0x226: {  	v1 =	vor.u32 v1, v2;
	[tilespmem:s17+$0x3350] =	vst v3  }
0x227: {  	[tilespmem:s17+$0x47D0] =	vst v1  }
0x228: {  	v1 =	vld [tilespmem:s16+$0xFFFFFF70]  }
0x229: {  	v2 =	vld [tilespmem:s16+$0xFFFFFFF0]  }
0x22a: {  	_ =	sdelay $0x2  }
0x22b: {  	v3 =	vshll.u32 v1, $0xC  }
0x22c: {  	v4 =	vshll.u32 v1, $0x7;
	v5 =	vshll.u32 v1, $0x3;
	v6 =	vshll.u32 v2, $0x3  }
0x22d: {  	v7 =	vand.u32 $0x7F, v2;
	v8 =	vshll.u32 v2, $0xC;
	v4 =	vand.u32 $0x380, v4  }
0x22e: {  	v3 =	vand.u32 $0xFFFF8000, v3;
	v5 =	vand.u32 $0xFFFFFC00, v5;
	v6 =	vand.u32 $0xFFFFFC00, v6  }
0x22f: {  	v2 =	vshll.u32 v2, $0x7;
	v8 =	vand.u32 $0xFFFF8000, v8;
	v3 =	vadd.s32 v3, v6  }
0x230: {  	v2 =	vand.u32 $0x380, v2;
	v5 =	vadd.s32 v5, v8;
	v3 =	vor.u32 v4, v3  }
0x231: {  	v1 =	vand.u32 $0x7F, v1;
	v2 =	vor.u32 v2, v5;
	v3 =	vor.u32 v7, v3  }
0x232: {  	v1 =	vor.u32 v1, v2;
	[tilespmem:s17+$0x3360] =	vst v3  }
0x233: {  	[tilespmem:s17+$0x47E0] =	vst v1  }
0x234: {  	v1 =	vld [tilespmem:s18+$0xFFFFFF80]  }
0x235: {  	v2 =	vld [tilespmem:s18+$0x0];
	_ =	sdelay $0x3  }
0x236: {  	v3 =	vshll.u32 v1, $0xC  }
0x237: {  	v16 =	vshll.u32 v1, $0x7;
	v17 =	vshll.u32 v1, $0x3;
	v18 =	vshll.u32 v2, $0x3  }
0x238: {  	v19 =	vshll.u32 v2, $0xC;
	v20 =	vshll.u32 v2, $0x7;
	v2 =	vand.u32 $0x7F, v2  }
0x239: {  	v3 =	vand.u32 $0xFFFF8000, v3;
	v6 =	vand.u32 $0xFFFFFC00, v18;
	v5 =	vand.u32 $0xFFFFFC00, v17  }
0x23a: {  	v7 =	vand.u32 $0xFFFF8000, v19;
	v4 =	vand.u32 $0x380, v16;
	v3 =	vadd.s32 v3, v6  }
0x23b: {  	v21 =	vand.u32 $0x380, v20;
	v5 =	vadd.s32 v5, v7;
	v3 =	vor.u32 v4, v3  }
0x23c: {  	v1 =	vand.u32 $0x7F, v1;
	v2 =	vor.u32 v2, v3;
	v3 =	vor.u32 v21, v5  }
0x23d: {  	[tilespmem:s17+$0x3370] =	vst v2;
	v1 =	vor.u32 v1, v3  }
0x23e: {  	[tilespmem:s17+$0x47F0] =	vst v1  }
0x23f: {  	s16 =	simm.s32 $0x3300;
	s18 =	simm.s32 $0x7080;
	_ =	strace $0x9000004A  }
0x240: {  	[tilespmem:s18], [sflag:$0x3] =	stream.indirect.gather [hbm4b:s1+s10], $0x1, s16, s10, $0xb8;
	[tilespmem:$0xA080] =	vst v63  }
0x241: {  	s19 =	simm.s32 $0x4780;
	s20 =	simm.s32 $0x8500  }
0x242: {  	[tilespmem:s20], [sflag:$0x3] =	stream.indirect.gather [hbm4b:s1+s10], $0x1, s19, s10, $0xb8;
	[tilespmem:$0xA080] =	vst v63  }
0x243: {  	s16 =	simm.s32 $0x1EF0;
	_ =	strace $0x8000004B  }
0x244: {  	v1 =	vld [tilespmem:s16+$0xFFFFFF10]  }
0x245: {  	v2 =	vld [tilespmem:s16+$0xFFFFFF90];
	_ =	sdelay $0x3  }
0x246: {  	v3 =	vshll.u32 v1, $0xC  }
0x247: {  	v22 =	vshll.u32 v1, $0x7;
	v23 =	vshll.u32 v1, $0x3;
	v24 =	vshll.u32 v2, $0x3  }
0x248: {  	v25 =	vshll.u32 v2, $0xC;
	v26 =	vshll.u32 v2, $0x7;
	v2 =	vand.u32 $0x7F, v2  }
0x249: {  	v3 =	vand.u32 $0xFFFF8000, v3;
	v6 =	vand.u32 $0xFFFFFC00, v24;
	v4 =	vand.u32 $0x380, v22  }
0x24a: {  	v7 =	vand.u32 $0xFFFF8000, v25;
	v5 =	vand.u32 $0xFFFFFC00, v23;
	v3 =	vadd.s32 v3, v6  }
0x24b: {  	v28 =	vand.u32 $0x380, v26;
	v27 =	vadd.s32 v5, v7;
	v3 =	vor.u32 v4, v3  }
0x24c: {  	s17 =	simm.s32 $0x0;
	v1 =	vand.u32 $0x7F, v1;
	v2 =	vor.u32 v2, v3;
	v3 =	vor.u32 v28, v27  }
0x24d: {  	v1 =	vor.u32 v1, v3;
	[tilespmem:s17+$0x3800] =	vst v2  }
0x24e: {  	[tilespmem:s17+$0x4C80] =	vst v1  }
0x24f: {  	v1 =	vld [tilespmem:s16+$0xFFFFFF20]  }
0x250: {  	v2 =	vld [tilespmem:s16+$0xFFFFFFA0];
	_ =	sdelay $0x3  }
0x251: {  	v3 =	vshll.u32 v1, $0xC  }
0x252: {  	v29 =	vshll.u32 v1, $0x7;
	v30 =	vshll.u32 v1, $0x3;
	v31 =	vshll.u32 v2, $0x3  }
0x253: {  	v32 =	vshll.u32 v2, $0xC;
	v33 =	vshll.u32 v2, $0x7;
	v2 =	vand.u32 $0x7F, v2  }
0x254: {  	v3 =	vand.u32 $0xFFFF8000, v3;
	v6 =	vand.u32 $0xFFFFFC00, v31;
	v5 =	vand.u32 $0xFFFFFC00, v30  }
0x255: {  	v7 =	vand.u32 $0xFFFF8000, v32;
	v4 =	vand.u32 $0x380, v29;
	v3 =	vadd.s32 v3, v6  }
0x256: {  	v34 =	vand.u32 $0x380, v33;
	v5 =	vadd.s32 v5, v7;
	v3 =	vor.u32 v4, v3  }
0x257: {  	v1 =	vand.u32 $0x7F, v1;
	v2 =	vor.u32 v2, v3;
	v3 =	vor.u32 v34, v5  }
0x258: {  	v1 =	vor.u32 v1, v3;
	[tilespmem:s17+$0x3810] =	vst v2  }
0x259: {  	[tilespmem:s17+$0x4C90] =	vst v1  }
0x25a: {  	v1 =	vld [tilespmem:s16+$0xFFFFFF30]  }
0x25b: {  	v2 =	vld [tilespmem:s16+$0xFFFFFFB0];
	_ =	sdelay $0x3  }
0x25c: {  	v3 =	vshll.u32 v1, $0xC  }
0x25d: {  	v35 =	vshll.u32 v1, $0x7;
	v36 =	vshll.u32 v1, $0x3;
	v37 =	vshll.u32 v2, $0x3  }
0x25e: {  	v38 =	vshll.u32 v2, $0xC;
	v39 =	vshll.u32 v2, $0x7;
	v2 =	vand.u32 $0x7F, v2  }
0x25f: {  	v3 =	vand.u32 $0xFFFF8000, v3;
	v6 =	vand.u32 $0xFFFFFC00, v37;
	v4 =	vand.u32 $0x380, v35  }
0x260: {  	v7 =	vand.u32 $0xFFFF8000, v38;
	v5 =	vand.u32 $0xFFFFFC00, v36;
	v3 =	vadd.s32 v3, v6  }
0x261: {  	v41 =	vand.u32 $0x380, v39;
	v40 =	vadd.s32 v5, v7;
	v3 =	vor.u32 v4, v3  }
0x262: {  	v1 =	vand.u32 $0x7F, v1;
	v2 =	vor.u32 v2, v3;
	v3 =	vor.u32 v41, v40  }
0x263: {  	v1 =	vor.u32 v1, v3;
	[tilespmem:s17+$0x3820] =	vst v2  }
0x264: {  	[tilespmem:s17+$0x4CA0] =	vst v1  }
0x265: {  	v1 =	vld [tilespmem:s16+$0xFFFFFF40]  }
0x266: {  	v2 =	vld [tilespmem:s16+$0xFFFFFFC0];
	_ =	sdelay $0x3  }
0x267: {  	v3 =	vshll.u32 v1, $0xC  }
0x268: {  	v42 =	vshll.u32 v1, $0x3;
	v43 =	vshll.u32 v2, $0x3;
	v44 =	vshll.u32 v1, $0x7  }
0x269: {  	v45 =	vshll.u32 v2, $0xC;
	v47 =	vshll.u32 v2, $0x7;
	v2 =	vand.u32 $0x7F, v2  }
0x26a: {  	v3 =	vand.u32 $0xFFFF8000, v3;
	v5 =	vand.u32 $0xFFFFFC00, v43;
	v4 =	vand.u32 $0xFFFFFC00, v42  }
0x26b: {  	v46 =	vand.u32 $0x380, v44;
	v48 =	vand.u32 $0xFFFF8000, v45;
	v3 =	vadd.s32 v3, v5  }
0x26c: {  	v49 =	vand.u32 $0x380, v47;
	v4 =	vadd.s32 v4, v48;
	v3 =	vor.u32 v46, v3  }
0x26d: {  	v1 =	vand.u32 $0x7F, v1;
	v2 =	vor.u32 v2, v3;
	v3 =	vor.u32 v49, v4  }
0x26e: {  	v1 =	vor.u32 v1, v3;
	[tilespmem:s17+$0x3830] =	vst v2  }
0x26f: {  	[tilespmem:s17+$0x4CB0] =	vst v1  }
0x270: {  	v1 =	vld [tilespmem:s16+$0xFFFFFF50]  }
0x271: {  	v2 =	vld [tilespmem:s16+$0xFFFFFFD0];
	_ =	sdelay $0x3  }
0x272: {  	v3 =	vshll.u32 v1, $0xC  }
0x273: {  	v50 =	vshll.u32 v1, $0x7;
	v51 =	vshll.u32 v1, $0x3;
	v52 =	vshll.u32 v2, $0x3  }
0x274: {  	v53 =	vshll.u32 v2, $0xC;
	v55 =	vshll.u32 v2, $0x7;
	v2 =	vand.u32 $0x7F, v2  }
0x275: {  	v4 =	vand.u32 $0x380, v50;
	v3 =	vand.u32 $0xFFFF8000, v3;
	v6 =	vand.u32 $0xFFFFFC00, v52  }
0x276: {  	v5 =	vand.u32 $0xFFFFFC00, v51;
	v54 =	vand.u32 $0xFFFF8000, v53;
	v3 =	vadd.s32 v3, v6  }
0x277: {  	v57 =	vand.u32 $0x380, v55;
	v56 =	vadd.s32 v5, v54;
	v3 =	vor.u32 v4, v3  }
0x278: {  	v1 =	vand.u32 $0x7F, v1;
	v2 =	vor.u32 v2, v3;
	v3 =	vor.u32 v57, v56  }
0x279: {  	v1 =	vor.u32 v1, v3;
	[tilespmem:s17+$0x3840] =	vst v2  }
0x27a: {  	[tilespmem:s17+$0x4CC0] =	vst v1  }
0x27b: {  	v1 =	vld [tilespmem:s16+$0xFFFFFF60]  }
0x27c: {  	v2 =	vld [tilespmem:s16+$0xFFFFFFE0];
	_ =	sdelay $0x3  }
0x27d: {  	v3 =	vshll.u32 v1, $0xC  }
0x27e: {  	v58 =	vshll.u32 v1, $0x7;
	v59 =	vshll.u32 v1, $0x3;
	v60 =	vshll.u32 v2, $0x3  }
0x27f: {  	v61 =	vshll.u32 v2, $0xC;
	v62 =	vshll.u32 v2, $0x7;
	v2 =	vand.u32 $0x7F, v2  }
0x280: {  	v3 =	vand.u32 $0xFFFF8000, v3;
	v6 =	vand.u32 $0xFFFFFC00, v60;
	v5 =	vand.u32 $0xFFFFFC00, v59  }
0x281: {  	v7 =	vand.u32 $0xFFFF8000, v61;
	v4 =	vand.u32 $0x380, v58;
	v3 =	vadd.s32 v3, v6  }
0x282: {  	v63 =	vand.u32 $0x380, v62;
	v5 =	vadd.s32 v5, v7;
	v3 =	vor.u32 v4, v3  }
0x283: {  	v1 =	vand.u32 $0x7F, v1;
	v2 =	vor.u32 v2, v3;
	v3 =	vor.u32 v63, v5  }
0x284: {  	v1 =	vor.u32 v1, v3;
	[tilespmem:s17+$0x3850] =	vst v2  }
0x285: {  	[tilespmem:s17+$0x4CD0] =	vst v1  }
0x286: {  	v1 =	vld [tilespmem:s16+$0xFFFFFF70]  }
0x287: {  	s18 =	simm.s32 $0x1EF0;
	s19 =	simm.s32 $0x200;
	v2 =	vld [tilespmem:s16+$0xFFFFFFF0]  }
.LBB2_8:
0x288: {  	_ = 	snop  }
0x289: {  	p1 =	sne.s32 s19, $0x1400  }
0x28a: {  	s16 =	sadd.s32 $0x100, s16;
	s20 =	smov.u32 s19;
	s19 =	sadd.s32 $0x200, s19  }
0x28b: {  	v3 =	vshll.u32 v1, $0xC;
	v4 =	vshll.u32 v1, $0x7;
	v5 =	vshll.u32 v1, $0x3  }
0x28c: {  	v6 =	vshll.u32 v2, $0x3;
	v7 =	vand.u32 $0x7F, v2;
	v8 =	vshll.u32 v2, $0xC  }
0x28d: {  	v4 =	vand.u32 $0x380, v4;
	v6 =	vand.u32 $0xFFFFFC00, v6;
	v8 =	vand.u32 $0xFFFF8000, v8  }
0x28e: {  	v3 =	vand.u32 $0xFFFF8000, v3;
	v5 =	vand.u32 $0xFFFFFC00, v5;
	v2 =	vshll.u32 v2, $0x7  }
0x28f: {  	v2 =	vand.u32 $0x380, v2;
	v3 =	vadd.s32 v3, v6;
	v5 =	vadd.s32 v5, v8  }
0x290: {  	v1 =	vand.u32 $0x7F, v1;
	v3 =	vor.u32 v4, v3;
	v2 =	vor.u32 v2, v5  }
0x291: {  	v3 =	vor.u32 v7, v3;
	v1 =	vor.u32 v1, v2  }
0x292: {  	[tilespmem:s17+$0x3860] =	vst v3  }
0x293: {  	[tilespmem:s17+$0x4CE0] =	vst v1  }
0x294: {  	v1 =	vld [tilespmem:s18+$0xFFFFFF80]  }
0x295: {  	v2 =	vld [tilespmem:s18+$0x0];
	s18 =	smov.u32 s16;
	_ =	sdelay $0x3  }
0x296: {  	v3 =	vshll.u32 v1, $0xC;
	v4 =	vshll.u32 v1, $0x7;
	v5 =	vshll.u32 v1, $0x3  }
0x297: {  	v6 =	vshll.u32 v2, $0x3;
	v7 =	vshll.u32 v2, $0xC;
	v5 =	vand.u32 $0xFFFFFC00, v5  }
0x298: {  	v3 =	vand.u32 $0xFFFF8000, v3;
	v6 =	vand.u32 $0xFFFFFC00, v6;
	v7 =	vand.u32 $0xFFFF8000, v7  }
0x299: {  	v4 =	vand.u32 $0x380, v4;
	v3 =	vadd.s32 v3, v6;
	v5 =	vadd.s32 v5, v7  }
0x29a: {  	v3 =	vor.u32 v4, v3;
	v4 =	vand.u32 $0x7F, v2;
	v2 =	vshll.u32 v2, $0x7  }
0x29b: {  	v1 =	vand.u32 $0x7F, v1;
	v3 =	vor.u32 v4, v3;
	v2 =	vand.u32 $0x380, v2  }
0x29c: {  	v2 =	vor.u32 v2, v5;
	[tilespmem:s17+$0x3870] =	vst v3  }
0x29d: {  	v1 =	vor.u32 v1, v2  }
0x29e: {  	[tilespmem:s17+$0x4CF0] =	vst v1  }
0x29f: {  	v1 =	vld [tilespmem:s16+$0xFFFFFF10]  }
0x2a0: {  	v2 =	vld [tilespmem:s16+$0xFFFFFF90];
	_ =	sdelay $0x3  }
0x2a1: {  	v3 =	vshll.u32 v1, $0xC;
	v4 =	vshll.u32 v1, $0x7;
	v5 =	vshll.u32 v1, $0x3  }
0x2a2: {  	v6 =	vshll.u32 v2, $0x3;
	v4 =	vand.u32 $0x380, v4;
	v7 =	vshll.u32 v2, $0xC  }
0x2a3: {  	v3 =	vand.u32 $0xFFFF8000, v3;
	v6 =	vand.u32 $0xFFFFFC00, v6;
	v7 =	vand.u32 $0xFFFF8000, v7  }
0x2a4: {  	v5 =	vand.u32 $0xFFFFFC00, v5;
	v3 =	vadd.s32 v3, v6;
	v6 =	vshll.u32 v2, $0x7  }
0x2a5: {  	v2 =	vand.u32 $0x7F, v2;
	v3 =	vor.u32 v4, v3;
	v4 =	vadd.s32 v5, v7  }
0x2a6: {  	v2 =	vor.u32 v2, v3;
	v3 =	vand.u32 $0x380, v6  }
0x2a7: {  	s17 =	sshra.s32 s20, $0x2;
	v1 =	vand.u32 $0x7F, v1;
	v3 =	vor.u32 v3, v4  }
0x2a8: {  	v1 =	vor.u32 v1, v3;
	[tilespmem:s17+$0x3800] =	vst v2  }
0x2a9: {  	[tilespmem:s17+$0x4C80] =	vst v1  }
0x2aa: {  	v1 =	vld [tilespmem:s16+$0xFFFFFF20]  }
0x2ab: {  	v2 =	vld [tilespmem:s16+$0xFFFFFFA0];
	_ =	sdelay $0x3  }
0x2ac: {  	v3 =	vshll.u32 v1, $0xC;
	v4 =	vshll.u32 v1, $0x7;
	v5 =	vshll.u32 v1, $0x3  }
0x2ad: {  	v6 =	vshll.u32 v2, $0x3;
	v7 =	vshll.u32 v2, $0xC;
	v5 =	vand.u32 $0xFFFFFC00, v5  }
0x2ae: {  	v3 =	vand.u32 $0xFFFF8000, v3;
	v6 =	vand.u32 $0xFFFFFC00, v6;
	v7 =	vand.u32 $0xFFFF8000, v7  }
0x2af: {  	v4 =	vand.u32 $0x380, v4;
	v3 =	vadd.s32 v3, v6;
	v5 =	vadd.s32 v5, v7  }
0x2b0: {  	v3 =	vor.u32 v4, v3;
	v4 =	vand.u32 $0x7F, v2;
	v2 =	vshll.u32 v2, $0x7  }
0x2b1: {  	v3 =	vor.u32 v4, v3;
	v2 =	vand.u32 $0x380, v2  }
0x2b2: {  	v1 =	vand.u32 $0x7F, v1;
	v2 =	vor.u32 v2, v5  }
0x2b3: {  	v1 =	vor.u32 v1, v2;
	[tilespmem:s17+$0x3810] =	vst v3  }
0x2b4: {  	[tilespmem:s17+$0x4C90] =	vst v1  }
0x2b5: {  	v1 =	vld [tilespmem:s16+$0xFFFFFF30]  }
0x2b6: {  	v2 =	vld [tilespmem:s16+$0xFFFFFFB0];
	_ =	sdelay $0x3  }
0x2b7: {  	v3 =	vshll.u32 v1, $0xC;
	v4 =	vshll.u32 v1, $0x7;
	v5 =	vshll.u32 v1, $0x3  }
0x2b8: {  	v6 =	vshll.u32 v2, $0x3;
	v4 =	vand.u32 $0x380, v4;
	v7 =	vshll.u32 v2, $0xC  }
0x2b9: {  	v3 =	vand.u32 $0xFFFF8000, v3;
	v6 =	vand.u32 $0xFFFFFC00, v6;
	v7 =	vand.u32 $0xFFFF8000, v7  }
0x2ba: {  	v5 =	vand.u32 $0xFFFFFC00, v5;
	v3 =	vadd.s32 v3, v6;
	v6 =	vshll.u32 v2, $0x7  }
0x2bb: {  	v2 =	vand.u32 $0x7F, v2;
	v3 =	vor.u32 v4, v3;
	v4 =	vadd.s32 v5, v7  }
0x2bc: {  	v2 =	vor.u32 v2, v3;
	v3 =	vand.u32 $0x380, v6  }
0x2bd: {  	v1 =	vand.u32 $0x7F, v1;
	v3 =	vor.u32 v3, v4  }
0x2be: {  	v1 =	vor.u32 v1, v3;
	[tilespmem:s17+$0x3820] =	vst v2  }
0x2bf: {  	[tilespmem:s17+$0x4CA0] =	vst v1  }
0x2c0: {  	v1 =	vld [tilespmem:s16+$0xFFFFFF40]  }
0x2c1: {  	v2 =	vld [tilespmem:s16+$0xFFFFFFC0];
	_ =	sdelay $0x3  }
0x2c2: {  	v3 =	vshll.u32 v1, $0xC;
	v4 =	vshll.u32 v1, $0x3  }
0x2c3: {  	v6 =	vshll.u32 v1, $0x7;
	v5 =	vshll.u32 v2, $0x3;
	v7 =	vshll.u32 v2, $0xC  }
0x2c4: {  	v3 =	vand.u32 $0xFFFF8000, v3;
	v4 =	vand.u32 $0xFFFFFC00, v4;
	v5 =	vand.u32 $0xFFFFFC00, v5  }
0x2c5: {  	v3 =	vadd.s32 v3, v5;
	v5 =	vand.u32 $0x380, v6;
	v6 =	vshll.u32 v2, $0x7  }
0x2c6: {  	v2 =	vand.u32 $0x7F, v2;
	v3 =	vor.u32 v5, v3;
	v5 =	vand.u32 $0xFFFF8000, v7  }
0x2c7: {  	v2 =	vor.u32 v2, v3;
	v3 =	vadd.s32 v4, v5;
	v4 =	vand.u32 $0x380, v6  }
0x2c8: {  	v1 =	vand.u32 $0x7F, v1;
	v3 =	vor.u32 v4, v3  }
0x2c9: {  	v1 =	vor.u32 v1, v3;
	[tilespmem:s17+$0x3830] =	vst v2  }
0x2ca: {  	[tilespmem:s17+$0x4CB0] =	vst v1  }
0x2cb: {  	v1 =	vld [tilespmem:s16+$0xFFFFFF50]  }
0x2cc: {  	v2 =	vld [tilespmem:s16+$0xFFFFFFD0];
	_ =	sdelay $0x3  }
0x2cd: {  	v3 =	vshll.u32 v1, $0xC;
	v4 =	vshll.u32 v1, $0x7;
	v5 =	vshll.u32 v1, $0x3  }
0x2ce: {  	v6 =	vshll.u32 v2, $0x3;
	v4 =	vand.u32 $0x380, v4;
	v7 =	vshll.u32 v2, $0xC  }
0x2cf: {  	v3 =	vand.u32 $0xFFFF8000, v3;
	v5 =	vand.u32 $0xFFFFFC00, v5;
	v6 =	vand.u32 $0xFFFFFC00, v6  }
0x2d0: {  	v3 =	vadd.s32 v3, v6;
	v6 =	vand.u32 $0xFFFF8000, v7;
	v7 =	vshll.u32 v2, $0x7  }
0x2d1: {  	v2 =	vand.u32 $0x7F, v2;
	v3 =	vor.u32 v4, v3;
	v4 =	vadd.s32 v5, v6  }
0x2d2: {  	v2 =	vor.u32 v2, v3;
	v3 =	vand.u32 $0x380, v7  }
0x2d3: {  	v1 =	vand.u32 $0x7F, v1;
	v3 =	vor.u32 v3, v4  }
0x2d4: {  	v1 =	vor.u32 v1, v3;
	[tilespmem:s17+$0x3840] =	vst v2  }
0x2d5: {  	[tilespmem:s17+$0x4CC0] =	vst v1  }
0x2d6: {  	v1 =	vld [tilespmem:s16+$0xFFFFFF60]  }
0x2d7: {  	v2 =	vld [tilespmem:s16+$0xFFFFFFE0];
	_ =	sdelay $0x3  }
0x2d8: {  	v3 =	vshll.u32 v1, $0xC;
	v4 =	vshll.u32 v1, $0x7;
	v5 =	vshll.u32 v1, $0x3  }
0x2d9: {  	v6 =	vshll.u32 v2, $0x3;
	v7 =	vshll.u32 v2, $0xC;
	v5 =	vand.u32 $0xFFFFFC00, v5  }
0x2da: {  	v3 =	vand.u32 $0xFFFF8000, v3;
	v6 =	vand.u32 $0xFFFFFC00, v6;
	v7 =	vand.u32 $0xFFFF8000, v7  }
0x2db: {  	v4 =	vand.u32 $0x380, v4;
	v3 =	vadd.s32 v3, v6;
	v5 =	vadd.s32 v5, v7  }
0x2dc: {  	v3 =	vor.u32 v4, v3;
	v4 =	vand.u32 $0x7F, v2;
	v2 =	vshll.u32 v2, $0x7  }
0x2dd: {  	v3 =	vor.u32 v4, v3;
	v2 =	vand.u32 $0x380, v2  }
.Ltmp3:
0x2de: {  	v1 =	vand.u32 $0x7F, v1;
	v2 =	vor.u32 v2, v5;
	(pc) =	sbr.rel @p1 .LBB2_8-.Ltmp3, $4  }
0x2df: {  	v1 =	vor.u32 v1, v2;
	[tilespmem:s17+$0x3850] =	vst v3  }
0x2e0: {  	[tilespmem:s17+$0x4CD0] =	vst v1  }
0x2e1: {  	v1 =	vld [tilespmem:s16+$0xFFFFFF70]  }
0x2e2: {  	v2 =	vld [tilespmem:s16+$0xFFFFFFF0]  }
0x2e3: {  	_ =	sdelay $0x2  }
0x2e4: {  	v3 =	vshll.u32 v1, $0xC  }
0x2e5: {  	v4 =	vshll.u32 v1, $0x7;
	v5 =	vshll.u32 v1, $0x3;
	v6 =	vshll.u32 v2, $0x3  }
0x2e6: {  	v7 =	vand.u32 $0x7F, v2;
	v8 =	vshll.u32 v2, $0xC;
	v4 =	vand.u32 $0x380, v4  }
0x2e7: {  	v3 =	vand.u32 $0xFFFF8000, v3;
	v5 =	vand.u32 $0xFFFFFC00, v5;
	v6 =	vand.u32 $0xFFFFFC00, v6  }
0x2e8: {  	v2 =	vshll.u32 v2, $0x7;
	v8 =	vand.u32 $0xFFFF8000, v8;
	v3 =	vadd.s32 v3, v6  }
0x2e9: {  	v2 =	vand.u32 $0x380, v2;
	v5 =	vadd.s32 v5, v8;
	v3 =	vor.u32 v4, v3  }
0x2ea: {  	v1 =	vand.u32 $0x7F, v1;
	v2 =	vor.u32 v2, v5;
	v3 =	vor.u32 v7, v3  }
0x2eb: {  	v1 =	vor.u32 v1, v2;
	[tilespmem:s17+$0x3860] =	vst v3  }
0x2ec: {  	[tilespmem:s17+$0x4CE0] =	vst v1  }
0x2ed: {  	v1 =	vld [tilespmem:s18+$0xFFFFFF80]  }
0x2ee: {  	v2 =	vld [tilespmem:s18+$0x0];
	_ =	sdelay $0x3  }
0x2ef: {  	v3 =	vshll.u32 v1, $0xC  }
0x2f0: {  	v58 =	vshll.u32 v1, $0x7;
	v59 =	vshll.u32 v1, $0x3;
	v60 =	vshll.u32 v2, $0x3  }
0x2f1: {  	v61 =	vshll.u32 v2, $0xC;
	v62 =	vshll.u32 v2, $0x7;
	v2 =	vand.u32 $0x7F, v2  }
0x2f2: {  	v3 =	vand.u32 $0xFFFF8000, v3;
	v6 =	vand.u32 $0xFFFFFC00, v60;
	v5 =	vand.u32 $0xFFFFFC00, v59  }
0x2f3: {  	v7 =	vand.u32 $0xFFFF8000, v61;
	v4 =	vand.u32 $0x380, v58;
	v3 =	vadd.s32 v3, v6  }
0x2f4: {  	v63 =	vand.u32 $0x380, v62;
	v5 =	vadd.s32 v5, v7;
	v3 =	vor.u32 v4, v3  }
0x2f5: {  	v1 =	vand.u32 $0x7F, v1;
	v2 =	vor.u32 v2, v3;
	v3 =	vor.u32 v63, v5  }
0x2f6: {  	[tilespmem:s17+$0x3870] =	vst v2;
	v1 =	vor.u32 v1, v3  }
0x2f7: {  	s16 =	simm.s32 $0x3800;
	[tilespmem:s17+$0x4CF0] =	vst v1  }
0x2f8: {  	s19 =	simm.s32 $0x4C80;
	s18 =	simm.s32 $0x7580;
	_ =	strace $0x9000004B  }
0x2f9: {  	[tilespmem:s18], [sflag:$0x4] =	stream.indirect.gather [hbm4b:s1+s23], $0x1, s16, s23, $0xb8;
	[tilespmem:$0xA080] =	vst v63  }
0x2fa: {  	s20 =	simm.s32 $0x8A00;
	s17 =	simm.s32 $0x200;
	s16 =	simm.s32 $0x0  }
0x2fb: {  	[tilespmem:s20], [sflag:$0x4] =	stream.indirect.gather [hbm4b:s1+s23], $0x1, s19, s23, $0xb8;
	[tilespmem:$0xA080] =	vst v63  }
.LBB2_10:
0x2fc: {  	p1 =	sne.s32 s17, $0x3E00;
	[tilespmem:s16+$0x90F0] =	vst v0  }
0x2fd: {  	[tilespmem:s16+$0x9080] =	vst v0  }
0x2fe: {  	[tilespmem:s16+$0x9090] =	vst v0  }
.Ltmp4:
0x2ff: {  	[tilespmem:s16+$0x90A0] =	vst v0;
	(pc) =	sbr.rel @p1 .LBB2_10-.Ltmp4, $4  }
0x300: {  	[tilespmem:s16+$0x90B0] =	vst v0  }
0x301: {  	[tilespmem:s16+$0x90C0] =	vst v0  }
0x302: {  	[tilespmem:s16+$0x90D0] =	vst v0  }
0x303: {  	[tilespmem:s16+$0x90E0] =	vst v0;
	s16 =	sshra.s32 s17, $0x2;
	s17 =	sadd.s32 $0x200, s17  }
0x304: {  	[tilespmem:s16+$0x90F0] =	vst v0  }
0x305: {  	[tilespmem:s16+$0x9080] =	vst v0  }
0x306: {  	[tilespmem:s16+$0x9090] =	vst v0  }
0x307: {  	[tilespmem:s16+$0x90A0] =	vst v0  }
0x308: {  	[tilespmem:s16+$0x90B0] =	vst v0  }
0x309: {  	[tilespmem:s16+$0x90C0] =	vst v0  }
0x30a: {  	[tilespmem:s16+$0x90D0] =	vst v0  }
0x30b: {  	[tilespmem:s16+$0x90E0] =	vst v0;
	s16 =	simm.s32 @!p0 $0x9080  }
0x30c: {  	[spmem:s2] =	stream.linear.scatter @!p0 [tilespmem:s16], [sflag:$0x7], $0x1000, $0x38;
	[tilespmem:$0xA080] =	vst v63  }
0x30d: {  	s16 =	simm.s32 @!p0 $0x7  }
0x30e: {  	_ =	swait.ge @!p0 [sflag:s16], $0x1000  }
0x30f: {  	[sflag:s16] =	ssyncset.done @!p0 $0x0  }
0x310: {  	[sflag:s16] =	ssyncadd.s32 @!p0 $0xFFFFF000  }
0x311: {  	_ =	swait.ge [sflag:s29], $0x1480  }
0x312: {  	[sflag:s29] =	ssyncset.done $0x0  }
0x313: {  	[sflag:s29] =	ssyncadd.s32 $0xFFFFEB80  }
0x314: {  	[bflag:$0x0] =	sbarrier.arrive $0xFFFF  }
0x315: {  	_ =	strace $0x8000004C  }
0x316: {  	_ =	swait.ge [sflag:s30], $0x500  }
0x317: {  	[sflag:s30] =	ssyncset.done $0x0  }
0x318: {  	[sflag:s30] =	ssyncadd.s32 $0xFFFFFB00  }
0x319: {  	_ =	swait.ge [sflag:s30], $0x500  }
0x31a: {  	[sflag:s30] =	ssyncset.done $0x0  }
0x31b: {  	[sflag:s30] =	ssyncadd.s32 $0xFFFFFB00  }
0x31c: {  	_ =	strace $0x9000004C  }
0x31d: {  	s16 =	simm.s32 $0x0;
	_ =	strace $0x8000004D  }
0x31e: {  	v13 =	vld [tilespmem:s16+$0x6680]  }
0x31f: {  	v17 =	vld [tilespmem:s16+$0x7B00]  }
0x320: {  	v19 =	vld [tilespmem:s16+$0x6690]  }
0x321: {  	v20 =	vld [tilespmem:s16+$0x7B10]  }
0x322: {  	v8 =	vld [tilespmem:s16+$0x66A0]  }
0x323: {  	v11 =	vld [tilespmem:s16+$0x7B20]  }
0x324: {  	v9 =	vld [tilespmem:s16+$0x66B0]  }
0x325: {  	v12 =	vld [tilespmem:s16+$0x7B30]  }
0x326: {  	v7 =	vld [tilespmem:s16+$0x66C0]  }
0x327: {  	v10 =	vld [tilespmem:s16+$0x7B40]  }
0x328: {  	v5 =	vld [tilespmem:s16+$0x66D0]  }
0x329: {  	v6 =	vld [tilespmem:s16+$0x7B50]  }
0x32a: {  	v3 =	vld [tilespmem:s16+$0x66E0]  }
0x32b: {  	v4 =	vld [tilespmem:s16+$0x7B60]  }
0x32c: {  	v1 =	vld [tilespmem:s16+$0x66F0]  }
0x32d: {  	v2 =	vld [tilespmem:s16+$0x7B70]  }
0x32e: {  	v16 =	vld [tilespmem:s16+$0x5200]  }
0x32f: {  	v15 =	vld [tilespmem:s16+$0x5210]  }
0x330: {  	v14 =	vld [tilespmem:s16+$0x5220];
	v18 =	vadd.f32 v17, v13  }
0x331: {  	s17 =	simm.s32 $0x200;
	v17 =	vadd.f32 v20, v19;
	v13 =	vld [tilespmem:s16+$0x5230]  }
.LBB2_12:
0x332: {  	p1 =	sne.s32 s17, $0x1200;
	v18 =	vand.u32 $0x7FFFFFFF, v18;
	v8 =	vadd.f32 v11, v8;
	v11 =	vld [tilespmem:s16+$0x5240]  }
0x333: {  	v9 =	vadd.f32 v12, v9;
	v16 =	vmul.f32 v18, v16;
	v17 =	vand.u32 $0x7FFFFFFF, v17;
	v12 =	vld [tilespmem:s16+$0x5250]  }
0x334: {  	v7 =	vadd.f32 v10, v7;
	v15 =	vmul.f32 v17, v15;
	v8 =	vand.u32 $0x7FFFFFFF, v8;
	v10 =	vld [tilespmem:s16+$0x5260]  }
0x335: {  	s18 =	sshra.s32 s17, $0x2;
	v5 =	vadd.f32 v6, v5;
	v9 =	vand.u32 $0x7FFFFFFF, v9;
	[tilespmem:s16+$0x5200] =	vst v16;
	v8 =	vmul.f32 v8, v14;
	v6 =	vld [tilespmem:s16+$0x5270]  }
0x336: {  	v3 =	vadd.f32 v4, v3;
	v7 =	vand.u32 $0x7FFFFFFF, v7;
	v14 =	vld [tilespmem:s18+$0x6680];
	[tilespmem:s16+$0x5210] =	vst v15;
	v9 =	vmul.f32 v9, v13  }
0x337: {  	v1 =	vadd.f32 v2, v1;
	v5 =	vand.u32 $0x7FFFFFFF, v5;
	v13 =	vld [tilespmem:s18+$0x7B00];
	[tilespmem:s16+$0x5220] =	vst v8;
	v4 =	vmul.f32 v7, v11  }
0x338: {  	v3 =	vand.u32 $0x7FFFFFFF, v3;
	v17 =	vld [tilespmem:s18+$0x6690];
	[tilespmem:s16+$0x5230] =	vst v9;
	v2 =	vmul.f32 v5, v12  }
0x339: {  	v1 =	vand.u32 $0x7FFFFFFF, v1;
	v19 =	vld [tilespmem:s18+$0x7B10];
	[tilespmem:s16+$0x5240] =	vst v4;
	v3 =	vmul.f32 v3, v10  }
0x33a: {  	v8 =	vld [tilespmem:s18+$0x66A0];
	[tilespmem:s16+$0x5250] =	vst v2;
	v1 =	vmul.f32 v1, v6  }
0x33b: {  	v11 =	vld [tilespmem:s18+$0x7B20];
	[tilespmem:s16+$0x5260] =	vst v3  }
0x33c: {  	v9 =	vld [tilespmem:s18+$0x66B0];
	[tilespmem:s16+$0x5270] =	vst v1;
	s16 =	smov.u32 s18  }
0x33d: {  	v12 =	vld [tilespmem:s16+$0x7B30]  }
0x33e: {  	v7 =	vld [tilespmem:s16+$0x66C0]  }
0x33f: {  	v10 =	vld [tilespmem:s16+$0x7B40]  }
0x340: {  	v5 =	vld [tilespmem:s16+$0x66D0]  }
0x341: {  	v6 =	vld [tilespmem:s16+$0x7B50]  }
0x342: {  	v3 =	vld [tilespmem:s16+$0x66E0]  }
0x343: {  	v4 =	vld [tilespmem:s16+$0x7B60]  }
0x344: {  	v1 =	vld [tilespmem:s16+$0x66F0]  }
.Ltmp5:
0x345: {  	v2 =	vld [tilespmem:s16+$0x7B70];
	(pc) =	sbr.rel @p1 .LBB2_12-.Ltmp5, $4  }
0x346: {  	v16 =	vld [tilespmem:s16+$0x5200]  }
0x347: {  	v15 =	vld [tilespmem:s16+$0x5210]  }
0x348: {  	v18 =	vadd.f32 v13, v14;
	v14 =	vld [tilespmem:s16+$0x5220]  }
0x349: {  	s17 =	sadd.s32 $0x200, s17;
	v17 =	vadd.f32 v19, v17;
	v13 =	vld [tilespmem:s16+$0x5230]  }
0x34a: {  	v18 =	vand.u32 $0x7FFFFFFF, v18;
	v19 =	vld [tilespmem:s16+$0x5240];
	v8 =	vadd.f32 v11, v8;
	v9 =	vadd.f32 v12, v9  }
0x34b: {  	v12 =	vld [tilespmem:s16+$0x5260];
	v7 =	vadd.f32 v10, v7;
	v11 =	vmul.f32 v18, v16;
	v17 =	vand.u32 $0x7FFFFFFF, v17  }
0x34c: {  	v5 =	vadd.f32 v6, v5;
	v6 =	vld [tilespmem:s16+$0x5270];
	v15 =	vmul.f32 v17, v15;
	v8 =	vand.u32 $0x7FFFFFFF, v8  }
0x34d: {  	v3 =	vadd.f32 v4, v3;
	v16 =	vld [tilespmem:s16+$0x5250];
	v9 =	vand.u32 $0x7FFFFFFF, v9;
	[tilespmem:s16+$0x5200] =	vst v11;
	v8 =	vmul.f32 v8, v14  }
0x34e: {  	v1 =	vadd.f32 v2, v1;
	v7 =	vand.u32 $0x7FFFFFFF, v7;
	[tilespmem:s16+$0x5210] =	vst v15;
	v9 =	vmul.f32 v9, v13  }
0x34f: {  	v3 =	vand.u32 $0x7FFFFFFF, v3;
	[tilespmem:s16+$0x5220] =	vst v8;
	v4 =	vmul.f32 v7, v19  }
0x350: {  	v1 =	vand.u32 $0x7FFFFFFF, v1;
	v3 =	vmul.f32 v3, v12;
	[tilespmem:s16+$0x5230] =	vst v9  }
0x351: {  	v5 =	vand.u32 $0x7FFFFFFF, v5;
	v1 =	vmul.f32 v1, v6;
	[tilespmem:s16+$0x5240] =	vst v4  }
0x352: {  	v2 =	vmul.f32 v5, v16;
	[tilespmem:s16+$0x5260] =	vst v3  }
0x353: {  	[tilespmem:s16+$0x5270] =	vst v1  }
0x354: {  	[tilespmem:s16+$0x5250] =	vst v2  }
0x355: {  	_ =	strace $0x9000004D  }
0x356: {  	s19 =	simm.s32 $0x0;
	_ =	strace $0x8000004E  }
0x357: {  	[spmem:s2] =	stream.indirect.scatter.add.f32 [tilespmem:s8], [sflag:$0x5], $0x1, s19, s31, $0x2000b8;
	[tilespmem:$0xA080] =	vst v63  }
0x358: {  	s20 =	simm.s32 $0x100;
	s17 =	simm.s32 $0x5280  }
0x359: {  	[spmem:s2] =	stream.indirect.scatter.add.f32 [tilespmem:s17], [sflag:$0x5], $0x1, s20, s31, $0x2000b8;
	[tilespmem:$0xA080] =	vst v63  }
0x35a: {  	s18 =	simm.s32 $0x5300;
	s17 =	simm.s32 $0x200  }
0x35b: {  	[spmem:s2] =	stream.indirect.scatter.add.f32 [tilespmem:s18], [sflag:$0x5], $0x1, s17, s31, $0x2000b8;
	[tilespmem:$0xA080] =	vst v63  }
0x35c: {  	s19 =	simm.s32 $0x300;
	s20 =	simm.s32 $0x5380  }
0x35d: {  	[spmem:s2] =	stream.indirect.scatter.add.f32 [tilespmem:s20], [sflag:$0x5], $0x1, s19, s31, $0x2000b8;
	[tilespmem:$0xA080] =	vst v63  }
0x35e: {  	s18 =	simm.s32 $0x400;
	s19 =	simm.s32 $0x5400  }
0x35f: {  	[spmem:s2] =	stream.indirect.scatter.add.f32 [tilespmem:s19], [sflag:$0x5], $0x1, s18, s31, $0x2000b8;
	[tilespmem:$0xA080] =	vst v63  }
0x360: {  	s20 =	simm.s32 $0x5480  }
0x361: {  	[spmem:s2] =	stream.indirect.scatter.add.f32 [tilespmem:s20], [sflag:$0x5], $0x1, s10, s31, $0x2000b8;
	[tilespmem:$0xA080] =	vst v63  }
0x362: {  	s17 =	simm.s32 $0x600;
	s18 =	simm.s32 $0x5500  }
0x363: {  	[spmem:s2] =	stream.indirect.scatter.add.f32 [tilespmem:s18], [sflag:$0x5], $0x1, s17, s31, $0x2000b8;
	[tilespmem:$0xA080] =	vst v63  }
0x364: {  	s19 =	simm.s32 $0x700;
	s20 =	simm.s32 $0x5580  }
0x365: {  	[spmem:s2] =	stream.indirect.scatter.add.f32 [tilespmem:s20], [sflag:$0x5], $0x1, s19, s31, $0x2000b8;
	[tilespmem:$0xA080] =	vst v63  }
0x366: {  	s17 =	simm.s32 $0x800;
	s18 =	simm.s32 $0x5600  }
0x367: {  	[spmem:s2] =	stream.indirect.scatter.add.f32 [tilespmem:s18], [sflag:$0x5], $0x1, s17, s31, $0x2000b8;
	[tilespmem:$0xA080] =	vst v63  }
0x368: {  	s19 =	simm.s32 $0x900;
	s20 =	simm.s32 $0x5680  }
0x369: {  	[spmem:s2] =	stream.indirect.scatter.add.f32 [tilespmem:s20], [sflag:$0x5], $0x1, s19, s31, $0x2000b8;
	[tilespmem:$0xA080] =	vst v63  }
0x36a: {  	_ =	strace $0x9000004E  }
0x36b: {  	_ =	strace $0x8000004F  }
0x36c: {  	_ =	swait.ge [sflag:s0], $0x500  }
0x36d: {  	[sflag:s0] =	ssyncset.done $0x0  }
0x36e: {  	[sflag:s0] =	ssyncadd.s32 $0xFFFFFB00  }
0x36f: {  	_ =	swait.ge [sflag:s0], $0x500  }
0x370: {  	[sflag:s0] =	ssyncset.done $0x0  }
0x371: {  	[sflag:s0] =	ssyncadd.s32 $0xFFFFFB00  }
0x372: {  	_ =	strace $0x9000004F  }
0x373: {  	s16 =	simm.s32 $0x0;
	_ =	strace $0x80000050  }
0x374: {  	v13 =	vld [tilespmem:s16+$0x6B80]  }
0x375: {  	v17 =	vld [tilespmem:s16+$0x8000]  }
0x376: {  	v19 =	vld [tilespmem:s16+$0x6B90]  }
0x377: {  	v20 =	vld [tilespmem:s16+$0x8010]  }
0x378: {  	v8 =	vld [tilespmem:s16+$0x6BA0]  }
0x379: {  	v11 =	vld [tilespmem:s16+$0x8020]  }
0x37a: {  	v9 =	vld [tilespmem:s16+$0x6BB0]  }
0x37b: {  	v12 =	vld [tilespmem:s16+$0x8030]  }
0x37c: {  	v7 =	vld [tilespmem:s16+$0x6BC0]  }
0x37d: {  	v10 =	vld [tilespmem:s16+$0x8040]  }
0x37e: {  	v5 =	vld [tilespmem:s16+$0x6BD0]  }
0x37f: {  	v6 =	vld [tilespmem:s16+$0x8050]  }
0x380: {  	v3 =	vld [tilespmem:s16+$0x6BE0]  }
0x381: {  	v4 =	vld [tilespmem:s16+$0x8060]  }
0x382: {  	v1 =	vld [tilespmem:s16+$0x6BF0]  }
0x383: {  	v2 =	vld [tilespmem:s16+$0x8070]  }
0x384: {  	v16 =	vld [tilespmem:s16+$0x5700]  }
0x385: {  	v15 =	vld [tilespmem:s16+$0x5710]  }
0x386: {  	v14 =	vld [tilespmem:s16+$0x5720];
	v18 =	vadd.f32 v17, v13  }
0x387: {  	s17 =	simm.s32 $0x200;
	v17 =	vadd.f32 v20, v19;
	v13 =	vld [tilespmem:s16+$0x5730]  }
.LBB2_14:
0x388: {  	p1 =	sne.s32 s17, $0x1200;
	v18 =	vand.u32 $0x7FFFFFFF, v18;
	v8 =	vadd.f32 v11, v8;
	v11 =	vld [tilespmem:s16+$0x5740]  }
0x389: {  	v9 =	vadd.f32 v12, v9;
	v16 =	vmul.f32 v18, v16;
	v17 =	vand.u32 $0x7FFFFFFF, v17;
	v12 =	vld [tilespmem:s16+$0x5750]  }
0x38a: {  	v7 =	vadd.f32 v10, v7;
	v15 =	vmul.f32 v17, v15;
	v8 =	vand.u32 $0x7FFFFFFF, v8;
	v10 =	vld [tilespmem:s16+$0x5760]  }
0x38b: {  	s18 =	sshra.s32 s17, $0x2;
	v5 =	vadd.f32 v6, v5;
	v9 =	vand.u32 $0x7FFFFFFF, v9;
	[tilespmem:s16+$0x5700] =	vst v16;
	v8 =	vmul.f32 v8, v14;
	v6 =	vld [tilespmem:s16+$0x5770]  }
0x38c: {  	v3 =	vadd.f32 v4, v3;
	v7 =	vand.u32 $0x7FFFFFFF, v7;
	v14 =	vld [tilespmem:s18+$0x6B80];
	[tilespmem:s16+$0x5710] =	vst v15;
	v9 =	vmul.f32 v9, v13  }
0x38d: {  	v1 =	vadd.f32 v2, v1;
	v5 =	vand.u32 $0x7FFFFFFF, v5;
	v13 =	vld [tilespmem:s18+$0x8000];
	[tilespmem:s16+$0x5720] =	vst v8;
	v4 =	vmul.f32 v7, v11  }
0x38e: {  	v3 =	vand.u32 $0x7FFFFFFF, v3;
	v17 =	vld [tilespmem:s18+$0x6B90];
	[tilespmem:s16+$0x5730] =	vst v9;
	v2 =	vmul.f32 v5, v12  }
0x38f: {  	v1 =	vand.u32 $0x7FFFFFFF, v1;
	v19 =	vld [tilespmem:s18+$0x8010];
	[tilespmem:s16+$0x5740] =	vst v4;
	v3 =	vmul.f32 v3, v10  }
0x390: {  	v8 =	vld [tilespmem:s18+$0x6BA0];
	[tilespmem:s16+$0x5750] =	vst v2;
	v1 =	vmul.f32 v1, v6  }
0x391: {  	v11 =	vld [tilespmem:s18+$0x8020];
	[tilespmem:s16+$0x5760] =	vst v3  }
0x392: {  	v9 =	vld [tilespmem:s18+$0x6BB0];
	[tilespmem:s16+$0x5770] =	vst v1;
	s16 =	smov.u32 s18  }
0x393: {  	v12 =	vld [tilespmem:s16+$0x8030]  }
0x394: {  	v7 =	vld [tilespmem:s16+$0x6BC0]  }
0x395: {  	v10 =	vld [tilespmem:s16+$0x8040]  }
0x396: {  	v5 =	vld [tilespmem:s16+$0x6BD0]  }
0x397: {  	v6 =	vld [tilespmem:s16+$0x8050]  }
0x398: {  	v3 =	vld [tilespmem:s16+$0x6BE0]  }
0x399: {  	v4 =	vld [tilespmem:s16+$0x8060]  }
0x39a: {  	v1 =	vld [tilespmem:s16+$0x6BF0]  }
.Ltmp6:
0x39b: {  	v2 =	vld [tilespmem:s16+$0x8070];
	(pc) =	sbr.rel @p1 .LBB2_14-.Ltmp6, $4  }
0x39c: {  	v16 =	vld [tilespmem:s16+$0x5700]  }
0x39d: {  	v15 =	vld [tilespmem:s16+$0x5710]  }
0x39e: {  	v18 =	vadd.f32 v13, v14;
	v14 =	vld [tilespmem:s16+$0x5720]  }
0x39f: {  	s17 =	sadd.s32 $0x200, s17;
	v17 =	vadd.f32 v19, v17;
	v13 =	vld [tilespmem:s16+$0x5730]  }
0x3a0: {  	v18 =	vand.u32 $0x7FFFFFFF, v18;
	v19 =	vld [tilespmem:s16+$0x5740];
	v8 =	vadd.f32 v11, v8;
	v9 =	vadd.f32 v12, v9  }
0x3a1: {  	v12 =	vld [tilespmem:s16+$0x5760];
	v7 =	vadd.f32 v10, v7;
	v11 =	vmul.f32 v18, v16;
	v17 =	vand.u32 $0x7FFFFFFF, v17  }
0x3a2: {  	v5 =	vadd.f32 v6, v5;
	v6 =	vld [tilespmem:s16+$0x5770];
	v15 =	vmul.f32 v17, v15;
	v8 =	vand.u32 $0x7FFFFFFF, v8  }
0x3a3: {  	v3 =	vadd.f32 v4, v3;
	v16 =	vld [tilespmem:s16+$0x5750];
	v9 =	vand.u32 $0x7FFFFFFF, v9;
	[tilespmem:s16+$0x5700] =	vst v11;
	v8 =	vmul.f32 v8, v14  }
0x3a4: {  	v1 =	vadd.f32 v2, v1;
	v7 =	vand.u32 $0x7FFFFFFF, v7;
	[tilespmem:s16+$0x5710] =	vst v15;
	v9 =	vmul.f32 v9, v13  }
0x3a5: {  	v3 =	vand.u32 $0x7FFFFFFF, v3;
	[tilespmem:s16+$0x5720] =	vst v8;
	v4 =	vmul.f32 v7, v19  }
0x3a6: {  	v1 =	vand.u32 $0x7FFFFFFF, v1;
	v3 =	vmul.f32 v3, v12;
	[tilespmem:s16+$0x5730] =	vst v9  }
0x3a7: {  	v5 =	vand.u32 $0x7FFFFFFF, v5;
	v1 =	vmul.f32 v1, v6;
	[tilespmem:s16+$0x5740] =	vst v4  }
0x3a8: {  	v2 =	vmul.f32 v5, v16;
	[tilespmem:s16+$0x5760] =	vst v3  }
0x3a9: {  	[tilespmem:s16+$0x5770] =	vst v1  }
0x3aa: {  	[tilespmem:s16+$0x5750] =	vst v2  }
0x3ab: {  	_ =	strace $0x90000050  }
0x3ac: {  	s18 =	simm.s32 $0xA00;
	s17 =	simm.s32 $0x5700;
	_ =	strace $0x80000051  }
0x3ad: {  	[spmem:s2] =	stream.indirect.scatter.add.f32 [tilespmem:s17], [sflag:$0x5], $0x1, s18, s31, $0x2000b8;
	[tilespmem:$0xA080] =	vst v63  }
0x3ae: {  	s19 =	simm.s32 $0xB00;
	s20 =	simm.s32 $0x5780  }
0x3af: {  	[spmem:s2] =	stream.indirect.scatter.add.f32 [tilespmem:s20], [sflag:$0x5], $0x1, s19, s31, $0x2000b8;
	[tilespmem:$0xA080] =	vst v63  }
0x3b0: {  	s17 =	simm.s32 $0xC00;
	s18 =	simm.s32 $0x5800  }
0x3b1: {  	[spmem:s2] =	stream.indirect.scatter.add.f32 [tilespmem:s18], [sflag:$0x5], $0x1, s17, s31, $0x2000b8;
	[tilespmem:$0xA080] =	vst v63  }
0x3b2: {  	s19 =	simm.s32 $0xD00;
	s20 =	simm.s32 $0x5880  }
0x3b3: {  	[spmem:s2] =	stream.indirect.scatter.add.f32 [tilespmem:s20], [sflag:$0x5], $0x1, s19, s31, $0x2000b8;
	[tilespmem:$0xA080] =	vst v63  }
0x3b4: {  	s17 =	simm.s32 $0xE00;
	s18 =	simm.s32 $0x5900  }
0x3b5: {  	[spmem:s2] =	stream.indirect.scatter.add.f32 [tilespmem:s18], [sflag:$0x5], $0x1, s17, s31, $0x2000b8;
	[tilespmem:$0xA080] =	vst v63  }
0x3b6: {  	s19 =	simm.s32 $0xF00;
	s20 =	simm.s32 $0x5980  }
0x3b7: {  	[spmem:s2] =	stream.indirect.scatter.add.f32 [tilespmem:s20], [sflag:$0x5], $0x1, s19, s31, $0x2000b8;
	[tilespmem:$0xA080] =	vst v63  }
0x3b8: {  	s17 =	simm.s32 $0x1000;
	s18 =	simm.s32 $0x5A00  }
0x3b9: {  	[spmem:s2] =	stream.indirect.scatter.add.f32 [tilespmem:s18], [sflag:$0x5], $0x1, s17, s31, $0x2000b8;
	[tilespmem:$0xA080] =	vst v63  }
0x3ba: {  	s19 =	simm.s32 $0x1100;
	s20 =	simm.s32 $0x5A80  }
0x3bb: {  	[spmem:s2] =	stream.indirect.scatter.add.f32 [tilespmem:s20], [sflag:$0x5], $0x1, s19, s31, $0x2000b8;
	[tilespmem:$0xA080] =	vst v63  }
0x3bc: {  	s17 =	simm.s32 $0x1200;
	s18 =	simm.s32 $0x5B00  }
0x3bd: {  	[spmem:s2] =	stream.indirect.scatter.add.f32 [tilespmem:s18], [sflag:$0x5], $0x1, s17, s31, $0x2000b8;
	[tilespmem:$0xA080] =	vst v63  }
0x3be: {  	s19 =	simm.s32 $0x1300;
	s20 =	simm.s32 $0x5B80  }
0x3bf: {  	[spmem:s2] =	stream.indirect.scatter.add.f32 [tilespmem:s20], [sflag:$0x5], $0x1, s19, s31, $0x2000b8;
	[tilespmem:$0xA080] =	vst v63  }
0x3c0: {  	_ =	strace $0x90000051  }
0x3c1: {  	_ =	strace $0x80000052  }
0x3c2: {  	_ =	swait.ge [sflag:s15], $0x500  }
0x3c3: {  	[sflag:s15] =	ssyncset.done $0x0  }
0x3c4: {  	[sflag:s15] =	ssyncadd.s32 $0xFFFFFB00  }
0x3c5: {  	_ =	swait.ge [sflag:s15], $0x500  }
0x3c6: {  	[sflag:s15] =	ssyncset.done $0x0  }
0x3c7: {  	[sflag:s15] =	ssyncadd.s32 $0xFFFFFB00  }
0x3c8: {  	_ =	strace $0x90000052  }
0x3c9: {  	s16 =	simm.s32 $0x0;
	_ =	strace $0x80000053  }
0x3ca: {  	v13 =	vld [tilespmem:s16+$0x7080]  }
0x3cb: {  	v17 =	vld [tilespmem:s16+$0x8500]  }
0x3cc: {  	v19 =	vld [tilespmem:s16+$0x7090]  }
0x3cd: {  	v20 =	vld [tilespmem:s16+$0x8510]  }
0x3ce: {  	v8 =	vld [tilespmem:s16+$0x70A0]  }
0x3cf: {  	v11 =	vld [tilespmem:s16+$0x8520]  }
0x3d0: {  	v9 =	vld [tilespmem:s16+$0x70B0]  }
0x3d1: {  	v12 =	vld [tilespmem:s16+$0x8530]  }
0x3d2: {  	v7 =	vld [tilespmem:s16+$0x70C0]  }
0x3d3: {  	v10 =	vld [tilespmem:s16+$0x8540]  }
0x3d4: {  	v5 =	vld [tilespmem:s16+$0x70D0]  }
0x3d5: {  	v6 =	vld [tilespmem:s16+$0x8550]  }
0x3d6: {  	v3 =	vld [tilespmem:s16+$0x70E0]  }
0x3d7: {  	v4 =	vld [tilespmem:s16+$0x8560]  }
0x3d8: {  	v1 =	vld [tilespmem:s16+$0x70F0]  }
0x3d9: {  	v2 =	vld [tilespmem:s16+$0x8570]  }
0x3da: {  	v16 =	vld [tilespmem:s16+$0x5C00]  }
0x3db: {  	v15 =	vld [tilespmem:s16+$0x5C10]  }
0x3dc: {  	v14 =	vld [tilespmem:s16+$0x5C20];
	v18 =	vadd.f32 v17, v13  }
0x3dd: {  	s17 =	simm.s32 $0x200;
	v17 =	vadd.f32 v20, v19;
	v13 =	vld [tilespmem:s16+$0x5C30]  }
.LBB2_16:
0x3de: {  	p1 =	sne.s32 s17, $0x1200;
	v18 =	vand.u32 $0x7FFFFFFF, v18;
	v8 =	vadd.f32 v11, v8;
	v11 =	vld [tilespmem:s16+$0x5C40]  }
0x3df: {  	v9 =	vadd.f32 v12, v9;
	v16 =	vmul.f32 v18, v16;
	v17 =	vand.u32 $0x7FFFFFFF, v17;
	v12 =	vld [tilespmem:s16+$0x5C50]  }
0x3e0: {  	v7 =	vadd.f32 v10, v7;
	v15 =	vmul.f32 v17, v15;
	v8 =	vand.u32 $0x7FFFFFFF, v8;
	v10 =	vld [tilespmem:s16+$0x5C60]  }
0x3e1: {  	s18 =	sshra.s32 s17, $0x2;
	v5 =	vadd.f32 v6, v5;
	v9 =	vand.u32 $0x7FFFFFFF, v9;
	[tilespmem:s16+$0x5C00] =	vst v16;
	v8 =	vmul.f32 v8, v14;
	v6 =	vld [tilespmem:s16+$0x5C70]  }
0x3e2: {  	v3 =	vadd.f32 v4, v3;
	v7 =	vand.u32 $0x7FFFFFFF, v7;
	v14 =	vld [tilespmem:s18+$0x7080];
	[tilespmem:s16+$0x5C10] =	vst v15;
	v9 =	vmul.f32 v9, v13  }
0x3e3: {  	v1 =	vadd.f32 v2, v1;
	v5 =	vand.u32 $0x7FFFFFFF, v5;
	v13 =	vld [tilespmem:s18+$0x8500];
	[tilespmem:s16+$0x5C20] =	vst v8;
	v4 =	vmul.f32 v7, v11  }
0x3e4: {  	v3 =	vand.u32 $0x7FFFFFFF, v3;
	v17 =	vld [tilespmem:s18+$0x7090];
	[tilespmem:s16+$0x5C30] =	vst v9;
	v2 =	vmul.f32 v5, v12  }
0x3e5: {  	v1 =	vand.u32 $0x7FFFFFFF, v1;
	v19 =	vld [tilespmem:s18+$0x8510];
	[tilespmem:s16+$0x5C40] =	vst v4;
	v3 =	vmul.f32 v3, v10  }
0x3e6: {  	v8 =	vld [tilespmem:s18+$0x70A0];
	[tilespmem:s16+$0x5C50] =	vst v2;
	v1 =	vmul.f32 v1, v6  }
0x3e7: {  	v11 =	vld [tilespmem:s18+$0x8520];
	[tilespmem:s16+$0x5C60] =	vst v3  }
0x3e8: {  	v9 =	vld [tilespmem:s18+$0x70B0];
	[tilespmem:s16+$0x5C70] =	vst v1;
	s16 =	smov.u32 s18  }
0x3e9: {  	v12 =	vld [tilespmem:s16+$0x8530]  }
0x3ea: {  	v7 =	vld [tilespmem:s16+$0x70C0]  }
0x3eb: {  	v10 =	vld [tilespmem:s16+$0x8540]  }
0x3ec: {  	v5 =	vld [tilespmem:s16+$0x70D0]  }
0x3ed: {  	v6 =	vld [tilespmem:s16+$0x8550]  }
0x3ee: {  	v3 =	vld [tilespmem:s16+$0x70E0]  }
0x3ef: {  	v4 =	vld [tilespmem:s16+$0x8560]  }
0x3f0: {  	v1 =	vld [tilespmem:s16+$0x70F0]  }
.Ltmp7:
0x3f1: {  	v2 =	vld [tilespmem:s16+$0x8570];
	(pc) =	sbr.rel @p1 .LBB2_16-.Ltmp7, $4  }
0x3f2: {  	v16 =	vld [tilespmem:s16+$0x5C00]  }
0x3f3: {  	v15 =	vld [tilespmem:s16+$0x5C10]  }
0x3f4: {  	v18 =	vadd.f32 v13, v14;
	v14 =	vld [tilespmem:s16+$0x5C20]  }
0x3f5: {  	s17 =	sadd.s32 $0x200, s17;
	v17 =	vadd.f32 v19, v17;
	v13 =	vld [tilespmem:s16+$0x5C30]  }
0x3f6: {  	v18 =	vand.u32 $0x7FFFFFFF, v18;
	v19 =	vld [tilespmem:s16+$0x5C40];
	v8 =	vadd.f32 v11, v8;
	v9 =	vadd.f32 v12, v9  }
0x3f7: {  	v12 =	vld [tilespmem:s16+$0x5C60];
	v7 =	vadd.f32 v10, v7;
	v11 =	vmul.f32 v18, v16;
	v17 =	vand.u32 $0x7FFFFFFF, v17  }
0x3f8: {  	v5 =	vadd.f32 v6, v5;
	v6 =	vld [tilespmem:s16+$0x5C70];
	v15 =	vmul.f32 v17, v15;
	v8 =	vand.u32 $0x7FFFFFFF, v8  }
0x3f9: {  	v3 =	vadd.f32 v4, v3;
	v16 =	vld [tilespmem:s16+$0x5C50];
	v9 =	vand.u32 $0x7FFFFFFF, v9;
	[tilespmem:s16+$0x5C00] =	vst v11;
	v8 =	vmul.f32 v8, v14  }
0x3fa: {  	v1 =	vadd.f32 v2, v1;
	v7 =	vand.u32 $0x7FFFFFFF, v7;
	[tilespmem:s16+$0x5C10] =	vst v15;
	v9 =	vmul.f32 v9, v13  }
0x3fb: {  	v3 =	vand.u32 $0x7FFFFFFF, v3;
	[tilespmem:s16+$0x5C20] =	vst v8;
	v4 =	vmul.f32 v7, v19  }
0x3fc: {  	v1 =	vand.u32 $0x7FFFFFFF, v1;
	v3 =	vmul.f32 v3, v12;
	[tilespmem:s16+$0x5C30] =	vst v9  }
0x3fd: {  	v5 =	vand.u32 $0x7FFFFFFF, v5;
	v1 =	vmul.f32 v1, v6;
	[tilespmem:s16+$0x5C40] =	vst v4  }
0x3fe: {  	v2 =	vmul.f32 v5, v16;
	[tilespmem:s16+$0x5C60] =	vst v3  }
0x3ff: {  	[tilespmem:s16+$0x5C70] =	vst v1  }
0x400: {  	[tilespmem:s16+$0x5C50] =	vst v2  }
0x401: {  	_ =	strace $0x90000053  }
0x402: {  	s18 =	simm.s32 $0x1400;
	s17 =	simm.s32 $0x5C00;
	_ =	strace $0x80000054  }
0x403: {  	[spmem:s2] =	stream.indirect.scatter.add.f32 [tilespmem:s17], [sflag:$0x5], $0x1, s18, s31, $0x2000b8;
	[tilespmem:$0xA080] =	vst v63  }
0x404: {  	s19 =	simm.s32 $0x1500;
	s20 =	simm.s32 $0x5C80  }
0x405: {  	[spmem:s2] =	stream.indirect.scatter.add.f32 [tilespmem:s20], [sflag:$0x5], $0x1, s19, s31, $0x2000b8;
	[tilespmem:$0xA080] =	vst v63  }
0x406: {  	s17 =	simm.s32 $0x1600;
	s18 =	simm.s32 $0x5D00  }
0x407: {  	[spmem:s2] =	stream.indirect.scatter.add.f32 [tilespmem:s18], [sflag:$0x5], $0x1, s17, s31, $0x2000b8;
	[tilespmem:$0xA080] =	vst v63  }
0x408: {  	s19 =	simm.s32 $0x1700;
	s20 =	simm.s32 $0x5D80  }
0x409: {  	[spmem:s2] =	stream.indirect.scatter.add.f32 [tilespmem:s20], [sflag:$0x5], $0x1, s19, s31, $0x2000b8;
	[tilespmem:$0xA080] =	vst v63  }
0x40a: {  	s17 =	simm.s32 $0x1800;
	s18 =	simm.s32 $0x5E00  }
0x40b: {  	[spmem:s2] =	stream.indirect.scatter.add.f32 [tilespmem:s18], [sflag:$0x5], $0x1, s17, s31, $0x2000b8;
	[tilespmem:$0xA080] =	vst v63  }
0x40c: {  	s19 =	simm.s32 $0x1900;
	s20 =	simm.s32 $0x5E80  }
0x40d: {  	[spmem:s2] =	stream.indirect.scatter.add.f32 [tilespmem:s20], [sflag:$0x5], $0x1, s19, s31, $0x2000b8;
	[tilespmem:$0xA080] =	vst v63  }
0x40e: {  	s17 =	simm.s32 $0x1A00;
	s18 =	simm.s32 $0x5F00  }
0x40f: {  	[spmem:s2] =	stream.indirect.scatter.add.f32 [tilespmem:s18], [sflag:$0x5], $0x1, s17, s31, $0x2000b8;
	[tilespmem:$0xA080] =	vst v63  }
0x410: {  	s19 =	simm.s32 $0x1B00;
	s20 =	simm.s32 $0x5F80  }
0x411: {  	[spmem:s2] =	stream.indirect.scatter.add.f32 [tilespmem:s20], [sflag:$0x5], $0x1, s19, s31, $0x2000b8;
	[tilespmem:$0xA080] =	vst v63  }
0x412: {  	s17 =	simm.s32 $0x1C00;
	s18 =	simm.s32 $0x6000  }
0x413: {  	[spmem:s2] =	stream.indirect.scatter.add.f32 [tilespmem:s18], [sflag:$0x5], $0x1, s17, s31, $0x2000b8;
	[tilespmem:$0xA080] =	vst v63  }
0x414: {  	s19 =	simm.s32 $0x1D00;
	s20 =	simm.s32 $0x6080  }
0x415: {  	[spmem:s2] =	stream.indirect.scatter.add.f32 [tilespmem:s20], [sflag:$0x5], $0x1, s19, s31, $0x2000b8;
	[tilespmem:$0xA080] =	vst v63  }
0x416: {  	_ =	strace $0x90000054  }
0x417: {  	_ =	strace $0x80000055  }
0x418: {  	_ =	swait.ge [sflag:s21], $0x580  }
0x419: {  	[sflag:s21] =	ssyncset.done $0x0  }
0x41a: {  	[sflag:s21] =	ssyncadd.s32 $0xFFFFFA80  }
0x41b: {  	_ =	swait.ge [sflag:s21], $0x580  }
0x41c: {  	[sflag:s21] =	ssyncset.done $0x0  }
0x41d: {  	[sflag:s21] =	ssyncadd.s32 $0xFFFFFA80  }
0x41e: {  	_ =	strace $0x90000055  }
0x41f: {  	s16 =	simm.s32 $0x0;
	_ =	strace $0x80000056  }
0x420: {  	v13 =	vld [tilespmem:s16+$0x7580]  }
0x421: {  	v17 =	vld [tilespmem:s16+$0x8A00]  }
0x422: {  	v19 =	vld [tilespmem:s16+$0x7590]  }
0x423: {  	v20 =	vld [tilespmem:s16+$0x8A10]  }
0x424: {  	v8 =	vld [tilespmem:s16+$0x75A0]  }
0x425: {  	v11 =	vld [tilespmem:s16+$0x8A20]  }
0x426: {  	v9 =	vld [tilespmem:s16+$0x75B0]  }
0x427: {  	v12 =	vld [tilespmem:s16+$0x8A30]  }
0x428: {  	v7 =	vld [tilespmem:s16+$0x75C0]  }
0x429: {  	v10 =	vld [tilespmem:s16+$0x8A40]  }
0x42a: {  	v5 =	vld [tilespmem:s16+$0x75D0]  }
0x42b: {  	v6 =	vld [tilespmem:s16+$0x8A50]  }
0x42c: {  	v3 =	vld [tilespmem:s16+$0x75E0]  }
0x42d: {  	v4 =	vld [tilespmem:s16+$0x8A60]  }
0x42e: {  	v1 =	vld [tilespmem:s16+$0x75F0]  }
0x42f: {  	v2 =	vld [tilespmem:s16+$0x8A70]  }
0x430: {  	v16 =	vld [tilespmem:s16+$0x6100]  }
0x431: {  	v15 =	vld [tilespmem:s16+$0x6110]  }
0x432: {  	v14 =	vld [tilespmem:s16+$0x6120];
	v18 =	vadd.f32 v17, v13  }
0x433: {  	s17 =	simm.s32 $0x200;
	v17 =	vadd.f32 v20, v19;
	v13 =	vld [tilespmem:s16+$0x6130]  }
.LBB2_18:
0x434: {  	p1 =	sne.s32 s17, $0x1400;
	v18 =	vand.u32 $0x7FFFFFFF, v18;
	v8 =	vadd.f32 v11, v8;
	v11 =	vld [tilespmem:s16+$0x6140]  }
0x435: {  	v9 =	vadd.f32 v12, v9;
	v16 =	vmul.f32 v18, v16;
	v17 =	vand.u32 $0x7FFFFFFF, v17;
	v12 =	vld [tilespmem:s16+$0x6150]  }
0x436: {  	v7 =	vadd.f32 v10, v7;
	v15 =	vmul.f32 v17, v15;
	v8 =	vand.u32 $0x7FFFFFFF, v8;
	v10 =	vld [tilespmem:s16+$0x6160]  }
0x437: {  	s18 =	sshra.s32 s17, $0x2;
	v5 =	vadd.f32 v6, v5;
	v9 =	vand.u32 $0x7FFFFFFF, v9;
	[tilespmem:s16+$0x6100] =	vst v16;
	v8 =	vmul.f32 v8, v14;
	v6 =	vld [tilespmem:s16+$0x6170]  }
0x438: {  	v3 =	vadd.f32 v4, v3;
	v7 =	vand.u32 $0x7FFFFFFF, v7;
	v14 =	vld [tilespmem:s18+$0x7580];
	[tilespmem:s16+$0x6110] =	vst v15;
	v9 =	vmul.f32 v9, v13  }
0x439: {  	v1 =	vadd.f32 v2, v1;
	v5 =	vand.u32 $0x7FFFFFFF, v5;
	v13 =	vld [tilespmem:s18+$0x8A00];
	[tilespmem:s16+$0x6120] =	vst v8;
	v4 =	vmul.f32 v7, v11  }
0x43a: {  	v3 =	vand.u32 $0x7FFFFFFF, v3;
	v17 =	vld [tilespmem:s18+$0x7590];
	[tilespmem:s16+$0x6130] =	vst v9;
	v2 =	vmul.f32 v5, v12  }
0x43b: {  	v1 =	vand.u32 $0x7FFFFFFF, v1;
	v19 =	vld [tilespmem:s18+$0x8A10];
	[tilespmem:s16+$0x6140] =	vst v4;
	v3 =	vmul.f32 v3, v10  }
0x43c: {  	v8 =	vld [tilespmem:s18+$0x75A0];
	[tilespmem:s16+$0x6150] =	vst v2;
	v1 =	vmul.f32 v1, v6  }
0x43d: {  	v11 =	vld [tilespmem:s18+$0x8A20];
	[tilespmem:s16+$0x6160] =	vst v3  }
0x43e: {  	v9 =	vld [tilespmem:s18+$0x75B0];
	[tilespmem:s16+$0x6170] =	vst v1;
	s16 =	smov.u32 s18  }
0x43f: {  	v12 =	vld [tilespmem:s16+$0x8A30]  }
0x440: {  	v7 =	vld [tilespmem:s16+$0x75C0]  }
0x441: {  	v10 =	vld [tilespmem:s16+$0x8A40]  }
0x442: {  	v5 =	vld [tilespmem:s16+$0x75D0]  }
0x443: {  	v6 =	vld [tilespmem:s16+$0x8A50]  }
0x444: {  	v3 =	vld [tilespmem:s16+$0x75E0]  }
0x445: {  	v4 =	vld [tilespmem:s16+$0x8A60]  }
0x446: {  	v1 =	vld [tilespmem:s16+$0x75F0]  }
.Ltmp8:
0x447: {  	v2 =	vld [tilespmem:s16+$0x8A70];
	(pc) =	sbr.rel @p1 .LBB2_18-.Ltmp8, $4  }
0x448: {  	v16 =	vld [tilespmem:s16+$0x6100]  }
0x449: {  	v15 =	vld [tilespmem:s16+$0x6110]  }
0x44a: {  	v18 =	vadd.f32 v13, v14;
	v14 =	vld [tilespmem:s16+$0x6120]  }
0x44b: {  	s17 =	sadd.s32 $0x200, s17;
	v17 =	vadd.f32 v19, v17;
	v13 =	vld [tilespmem:s16+$0x6130]  }
0x44c: {  	v18 =	vand.u32 $0x7FFFFFFF, v18;
	v19 =	vld [tilespmem:s16+$0x6140];
	v8 =	vadd.f32 v11, v8  }
0x44d: {  	v60 =	vld [tilespmem:s16+$0x6150];
	v9 =	vadd.f32 v12, v9;
	v59 =	vmul.f32 v18, v16;
	v17 =	vand.u32 $0x7FFFFFFF, v17  }
0x44e: {  	v61 =	vld [tilespmem:s16+$0x6160];
	v7 =	vadd.f32 v10, v7;
	v15 =	vmul.f32 v17, v15;
	v8 =	vand.u32 $0x7FFFFFFF, v8  }
0x44f: {  	v5 =	vadd.f32 v6, v5;
	v62 =	vld [tilespmem:s16+$0x6170];
	v9 =	vand.u32 $0x7FFFFFFF, v9;
	[tilespmem:s16+$0x6100] =	vst v59;
	v8 =	vmul.f32 v8, v14  }
0x450: {  	v3 =	vadd.f32 v4, v3;
	v7 =	vand.u32 $0x7FFFFFFF, v7;
	[tilespmem:s16+$0x6110] =	vst v15;
	v9 =	vmul.f32 v9, v13  }
0x451: {  	v1 =	vadd.f32 v2, v1;
	v5 =	vand.u32 $0x7FFFFFFF, v5;
	[tilespmem:s16+$0x6120] =	vst v8;
	v63 =	vmul.f32 v7, v19  }
0x452: {  	v3 =	vand.u32 $0x7FFFFFFF, v3;
	v2 =	vmul.f32 v5, v60;
	[tilespmem:s16+$0x6130] =	vst v9  }
0x453: {  	v1 =	vand.u32 $0x7FFFFFFF, v1;
	v3 =	vmul.f32 v3, v61;
	[tilespmem:s16+$0x6140] =	vst v63  }
0x454: {  	v1 =	vmul.f32 v1, v62;
	[tilespmem:s16+$0x6150] =	vst v2  }
0x455: {  	[tilespmem:s16+$0x6160] =	vst v3  }
0x456: {  	[tilespmem:s16+$0x6170] =	vst v1  }
0x457: {  	_ =	strace $0x90000056  }
0x458: {  	s20 =	simm.s32 $0x1E00;
	s17 =	simm.s32 $0x6100;
	_ =	strace $0x80000057  }
0x459: {  	[spmem:s2] =	stream.indirect.scatter.add.f32 [tilespmem:s17], [sflag:$0x5], $0x1, s20, s31, $0x2000b8;
	[tilespmem:$0xA080] =	vst v63  }
0x45a: {  	s18 =	simm.s32 $0x6180;
	s17 =	simm.s32 $0x1F00  }
0x45b: {  	[spmem:s2] =	stream.indirect.scatter.add.f32 [tilespmem:s18], [sflag:$0x5], $0x1, s17, s31, $0x2000b8;
	[tilespmem:$0xA080] =	vst v63  }
0x45c: {  	s19 =	simm.s32 $0x2000;
	s20 =	simm.s32 $0x6200  }
0x45d: {  	[spmem:s2] =	stream.indirect.scatter.add.f32 [tilespmem:s20], [sflag:$0x5], $0x1, s19, s31, $0x2000b8;
	[tilespmem:$0xA080] =	vst v63  }
0x45e: {  	s17 =	simm.s32 $0x2100;
	s18 =	simm.s32 $0x6280  }
0x45f: {  	[spmem:s2] =	stream.indirect.scatter.add.f32 [tilespmem:s18], [sflag:$0x5], $0x1, s17, s31, $0x2000b8;
	[tilespmem:$0xA080] =	vst v63  }
0x460: {  	s19 =	simm.s32 $0x2200;
	s20 =	simm.s32 $0x6300  }
0x461: {  	[spmem:s2] =	stream.indirect.scatter.add.f32 [tilespmem:s20], [sflag:$0x5], $0x1, s19, s31, $0x2000b8;
	[tilespmem:$0xA080] =	vst v63  }
0x462: {  	s17 =	simm.s32 $0x2300;
	s18 =	simm.s32 $0x6380  }
0x463: {  	[spmem:s2] =	stream.indirect.scatter.add.f32 [tilespmem:s18], [sflag:$0x5], $0x1, s17, s31, $0x2000b8;
	[tilespmem:$0xA080] =	vst v63  }
0x464: {  	s19 =	simm.s32 $0x2400;
	s20 =	simm.s32 $0x6400  }
0x465: {  	[spmem:s2] =	stream.indirect.scatter.add.f32 [tilespmem:s20], [sflag:$0x5], $0x1, s19, s31, $0x2000b8;
	[tilespmem:$0xA080] =	vst v63  }
0x466: {  	_ = 	snop  }
0x467: {  	[spmem:s2] =	stream.indirect.scatter.add.f32 [tilespmem:s24], [sflag:$0x5], $0x1, s22, s31, $0x2000b8;
	[tilespmem:$0xA080] =	vst v63  }
0x468: {  	_ = 	snop  }
0x469: {  	[spmem:s2] =	stream.indirect.scatter.add.f32 [tilespmem:s26], [sflag:$0x5], $0x1, s25, s31, $0x2000b8;
	[tilespmem:$0xA080] =	vst v63  }
0x46a: {  	_ = 	snop  }
0x46b: {  	[spmem:s2] =	stream.indirect.scatter.add.f32 [tilespmem:s11], [sflag:$0x5], $0x1, s28, s31, $0x2000b8;
	[tilespmem:$0xA080] =	vst v63  }
0x46c: {  	_ = 	snop  }
0x46d: {  	[spmem:s2] =	stream.indirect.scatter.add.f32 [tilespmem:s13], [sflag:$0x5], $0x1, s12, s31, $0x2000b8;
	[tilespmem:$0xA080] =	vst v63  }
0x46e: {  	_ =	strace $0x90000057  }
0x46f: {  	_ =	strace $0x80000058  }
0x470: {  	_ =	swait.ge [sflag:s9], $0x1480  }
0x471: {  	s14 =	sadd.s32 $0x1, s14;
	[sflag:s9] =	ssyncset.done $0x0  }
0x472: {  	p1 =	sne.s32 s14, s7;
	s16 =	sshrl.u32 @!p0 s2, $0x3;
	[sflag:s9] =	ssyncadd.s32 $0xFFFFEB80  }
0x473: {  	s17 =	simm.s32 @!p0 $0x1;
	s18 =	simm.s32 @!p0 $0x20;
	_ =	strace $0x90000058  }
0x474: {  	s19 =	simm.s32 @!p0 $0x10;
	s20 =	simm.s32 @!p0 $0x1C07;
	[bflag:$0x0] =	sbarrier.arrive $0xFFFF  }
0x475: {  	[hbm:s6@s18], [sflag:s20] =	dma.strided @!p0 [spmem:s16@s19], $0x200, s17, $0x10   }
.Ltmp9:
0x476: {  	_ = 	snop;
	(pc) =	sbr.rel @p1 .LBB2_1-.Ltmp9, $4  }
0x477: {  	s16 =	simm.s32 @!p0 $0x7  }
0x478: {  	_ =	swait.ge @!p0 [sflag:s16], $0x200  }
0x479: {  	[sflag:s16] =	ssyncset.done @!p0 $0x0  }
0x47a: {  	[sflag:s16] =	ssyncadd.s32 @!p0 $0xFFFFFE00  }
0x47b: {  	_ =	sfence.sel $0x180000  }
0x47c: {  	[bflag:$0x0] =	sbarrier.arrive $0xFFFF  }
0x47d: {  	_ =	strace $0x90000047  }
0x47e: {  	[bflag:$0x2] =	sbarrier.arrive $0xFFFF  }
0x47f: {  	s0 =	rddreg [dreg:$0x4]  }
0x480: {  	s0 =	sadd.s32 @!p0 $0x100000, s0  }
0x481: {  	[sflag:s0] =	ssyncadd.tile.s32 @!p0 $0x1;
	_ =	shalt  }
.Lfunc_end2:
_tile_overlayer_lowered:
.L_overlay_start_2:
0x482: {  	(tag) =	ssettag $0x2  }
0x483: {  	s0 =	rddreg [dreg:$0x0];
	s2 =	stileid.u32  }
0x484: {  	s1 =	rddreg [dreg:$0x1];
	p0 =	sne.s32 s2, $0x0  }
0x485: {  	s3 =	rddreg [dreg:$0x2];
	[bflag:$0x3] =	sbarrier.arrive $0xFFFF;
	s2 =	simm.s32 @!p0 $0x1C07  }
0x486: {  	[timem:s3], [sflag:s2] =	dma.local @!p0 [hbm:s0], s1  }
0x487: {  	s0 =	simm.s32 @!p0 $0x7  }
0x488: {  	_ =	swait.ge @!p0 [sflag:s0], s1  }
0x489: {  	s1 =	ssub.s32 @!p0 $0x0, s1;
	[sflag:s0] =	ssyncset.done @!p0 $0x0  }
0x48a: {  	[sflag:s0] =	ssyncadd.s32 @!p0 s1  }
0x48b: {  	[bflag:$0x3] =	sbarrier.arrive $0xFFFF  }
0x48c: {  	_ =	shalt  }

</sc_bundles>
